<compile_context>
chip_gen: v7x
topology: tpu7x:2x2x1
jax: 0.10.2.dev20260603
libtpu: 0.0.44.dev20260713+nightly
codegen_flags: <defaults>
</compile_context>

<pallas_src>
import functools
import jax
import jax.numpy as jnp
from jax import lax
from jax.experimental import pallas as pl
from jax.experimental.pallas import tpu as pltpu
from jax.experimental.pallas import tpu_sc as plsc

N = 100000
E = 1600000
ROW_BLK = 4000
CHUNK = 1000
NS = 16
ROWS_PER_TILE = 6256
ROWS_LAST = N - 15 * ROWS_PER_TILE
WB_CHUNK = 800

_SC_PARAMS = pltpu.CompilerParams(use_tc_tiling_on_sc=False)


def _mesh():
    return plsc.VectorSubcoreMesh(core_axis_name="c", subcore_axis_name="s")



def _encode_body(veh_x, pas_x, W_veh, b_veh, W_pas, b_pas, veh_o, pas_o):
    veh_o[...] = jnp.tanh(
        jnp.dot(veh_x[...], W_veh[...], preferred_element_type=jnp.float32) + b_veh[...])
    pas_o[...] = jnp.tanh(
        jnp.dot(pas_x[...], W_pas[...], preferred_element_type=jnp.float32) + b_pas[...])


def _encode(veh_x, pas_x, W_veh, b_veh, W_pas, b_pas):
    n = veh_x.shape[0]
    rows = lambda w: pl.BlockSpec((ROW_BLK, w), lambda i: (i, 0))
    full = lambda a: pl.BlockSpec(a.shape, lambda i: (0,) * a.ndim)
    return pl.pallas_call(
        _encode_body,
        grid=(n // ROW_BLK,),
        in_specs=[rows(8), rows(10),
                  full(W_veh), full(b_veh), full(W_pas), full(b_pas)],
        out_specs=[rows(16), rows(16)],
        out_shape=[jax.ShapeDtypeStruct((n, 16), jnp.float32)] * 2,
    )(veh_x, pas_x, W_veh, b_veh, W_pas, b_pas)


def _merge_body(a, b, out):
    out[...] = a[0] + b[0]


def _merge(acc):
    flat = acc.reshape(2, 12500, 128)
    out = pl.pallas_call(
        _merge_body,
        grid=(1,),
        in_specs=[pl.BlockSpec((1, 12500, 128), lambda i: (0, 0, 0)),
                  pl.BlockSpec((1, 12500, 128), lambda i: (1, 0, 0))],
        out_specs=pl.BlockSpec((12500, 128), lambda i: (0, 0)),
        out_shape=jax.ShapeDtypeStruct((12500, 128), jnp.float32),
    )(flat, flat)
    return out.reshape(N, 16)


def _head_body(req_x, m2, W_req, b_req, W1, b1, W2, b2, W3, b3, out):
    req = jnp.tanh(
        jnp.dot(req_x[...], W_req[...], preferred_element_type=jnp.float32) + b_req[...])
    act = jnp.concatenate([req, m2[0], m2[1]], axis=-1)
    h = jnp.tanh(jnp.dot(act, W1[...], preferred_element_type=jnp.float32) + b1[...])
    h = jnp.tanh(jnp.dot(h, W2[...], preferred_element_type=jnp.float32) + b2[...])
    out[...] = jnp.dot(h, W3[...], preferred_element_type=jnp.float32) + b3[...]


def _head(req_x, mean2, W_req, b_req, W1, b1, W2, b2, W3, b3):
    n = req_x.shape[0]
    rows = lambda w: pl.BlockSpec((ROW_BLK, w), lambda i: (i, 0))
    full = lambda a: pl.BlockSpec(a.shape, lambda i: (0,) * a.ndim)
    return pl.pallas_call(
        _head_body,
        grid=(n // ROW_BLK,),
        in_specs=[rows(10), pl.BlockSpec((2, ROW_BLK, 16), lambda i: (0, i, 0)),
                  full(W_req), full(b_req),
                  full(W1), full(b1), full(W2), full(b2), full(W3), full(b3)],
        out_specs=rows(1),
        out_shape=jax.ShapeDtypeStruct((n, 1), jnp.float32),
    )(req_x, mean2, W_req, b_req, W1, b1, W2, b2, W3, b3)



def _fill(ref, val):
    flat = ref.shape[0]
    v = jnp.full((16,), val, jnp.float32)

    def body(i, _):
        ref[pl.ds(i * 16, 16)] = v
        return 0

    lax.fori_loop(0, flat // 16, body, 0)
    if flat % 16:
        ref[pl.ds(flat - 16, 16)] = v


def _scale_rows(rows, cbuf, ibuf, nrows):
    def inv(i, _):
        ibuf[pl.ds(i * 16, 16)] = 1.0 / jnp.maximum(cbuf[pl.ds(i * 16, 16)], 1.0)
        return 0

    lax.fori_loop(0, nrows // 16, inv, 0)

    def mul16(k, _):
        iv = ibuf[pl.ds(k * 16, 16)]
        for j in range(16):
            rows[k * 16 + j, :] = rows[k * 16 + j, :] * iv[j]
        return 0

    lax.fori_loop(0, nrows // 16, mul16, 0)


def _scale_writeback(acc_sh, cnt_sh, out_acc, c, s, rows, cbuf, ibuf):
    base = pl.multiple_of(s * ROWS_PER_TILE, 8)

    def sub(k, _):
        r = pl.multiple_of(base + k * WB_CHUNK, 8)
        pltpu.sync_copy(acc_sh.at[pl.ds(r, WB_CHUNK)], rows.at[pl.ds(0, WB_CHUNK)])
        pltpu.sync_copy(cnt_sh.at[pl.ds(r, WB_CHUNK)], cbuf.at[pl.ds(0, WB_CHUNK)])
        _scale_rows(rows, cbuf, ibuf, WB_CHUNK)
        pltpu.sync_copy(rows.at[pl.ds(0, WB_CHUNK)], out_acc.at[c, pl.ds(r, WB_CHUNK)])
        return 0

    lax.fori_loop(0, 7, sub, 0)

    def tail(sz):
        r = pl.multiple_of(base + 7 * WB_CHUNK, 8)
        pltpu.sync_copy(acc_sh.at[pl.ds(r, sz)], rows.at[pl.ds(0, sz)])
        pltpu.sync_copy(cnt_sh.at[pl.ds(r, sz)], cbuf.at[pl.ds(0, sz)])
        _scale_rows(rows, cbuf, ibuf, sz)
        pltpu.sync_copy(rows.at[pl.ds(0, sz)], out_acc.at[c, pl.ds(r, sz)])

    @pl.when(s < NS - 1)
    def _():
        tail(ROWS_PER_TILE - 7 * WB_CHUNK)

    @pl.when(s == NS - 1)
    def _():
        tail(ROWS_LAST - 7 * WB_CHUNK)


def _gather_pipe(tbl_for, gidx, sidx, acc_sh, cnt_sh, aux,
                 bufs, nsteps, off_fn):
    ((ig0, is0, r0, sem0),) = bufs

    def step(j, _):
        off = off_fn(j)
        pltpu.sync_copy(gidx.at[pl.ds(off, CHUNK)], ig0)
        pltpu.sync_copy(sidx.at[pl.ds(off, CHUNK)], is0)
        pltpu.async_copy(tbl_for(ig0), r0, sem0).wait()
        pltpu.sync_copy(r0, acc_sh.at[is0], add=True)
        pltpu.sync_copy(aux, cnt_sh.at[is0], add=True)
        return 0

    lax.fori_loop(0, nsteps, step, 0)


def _count_pipe(sidx, cnt_sh, aux, bufs, nsteps, off_fn):
    ((is0, sem0),) = bufs

    def step(j, _):
        off = off_fn(j)
        pltpu.sync_copy(sidx.at[pl.ds(off, CHUNK)], is0)
        pltpu.sync_copy(aux, cnt_sh.at[is0], add=True)
        return 0

    lax.fori_loop(0, nsteps, step, 0)


def _scatter1_body(tbl, gidx, sidx, z16, z1, out_acc,
                   ig0, is0, r0, aux, cbuf, acc_sh, cnt_sh, sem0):
    c = lax.axis_index("c")
    s = lax.axis_index("s")
    _fill(aux, 1.0)

    @pl.when(s == 0)
    def _():
        pltpu.sync_copy(z16, acc_sh)
        pltpu.sync_copy(z1, cnt_sh)
    plsc.subcore_barrier()

    per_tile = E // NS
    feat_half = per_tile // 2
    cnt_base = s * per_tile
    nsteps = feat_half // CHUNK

    feat_base = cnt_base + c * feat_half
    _gather_pipe(lambda ig: tbl.at[ig], gidx, sidx, acc_sh, cnt_sh, aux,
                 [(ig0, is0, r0, sem0)], nsteps,
                 lambda j: pl.multiple_of(feat_base + j * CHUNK, 8))

    cnt_base2 = cnt_base + (1 - c) * feat_half
    _count_pipe(sidx, cnt_sh, aux, [(is0, sem0)], nsteps,
                lambda j: pl.multiple_of(cnt_base2 + j * CHUNK, 8))

    plsc.subcore_barrier()
    _scale_writeback(acc_sh, cnt_sh, out_acc, c, s, r0, cbuf, aux)


def _scatter_phase1(pas16, recv, send, z16, z1):
    return pl.kernel(
        _scatter1_body,
        out_type=jax.ShapeDtypeStruct((2, N, 16), jnp.float32),
        mesh=_mesh(),
        compiler_params=_SC_PARAMS,
        scratch_types=[
            pltpu.VMEM((CHUNK,), jnp.int32),
            pltpu.VMEM((CHUNK,), jnp.int32),
            pltpu.VMEM((CHUNK, 16), jnp.float32),
            pltpu.VMEM((CHUNK,), jnp.float32),
            pltpu.VMEM((CHUNK,), jnp.float32),
            pltpu.VMEM_SHARED((N, 16), jnp.float32),
            pltpu.VMEM_SHARED((N,), jnp.float32),
            pltpu.SemaphoreType.DMA,
        ],
    )(pas16, recv, send, z16, z1)


def _scatter2_body(tbl_lo, tbl_hi, gidx, sidx, z16, z1, out_acc,
                   ig0, is0, r0, aux, cbuf, acc_sh, cnt_sh, sem0):
    c = lax.axis_index("c")
    s = lax.axis_index("s")
    _fill(aux, 1.0)

    @pl.when(s == 0)
    def _():
        pltpu.sync_copy(z16, acc_sh)
        pltpu.sync_copy(z1, cnt_sh)
    plsc.subcore_barrier()

    per_tile = E // NS
    base = s * per_tile
    nsteps = per_tile // CHUNK
    bufs = [(ig0, is0, r0, sem0)]
    off_fn = lambda j: pl.multiple_of(base + j * CHUNK, 8)

    @pl.when(c == 0)
    def _():
        _gather_pipe(lambda ig: tbl_lo.at[ig], gidx, sidx, acc_sh, cnt_sh,
                     aux, bufs, nsteps, off_fn)

    @pl.when(c == 1)
    def _():
        _gather_pipe(lambda ig: tbl_hi.at[ig], gidx, sidx, acc_sh, cnt_sh,
                     aux, bufs, nsteps, off_fn)

    plsc.subcore_barrier()
    _scale_writeback(acc_sh, cnt_sh, out_acc, c, s, r0, cbuf, aux)


def _scatter_phase2(veh16, pas_mean, dest, src, z16, z1):
    return pl.kernel(
        _scatter2_body,
        out_type=jax.ShapeDtypeStruct((2, N, 16), jnp.float32),
        mesh=_mesh(),
        compiler_params=_SC_PARAMS,
        scratch_types=[
            pltpu.VMEM((CHUNK,), jnp.int32),
            pltpu.VMEM((CHUNK,), jnp.int32),
            pltpu.VMEM((CHUNK, 16), jnp.float32),
            pltpu.VMEM((CHUNK,), jnp.float32),
            pltpu.VMEM((CHUNK,), jnp.float32),
            pltpu.VMEM_SHARED((N, 16), jnp.float32),
            pltpu.VMEM_SHARED((N,), jnp.float32),
            pltpu.SemaphoreType.DMA,
        ],
    )(veh16, pas_mean, dest, src, z16, z1)


def kernel(requests_x, vehicles_x, passengers_x,
           veh2pas_receiver_edge_index, veh2pas_sender_edge_index,
           req2veh_sender_edge_index, req2veh_receiver_edge_index,
           W_req, b_req, W_veh, b_veh, W_pas, b_pas,
           W1, b1, W2, b2, W3, b3):
    veh16, pas16 = _encode(vehicles_x, passengers_x,
                           W_veh, b_veh.reshape(1, 16),
                           W_pas, b_pas.reshape(1, 16))

    z16 = jnp.zeros((N, 16), jnp.float32)
    z1 = jnp.zeros((N,), jnp.float32)

    meanpart = _scatter_phase1(
        pas16, veh2pas_receiver_edge_index, veh2pas_sender_edge_index, z16, z1)
    pas_mean = _merge(meanpart)

    mean2 = _scatter_phase2(
        veh16, pas_mean, req2veh_receiver_edge_index,
        req2veh_sender_edge_index, z16, z1)

    return _head(requests_x, mean2,
                 W_req, b_req.reshape(1, 16),
                 W1, b1.reshape(1, 64), W2, b2.reshape(1, 64),
                 W3, b3.reshape(1, 1))

# --- scband reference (transcript-rebuilt; emitter-appended) ---
"""Pipeline reference for scband-graph-actor-d-46454366273712 (READ-ONLY COPY).

The authoritative reference and input builder live on the scoring server;
editing this copy changes nothing except your own understanding.
"""

import jax, jax.numpy as jnp
import numpy as np


def scatter_mean(vals, idx, dim_size):
    sums = jax.ops.segment_sum(vals, idx, num_segments=dim_size)
    cnt = jax.ops.segment_sum(jnp.ones((vals.shape[0], 1), vals.dtype), idx, num_segments=dim_size)
    return sums / jnp.maximum(cnt, 1.0)


def setup_inputs(seed: int = 0):
    key = jax.random.key(seed)
    ks = jax.random.split(key, 24)
    N_req, N_veh, N_pas = 100000, 100000, 100000
    E1, E2 = 1600000, 1600000
    s = 0.1
    inp = {}
    inp['requests_x'] = jax.random.normal(ks[0], (N_req, 10), jnp.float32)
    inp['vehicles_x'] = jax.random.normal(ks[1], (N_veh, 8), jnp.float32)
    inp['passengers_x'] = jax.random.normal(ks[2], (N_pas, 10), jnp.float32)
    inp['veh2pas_receiver_edge_index'] = jax.random.randint(ks[3], (E1,), 0, N_pas, dtype=jnp.int32)
    inp['veh2pas_sender_edge_index'] = jax.random.randint(ks[4], (E1,), 0, N_veh, dtype=jnp.int32)
    inp['req2veh_sender_edge_index'] = jax.random.randint(ks[5], (E2,), 0, N_req, dtype=jnp.int32)
    inp['req2veh_receiver_edge_index'] = jax.random.randint(ks[6], (E2,), 0, N_veh, dtype=jnp.int32)
    inp['W_req'] = jax.random.normal(ks[7], (10, 16), jnp.float32) * s
    inp['b_req'] = jnp.zeros((16,), jnp.float32)
    inp['W_veh'] = jax.random.normal(ks[8], (8, 16), jnp.float32) * s
    inp['b_veh'] = jnp.zeros((16,), jnp.float32)
    inp['W_pas'] = jax.random.normal(ks[9], (10, 16), jnp.float32) * s
    inp['b_pas'] = jnp.zeros((16,), jnp.float32)
    inp['W1'] = jax.random.normal(ks[10], (48, 64), jnp.float32) * s
    inp['b1'] = jnp.zeros((64,), jnp.float32)
    inp['W2'] = jax.random.normal(ks[11], (64, 64), jnp.float32) * s
    inp['b2'] = jnp.zeros((64,), jnp.float32)
    inp['W3'] = jax.random.normal(ks[12], (64, 1), jnp.float32) * s
    inp['b3'] = jnp.zeros((1,), jnp.float32)
    return inp


def reference(requests_x, vehicles_x, passengers_x,
              veh2pas_receiver_edge_index, veh2pas_sender_edge_index,
              req2veh_sender_edge_index, req2veh_receiver_edge_index,
              W_req, b_req, W_veh, b_veh, W_pas, b_pas,
              W1, b1, W2, b2, W3, b3):
    N_req = requests_x.shape[0]
    N_veh = vehicles_x.shape[0]
    req_feat = jnp.tanh(requests_x @ W_req + b_req)
    veh_feat = jnp.tanh(vehicles_x @ W_veh + b_veh)
    pas_feat = jnp.tanh(passengers_x @ W_pas + b_pas)
    pas_mean = scatter_mean(pas_feat[veh2pas_receiver_edge_index], veh2pas_sender_edge_index, N_veh)
    veh_feat = jnp.concatenate([veh_feat, pas_mean], axis=-1)
    src, dest = req2veh_sender_edge_index, req2veh_receiver_edge_index
    veh_agg = scatter_mean(veh_feat[dest], src, N_req)
    action_feat = jnp.concatenate([req_feat, veh_agg], axis=-1)
    h = jnp.tanh(action_feat @ W1 + b1)
    h = jnp.tanh(h @ W2 + b2)
    return h @ W3 + b3

if __name__ == "__main__":
    import jax
    _d = setup_inputs()
    print(jax.jit(kernel)(*tuple(_d.values())))

</pallas_src>

<mosaic_0001>
#map = affine_map<(d0, d1) -> (0, 0)>
#map1 = affine_map<(d0, d1) -> (0)>
#map2 = affine_map<(d0, d1) -> (0, 0, 0)>
module attributes {stable_mosaic.version = 14 : i64} {
  func.func @_scatter2_body(%arg0: i32, %arg1: i32, %arg2: memref<100000x16xf32, #tpu.memory_space<hbm>>, %arg3: memref<100000x16xf32, #tpu.memory_space<hbm>>, %arg4: memref<1600000xi32, #tpu.memory_space<hbm>>, %arg5: memref<1600000xi32, #tpu.memory_space<hbm>>, %arg6: memref<100000x16xf32, #tpu.memory_space<hbm>>, %arg7: memref<100000xf32, #tpu.memory_space<hbm>>, %arg8: memref<2x100000x16xf32, #tpu.memory_space<hbm>>, %arg9: memref<1000xi32, #tpu.memory_space<vmem>>, %arg10: memref<1000xi32, #tpu.memory_space<vmem>>, %arg11: memref<1000x16xf32, #tpu.memory_space<vmem>>, %arg12: memref<1000xf32, #tpu.memory_space<vmem>>, %arg13: memref<1000xf32, #tpu.memory_space<vmem>>, %arg14: memref<100000x16xf32, #tpu.memory_space<vmem_shared>>, %arg15: memref<100000xf32, #tpu.memory_space<vmem_shared>>, %arg16: memref<!tpu.dma_semaphore, #tpu.memory_space<semaphore_mem>>) attributes {dimension_semantics = [#tpu.dimension_semantics<core_parallel>, #tpu.dimension_semantics<subcore_parallel>], iteration_bounds = array<i64: 2, 16>, scalar_prefetch = 0 : i64, scratch_operands = 8 : i64, tpu.core_type = #tpu.core_type<sc_vector_subcore>, window_params = [{transform_indices = #map}, {transform_indices = #map}, {transform_indices = #map1}, {transform_indices = #map1}, {transform_indices = #map}, {transform_indices = #map1}, {transform_indices = #map2}]} {
    %broadcast_in_dim3A = arith.constant 1.000000e+00 : f32
    %broadcast_in_dim3A_0 = vector.broadcast %broadcast_in_dim3A : f32 to vector<16xf32>
    %scan3A = arith.constant 0 : i32
    %scan3A_1 = arith.constant 0 : i32
    %scan3A_2 = arith.constant 62 : i32
    %scan3A_3 = arith.addi %scan3A_1, %scan3A_2 : i32
    %scan3A_4 = arith.constant 1 : i32
    %scan3A_5 = scf.for %scan3A_42 = %scan3A_1 to %scan3A_3 step %scan3A_4 iter_args(%scan3A_43 = %scan3A) -> (i32)  : i32 {
      %mul3A_44 = arith.constant 16 : i32
      %mul3A_45 = arith.muli %scan3A_42, %mul3A_44 : i32
      %swap3A_46 = arith.index_cast %mul3A_45 : i32 to index
      %swap3A_47 = tpu.vector_load %arg12[%swap3A_46] {strides = array<i32>} : memref<1000xf32, #tpu.memory_space<vmem>>, vector<16xf32>,
      %swap3A_48 = vector.shape_cast %swap3A_47 : vector<16xf32> to vector<16xf32>
      %swap3A_49 = vector.shape_cast %broadcast_in_dim3A_0 : vector<16xf32> to vector<16xf32>
      tpu.vector_store %arg12[%swap3A_46], %swap3A_49 {strides = array<i32>} : memref<1000xf32, #tpu.memory_space<vmem>>, vector<16xf32>,
      %scan3A_50 = arith.constant 0 : i32
      scf.yield %scan3A_50 : i32
    }
    %scan3A_6 = arith.constant 62 : i32
    %swap3A = arith.constant 984 : index
    %swap3A_7 = tpu.vector_load %arg12[%swap3A] {strides = array<i32>} : memref<1000xf32, #tpu.memory_space<vmem>>, vector<16xf32>,
    %swap3A_8 = vector.shape_cast %swap3A_7 : vector<16xf32> to vector<16xf32>
    %swap3A_9 = vector.shape_cast %broadcast_in_dim3A_0 : vector<16xf32> to vector<16xf32>
    tpu.vector_store %arg12[%swap3A], %swap3A_9 {strides = array<i32>} : memref<1000xf32, #tpu.memory_space<vmem>>, vector<16xf32>,
    %eq3A = arith.constant 0 : i32
    %eq3A_10 = arith.cmpi eq, %arg1, %eq3A : i32
    %convert_element_type3A = arith.extui %eq3A_10 : i1 to i32
    %cond3A = arith.constant 0 : i32
    %cond3A_11 = arith.cmpi ne, %convert_element_type3A, %cond3A : i32
    scf.if %cond3A_11 {
      "tpu.region"() ({
        %run_scoped3A = tpu.sem_alloc : memref<!tpu.dma_semaphore, #tpu.memory_space<semaphore_mem>>
        tpu.enqueue_dma source(%arg6 : memref<100000x16xf32, #tpu.memory_space<hbm>>) target(%arg14 : memref<100000x16xf32, #tpu.memory_space<vmem_shared>>) target_semaphore(%run_scoped3A : memref<!tpu.dma_semaphore, #tpu.memory_space<semaphore_mem>>)
        tpu.wait_dma2 semaphore(%run_scoped3A : memref<!tpu.dma_semaphore, #tpu.memory_space<semaphore_mem>>) src(%arg6 : memref<100000x16xf32, #tpu.memory_space<hbm>>) dst(%arg14 : memref<100000x16xf32, #tpu.memory_space<vmem_shared>>)
        tpu.yield
      }) : () -> ()
      "tpu.region"() ({
        %run_scoped3A = tpu.sem_alloc : memref<!tpu.dma_semaphore, #tpu.memory_space<semaphore_mem>>
        tpu.enqueue_dma source(%arg7 : memref<100000xf32, #tpu.memory_space<hbm>>) target(%arg15 : memref<100000xf32, #tpu.memory_space<vmem_shared>>) target_semaphore(%run_scoped3A : memref<!tpu.dma_semaphore, #tpu.memory_space<semaphore_mem>>)
        tpu.wait_dma2 semaphore(%run_scoped3A : memref<!tpu.dma_semaphore, #tpu.memory_space<semaphore_mem>>) src(%arg7 : memref<100000xf32, #tpu.memory_space<hbm>>) dst(%arg15 : memref<100000xf32, #tpu.memory_space<vmem_shared>>)
        tpu.yield
      }) : () -> ()
    } else {
    }
    %barrier3A = arith.constant 0 : index
    tpu.barrier barrier_id(%barrier3A)
    %mul3A = arith.constant 100000 : i32
    %mul3A_12 = arith.muli %arg1, %mul3A : i32
    %eq3A_13 = arith.constant 0 : i32
    %eq3A_14 = arith.cmpi eq, %arg0, %eq3A_13 : i32
    %convert_element_type3A_15 = arith.extui %eq3A_14 : i1 to i32
    %cond3A_16 = arith.constant 0 : i32
    %cond3A_17 = arith.cmpi ne, %convert_element_type3A_15, %cond3A_16 : i32
    scf.if %cond3A_17 {
      %scan3A_42 = arith.constant 0 : i32
      %scan3A_43 = arith.constant 0 : i32
      %scan3A_44 = arith.constant 100 : i32
      %scan3A_45 = arith.addi %scan3A_43, %scan3A_44 : i32
      %scan3A_46 = arith.constant 1 : i32
      %scan3A_47 = scf.for %scan3A_49 = %scan3A_43 to %scan3A_45 step %scan3A_46 iter_args(%scan3A_50 = %scan3A_42) -> (i32)  : i32 {
        %mul3A_51 = arith.constant 1000 : i32
        %mul3A_52 = arith.muli %scan3A_49, %mul3A_51 : i32
        %add3A = arith.addi %mul3A_12, %mul3A_52 : i32
        %multiple_of3A_53 = tpu.assume_multiple %add3A, 8 : i32
        "tpu.region"() ({
          %run_scoped3A = tpu.sem_alloc : memref<!tpu.dma_semaphore, #tpu.memory_space<semaphore_mem>>
          %dma_start3A_59 = tpu.memref_slice %arg4[%multiple_of3A_53] : memref<1600000xi32, #tpu.memory_space<hbm>> -> memref<1000xi32, #tpu.memory_space<hbm>>
          %dma_start3A_60 = tpu.memref_slice %arg4[%multiple_of3A_53] : memref<1600000xi32, #tpu.memory_space<hbm>> -> memref<1000xi32, #tpu.memory_space<hbm>>
          tpu.enqueue_dma source(%dma_start3A_60 : memref<1000xi32, #tpu.memory_space<hbm>>) target(%arg9 : memref<1000xi32, #tpu.memory_space<vmem>>) target_semaphore(%run_scoped3A : memref<!tpu.dma_semaphore, #tpu.memory_space<semaphore_mem>>)
          %dma_wait3A_61 = tpu.memref_slice %arg4[%multiple_of3A_53] : memref<1600000xi32, #tpu.memory_space<hbm>> -> memref<1000xi32, #tpu.memory_space<hbm>>
          %dma_wait3A_62 = tpu.memref_slice %arg4[%multiple_of3A_53] : memref<1600000xi32, #tpu.memory_space<hbm>> -> memref<1000xi32, #tpu.memory_space<hbm>>
          tpu.wait_dma2 semaphore(%run_scoped3A : memref<!tpu.dma_semaphore, #tpu.memory_space<semaphore_mem>>) src(%dma_wait3A_62 : memref<1000xi32, #tpu.memory_space<hbm>>) dst(%arg9 : memref<1000xi32, #tpu.memory_space<vmem>>)
          tpu.yield
        }) : () -> ()
        "tpu.region"() ({
          %run_scoped3A = tpu.sem_alloc : memref<!tpu.dma_semaphore, #tpu.memory_space<semaphore_mem>>
          %dma_start3A_59 = tpu.memref_slice %arg5[%multiple_of3A_53] : memref<1600000xi32, #tpu.memory_space<hbm>> -> memref<1000xi32, #tpu.memory_space<hbm>>
          %dma_start3A_60 = tpu.memref_slice %arg5[%multiple_of3A_53] : memref<1600000xi32, #tpu.memory_space<hbm>> -> memref<1000xi32, #tpu.memory_space<hbm>>
          tpu.enqueue_dma source(%dma_start3A_60 : memref<1000xi32, #tpu.memory_space<hbm>>) target(%arg10 : memref<1000xi32, #tpu.memory_space<vmem>>) target_semaphore(%run_scoped3A : memref<!tpu.dma_semaphore, #tpu.memory_space<semaphore_mem>>)
          %dma_wait3A_61 = tpu.memref_slice %arg5[%multiple_of3A_53] : memref<1600000xi32, #tpu.memory_space<hbm>> -> memref<1000xi32, #tpu.memory_space<hbm>>
          %dma_wait3A_62 = tpu.memref_slice %arg5[%multiple_of3A_53] : memref<1600000xi32, #tpu.memory_space<hbm>> -> memref<1000xi32, #tpu.memory_space<hbm>>
          tpu.wait_dma2 semaphore(%run_scoped3A : memref<!tpu.dma_semaphore, #tpu.memory_space<semaphore_mem>>) src(%dma_wait3A_62 : memref<1000xi32, #tpu.memory_space<hbm>>) dst(%arg10 : memref<1000xi32, #tpu.memory_space<vmem>>)
          tpu.yield
        }) : () -> ()
        %dma_start3A = arith.constant 0 : i32
        %dma_start3A_54 = arith.constant 0 : i32
        %dma_start3A_55 = tpu.memref_slice %arg2[%dma_start3A, %dma_start3A_54] : memref<100000x16xf32, #tpu.memory_space<hbm>> -> memref<100000x16xf32, #tpu.memory_space<hbm>>
        tpu.enqueue_indirect_dma source(%dma_start3A_55 : memref<100000x16xf32, #tpu.memory_space<hbm>>) target(%arg11 : memref<1000x16xf32, #tpu.memory_space<vmem>>) offsets(%arg9 : memref<1000xi32, #tpu.memory_space<vmem>>) semaphore(%arg16 : memref<!tpu.dma_semaphore, #tpu.memory_space<semaphore_mem>>)
        %dma_wait3A = arith.constant 0 : i32
        %dma_wait3A_56 = arith.constant 0 : i32
        %dma_wait3A_57 = tpu.memref_slice %arg2[%dma_wait3A, %dma_wait3A_56] : memref<100000x16xf32, #tpu.memory_space<hbm>> -> memref<100000x16xf32, #tpu.memory_space<hbm>>
        tpu.wait_indirect_dma semaphore(%arg16 : memref<!tpu.dma_semaphore, #tpu.memory_space<semaphore_mem>>) src(%dma_wait3A_57 : memref<100000x16xf32, #tpu.memory_space<hbm>>) dst(%arg11 : memref<1000x16xf32, #tpu.memory_space<vmem>>)
        "tpu.region"() ({
          %run_scoped3A = tpu.sem_alloc : memref<!tpu.dma_semaphore, #tpu.memory_space<semaphore_mem>>
          %dma_start3A_59 = arith.constant 0 : i32
          %dma_start3A_60 = arith.constant 0 : i32
          %dma_start3A_61 = tpu.memref_slice %arg14[%dma_start3A_59, %dma_start3A_60] : memref<100000x16xf32, #tpu.memory_space<vmem_shared>> -> memref<100000x16xf32, #tpu.memory_space<vmem_shared>>
          tpu.enqueue_indirect_dma source(%arg11 : memref<1000x16xf32, #tpu.memory_space<vmem>>) target(%dma_start3A_61 : memref<100000x16xf32, #tpu.memory_space<vmem_shared>>) offsets(%arg10 : memref<1000xi32, #tpu.memory_space<vmem>>) semaphore(%run_scoped3A : memref<!tpu.dma_semaphore, #tpu.memory_space<semaphore_mem>>) {add = true}
          %dma_wait3A_62 = arith.constant 0 : i32
          %dma_wait3A_63 = arith.constant 0 : i32
          %dma_wait3A_64 = tpu.memref_slice %arg14[%dma_wait3A_62, %dma_wait3A_63] : memref<100000x16xf32, #tpu.memory_space<vmem_shared>> -> memref<100000x16xf32, #tpu.memory_space<vmem_shared>>
          tpu.wait_indirect_dma semaphore(%run_scoped3A : memref<!tpu.dma_semaphore, #tpu.memory_space<semaphore_mem>>) src(%arg11 : memref<1000x16xf32, #tpu.memory_space<vmem>>) dst(%dma_wait3A_64 : memref<100000x16xf32, #tpu.memory_space<vmem_shared>>)
          tpu.yield
        }) : () -> ()
        "tpu.region"() ({
          %run_scoped3A = tpu.sem_alloc : memref<!tpu.dma_semaphore, #tpu.memory_space<semaphore_mem>>
          %dma_start3A_59 = arith.constant 0 : i32
          %dma_start3A_60 = tpu.memref_slice %arg15[%dma_start3A_59] : memref<100000xf32, #tpu.memory_space<vmem_shared>> -> memref<100000xf32, #tpu.memory_space<vmem_shared>>
          tpu.enqueue_indirect_dma source(%arg12 : memref<1000xf32, #tpu.memory_space<vmem>>) target(%dma_start3A_60 : memref<100000xf32, #tpu.memory_space<vmem_shared>>) offsets(%arg10 : memref<1000xi32, #tpu.memory_space<vmem>>) semaphore(%run_scoped3A : memref<!tpu.dma_semaphore, #tpu.memory_space<semaphore_mem>>) {add = true}
          %dma_wait3A_61 = arith.constant 0 : i32
          %dma_wait3A_62 = tpu.memref_slice %arg15[%dma_wait3A_61] : memref<100000xf32, #tpu.memory_space<vmem_shared>> -> memref<100000xf32, #tpu.memory_space<vmem_shared>>
          tpu.wait_indirect_dma semaphore(%run_scoped3A : memref<!tpu.dma_semaphore, #tpu.memory_space<semaphore_mem>>) src(%arg12 : memref<1000xf32, #tpu.memory_space<vmem>>) dst(%dma_wait3A_62 : memref<100000xf32, #tpu.memory_space<vmem_shared>>)
          tpu.yield
        }) : () -> ()
        %scan3A_58 = arith.constant 0 : i32
        scf.yield %scan3A_58 : i32
      }
      %scan3A_48 = arith.constant 100 : i32
    } else {
    }
    %eq3A_18 = arith.constant 1 : i32
    %eq3A_19 = arith.cmpi eq, %arg0, %eq3A_18 : i32
    %convert_element_type3A_20 = arith.extui %eq3A_19 : i1 to i32
    %cond3A_21 = arith.constant 0 : i32
    %cond3A_22 = arith.cmpi ne, %convert_element_type3A_20, %cond3A_21 : i32
    scf.if %cond3A_22 {
      %scan3A_42 = arith.constant 0 : i32
      %scan3A_43 = arith.constant 0 : i32
      %scan3A_44 = arith.constant 100 : i32
      %scan3A_45 = arith.addi %scan3A_43, %scan3A_44 : i32
      %scan3A_46 = arith.constant 1 : i32
      %scan3A_47 = scf.for %scan3A_49 = %scan3A_43 to %scan3A_45 step %scan3A_46 iter_args(%scan3A_50 = %scan3A_42) -> (i32)  : i32 {
        %mul3A_51 = arith.constant 1000 : i32
        %mul3A_52 = arith.muli %scan3A_49, %mul3A_51 : i32
        %add3A = arith.addi %mul3A_12, %mul3A_52 : i32
        %multiple_of3A_53 = tpu.assume_multiple %add3A, 8 : i32
        "tpu.region"() ({
          %run_scoped3A = tpu.sem_alloc : memref<!tpu.dma_semaphore, #tpu.memory_space<semaphore_mem>>
          %dma_start3A_59 = tpu.memref_slice %arg4[%multiple_of3A_53] : memref<1600000xi32, #tpu.memory_space<hbm>> -> memref<1000xi32, #tpu.memory_space<hbm>>
          %dma_start3A_60 = tpu.memref_slice %arg4[%multiple_of3A_53] : memref<1600000xi32, #tpu.memory_space<hbm>> -> memref<1000xi32, #tpu.memory_space<hbm>>
          tpu.enqueue_dma source(%dma_start3A_60 : memref<1000xi32, #tpu.memory_space<hbm>>) target(%arg9 : memref<1000xi32, #tpu.memory_space<vmem>>) target_semaphore(%run_scoped3A : memref<!tpu.dma_semaphore, #tpu.memory_space<semaphore_mem>>)
          %dma_wait3A_61 = tpu.memref_slice %arg4[%multiple_of3A_53] : memref<1600000xi32, #tpu.memory_space<hbm>> -> memref<1000xi32, #tpu.memory_space<hbm>>
          %dma_wait3A_62 = tpu.memref_slice %arg4[%multiple_of3A_53] : memref<1600000xi32, #tpu.memory_space<hbm>> -> memref<1000xi32, #tpu.memory_space<hbm>>
          tpu.wait_dma2 semaphore(%run_scoped3A : memref<!tpu.dma_semaphore, #tpu.memory_space<semaphore_mem>>) src(%dma_wait3A_62 : memref<1000xi32, #tpu.memory_space<hbm>>) dst(%arg9 : memref<1000xi32, #tpu.memory_space<vmem>>)
          tpu.yield
        }) : () -> ()
        "tpu.region"() ({
          %run_scoped3A = tpu.sem_alloc : memref<!tpu.dma_semaphore, #tpu.memory_space<semaphore_mem>>
          %dma_start3A_59 = tpu.memref_slice %arg5[%multiple_of3A_53] : memref<1600000xi32, #tpu.memory_space<hbm>> -> memref<1000xi32, #tpu.memory_space<hbm>>
          %dma_start3A_60 = tpu.memref_slice %arg5[%multiple_of3A_53] : memref<1600000xi32, #tpu.memory_space<hbm>> -> memref<1000xi32, #tpu.memory_space<hbm>>
          tpu.enqueue_dma source(%dma_start3A_60 : memref<1000xi32, #tpu.memory_space<hbm>>) target(%arg10 : memref<1000xi32, #tpu.memory_space<vmem>>) target_semaphore(%run_scoped3A : memref<!tpu.dma_semaphore, #tpu.memory_space<semaphore_mem>>)
          %dma_wait3A_61 = tpu.memref_slice %arg5[%multiple_of3A_53] : memref<1600000xi32, #tpu.memory_space<hbm>> -> memref<1000xi32, #tpu.memory_space<hbm>>
          %dma_wait3A_62 = tpu.memref_slice %arg5[%multiple_of3A_53] : memref<1600000xi32, #tpu.memory_space<hbm>> -> memref<1000xi32, #tpu.memory_space<hbm>>
          tpu.wait_dma2 semaphore(%run_scoped3A : memref<!tpu.dma_semaphore, #tpu.memory_space<semaphore_mem>>) src(%dma_wait3A_62 : memref<1000xi32, #tpu.memory_space<hbm>>) dst(%arg10 : memref<1000xi32, #tpu.memory_space<vmem>>)
          tpu.yield
        }) : () -> ()
        %dma_start3A = arith.constant 0 : i32
        %dma_start3A_54 = arith.constant 0 : i32
        %dma_start3A_55 = tpu.memref_slice %arg3[%dma_start3A, %dma_start3A_54] : memref<100000x16xf32, #tpu.memory_space<hbm>> -> memref<100000x16xf32, #tpu.memory_space<hbm>>
        tpu.enqueue_indirect_dma source(%dma_start3A_55 : memref<100000x16xf32, #tpu.memory_space<hbm>>) target(%arg11 : memref<1000x16xf32, #tpu.memory_space<vmem>>) offsets(%arg9 : memref<1000xi32, #tpu.memory_space<vmem>>) semaphore(%arg16 : memref<!tpu.dma_semaphore, #tpu.memory_space<semaphore_mem>>)
        %dma_wait3A = arith.constant 0 : i32
        %dma_wait3A_56 = arith.constant 0 : i32
        %dma_wait3A_57 = tpu.memref_slice %arg3[%dma_wait3A, %dma_wait3A_56] : memref<100000x16xf32, #tpu.memory_space<hbm>> -> memref<100000x16xf32, #tpu.memory_space<hbm>>
        tpu.wait_indirect_dma semaphore(%arg16 : memref<!tpu.dma_semaphore, #tpu.memory_space<semaphore_mem>>) src(%dma_wait3A_57 : memref<100000x16xf32, #tpu.memory_space<hbm>>) dst(%arg11 : memref<1000x16xf32, #tpu.memory_space<vmem>>)
        "tpu.region"() ({
          %run_scoped3A = tpu.sem_alloc : memref<!tpu.dma_semaphore, #tpu.memory_space<semaphore_mem>>
          %dma_start3A_59 = arith.constant 0 : i32
          %dma_start3A_60 = arith.constant 0 : i32
          %dma_start3A_61 = tpu.memref_slice %arg14[%dma_start3A_59, %dma_start3A_60] : memref<100000x16xf32, #tpu.memory_space<vmem_shared>> -> memref<100000x16xf32, #tpu.memory_space<vmem_shared>>
          tpu.enqueue_indirect_dma source(%arg11 : memref<1000x16xf32, #tpu.memory_space<vmem>>) target(%dma_start3A_61 : memref<100000x16xf32, #tpu.memory_space<vmem_shared>>) offsets(%arg10 : memref<1000xi32, #tpu.memory_space<vmem>>) semaphore(%run_scoped3A : memref<!tpu.dma_semaphore, #tpu.memory_space<semaphore_mem>>) {add = true}
          %dma_wait3A_62 = arith.constant 0 : i32
          %dma_wait3A_63 = arith.constant 0 : i32
          %dma_wait3A_64 = tpu.memref_slice %arg14[%dma_wait3A_62, %dma_wait3A_63] : memref<100000x16xf32, #tpu.memory_space<vmem_shared>> -> memref<100000x16xf32, #tpu.memory_space<vmem_shared>>
          tpu.wait_indirect_dma semaphore(%run_scoped3A : memref<!tpu.dma_semaphore, #tpu.memory_space<semaphore_mem>>) src(%arg11 : memref<1000x16xf32, #tpu.memory_space<vmem>>) dst(%dma_wait3A_64 : memref<100000x16xf32, #tpu.memory_space<vmem_shared>>)
          tpu.yield
        }) : () -> ()
        "tpu.region"() ({
          %run_scoped3A = tpu.sem_alloc : memref<!tpu.dma_semaphore, #tpu.memory_space<semaphore_mem>>
          %dma_start3A_59 = arith.constant 0 : i32
          %dma_start3A_60 = tpu.memref_slice %arg15[%dma_start3A_59] : memref<100000xf32, #tpu.memory_space<vmem_shared>> -> memref<100000xf32, #tpu.memory_space<vmem_shared>>
          tpu.enqueue_indirect_dma source(%arg12 : memref<1000xf32, #tpu.memory_space<vmem>>) target(%dma_start3A_60 : memref<100000xf32, #tpu.memory_space<vmem_shared>>) offsets(%arg10 : memref<1000xi32, #tpu.memory_space<vmem>>) semaphore(%run_scoped3A : memref<!tpu.dma_semaphore, #tpu.memory_space<semaphore_mem>>) {add = true}
          %dma_wait3A_61 = arith.constant 0 : i32
          %dma_wait3A_62 = tpu.memref_slice %arg15[%dma_wait3A_61] : memref<100000xf32, #tpu.memory_space<vmem_shared>> -> memref<100000xf32, #tpu.memory_space<vmem_shared>>
          tpu.wait_indirect_dma semaphore(%run_scoped3A : memref<!tpu.dma_semaphore, #tpu.memory_space<semaphore_mem>>) src(%arg12 : memref<1000xf32, #tpu.memory_space<vmem>>) dst(%dma_wait3A_62 : memref<100000xf32, #tpu.memory_space<vmem_shared>>)
          tpu.yield
        }) : () -> ()
        %scan3A_58 = arith.constant 0 : i32
        scf.yield %scan3A_58 : i32
      }
      %scan3A_48 = arith.constant 100 : i32
    } else {
    }
    %barrier3A_23 = arith.constant 0 : index
    tpu.barrier barrier_id(%barrier3A_23)
    %mul3A_24 = arith.constant 6256 : i32
    %mul3A_25 = arith.muli %arg1, %mul3A_24 : i32
    %multiple_of3A = tpu.assume_multiple %mul3A_25, 8 : i32
    %scan3A_26 = arith.constant 0 : i32
    %scan3A_27 = arith.constant 0 : i32
    %scan3A_28 = arith.constant 7 : i32
    %scan3A_29 = arith.addi %scan3A_27, %scan3A_28 : i32
    %scan3A_30 = arith.constant 1 : i32
    %scan3A_31 = scf.for %scan3A_42 = %scan3A_27 to %scan3A_29 step %scan3A_30 iter_args(%scan3A_43 = %scan3A_26) -> (i32)  : i32 {
      %mul3A_44 = arith.constant 800 : i32
      %mul3A_45 = arith.muli %scan3A_42, %mul3A_44 : i32
      %add3A = arith.addi %multiple_of3A, %mul3A_45 : i32
      %multiple_of3A_46 = tpu.assume_multiple %add3A, 8 : i32
      "tpu.region"() ({
        %run_scoped3A = tpu.sem_alloc : memref<!tpu.dma_semaphore, #tpu.memory_space<semaphore_mem>>
        %dma_start3A = arith.constant 0 : i32
        %dma_start3A_62 = arith.constant 0 : i32
        %dma_start3A_63 = tpu.memref_slice %arg11[%dma_start3A, %dma_start3A_62] : memref<1000x16xf32, #tpu.memory_space<vmem>> -> memref<800x16xf32, #tpu.memory_space<vmem>>
        %dma_start3A_64 = arith.constant 0 : i32
        %dma_start3A_65 = tpu.memref_slice %arg14[%multiple_of3A_46, %dma_start3A_64] : memref<100000x16xf32, #tpu.memory_space<vmem_shared>> -> memref<800x16xf32, #tpu.memory_space<vmem_shared>>
        %dma_start3A_66 = arith.constant 0 : i32
        %dma_start3A_67 = arith.constant 0 : i32
        %dma_start3A_68 = tpu.memref_slice %arg11[%dma_start3A_66, %dma_start3A_67] : memref<1000x16xf32, #tpu.memory_space<vmem>> -> memref<800x16xf32, #tpu.memory_space<vmem>>
        %dma_start3A_69 = arith.constant 0 : i32
        %dma_start3A_70 = tpu.memref_slice %arg14[%multiple_of3A_46, %dma_start3A_69] : memref<100000x16xf32, #tpu.memory_space<vmem_shared>> -> memref<800x16xf32, #tpu.memory_space<vmem_shared>>
        tpu.enqueue_dma source(%dma_start3A_70 : memref<800x16xf32, #tpu.memory_space<vmem_shared>>) target(%dma_start3A_68 : memref<800x16xf32, #tpu.memory_space<vmem>>) target_semaphore(%run_scoped3A : memref<!tpu.dma_semaphore, #tpu.memory_space<semaphore_mem>>)
        %dma_wait3A = arith.constant 0 : i32
        %dma_wait3A_71 = arith.constant 0 : i32
        %dma_wait3A_72 = tpu.memref_slice %arg11[%dma_wait3A, %dma_wait3A_71] : memref<1000x16xf32, #tpu.memory_space<vmem>> -> memref<800x16xf32, #tpu.memory_space<vmem>>
        %dma_wait3A_73 = arith.constant 0 : i32
        %dma_wait3A_74 = tpu.memref_slice %arg14[%multiple_of3A_46, %dma_wait3A_73] : memref<100000x16xf32, #tpu.memory_space<vmem_shared>> -> memref<800x16xf32, #tpu.memory_space<vmem_shared>>
        %dma_wait3A_75 = arith.constant 0 : i32
        %dma_wait3A_76 = arith.constant 0 : i32
        %dma_wait3A_77 = tpu.memref_slice %arg11[%dma_wait3A_75, %dma_wait3A_76] : memref<1000x16xf32, #tpu.memory_space<vmem>> -> memref<800x16xf32, #tpu.memory_space<vmem>>
        %dma_wait3A_78 = arith.constant 0 : i32
        %dma_wait3A_79 = tpu.memref_slice %arg14[%multiple_of3A_46, %dma_wait3A_78] : memref<100000x16xf32, #tpu.memory_space<vmem_shared>> -> memref<800x16xf32, #tpu.memory_space<vmem_shared>>
        tpu.wait_dma2 semaphore(%run_scoped3A : memref<!tpu.dma_semaphore, #tpu.memory_space<semaphore_mem>>) src(%dma_wait3A_79 : memref<800x16xf32, #tpu.memory_space<vmem_shared>>) dst(%dma_wait3A_77 : memref<800x16xf32, #tpu.memory_space<vmem>>)
        tpu.yield
      }) : () -> ()
      "tpu.region"() ({
        %run_scoped3A = tpu.sem_alloc : memref<!tpu.dma_semaphore, #tpu.memory_space<semaphore_mem>>
        %dma_start3A = arith.constant 0 : i32
        %dma_start3A_62 = tpu.memref_slice %arg13[%dma_start3A] : memref<1000xf32, #tpu.memory_space<vmem>> -> memref<800xf32, #tpu.memory_space<vmem>>
        %dma_start3A_63 = tpu.memref_slice %arg15[%multiple_of3A_46] : memref<100000xf32, #tpu.memory_space<vmem_shared>> -> memref<800xf32, #tpu.memory_space<vmem_shared>>
        %dma_start3A_64 = arith.constant 0 : i32
        %dma_start3A_65 = tpu.memref_slice %arg13[%dma_start3A_64] : memref<1000xf32, #tpu.memory_space<vmem>> -> memref<800xf32, #tpu.memory_space<vmem>>
        %dma_start3A_66 = tpu.memref_slice %arg15[%multiple_of3A_46] : memref<100000xf32, #tpu.memory_space<vmem_shared>> -> memref<800xf32, #tpu.memory_space<vmem_shared>>
        tpu.enqueue_dma source(%dma_start3A_66 : memref<800xf32, #tpu.memory_space<vmem_shared>>) target(%dma_start3A_65 : memref<800xf32, #tpu.memory_space<vmem>>) target_semaphore(%run_scoped3A : memref<!tpu.dma_semaphore, #tpu.memory_space<semaphore_mem>>)
        %dma_wait3A = arith.constant 0 : i32
        %dma_wait3A_67 = tpu.memref_slice %arg13[%dma_wait3A] : memref<1000xf32, #tpu.memory_space<vmem>> -> memref<800xf32, #tpu.memory_space<vmem>>
        %dma_wait3A_68 = tpu.memref_slice %arg15[%multiple_of3A_46] : memref<100000xf32, #tpu.memory_space<vmem_shared>> -> memref<800xf32, #tpu.memory_space<vmem_shared>>
        %dma_wait3A_69 = arith.constant 0 : i32
        %dma_wait3A_70 = tpu.memref_slice %arg13[%dma_wait3A_69] : memref<1000xf32, #tpu.memory_space<vmem>> -> memref<800xf32, #tpu.memory_space<vmem>>
        %dma_wait3A_71 = tpu.memref_slice %arg15[%multiple_of3A_46] : memref<100000xf32, #tpu.memory_space<vmem_shared>> -> memref<800xf32, #tpu.memory_space<vmem_shared>>
        tpu.wait_dma2 semaphore(%run_scoped3A : memref<!tpu.dma_semaphore, #tpu.memory_space<semaphore_mem>>) src(%dma_wait3A_71 : memref<800xf32, #tpu.memory_space<vmem_shared>>) dst(%dma_wait3A_70 : memref<800xf32, #tpu.memory_space<vmem>>)
        tpu.yield
      }) : () -> ()
      %scan3A_47 = arith.constant 0 : i32
      %scan3A_48 = arith.constant 0 : i32
      %scan3A_49 = arith.constant 50 : i32
      %scan3A_50 = arith.addi %scan3A_48, %scan3A_49 : i32
      %scan3A_51 = arith.constant 1 : i32
      %scan3A_52 = scf.for %scan3A_62 = %scan3A_48 to %scan3A_50 step %scan3A_51 iter_args(%scan3A_63 = %scan3A_47) -> (i32)  : i32 {
        %mul3A_64 = arith.constant 16 : i32
        %mul3A_65 = arith.muli %scan3A_62, %mul3A_64 : i32
        %get3A = arith.index_cast %mul3A_65 : i32 to index
        %get3A_66 = tpu.vector_load %arg13[%get3A] {strides = array<i32>} : memref<1000xf32, #tpu.memory_space<vmem>>, vector<16xf32>,
        %get3A_67 = vector.shape_cast %get3A_66 : vector<16xf32> to vector<16xf32>
        %max3A = arith.constant 1.000000e+00 : f32
        %max3A_68 = vector.broadcast %max3A : f32 to vector<16xf32>
        %max3A_69 = arith.maximumf %get3A_67, %max3A_68 : vector<16xf32>
        %div3A = arith.constant 1.000000e+00 : f32
        %div3A_70 = vector.broadcast %div3A : f32 to vector<16xf32>
        %div3A_71 = arith.divf %div3A_70, %max3A_69 : vector<16xf32>
        %mul3A_72 = arith.constant 16 : i32
        %mul3A_73 = arith.muli %scan3A_62, %mul3A_72 : i32
        %swap3A_74 = arith.index_cast %mul3A_73 : i32 to index
        %swap3A_75 = tpu.vector_load %arg12[%swap3A_74] {strides = array<i32>} : memref<1000xf32, #tpu.memory_space<vmem>>, vector<16xf32>,
        %swap3A_76 = vector.shape_cast %swap3A_75 : vector<16xf32> to vector<16xf32>
        %swap3A_77 = vector.shape_cast %div3A_71 : vector<16xf32> to vector<16xf32>
        tpu.vector_store %arg12[%swap3A_74], %swap3A_77 {strides = array<i32>} : memref<1000xf32, #tpu.memory_space<vmem>>, vector<16xf32>,
        %scan3A_78 = arith.constant 0 : i32
        scf.yield %scan3A_78 : i32
      }
      %scan3A_53 = arith.constant 50 : i32
      %scan3A_54 = arith.constant 0 : i32
      %scan3A_55 = arith.constant 0 : i32
      %scan3A_56 = arith.constant 50 : i32
      %scan3A_57 = arith.addi %scan3A_55, %scan3A_56 : i32
      %scan3A_58 = arith.constant 1 : i32
      %scan3A_59 = scf.for %scan3A_62 = %scan3A_55 to %scan3A_57 step %scan3A_58 iter_args(%scan3A_63 = %scan3A_54) -> (i32)  : i32 {
        %mul3A_64 = arith.constant 16 : i32
        %mul3A_65 = arith.muli %scan3A_62, %mul3A_64 : i32
        %get3A = arith.index_cast %mul3A_65 : i32 to index
        %get3A_66 = tpu.vector_load %arg12[%get3A] {strides = array<i32>} : memref<1000xf32, #tpu.memory_space<vmem>>, vector<16xf32>,
        %get3A_67 = vector.shape_cast %get3A_66 : vector<16xf32> to vector<16xf32>
        %mul3A_68 = arith.constant 16 : i32
        %mul3A_69 = arith.muli %scan3A_62, %mul3A_68 : i32
        %add3A_70 = arith.constant 0 : i32
        %add3A_71 = arith.addi %mul3A_69, %add3A_70 : i32
        %get3A_72 = arith.index_cast %add3A_71 : i32 to index
        %get3A_73 = arith.constant 0 : index
        %get3A_74 = tpu.vector_load %arg11[%get3A_72, %get3A_73] {strides = array<i32>} : memref<1000x16xf32, #tpu.memory_space<vmem>>, vector<1x16xf32>,
        %get3A_75 = vector.shape_cast %get3A_74 : vector<1x16xf32> to vector<16xf32>
        %slice3A = vector.extract_strided_slice %get3A_67 {offsets = [0], sizes = [1], strides = [1]} : vector<16xf32> to vector<1xf32>
        %squeeze3A = vector.extract %slice3A[0] : f32 from vector<1xf32>
        %mul3A_76 = vector.broadcast %squeeze3A : f32 to vector<16xf32>
        %mul3A_77 = arith.mulf %get3A_75, %mul3A_76 : vector<16xf32>
        %mul3A_78 = arith.constant 16 : i32
        %mul3A_79 = arith.muli %scan3A_62, %mul3A_78 : i32
        %add3A_80 = arith.constant 0 : i32
        %add3A_81 = arith.addi %mul3A_79, %add3A_80 : i32
        %swap3A_82 = arith.index_cast %add3A_81 : i32 to index
        %swap3A_83 = arith.constant 0 : index
        %swap3A_84 = tpu.vector_load %arg11[%swap3A_82, %swap3A_83] {strides = array<i32>} : memref<1000x16xf32, #tpu.memory_space<vmem>>, vector<1x16xf32>,
        %swap3A_85 = vector.shape_cast %swap3A_84 : vector<1x16xf32> to vector<16xf32>
        %swap3A_86 = vector.shape_cast %mul3A_77 : vector<16xf32> to vector<1x16xf32>
        tpu.vector_store %arg11[%swap3A_82, %swap3A_83], %swap3A_86 {strides = array<i32>} : memref<1000x16xf32, #tpu.memory_space<vmem>>, vector<1x16xf32>,
        %mul3A_87 = arith.constant 16 : i32
        %mul3A_88 = arith.muli %scan3A_62, %mul3A_87 : i32
        %add3A_89 = arith.constant 1 : i32
        %add3A_90 = arith.addi %mul3A_88, %add3A_89 : i32
        %get3A_91 = arith.index_cast %add3A_90 : i32 to index
        %get3A_92 = arith.constant 0 : index
        %get3A_93 = tpu.vector_load %arg11[%get3A_91, %get3A_92] {strides = array<i32>} : memref<1000x16xf32, #tpu.memory_space<vmem>>, vector<1x16xf32>,
        %get3A_94 = vector.shape_cast %get3A_93 : vector<1x16xf32> to vector<16xf32>
        %slice3A_95 = vector.extract_strided_slice %get3A_67 {offsets = [1], sizes = [1], strides = [1]} : vector<16xf32> to vector<1xf32>
        %squeeze3A_96 = vector.extract %slice3A_95[0] : f32 from vector<1xf32>
        %mul3A_97 = vector.broadcast %squeeze3A_96 : f32 to vector<16xf32>
        %mul3A_98 = arith.mulf %get3A_94, %mul3A_97 : vector<16xf32>
        %mul3A_99 = arith.constant 16 : i32
        %mul3A_100 = arith.muli %scan3A_62, %mul3A_99 : i32
        %add3A_101 = arith.constant 1 : i32
        %add3A_102 = arith.addi %mul3A_100, %add3A_101 : i32
        %swap3A_103 = arith.index_cast %add3A_102 : i32 to index
        %swap3A_104 = arith.constant 0 : index
        %swap3A_105 = tpu.vector_load %arg11[%swap3A_103, %swap3A_104] {strides = array<i32>} : memref<1000x16xf32, #tpu.memory_space<vmem>>, vector<1x16xf32>,
        %swap3A_106 = vector.shape_cast %swap3A_105 : vector<1x16xf32> to vector<16xf32>
        %swap3A_107 = vector.shape_cast %mul3A_98 : vector<16xf32> to vector<1x16xf32>
        tpu.vector_store %arg11[%swap3A_103, %swap3A_104], %swap3A_107 {strides = array<i32>} : memref<1000x16xf32, #tpu.memory_space<vmem>>, vector<1x16xf32>,
        %mul3A_108 = arith.constant 16 : i32
        %mul3A_109 = arith.muli %scan3A_62, %mul3A_108 : i32
        %add3A_110 = arith.constant 2 : i32
        %add3A_111 = arith.addi %mul3A_109, %add3A_110 : i32
        %get3A_112 = arith.index_cast %add3A_111 : i32 to index
        %get3A_113 = arith.constant 0 : index
        %get3A_114 = tpu.vector_load %arg11[%get3A_112, %get3A_113] {strides = array<i32>} : memref<1000x16xf32, #tpu.memory_space<vmem>>, vector<1x16xf32>,
        %get3A_115 = vector.shape_cast %get3A_114 : vector<1x16xf32> to vector<16xf32>
        %slice3A_116 = vector.extract_strided_slice %get3A_67 {offsets = [2], sizes = [1], strides = [1]} : vector<16xf32> to vector<1xf32>
        %squeeze3A_117 = vector.extract %slice3A_116[0] : f32 from vector<1xf32>
        %mul3A_118 = vector.broadcast %squeeze3A_117 : f32 to vector<16xf32>
        %mul3A_119 = arith.mulf %get3A_115, %mul3A_118 : vector<16xf32>
        %mul3A_120 = arith.constant 16 : i32
        %mul3A_121 = arith.muli %scan3A_62, %mul3A_120 : i32
        %add3A_122 = arith.constant 2 : i32
        %add3A_123 = arith.addi %mul3A_121, %add3A_122 : i32
        %swap3A_124 = arith.index_cast %add3A_123 : i32 to index
        %swap3A_125 = arith.constant 0 : index
        %swap3A_126 = tpu.vector_load %arg11[%swap3A_124, %swap3A_125] {strides = array<i32>} : memref<1000x16xf32, #tpu.memory_space<vmem>>, vector<1x16xf32>,
        %swap3A_127 = vector.shape_cast %swap3A_126 : vector<1x16xf32> to vector<16xf32>
        %swap3A_128 = vector.shape_cast %mul3A_119 : vector<16xf32> to vector<1x16xf32>
        tpu.vector_store %arg11[%swap3A_124, %swap3A_125], %swap3A_128 {strides = array<i32>} : memref<1000x16xf32, #tpu.memory_space<vmem>>, vector<1x16xf32>,
        %mul3A_129 = arith.constant 16 : i32
        %mul3A_130 = arith.muli %scan3A_62, %mul3A_129 : i32
        %add3A_131 = arith.constant 3 : i32
        %add3A_132 = arith.addi %mul3A_130, %add3A_131 : i32
        %get3A_133 = arith.index_cast %add3A_132 : i32 to index
        %get3A_134 = arith.constant 0 : index
        %get3A_135 = tpu.vector_load %arg11[%get3A_133, %get3A_134] {strides = array<i32>} : memref<1000x16xf32, #tpu.memory_space<vmem>>, vector<1x16xf32>,
        %get3A_136 = vector.shape_cast %get3A_135 : vector<1x16xf32> to vector<16xf32>
        %slice3A_137 = vector.extract_strided_slice %get3A_67 {offsets = [3], sizes = [1], strides = [1]} : vector<16xf32> to vector<1xf32>
        %squeeze3A_138 = vector.extract %slice3A_137[0] : f32 from vector<1xf32>
        %mul3A_139 = vector.broadcast %squeeze3A_138 : f32 to vector<16xf32>
        %mul3A_140 = arith.mulf %get3A_136, %mul3A_139 : vector<16xf32>
        %mul3A_141 = arith.constant 16 : i32
        %mul3A_142 = arith.muli %scan3A_62, %mul3A_141 : i32
        %add3A_143 = arith.constant 3 : i32
        %add3A_144 = arith.addi %mul3A_142, %add3A_143 : i32
        %swap3A_145 = arith.index_cast %add3A_144 : i32 to index
        %swap3A_146 = arith.constant 0 : index
        %swap3A_147 = tpu.vector_load %arg11[%swap3A_145, %swap3A_146] {strides = array<i32>} : memref<1000x16xf32, #tpu.memory_space<vmem>>, vector<1x16xf32>,
        %swap3A_148 = vector.shape_cast %swap3A_147 : vector<1x16xf32> to vector<16xf32>
        %swap3A_149 = vector.shape_cast %mul3A_140 : vector<16xf32> to vector<1x16xf32>
        tpu.vector_store %arg11[%swap3A_145, %swap3A_146], %swap3A_149 {strides = array<i32>} : memref<1000x16xf32, #tpu.memory_space<vmem>>, vector<1x16xf32>,
        %mul3A_150 = arith.constant 16 : i32
        %mul3A_151 = arith.muli %scan3A_62, %mul3A_150 : i32
        %add3A_152 = arith.constant 4 : i32
        %add3A_153 = arith.addi %mul3A_151, %add3A_152 : i32
        %get3A_154 = arith.index_cast %add3A_153 : i32 to index
        %get3A_155 = arith.constant 0 : index
        %get3A_156 = tpu.vector_load %arg11[%get3A_154, %get3A_155] {strides = array<i32>} : memref<1000x16xf32, #tpu.memory_space<vmem>>, vector<1x16xf32>,
        %get3A_157 = vector.shape_cast %get3A_156 : vector<1x16xf32> to vector<16xf32>
        %slice3A_158 = vector.extract_strided_slice %get3A_67 {offsets = [4], sizes = [1], strides = [1]} : vector<16xf32> to vector<1xf32>
        %squeeze3A_159 = vector.extract %slice3A_158[0] : f32 from vector<1xf32>
        %mul3A_160 = vector.broadcast %squeeze3A_159 : f32 to vector<16xf32>
        %mul3A_161 = arith.mulf %get3A_157, %mul3A_160 : vector<16xf32>
        %mul3A_162 = arith.constant 16 : i32
        %mul3A_163 = arith.muli %scan3A_62, %mul3A_162 : i32
        %add3A_164 = arith.constant 4 : i32
        %add3A_165 = arith.addi %mul3A_163, %add3A_164 : i32
        %swap3A_166 = arith.index_cast %add3A_165 : i32 to index
        %swap3A_167 = arith.constant 0 : index
        %swap3A_168 = tpu.vector_load %arg11[%swap3A_166, %swap3A_167] {strides = array<i32>} : memref<1000x16xf32, #tpu.memory_space<vmem>>, vector<1x16xf32>,
        %swap3A_169 = vector.shape_cast %swap3A_168 : vector<1x16xf32> to vector<16xf32>
        %swap3A_170 = vector.shape_cast %mul3A_161 : vector<16xf32> to vector<1x16xf32>
        tpu.vector_store %arg11[%swap3A_166, %swap3A_167], %swap3A_170 {strides = array<i32>} : memref<1000x16xf32, #tpu.memory_space<vmem>>, vector<1x16xf32>,
        %mul3A_171 = arith.constant 16 : i32
        %mul3A_172 = arith.muli %scan3A_62, %mul3A_171 : i32
        %add3A_173 = arith.constant 5 : i32
        %add3A_174 = arith.addi %mul3A_172, %add3A_173 : i32
        %get3A_175 = arith.index_cast %add3A_174 : i32 to index
        %get3A_176 = arith.constant 0 : index
        %get3A_177 = tpu.vector_load %arg11[%get3A_175, %get3A_176] {strides = array<i32>} : memref<1000x16xf32, #tpu.memory_space<vmem>>, vector<1x16xf32>,
        %get3A_178 = vector.shape_cast %get3A_177 : vector<1x16xf32> to vector<16xf32>
        %slice3A_179 = vector.extract_strided_slice %get3A_67 {offsets = [5], sizes = [1], strides = [1]} : vector<16xf32> to vector<1xf32>
        %squeeze3A_180 = vector.extract %slice3A_179[0] : f32 from vector<1xf32>
        %mul3A_181 = vector.broadcast %squeeze3A_180 : f32 to vector<16xf32>
        %mul3A_182 = arith.mulf %get3A_178, %mul3A_181 : vector<16xf32>
        %mul3A_183 = arith.constant 16 : i32
        %mul3A_184 = arith.muli %scan3A_62, %mul3A_183 : i32
        %add3A_185 = arith.constant 5 : i32
        %add3A_186 = arith.addi %mul3A_184, %add3A_185 : i32
        %swap3A_187 = arith.index_cast %add3A_186 : i32 to index
        %swap3A_188 = arith.constant 0 : index
        %swap3A_189 = tpu.vector_load %arg11[%swap3A_187, %swap3A_188] {strides = array<i32>} : memref<1000x16xf32, #tpu.memory_space<vmem>>, vector<1x16xf32>,
        %swap3A_190 = vector.shape_cast %swap3A_189 : vector<1x16xf32> to vector<16xf32>
        %swap3A_191 = vector.shape_cast %mul3A_182 : vector<16xf32> to vector<1x16xf32>
        tpu.vector_store %arg11[%swap3A_187, %swap3A_188], %swap3A_191 {strides = array<i32>} : memref<1000x16xf32, #tpu.memory_space<vmem>>, vector<1x16xf32>,
        %mul3A_192 = arith.constant 16 : i32
        %mul3A_193 = arith.muli %scan3A_62, %mul3A_192 : i32
        %add3A_194 = arith.constant 6 : i32
        %add3A_195 = arith.addi %mul3A_193, %add3A_194 : i32
        %get3A_196 = arith.index_cast %add3A_195 : i32 to index
        %get3A_197 = arith.constant 0 : index
        %get3A_198 = tpu.vector_load %arg11[%get3A_196, %get3A_197] {strides = array<i32>} : memref<1000x16xf32, #tpu.memory_space<vmem>>, vector<1x16xf32>,
        %get3A_199 = vector.shape_cast %get3A_198 : vector<1x16xf32> to vector<16xf32>
        %slice3A_200 = vector.extract_strided_slice %get3A_67 {offsets = [6], sizes = [1], strides = [1]} : vector<16xf32> to vector<1xf32>
        %squeeze3A_201 = vector.extract %slice3A_200[0] : f32 from vector<1xf32>
        %mul3A_202 = vector.broadcast %squeeze3A_201 : f32 to vector<16xf32>
        %mul3A_203 = arith.mulf %get3A_199, %mul3A_202 : vector<16xf32>
        %mul3A_204 = arith.constant 16 : i32
        %mul3A_205 = arith.muli %scan3A_62, %mul3A_204 : i32
        %add3A_206 = arith.constant 6 : i32
        %add3A_207 = arith.addi %mul3A_205, %add3A_206 : i32
        %swap3A_208 = arith.index_cast %add3A_207 : i32 to index
        %swap3A_209 = arith.constant 0 : index
        %swap3A_210 = tpu.vector_load %arg11[%swap3A_208, %swap3A_209] {strides = array<i32>} : memref<1000x16xf32, #tpu.memory_space<vmem>>, vector<1x16xf32>,
        %swap3A_211 = vector.shape_cast %swap3A_210 : vector<1x16xf32> to vector<16xf32>
        %swap3A_212 = vector.shape_cast %mul3A_203 : vector<16xf32> to vector<1x16xf32>
        tpu.vector_store %arg11[%swap3A_208, %swap3A_209], %swap3A_212 {strides = array<i32>} : memref<1000x16xf32, #tpu.memory_space<vmem>>, vector<1x16xf32>,
        %mul3A_213 = arith.constant 16 : i32
        %mul3A_214 = arith.muli %scan3A_62, %mul3A_213 : i32
        %add3A_215 = arith.constant 7 : i32
        %add3A_216 = arith.addi %mul3A_214, %add3A_215 : i32
        %get3A_217 = arith.index_cast %add3A_216 : i32 to index
        %get3A_218 = arith.constant 0 : index
        %get3A_219 = tpu.vector_load %arg11[%get3A_217, %get3A_218] {strides = array<i32>} : memref<1000x16xf32, #tpu.memory_space<vmem>>, vector<1x16xf32>,
        %get3A_220 = vector.shape_cast %get3A_219 : vector<1x16xf32> to vector<16xf32>
        %slice3A_221 = vector.extract_strided_slice %get3A_67 {offsets = [7], sizes = [1], strides = [1]} : vector<16xf32> to vector<1xf32>
        %squeeze3A_222 = vector.extract %slice3A_221[0] : f32 from vector<1xf32>
        %mul3A_223 = vector.broadcast %squeeze3A_222 : f32 to vector<16xf32>
        %mul3A_224 = arith.mulf %get3A_220, %mul3A_223 : vector<16xf32>
        %mul3A_225 = arith.constant 16 : i32
        %mul3A_226 = arith.muli %scan3A_62, %mul3A_225 : i32
        %add3A_227 = arith.constant 7 : i32
        %add3A_228 = arith.addi %mul3A_226, %add3A_227 : i32
        %swap3A_229 = arith.index_cast %add3A_228 : i32 to index
        %swap3A_230 = arith.constant 0 : index
        %swap3A_231 = tpu.vector_load %arg11[%swap3A_229, %swap3A_230] {strides = array<i32>} : memref<1000x16xf32, #tpu.memory_space<vmem>>, vector<1x16xf32>,
        %swap3A_232 = vector.shape_cast %swap3A_231 : vector<1x16xf32> to vector<16xf32>
        %swap3A_233 = vector.shape_cast %mul3A_224 : vector<16xf32> to vector<1x16xf32>
        tpu.vector_store %arg11[%swap3A_229, %swap3A_230], %swap3A_233 {strides = array<i32>} : memref<1000x16xf32, #tpu.memory_space<vmem>>, vector<1x16xf32>,
        %mul3A_234 = arith.constant 16 : i32
        %mul3A_235 = arith.muli %scan3A_62, %mul3A_234 : i32
        %add3A_236 = arith.constant 8 : i32
        %add3A_237 = arith.addi %mul3A_235, %add3A_236 : i32
        %get3A_238 = arith.index_cast %add3A_237 : i32 to index
        %get3A_239 = arith.constant 0 : index
        %get3A_240 = tpu.vector_load %arg11[%get3A_238, %get3A_239] {strides = array<i32>} : memref<1000x16xf32, #tpu.memory_space<vmem>>, vector<1x16xf32>,
        %get3A_241 = vector.shape_cast %get3A_240 : vector<1x16xf32> to vector<16xf32>
        %slice3A_242 = vector.extract_strided_slice %get3A_67 {offsets = [8], sizes = [1], strides = [1]} : vector<16xf32> to vector<1xf32>
        %squeeze3A_243 = vector.extract %slice3A_242[0] : f32 from vector<1xf32>
        %mul3A_244 = vector.broadcast %squeeze3A_243 : f32 to vector<16xf32>
        %mul3A_245 = arith.mulf %get3A_241, %mul3A_244 : vector<16xf32>
        %mul3A_246 = arith.constant 16 : i32
        %mul3A_247 = arith.muli %scan3A_62, %mul3A_246 : i32
        %add3A_248 = arith.constant 8 : i32
        %add3A_249 = arith.addi %mul3A_247, %add3A_248 : i32
        %swap3A_250 = arith.index_cast %add3A_249 : i32 to index
        %swap3A_251 = arith.constant 0 : index
        %swap3A_252 = tpu.vector_load %arg11[%swap3A_250, %swap3A_251] {strides = array<i32>} : memref<1000x16xf32, #tpu.memory_space<vmem>>, vector<1x16xf32>,
        %swap3A_253 = vector.shape_cast %swap3A_252 : vector<1x16xf32> to vector<16xf32>
        %swap3A_254 = vector.shape_cast %mul3A_245 : vector<16xf32> to vector<1x16xf32>
        tpu.vector_store %arg11[%swap3A_250, %swap3A_251], %swap3A_254 {strides = array<i32>} : memref<1000x16xf32, #tpu.memory_space<vmem>>, vector<1x16xf32>,
        %mul3A_255 = arith.constant 16 : i32
        %mul3A_256 = arith.muli %scan3A_62, %mul3A_255 : i32
        %add3A_257 = arith.constant 9 : i32
        %add3A_258 = arith.addi %mul3A_256, %add3A_257 : i32
        %get3A_259 = arith.index_cast %add3A_258 : i32 to index
        %get3A_260 = arith.constant 0 : index
        %get3A_261 = tpu.vector_load %arg11[%get3A_259, %get3A_260] {strides = array<i32>} : memref<1000x16xf32, #tpu.memory_space<vmem>>, vector<1x16xf32>,
        %get3A_262 = vector.shape_cast %get3A_261 : vector<1x16xf32> to vector<16xf32>
        %slice3A_263 = vector.extract_strided_slice %get3A_67 {offsets = [9], sizes = [1], strides = [1]} : vector<16xf32> to vector<1xf32>
        %squeeze3A_264 = vector.extract %slice3A_263[0] : f32 from vector<1xf32>
        %mul3A_265 = vector.broadcast %squeeze3A_264 : f32 to vector<16xf32>
        %mul3A_266 = arith.mulf %get3A_262, %mul3A_265 : vector<16xf32>
        %mul3A_267 = arith.constant 16 : i32
        %mul3A_268 = arith.muli %scan3A_62, %mul3A_267 : i32
        %add3A_269 = arith.constant 9 : i32
        %add3A_270 = arith.addi %mul3A_268, %add3A_269 : i32
        %swap3A_271 = arith.index_cast %add3A_270 : i32 to index
        %swap3A_272 = arith.constant 0 : index
        %swap3A_273 = tpu.vector_load %arg11[%swap3A_271, %swap3A_272] {strides = array<i32>} : memref<1000x16xf32, #tpu.memory_space<vmem>>, vector<1x16xf32>,
        %swap3A_274 = vector.shape_cast %swap3A_273 : vector<1x16xf32> to vector<16xf32>
        %swap3A_275 = vector.shape_cast %mul3A_266 : vector<16xf32> to vector<1x16xf32>
        tpu.vector_store %arg11[%swap3A_271, %swap3A_272], %swap3A_275 {strides = array<i32>} : memref<1000x16xf32, #tpu.memory_space<vmem>>, vector<1x16xf32>,
        %mul3A_276 = arith.constant 16 : i32
        %mul3A_277 = arith.muli %scan3A_62, %mul3A_276 : i32
        %add3A_278 = arith.constant 10 : i32
        %add3A_279 = arith.addi %mul3A_277, %add3A_278 : i32
        %get3A_280 = arith.index_cast %add3A_279 : i32 to index
        %get3A_281 = arith.constant 0 : index
        %get3A_282 = tpu.vector_load %arg11[%get3A_280, %get3A_281] {strides = array<i32>} : memref<1000x16xf32, #tpu.memory_space<vmem>>, vector<1x16xf32>,
        %get3A_283 = vector.shape_cast %get3A_282 : vector<1x16xf32> to vector<16xf32>
        %slice3A_284 = vector.extract_strided_slice %get3A_67 {offsets = [10], sizes = [1], strides = [1]} : vector<16xf32> to vector<1xf32>
        %squeeze3A_285 = vector.extract %slice3A_284[0] : f32 from vector<1xf32>
        %mul3A_286 = vector.broadcast %squeeze3A_285 : f32 to vector<16xf32>
        %mul3A_287 = arith.mulf %get3A_283, %mul3A_286 : vector<16xf32>
        %mul3A_288 = arith.constant 16 : i32
        %mul3A_289 = arith.muli %scan3A_62, %mul3A_288 : i32
        %add3A_290 = arith.constant 10 : i32
        %add3A_291 = arith.addi %mul3A_289, %add3A_290 : i32
        %swap3A_292 = arith.index_cast %add3A_291 : i32 to index
        %swap3A_293 = arith.constant 0 : index
        %swap3A_294 = tpu.vector_load %arg11[%swap3A_292, %swap3A_293] {strides = array<i32>} : memref<1000x16xf32, #tpu.memory_space<vmem>>, vector<1x16xf32>,
        %swap3A_295 = vector.shape_cast %swap3A_294 : vector<1x16xf32> to vector<16xf32>
        %swap3A_296 = vector.shape_cast %mul3A_287 : vector<16xf32> to vector<1x16xf32>
        tpu.vector_store %arg11[%swap3A_292, %swap3A_293], %swap3A_296 {strides = array<i32>} : memref<1000x16xf32, #tpu.memory_space<vmem>>, vector<1x16xf32>,
        %mul3A_297 = arith.constant 16 : i32
        %mul3A_298 = arith.muli %scan3A_62, %mul3A_297 : i32
        %add3A_299 = arith.constant 11 : i32
        %add3A_300 = arith.addi %mul3A_298, %add3A_299 : i32
        %get3A_301 = arith.index_cast %add3A_300 : i32 to index
        %get3A_302 = arith.constant 0 : index
        %get3A_303 = tpu.vector_load %arg11[%get3A_301, %get3A_302] {strides = array<i32>} : memref<1000x16xf32, #tpu.memory_space<vmem>>, vector<1x16xf32>,
        %get3A_304 = vector.shape_cast %get3A_303 : vector<1x16xf32> to vector<16xf32>
        %slice3A_305 = vector.extract_strided_slice %get3A_67 {offsets = [11], sizes = [1], strides = [1]} : vector<16xf32> to vector<1xf32>
        %squeeze3A_306 = vector.extract %slice3A_305[0] : f32 from vector<1xf32>
        %mul3A_307 = vector.broadcast %squeeze3A_306 : f32 to vector<16xf32>
        %mul3A_308 = arith.mulf %get3A_304, %mul3A_307 : vector<16xf32>
        %mul3A_309 = arith.constant 16 : i32
        %mul3A_310 = arith.muli %scan3A_62, %mul3A_309 : i32
        %add3A_311 = arith.constant 11 : i32
        %add3A_312 = arith.addi %mul3A_310, %add3A_311 : i32
        %swap3A_313 = arith.index_cast %add3A_312 : i32 to index
        %swap3A_314 = arith.constant 0 : index
        %swap3A_315 = tpu.vector_load %arg11[%swap3A_313, %swap3A_314] {strides = array<i32>} : memref<1000x16xf32, #tpu.memory_space<vmem>>, vector<1x16xf32>,
        %swap3A_316 = vector.shape_cast %swap3A_315 : vector<1x16xf32> to vector<16xf32>
        %swap3A_317 = vector.shape_cast %mul3A_308 : vector<16xf32> to vector<1x16xf32>
        tpu.vector_store %arg11[%swap3A_313, %swap3A_314], %swap3A_317 {strides = array<i32>} : memref<1000x16xf32, #tpu.memory_space<vmem>>, vector<1x16xf32>,
        %mul3A_318 = arith.constant 16 : i32
        %mul3A_319 = arith.muli %scan3A_62, %mul3A_318 : i32
        %add3A_320 = arith.constant 12 : i32
        %add3A_321 = arith.addi %mul3A_319, %add3A_320 : i32
        %get3A_322 = arith.index_cast %add3A_321 : i32 to index
        %get3A_323 = arith.constant 0 : index
        %get3A_324 = tpu.vector_load %arg11[%get3A_322, %get3A_323] {strides = array<i32>} : memref<1000x16xf32, #tpu.memory_space<vmem>>, vector<1x16xf32>,
        %get3A_325 = vector.shape_cast %get3A_324 : vector<1x16xf32> to vector<16xf32>
        %slice3A_326 = vector.extract_strided_slice %get3A_67 {offsets = [12], sizes = [1], strides = [1]} : vector<16xf32> to vector<1xf32>
        %squeeze3A_327 = vector.extract %slice3A_326[0] : f32 from vector<1xf32>
        %mul3A_328 = vector.broadcast %squeeze3A_327 : f32 to vector<16xf32>
        %mul3A_329 = arith.mulf %get3A_325, %mul3A_328 : vector<16xf32>
        %mul3A_330 = arith.constant 16 : i32
        %mul3A_331 = arith.muli %scan3A_62, %mul3A_330 : i32
        %add3A_332 = arith.constant 12 : i32
        %add3A_333 = arith.addi %mul3A_331, %add3A_332 : i32
        %swap3A_334 = arith.index_cast %add3A_333 : i32 to index
        %swap3A_335 = arith.constant 0 : index
        %swap3A_336 = tpu.vector_load %arg11[%swap3A_334, %swap3A_335] {strides = array<i32>} : memref<1000x16xf32, #tpu.memory_space<vmem>>, vector<1x16xf32>,
        %swap3A_337 = vector.shape_cast %swap3A_336 : vector<1x16xf32> to vector<16xf32>
        %swap3A_338 = vector.shape_cast %mul3A_329 : vector<16xf32> to vector<1x16xf32>
        tpu.vector_store %arg11[%swap3A_334, %swap3A_335], %swap3A_338 {strides = array<i32>} : memref<1000x16xf32, #tpu.memory_space<vmem>>, vector<1x16xf32>,
        %mul3A_339 = arith.constant 16 : i32
        %mul3A_340 = arith.muli %scan3A_62, %mul3A_339 : i32
        %add3A_341 = arith.constant 13 : i32
        %add3A_342 = arith.addi %mul3A_340, %add3A_341 : i32
        %get3A_343 = arith.index_cast %add3A_342 : i32 to index
        %get3A_344 = arith.constant 0 : index
        %get3A_345 = tpu.vector_load %arg11[%get3A_343, %get3A_344] {strides = array<i32>} : memref<1000x16xf32, #tpu.memory_space<vmem>>, vector<1x16xf32>,
        %get3A_346 = vector.shape_cast %get3A_345 : vector<1x16xf32> to vector<16xf32>
        %slice3A_347 = vector.extract_strided_slice %get3A_67 {offsets = [13], sizes = [1], strides = [1]} : vector<16xf32> to vector<1xf32>
        %squeeze3A_348 = vector.extract %slice3A_347[0] : f32 from vector<1xf32>
        %mul3A_349 = vector.broadcast %squeeze3A_348 : f32 to vector<16xf32>
        %mul3A_350 = arith.mulf %get3A_346, %mul3A_349 : vector<16xf32>
        %mul3A_351 = arith.constant 16 : i32
        %mul3A_352 = arith.muli %scan3A_62, %mul3A_351 : i32
        %add3A_353 = arith.constant 13 : i32
        %add3A_354 = arith.addi %mul3A_352, %add3A_353 : i32
        %swap3A_355 = arith.index_cast %add3A_354 : i32 to index
        %swap3A_356 = arith.constant 0 : index
        %swap3A_357 = tpu.vector_load %arg11[%swap3A_355, %swap3A_356] {strides = array<i32>} : memref<1000x16xf32, #tpu.memory_space<vmem>>, vector<1x16xf32>,
        %swap3A_358 = vector.shape_cast %swap3A_357 : vector<1x16xf32> to vector<16xf32>
        %swap3A_359 = vector.shape_cast %mul3A_350 : vector<16xf32> to vector<1x16xf32>
        tpu.vector_store %arg11[%swap3A_355, %swap3A_356], %swap3A_359 {strides = array<i32>} : memref<1000x16xf32, #tpu.memory_space<vmem>>, vector<1x16xf32>,
        %mul3A_360 = arith.constant 16 : i32
        %mul3A_361 = arith.muli %scan3A_62, %mul3A_360 : i32
        %add3A_362 = arith.constant 14 : i32
        %add3A_363 = arith.addi %mul3A_361, %add3A_362 : i32
        %get3A_364 = arith.index_cast %add3A_363 : i32 to index
        %get3A_365 = arith.constant 0 : index
        %get3A_366 = tpu.vector_load %arg11[%get3A_364, %get3A_365] {strides = array<i32>} : memref<1000x16xf32, #tpu.memory_space<vmem>>, vector<1x16xf32>,
        %get3A_367 = vector.shape_cast %get3A_366 : vector<1x16xf32> to vector<16xf32>
        %slice3A_368 = vector.extract_strided_slice %get3A_67 {offsets = [14], sizes = [1], strides = [1]} : vector<16xf32> to vector<1xf32>
        %squeeze3A_369 = vector.extract %slice3A_368[0] : f32 from vector<1xf32>
        %mul3A_370 = vector.broadcast %squeeze3A_369 : f32 to vector<16xf32>
        %mul3A_371 = arith.mulf %get3A_367, %mul3A_370 : vector<16xf32>
        %mul3A_372 = arith.constant 16 : i32
        %mul3A_373 = arith.muli %scan3A_62, %mul3A_372 : i32
        %add3A_374 = arith.constant 14 : i32
        %add3A_375 = arith.addi %mul3A_373, %add3A_374 : i32
        %swap3A_376 = arith.index_cast %add3A_375 : i32 to index
        %swap3A_377 = arith.constant 0 : index
        %swap3A_378 = tpu.vector_load %arg11[%swap3A_376, %swap3A_377] {strides = array<i32>} : memref<1000x16xf32, #tpu.memory_space<vmem>>, vector<1x16xf32>,
        %swap3A_379 = vector.shape_cast %swap3A_378 : vector<1x16xf32> to vector<16xf32>
        %swap3A_380 = vector.shape_cast %mul3A_371 : vector<16xf32> to vector<1x16xf32>
        tpu.vector_store %arg11[%swap3A_376, %swap3A_377], %swap3A_380 {strides = array<i32>} : memref<1000x16xf32, #tpu.memory_space<vmem>>, vector<1x16xf32>,
        %mul3A_381 = arith.constant 16 : i32
        %mul3A_382 = arith.muli %scan3A_62, %mul3A_381 : i32
        %add3A_383 = arith.constant 15 : i32
        %add3A_384 = arith.addi %mul3A_382, %add3A_383 : i32
        %get3A_385 = arith.index_cast %add3A_384 : i32 to index
        %get3A_386 = arith.constant 0 : index
        %get3A_387 = tpu.vector_load %arg11[%get3A_385, %get3A_386] {strides = array<i32>} : memref<1000x16xf32, #tpu.memory_space<vmem>>, vector<1x16xf32>,
        %get3A_388 = vector.shape_cast %get3A_387 : vector<1x16xf32> to vector<16xf32>
        %slice3A_389 = vector.extract_strided_slice %get3A_67 {offsets = [15], sizes = [1], strides = [1]} : vector<16xf32> to vector<1xf32>
        %squeeze3A_390 = vector.extract %slice3A_389[0] : f32 from vector<1xf32>
        %mul3A_391 = vector.broadcast %squeeze3A_390 : f32 to vector<16xf32>
        %mul3A_392 = arith.mulf %get3A_388, %mul3A_391 : vector<16xf32>
        %mul3A_393 = arith.constant 16 : i32
        %mul3A_394 = arith.muli %scan3A_62, %mul3A_393 : i32
        %add3A_395 = arith.constant 15 : i32
        %add3A_396 = arith.addi %mul3A_394, %add3A_395 : i32
        %swap3A_397 = arith.index_cast %add3A_396 : i32 to index
        %swap3A_398 = arith.constant 0 : index
        %swap3A_399 = tpu.vector_load %arg11[%swap3A_397, %swap3A_398] {strides = array<i32>} : memref<1000x16xf32, #tpu.memory_space<vmem>>, vector<1x16xf32>,
        %swap3A_400 = vector.shape_cast %swap3A_399 : vector<1x16xf32> to vector<16xf32>
        %swap3A_401 = vector.shape_cast %mul3A_392 : vector<16xf32> to vector<1x16xf32>
        tpu.vector_store %arg11[%swap3A_397, %swap3A_398], %swap3A_401 {strides = array<i32>} : memref<1000x16xf32, #tpu.memory_space<vmem>>, vector<1x16xf32>,
        %scan3A_402 = arith.constant 0 : i32
        scf.yield %scan3A_402 : i32
      }
      %scan3A_60 = arith.constant 50 : i32
      "tpu.region"() ({
        %run_scoped3A = tpu.sem_alloc : memref<!tpu.dma_semaphore, #tpu.memory_space<semaphore_mem>>
        %dma_start3A = arith.constant 0 : i32
        %dma_start3A_62 = arith.constant 0 : i32
        %dma_start3A_63 = tpu.memref_slice %arg11[%dma_start3A, %dma_start3A_62] : memref<1000x16xf32, #tpu.memory_space<vmem>> -> memref<800x16xf32, #tpu.memory_space<vmem>>
        %dma_start3A_64 = arith.constant 0 : i32
        %dma_start3A_65 = tpu.memref_slice %arg8[%arg0, %multiple_of3A_46, %dma_start3A_64] : memref<2x100000x16xf32, #tpu.memory_space<hbm>> -> memref<1x800x16xf32, #tpu.memory_space<hbm>>
        %dma_start3A_66 = tpu.memref_squeeze %dma_start3A_65 : memref<1x800x16xf32, #tpu.memory_space<hbm>> -> memref<800x16xf32, #tpu.memory_space<hbm>>
        %dma_start3A_67 = arith.constant 0 : i32
        %dma_start3A_68 = tpu.memref_slice %arg8[%arg0, %multiple_of3A_46, %dma_start3A_67] : memref<2x100000x16xf32, #tpu.memory_space<hbm>> -> memref<1x800x16xf32, #tpu.memory_space<hbm>>
        %dma_start3A_69 = tpu.memref_squeeze %dma_start3A_68 : memref<1x800x16xf32, #tpu.memory_space<hbm>> -> memref<800x16xf32, #tpu.memory_space<hbm>>
        %dma_start3A_70 = arith.constant 0 : i32
        %dma_start3A_71 = arith.constant 0 : i32
        %dma_start3A_72 = tpu.memref_slice %arg11[%dma_start3A_70, %dma_start3A_71] : memref<1000x16xf32, #tpu.memory_space<vmem>> -> memref<800x16xf32, #tpu.memory_space<vmem>>
        tpu.enqueue_dma source(%dma_start3A_72 : memref<800x16xf32, #tpu.memory_space<vmem>>) target(%dma_start3A_69 : memref<800x16xf32, #tpu.memory_space<hbm>>) target_semaphore(%run_scoped3A : memref<!tpu.dma_semaphore, #tpu.memory_space<semaphore_mem>>)
        %dma_wait3A = arith.constant 0 : i32
        %dma_wait3A_73 = arith.constant 0 : i32
        %dma_wait3A_74 = tpu.memref_slice %arg11[%dma_wait3A, %dma_wait3A_73] : memref<1000x16xf32, #tpu.memory_space<vmem>> -> memref<800x16xf32, #tpu.memory_space<vmem>>
        %dma_wait3A_75 = arith.constant 0 : i32
        %dma_wait3A_76 = tpu.memref_slice %arg8[%arg0, %multiple_of3A_46, %dma_wait3A_75] : memref<2x100000x16xf32, #tpu.memory_space<hbm>> -> memref<1x800x16xf32, #tpu.memory_space<hbm>>
        %dma_wait3A_77 = tpu.memref_squeeze %dma_wait3A_76 : memref<1x800x16xf32, #tpu.memory_space<hbm>> -> memref<800x16xf32, #tpu.memory_space<hbm>>
        %dma_wait3A_78 = arith.constant 0 : i32
        %dma_wait3A_79 = tpu.memref_slice %arg8[%arg0, %multiple_of3A_46, %dma_wait3A_78] : memref<2x100000x16xf32, #tpu.memory_space<hbm>> -> memref<1x800x16xf32, #tpu.memory_space<hbm>>
        %dma_wait3A_80 = tpu.memref_squeeze %dma_wait3A_79 : memref<1x800x16xf32, #tpu.memory_space<hbm>> -> memref<800x16xf32, #tpu.memory_space<hbm>>
        %dma_wait3A_81 = arith.constant 0 : i32
        %dma_wait3A_82 = arith.constant 0 : i32
        %dma_wait3A_83 = tpu.memref_slice %arg11[%dma_wait3A_81, %dma_wait3A_82] : memref<1000x16xf32, #tpu.memory_space<vmem>> -> memref<800x16xf32, #tpu.memory_space<vmem>>
        tpu.wait_dma2 semaphore(%run_scoped3A : memref<!tpu.dma_semaphore, #tpu.memory_space<semaphore_mem>>) src(%dma_wait3A_83 : memref<800x16xf32, #tpu.memory_space<vmem>>) dst(%dma_wait3A_80 : memref<800x16xf32, #tpu.memory_space<hbm>>)
        tpu.yield
      }) : () -> ()
      %scan3A_61 = arith.constant 0 : i32
      scf.yield %scan3A_61 : i32
    }
    %scan3A_32 = arith.constant 7 : i32
    %lt3A = arith.constant 15 : i32
    %lt3A_33 = arith.cmpi slt, %arg1, %lt3A : i32
    %convert_element_type3A_34 = arith.extui %lt3A_33 : i1 to i32
    %cond3A_35 = arith.constant 0 : i32
    %cond3A_36 = arith.cmpi ne, %convert_element_type3A_34, %cond3A_35 : i32
    scf.if %cond3A_36 {
      %add3A = arith.constant 5600 : i32
      %add3A_42 = arith.addi %multiple_of3A, %add3A : i32
      %multiple_of3A_43 = tpu.assume_multiple %add3A_42, 8 : i32
      "tpu.region"() ({
        %run_scoped3A = tpu.sem_alloc : memref<!tpu.dma_semaphore, #tpu.memory_space<semaphore_mem>>
        %dma_start3A = arith.constant 0 : i32
        %dma_start3A_58 = arith.constant 0 : i32
        %dma_start3A_59 = tpu.memref_slice %arg11[%dma_start3A, %dma_start3A_58] : memref<1000x16xf32, #tpu.memory_space<vmem>> -> memref<656x16xf32, #tpu.memory_space<vmem>>
        %dma_start3A_60 = arith.constant 0 : i32
        %dma_start3A_61 = tpu.memref_slice %arg14[%multiple_of3A_43, %dma_start3A_60] : memref<100000x16xf32, #tpu.memory_space<vmem_shared>> -> memref<656x16xf32, #tpu.memory_space<vmem_shared>>
        %dma_start3A_62 = arith.constant 0 : i32
        %dma_start3A_63 = arith.constant 0 : i32
        %dma_start3A_64 = tpu.memref_slice %arg11[%dma_start3A_62, %dma_start3A_63] : memref<1000x16xf32, #tpu.memory_space<vmem>> -> memref<656x16xf32, #tpu.memory_space<vmem>>
        %dma_start3A_65 = arith.constant 0 : i32
        %dma_start3A_66 = tpu.memref_slice %arg14[%multiple_of3A_43, %dma_start3A_65] : memref<100000x16xf32, #tpu.memory_space<vmem_shared>> -> memref<656x16xf32, #tpu.memory_space<vmem_shared>>
        tpu.enqueue_dma source(%dma_start3A_66 : memref<656x16xf32, #tpu.memory_space<vmem_shared>>) target(%dma_start3A_64 : memref<656x16xf32, #tpu.memory_space<vmem>>) target_semaphore(%run_scoped3A : memref<!tpu.dma_semaphore, #tpu.memory_space<semaphore_mem>>)
        %dma_wait3A = arith.constant 0 : i32
        %dma_wait3A_67 = arith.constant 0 : i32
        %dma_wait3A_68 = tpu.memref_slice %arg11[%dma_wait3A, %dma_wait3A_67] : memref<1000x16xf32, #tpu.memory_space<vmem>> -> memref<656x16xf32, #tpu.memory_space<vmem>>
        %dma_wait3A_69 = arith.constant 0 : i32
        %dma_wait3A_70 = tpu.memref_slice %arg14[%multiple_of3A_43, %dma_wait3A_69] : memref<100000x16xf32, #tpu.memory_space<vmem_shared>> -> memref<656x16xf32, #tpu.memory_space<vmem_shared>>
        %dma_wait3A_71 = arith.constant 0 : i32
        %dma_wait3A_72 = arith.constant 0 : i32
        %dma_wait3A_73 = tpu.memref_slice %arg11[%dma_wait3A_71, %dma_wait3A_72] : memref<1000x16xf32, #tpu.memory_space<vmem>> -> memref<656x16xf32, #tpu.memory_space<vmem>>
        %dma_wait3A_74 = arith.constant 0 : i32
        %dma_wait3A_75 = tpu.memref_slice %arg14[%multiple_of3A_43, %dma_wait3A_74] : memref<100000x16xf32, #tpu.memory_space<vmem_shared>> -> memref<656x16xf32, #tpu.memory_space<vmem_shared>>
        tpu.wait_dma2 semaphore(%run_scoped3A : memref<!tpu.dma_semaphore, #tpu.memory_space<semaphore_mem>>) src(%dma_wait3A_75 : memref<656x16xf32, #tpu.memory_space<vmem_shared>>) dst(%dma_wait3A_73 : memref<656x16xf32, #tpu.memory_space<vmem>>)
        tpu.yield
      }) : () -> ()
      "tpu.region"() ({
        %run_scoped3A = tpu.sem_alloc : memref<!tpu.dma_semaphore, #tpu.memory_space<semaphore_mem>>
        %dma_start3A = arith.constant 0 : i32
        %dma_start3A_58 = tpu.memref_slice %arg13[%dma_start3A] : memref<1000xf32, #tpu.memory_space<vmem>> -> memref<656xf32, #tpu.memory_space<vmem>>
        %dma_start3A_59 = tpu.memref_slice %arg15[%multiple_of3A_43] : memref<100000xf32, #tpu.memory_space<vmem_shared>> -> memref<656xf32, #tpu.memory_space<vmem_shared>>
        %dma_start3A_60 = arith.constant 0 : i32
        %dma_start3A_61 = tpu.memref_slice %arg13[%dma_start3A_60] : memref<1000xf32, #tpu.memory_space<vmem>> -> memref<656xf32, #tpu.memory_space<vmem>>
        %dma_start3A_62 = tpu.memref_slice %arg15[%multiple_of3A_43] : memref<100000xf32, #tpu.memory_space<vmem_shared>> -> memref<656xf32, #tpu.memory_space<vmem_shared>>
        tpu.enqueue_dma source(%dma_start3A_62 : memref<656xf32, #tpu.memory_space<vmem_shared>>) target(%dma_start3A_61 : memref<656xf32, #tpu.memory_space<vmem>>) target_semaphore(%run_scoped3A : memref<!tpu.dma_semaphore, #tpu.memory_space<semaphore_mem>>)
        %dma_wait3A = arith.constant 0 : i32
        %dma_wait3A_63 = tpu.memref_slice %arg13[%dma_wait3A] : memref<1000xf32, #tpu.memory_space<vmem>> -> memref<656xf32, #tpu.memory_space<vmem>>
        %dma_wait3A_64 = tpu.memref_slice %arg15[%multiple_of3A_43] : memref<100000xf32, #tpu.memory_space<vmem_shared>> -> memref<656xf32, #tpu.memory_space<vmem_shared>>
        %dma_wait3A_65 = arith.constant 0 : i32
        %dma_wait3A_66 = tpu.memref_slice %arg13[%dma_wait3A_65] : memref<1000xf32, #tpu.memory_space<vmem>> -> memref<656xf32, #tpu.memory_space<vmem>>
        %dma_wait3A_67 = tpu.memref_slice %arg15[%multiple_of3A_43] : memref<100000xf32, #tpu.memory_space<vmem_shared>> -> memref<656xf32, #tpu.memory_space<vmem_shared>>
        tpu.wait_dma2 semaphore(%run_scoped3A : memref<!tpu.dma_semaphore, #tpu.memory_space<semaphore_mem>>) src(%dma_wait3A_67 : memref<656xf32, #tpu.memory_space<vmem_shared>>) dst(%dma_wait3A_66 : memref<656xf32, #tpu.memory_space<vmem>>)
        tpu.yield
      }) : () -> ()
      %scan3A_44 = arith.constant 0 : i32
      %scan3A_45 = arith.constant 0 : i32
      %scan3A_46 = arith.constant 41 : i32
      %scan3A_47 = arith.addi %scan3A_45, %scan3A_46 : i32
      %scan3A_48 = arith.constant 1 : i32
      %scan3A_49 = scf.for %scan3A_58 = %scan3A_45 to %scan3A_47 step %scan3A_48 iter_args(%scan3A_59 = %scan3A_44) -> (i32)  : i32 {
        %mul3A_60 = arith.constant 16 : i32
        %mul3A_61 = arith.muli %scan3A_58, %mul3A_60 : i32
        %get3A = arith.index_cast %mul3A_61 : i32 to index
        %get3A_62 = tpu.vector_load %arg13[%get3A] {strides = array<i32>} : memref<1000xf32, #tpu.memory_space<vmem>>, vector<16xf32>,
        %get3A_63 = vector.shape_cast %get3A_62 : vector<16xf32> to vector<16xf32>
        %max3A = arith.constant 1.000000e+00 : f32
        %max3A_64 = vector.broadcast %max3A : f32 to vector<16xf32>
        %max3A_65 = arith.maximumf %get3A_63, %max3A_64 : vector<16xf32>
        %div3A = arith.constant 1.000000e+00 : f32
        %div3A_66 = vector.broadcast %div3A : f32 to vector<16xf32>
        %div3A_67 = arith.divf %div3A_66, %max3A_65 : vector<16xf32>
        %mul3A_68 = arith.constant 16 : i32
        %mul3A_69 = arith.muli %scan3A_58, %mul3A_68 : i32
        %swap3A_70 = arith.index_cast %mul3A_69 : i32 to index
        %swap3A_71 = tpu.vector_load %arg12[%swap3A_70] {strides = array<i32>} : memref<1000xf32, #tpu.memory_space<vmem>>, vector<16xf32>,
        %swap3A_72 = vector.shape_cast %swap3A_71 : vector<16xf32> to vector<16xf32>
        %swap3A_73 = vector.shape_cast %div3A_67 : vector<16xf32> to vector<16xf32>
        tpu.vector_store %arg12[%swap3A_70], %swap3A_73 {strides = array<i32>} : memref<1000xf32, #tpu.memory_space<vmem>>, vector<16xf32>,
        %scan3A_74 = arith.constant 0 : i32
        scf.yield %scan3A_74 : i32
      }
      %scan3A_50 = arith.constant 41 : i32
      %scan3A_51 = arith.constant 0 : i32
      %scan3A_52 = arith.constant 0 : i32
      %scan3A_53 = arith.constant 41 : i32
      %scan3A_54 = arith.addi %scan3A_52, %scan3A_53 : i32
      %scan3A_55 = arith.constant 1 : i32
      %scan3A_56 = scf.for %scan3A_58 = %scan3A_52 to %scan3A_54 step %scan3A_55 iter_args(%scan3A_59 = %scan3A_51) -> (i32)  : i32 {
        %mul3A_60 = arith.constant 16 : i32
        %mul3A_61 = arith.muli %scan3A_58, %mul3A_60 : i32
        %get3A = arith.index_cast %mul3A_61 : i32 to index
        %get3A_62 = tpu.vector_load %arg12[%get3A] {strides = array<i32>} : memref<1000xf32, #tpu.memory_space<vmem>>, vector<16xf32>,
        %get3A_63 = vector.shape_cast %get3A_62 : vector<16xf32> to vector<16xf32>
        %mul3A_64 = arith.constant 16 : i32
        %mul3A_65 = arith.muli %scan3A_58, %mul3A_64 : i32
        %add3A_66 = arith.constant 0 : i32
        %add3A_67 = arith.addi %mul3A_65, %add3A_66 : i32
        %get3A_68 = arith.index_cast %add3A_67 : i32 to index
        %get3A_69 = arith.constant 0 : index
        %get3A_70 = tpu.vector_load %arg11[%get3A_68, %get3A_69] {strides = array<i32>} : memref<1000x16xf32, #tpu.memory_space<vmem>>, vector<1x16xf32>,
        %get3A_71 = vector.shape_cast %get3A_70 : vector<1x16xf32> to vector<16xf32>
        %slice3A = vector.extract_strided_slice %get3A_63 {offsets = [0], sizes = [1], strides = [1]} : vector<16xf32> to vector<1xf32>
        %squeeze3A = vector.extract %slice3A[0] : f32 from vector<1xf32>
        %mul3A_72 = vector.broadcast %squeeze3A : f32 to vector<16xf32>
        %mul3A_73 = arith.mulf %get3A_71, %mul3A_72 : vector<16xf32>
        %mul3A_74 = arith.constant 16 : i32
        %mul3A_75 = arith.muli %scan3A_58, %mul3A_74 : i32
        %add3A_76 = arith.constant 0 : i32
        %add3A_77 = arith.addi %mul3A_75, %add3A_76 : i32
        %swap3A_78 = arith.index_cast %add3A_77 : i32 to index
        %swap3A_79 = arith.constant 0 : index
        %swap3A_80 = tpu.vector_load %arg11[%swap3A_78, %swap3A_79] {strides = array<i32>} : memref<1000x16xf32, #tpu.memory_space<vmem>>, vector<1x16xf32>,
        %swap3A_81 = vector.shape_cast %swap3A_80 : vector<1x16xf32> to vector<16xf32>
        %swap3A_82 = vector.shape_cast %mul3A_73 : vector<16xf32> to vector<1x16xf32>
        tpu.vector_store %arg11[%swap3A_78, %swap3A_79], %swap3A_82 {strides = array<i32>} : memref<1000x16xf32, #tpu.memory_space<vmem>>, vector<1x16xf32>,
        %mul3A_83 = arith.constant 16 : i32
        %mul3A_84 = arith.muli %scan3A_58, %mul3A_83 : i32
        %add3A_85 = arith.constant 1 : i32
        %add3A_86 = arith.addi %mul3A_84, %add3A_85 : i32
        %get3A_87 = arith.index_cast %add3A_86 : i32 to index
        %get3A_88 = arith.constant 0 : index
        %get3A_89 = tpu.vector_load %arg11[%get3A_87, %get3A_88] {strides = array<i32>} : memref<1000x16xf32, #tpu.memory_space<vmem>>, vector<1x16xf32>,
        %get3A_90 = vector.shape_cast %get3A_89 : vector<1x16xf32> to vector<16xf32>
        %slice3A_91 = vector.extract_strided_slice %get3A_63 {offsets = [1], sizes = [1], strides = [1]} : vector<16xf32> to vector<1xf32>
        %squeeze3A_92 = vector.extract %slice3A_91[0] : f32 from vector<1xf32>
        %mul3A_93 = vector.broadcast %squeeze3A_92 : f32 to vector<16xf32>
        %mul3A_94 = arith.mulf %get3A_90, %mul3A_93 : vector<16xf32>
        %mul3A_95 = arith.constant 16 : i32
        %mul3A_96 = arith.muli %scan3A_58, %mul3A_95 : i32
        %add3A_97 = arith.constant 1 : i32
        %add3A_98 = arith.addi %mul3A_96, %add3A_97 : i32
        %swap3A_99 = arith.index_cast %add3A_98 : i32 to index
        %swap3A_100 = arith.constant 0 : index
        %swap3A_101 = tpu.vector_load %arg11[%swap3A_99, %swap3A_100] {strides = array<i32>} : memref<1000x16xf32, #tpu.memory_space<vmem>>, vector<1x16xf32>,
        %swap3A_102 = vector.shape_cast %swap3A_101 : vector<1x16xf32> to vector<16xf32>
        %swap3A_103 = vector.shape_cast %mul3A_94 : vector<16xf32> to vector<1x16xf32>
        tpu.vector_store %arg11[%swap3A_99, %swap3A_100], %swap3A_103 {strides = array<i32>} : memref<1000x16xf32, #tpu.memory_space<vmem>>, vector<1x16xf32>,
        %mul3A_104 = arith.constant 16 : i32
        %mul3A_105 = arith.muli %scan3A_58, %mul3A_104 : i32
        %add3A_106 = arith.constant 2 : i32
        %add3A_107 = arith.addi %mul3A_105, %add3A_106 : i32
        %get3A_108 = arith.index_cast %add3A_107 : i32 to index
        %get3A_109 = arith.constant 0 : index
        %get3A_110 = tpu.vector_load %arg11[%get3A_108, %get3A_109] {strides = array<i32>} : memref<1000x16xf32, #tpu.memory_space<vmem>>, vector<1x16xf32>,
        %get3A_111 = vector.shape_cast %get3A_110 : vector<1x16xf32> to vector<16xf32>
        %slice3A_112 = vector.extract_strided_slice %get3A_63 {offsets = [2], sizes = [1], strides = [1]} : vector<16xf32> to vector<1xf32>
        %squeeze3A_113 = vector.extract %slice3A_112[0] : f32 from vector<1xf32>
        %mul3A_114 = vector.broadcast %squeeze3A_113 : f32 to vector<16xf32>
        %mul3A_115 = arith.mulf %get3A_111, %mul3A_114 : vector<16xf32>
        %mul3A_116 = arith.constant 16 : i32
        %mul3A_117 = arith.muli %scan3A_58, %mul3A_116 : i32
        %add3A_118 = arith.constant 2 : i32
        %add3A_119 = arith.addi %mul3A_117, %add3A_118 : i32
        %swap3A_120 = arith.index_cast %add3A_119 : i32 to index
        %swap3A_121 = arith.constant 0 : index
        %swap3A_122 = tpu.vector_load %arg11[%swap3A_120, %swap3A_121] {strides = array<i32>} : memref<1000x16xf32, #tpu.memory_space<vmem>>, vector<1x16xf32>,
        %swap3A_123 = vector.shape_cast %swap3A_122 : vector<1x16xf32> to vector<16xf32>
        %swap3A_124 = vector.shape_cast %mul3A_115 : vector<16xf32> to vector<1x16xf32>
        tpu.vector_store %arg11[%swap3A_120, %swap3A_121], %swap3A_124 {strides = array<i32>} : memref<1000x16xf32, #tpu.memory_space<vmem>>, vector<1x16xf32>,
        %mul3A_125 = arith.constant 16 : i32
        %mul3A_126 = arith.muli %scan3A_58, %mul3A_125 : i32
        %add3A_127 = arith.constant 3 : i32
        %add3A_128 = arith.addi %mul3A_126, %add3A_127 : i32
        %get3A_129 = arith.index_cast %add3A_128 : i32 to index
        %get3A_130 = arith.constant 0 : index
        %get3A_131 = tpu.vector_load %arg11[%get3A_129, %get3A_130] {strides = array<i32>} : memref<1000x16xf32, #tpu.memory_space<vmem>>, vector<1x16xf32>,
        %get3A_132 = vector.shape_cast %get3A_131 : vector<1x16xf32> to vector<16xf32>
        %slice3A_133 = vector.extract_strided_slice %get3A_63 {offsets = [3], sizes = [1], strides = [1]} : vector<16xf32> to vector<1xf32>
        %squeeze3A_134 = vector.extract %slice3A_133[0] : f32 from vector<1xf32>
        %mul3A_135 = vector.broadcast %squeeze3A_134 : f32 to vector<16xf32>
        %mul3A_136 = arith.mulf %get3A_132, %mul3A_135 : vector<16xf32>
        %mul3A_137 = arith.constant 16 : i32
        %mul3A_138 = arith.muli %scan3A_58, %mul3A_137 : i32
        %add3A_139 = arith.constant 3 : i32
        %add3A_140 = arith.addi %mul3A_138, %add3A_139 : i32
        %swap3A_141 = arith.index_cast %add3A_140 : i32 to index
        %swap3A_142 = arith.constant 0 : index
        %swap3A_143 = tpu.vector_load %arg11[%swap3A_141, %swap3A_142] {strides = array<i32>} : memref<1000x16xf32, #tpu.memory_space<vmem>>, vector<1x16xf32>,
        %swap3A_144 = vector.shape_cast %swap3A_143 : vector<1x16xf32> to vector<16xf32>
        %swap3A_145 = vector.shape_cast %mul3A_136 : vector<16xf32> to vector<1x16xf32>
        tpu.vector_store %arg11[%swap3A_141, %swap3A_142], %swap3A_145 {strides = array<i32>} : memref<1000x16xf32, #tpu.memory_space<vmem>>, vector<1x16xf32>,
        %mul3A_146 = arith.constant 16 : i32
        %mul3A_147 = arith.muli %scan3A_58, %mul3A_146 : i32
        %add3A_148 = arith.constant 4 : i32
        %add3A_149 = arith.addi %mul3A_147, %add3A_148 : i32
        %get3A_150 = arith.index_cast %add3A_149 : i32 to index
        %get3A_151 = arith.constant 0 : index
        %get3A_152 = tpu.vector_load %arg11[%get3A_150, %get3A_151] {strides = array<i32>} : memref<1000x16xf32, #tpu.memory_space<vmem>>, vector<1x16xf32>,
        %get3A_153 = vector.shape_cast %get3A_152 : vector<1x16xf32> to vector<16xf32>
        %slice3A_154 = vector.extract_strided_slice %get3A_63 {offsets = [4], sizes = [1], strides = [1]} : vector<16xf32> to vector<1xf32>
        %squeeze3A_155 = vector.extract %slice3A_154[0] : f32 from vector<1xf32>
        %mul3A_156 = vector.broadcast %squeeze3A_155 : f32 to vector<16xf32>
        %mul3A_157 = arith.mulf %get3A_153, %mul3A_156 : vector<16xf32>
        %mul3A_158 = arith.constant 16 : i32
        %mul3A_159 = arith.muli %scan3A_58, %mul3A_158 : i32
        %add3A_160 = arith.constant 4 : i32
        %add3A_161 = arith.addi %mul3A_159, %add3A_160 : i32
        %swap3A_162 = arith.index_cast %add3A_161 : i32 to index
        %swap3A_163 = arith.constant 0 : index
        %swap3A_164 = tpu.vector_load %arg11[%swap3A_162, %swap3A_163] {strides = array<i32>} : memref<1000x16xf32, #tpu.memory_space<vmem>>, vector<1x16xf32>,
        %swap3A_165 = vector.shape_cast %swap3A_164 : vector<1x16xf32> to vector<16xf32>
        %swap3A_166 = vector.shape_cast %mul3A_157 : vector<16xf32> to vector<1x16xf32>
        tpu.vector_store %arg11[%swap3A_162, %swap3A_163], %swap3A_166 {strides = array<i32>} : memref<1000x16xf32, #tpu.memory_space<vmem>>, vector<1x16xf32>,
        %mul3A_167 = arith.constant 16 : i32
        %mul3A_168 = arith.muli %scan3A_58, %mul3A_167 : i32
        %add3A_169 = arith.constant 5 : i32
        %add3A_170 = arith.addi %mul3A_168, %add3A_169 : i32
        %get3A_171 = arith.index_cast %add3A_170 : i32 to index
        %get3A_172 = arith.constant 0 : index
        %get3A_173 = tpu.vector_load %arg11[%get3A_171, %get3A_172] {strides = array<i32>} : memref<1000x16xf32, #tpu.memory_space<vmem>>, vector<1x16xf32>,
        %get3A_174 = vector.shape_cast %get3A_173 : vector<1x16xf32> to vector<16xf32>
        %slice3A_175 = vector.extract_strided_slice %get3A_63 {offsets = [5], sizes = [1], strides = [1]} : vector<16xf32> to vector<1xf32>
        %squeeze3A_176 = vector.extract %slice3A_175[0] : f32 from vector<1xf32>
        %mul3A_177 = vector.broadcast %squeeze3A_176 : f32 to vector<16xf32>
        %mul3A_178 = arith.mulf %get3A_174, %mul3A_177 : vector<16xf32>
        %mul3A_179 = arith.constant 16 : i32
        %mul3A_180 = arith.muli %scan3A_58, %mul3A_179 : i32
        %add3A_181 = arith.constant 5 : i32
        %add3A_182 = arith.addi %mul3A_180, %add3A_181 : i32
        %swap3A_183 = arith.index_cast %add3A_182 : i32 to index
        %swap3A_184 = arith.constant 0 : index
        %swap3A_185 = tpu.vector_load %arg11[%swap3A_183, %swap3A_184] {strides = array<i32>} : memref<1000x16xf32, #tpu.memory_space<vmem>>, vector<1x16xf32>,
        %swap3A_186 = vector.shape_cast %swap3A_185 : vector<1x16xf32> to vector<16xf32>
        %swap3A_187 = vector.shape_cast %mul3A_178 : vector<16xf32> to vector<1x16xf32>
        tpu.vector_store %arg11[%swap3A_183, %swap3A_184], %swap3A_187 {strides = array<i32>} : memref<1000x16xf32, #tpu.memory_space<vmem>>, vector<1x16xf32>,
        %mul3A_188 = arith.constant 16 : i32
        %mul3A_189 = arith.muli %scan3A_58, %mul3A_188 : i32
        %add3A_190 = arith.constant 6 : i32
        %add3A_191 = arith.addi %mul3A_189, %add3A_190 : i32
        %get3A_192 = arith.index_cast %add3A_191 : i32 to index
        %get3A_193 = arith.constant 0 : index
        %get3A_194 = tpu.vector_load %arg11[%get3A_192, %get3A_193] {strides = array<i32>} : memref<1000x16xf32, #tpu.memory_space<vmem>>, vector<1x16xf32>,
        %get3A_195 = vector.shape_cast %get3A_194 : vector<1x16xf32> to vector<16xf32>
        %slice3A_196 = vector.extract_strided_slice %get3A_63 {offsets = [6], sizes = [1], strides = [1]} : vector<16xf32> to vector<1xf32>
        %squeeze3A_197 = vector.extract %slice3A_196[0] : f32 from vector<1xf32>
        %mul3A_198 = vector.broadcast %squeeze3A_197 : f32 to vector<16xf32>
        %mul3A_199 = arith.mulf %get3A_195, %mul3A_198 : vector<16xf32>
        %mul3A_200 = arith.constant 16 : i32
        %mul3A_201 = arith.muli %scan3A_58, %mul3A_200 : i32
        %add3A_202 = arith.constant 6 : i32
        %add3A_203 = arith.addi %mul3A_201, %add3A_202 : i32
        %swap3A_204 = arith.index_cast %add3A_203 : i32 to index
        %swap3A_205 = arith.constant 0 : index
        %swap3A_206 = tpu.vector_load %arg11[%swap3A_204, %swap3A_205] {strides = array<i32>} : memref<1000x16xf32, #tpu.memory_space<vmem>>, vector<1x16xf32>,
        %swap3A_207 = vector.shape_cast %swap3A_206 : vector<1x16xf32> to vector<16xf32>
        %swap3A_208 = vector.shape_cast %mul3A_199 : vector<16xf32> to vector<1x16xf32>
        tpu.vector_store %arg11[%swap3A_204, %swap3A_205], %swap3A_208 {strides = array<i32>} : memref<1000x16xf32, #tpu.memory_space<vmem>>, vector<1x16xf32>,
        %mul3A_209 = arith.constant 16 : i32
        %mul3A_210 = arith.muli %scan3A_58, %mul3A_209 : i32
        %add3A_211 = arith.constant 7 : i32
        %add3A_212 = arith.addi %mul3A_210, %add3A_211 : i32
        %get3A_213 = arith.index_cast %add3A_212 : i32 to index
        %get3A_214 = arith.constant 0 : index
        %get3A_215 = tpu.vector_load %arg11[%get3A_213, %get3A_214] {strides = array<i32>} : memref<1000x16xf32, #tpu.memory_space<vmem>>, vector<1x16xf32>,
        %get3A_216 = vector.shape_cast %get3A_215 : vector<1x16xf32> to vector<16xf32>
        %slice3A_217 = vector.extract_strided_slice %get3A_63 {offsets = [7], sizes = [1], strides = [1]} : vector<16xf32> to vector<1xf32>
        %squeeze3A_218 = vector.extract %slice3A_217[0] : f32 from vector<1xf32>
        %mul3A_219 = vector.broadcast %squeeze3A_218 : f32 to vector<16xf32>
        %mul3A_220 = arith.mulf %get3A_216, %mul3A_219 : vector<16xf32>
        %mul3A_221 = arith.constant 16 : i32
        %mul3A_222 = arith.muli %scan3A_58, %mul3A_221 : i32
        %add3A_223 = arith.constant 7 : i32
        %add3A_224 = arith.addi %mul3A_222, %add3A_223 : i32
        %swap3A_225 = arith.index_cast %add3A_224 : i32 to index
        %swap3A_226 = arith.constant 0 : index
        %swap3A_227 = tpu.vector_load %arg11[%swap3A_225, %swap3A_226] {strides = array<i32>} : memref<1000x16xf32, #tpu.memory_space<vmem>>, vector<1x16xf32>,
        %swap3A_228 = vector.shape_cast %swap3A_227 : vector<1x16xf32> to vector<16xf32>
        %swap3A_229 = vector.shape_cast %mul3A_220 : vector<16xf32> to vector<1x16xf32>
        tpu.vector_store %arg11[%swap3A_225, %swap3A_226], %swap3A_229 {strides = array<i32>} : memref<1000x16xf32, #tpu.memory_space<vmem>>, vector<1x16xf32>,
        %mul3A_230 = arith.constant 16 : i32
        %mul3A_231 = arith.muli %scan3A_58, %mul3A_230 : i32
        %add3A_232 = arith.constant 8 : i32
        %add3A_233 = arith.addi %mul3A_231, %add3A_232 : i32
        %get3A_234 = arith.index_cast %add3A_233 : i32 to index
        %get3A_235 = arith.constant 0 : index
        %get3A_236 = tpu.vector_load %arg11[%get3A_234, %get3A_235] {strides = array<i32>} : memref<1000x16xf32, #tpu.memory_space<vmem>>, vector<1x16xf32>,
        %get3A_237 = vector.shape_cast %get3A_236 : vector<1x16xf32> to vector<16xf32>
        %slice3A_238 = vector.extract_strided_slice %get3A_63 {offsets = [8], sizes = [1], strides = [1]} : vector<16xf32> to vector<1xf32>
        %squeeze3A_239 = vector.extract %slice3A_238[0] : f32 from vector<1xf32>
        %mul3A_240 = vector.broadcast %squeeze3A_239 : f32 to vector<16xf32>
        %mul3A_241 = arith.mulf %get3A_237, %mul3A_240 : vector<16xf32>
        %mul3A_242 = arith.constant 16 : i32
        %mul3A_243 = arith.muli %scan3A_58, %mul3A_242 : i32
        %add3A_244 = arith.constant 8 : i32
        %add3A_245 = arith.addi %mul3A_243, %add3A_244 : i32
        %swap3A_246 = arith.index_cast %add3A_245 : i32 to index
        %swap3A_247 = arith.constant 0 : index
        %swap3A_248 = tpu.vector_load %arg11[%swap3A_246, %swap3A_247] {strides = array<i32>} : memref<1000x16xf32, #tpu.memory_space<vmem>>, vector<1x16xf32>,
        %swap3A_249 = vector.shape_cast %swap3A_248 : vector<1x16xf32> to vector<16xf32>
        %swap3A_250 = vector.shape_cast %mul3A_241 : vector<16xf32> to vector<1x16xf32>
        tpu.vector_store %arg11[%swap3A_246, %swap3A_247], %swap3A_250 {strides = array<i32>} : memref<1000x16xf32, #tpu.memory_space<vmem>>, vector<1x16xf32>,
        %mul3A_251 = arith.constant 16 : i32
        %mul3A_252 = arith.muli %scan3A_58, %mul3A_251 : i32
        %add3A_253 = arith.constant 9 : i32
        %add3A_254 = arith.addi %mul3A_252, %add3A_253 : i32
        %get3A_255 = arith.index_cast %add3A_254 : i32 to index
        %get3A_256 = arith.constant 0 : index
        %get3A_257 = tpu.vector_load %arg11[%get3A_255, %get3A_256] {strides = array<i32>} : memref<1000x16xf32, #tpu.memory_space<vmem>>, vector<1x16xf32>,
        %get3A_258 = vector.shape_cast %get3A_257 : vector<1x16xf32> to vector<16xf32>
        %slice3A_259 = vector.extract_strided_slice %get3A_63 {offsets = [9], sizes = [1], strides = [1]} : vector<16xf32> to vector<1xf32>
        %squeeze3A_260 = vector.extract %slice3A_259[0] : f32 from vector<1xf32>
        %mul3A_261 = vector.broadcast %squeeze3A_260 : f32 to vector<16xf32>
        %mul3A_262 = arith.mulf %get3A_258, %mul3A_261 : vector<16xf32>
        %mul3A_263 = arith.constant 16 : i32
        %mul3A_264 = arith.muli %scan3A_58, %mul3A_263 : i32
        %add3A_265 = arith.constant 9 : i32
        %add3A_266 = arith.addi %mul3A_264, %add3A_265 : i32
        %swap3A_267 = arith.index_cast %add3A_266 : i32 to index
        %swap3A_268 = arith.constant 0 : index
        %swap3A_269 = tpu.vector_load %arg11[%swap3A_267, %swap3A_268] {strides = array<i32>} : memref<1000x16xf32, #tpu.memory_space<vmem>>, vector<1x16xf32>,
        %swap3A_270 = vector.shape_cast %swap3A_269 : vector<1x16xf32> to vector<16xf32>
        %swap3A_271 = vector.shape_cast %mul3A_262 : vector<16xf32> to vector<1x16xf32>
        tpu.vector_store %arg11[%swap3A_267, %swap3A_268], %swap3A_271 {strides = array<i32>} : memref<1000x16xf32, #tpu.memory_space<vmem>>, vector<1x16xf32>,
        %mul3A_272 = arith.constant 16 : i32
        %mul3A_273 = arith.muli %scan3A_58, %mul3A_272 : i32
        %add3A_274 = arith.constant 10 : i32
        %add3A_275 = arith.addi %mul3A_273, %add3A_274 : i32
        %get3A_276 = arith.index_cast %add3A_275 : i32 to index
        %get3A_277 = arith.constant 0 : index
        %get3A_278 = tpu.vector_load %arg11[%get3A_276, %get3A_277] {strides = array<i32>} : memref<1000x16xf32, #tpu.memory_space<vmem>>, vector<1x16xf32>,
        %get3A_279 = vector.shape_cast %get3A_278 : vector<1x16xf32> to vector<16xf32>
        %slice3A_280 = vector.extract_strided_slice %get3A_63 {offsets = [10], sizes = [1], strides = [1]} : vector<16xf32> to vector<1xf32>
        %squeeze3A_281 = vector.extract %slice3A_280[0] : f32 from vector<1xf32>
        %mul3A_282 = vector.broadcast %squeeze3A_281 : f32 to vector<16xf32>
        %mul3A_283 = arith.mulf %get3A_279, %mul3A_282 : vector<16xf32>
        %mul3A_284 = arith.constant 16 : i32
        %mul3A_285 = arith.muli %scan3A_58, %mul3A_284 : i32
        %add3A_286 = arith.constant 10 : i32
        %add3A_287 = arith.addi %mul3A_285, %add3A_286 : i32
        %swap3A_288 = arith.index_cast %add3A_287 : i32 to index
        %swap3A_289 = arith.constant 0 : index
        %swap3A_290 = tpu.vector_load %arg11[%swap3A_288, %swap3A_289] {strides = array<i32>} : memref<1000x16xf32, #tpu.memory_space<vmem>>, vector<1x16xf32>,
        %swap3A_291 = vector.shape_cast %swap3A_290 : vector<1x16xf32> to vector<16xf32>
        %swap3A_292 = vector.shape_cast %mul3A_283 : vector<16xf32> to vector<1x16xf32>
        tpu.vector_store %arg11[%swap3A_288, %swap3A_289], %swap3A_292 {strides = array<i32>} : memref<1000x16xf32, #tpu.memory_space<vmem>>, vector<1x16xf32>,
        %mul3A_293 = arith.constant 16 : i32
        %mul3A_294 = arith.muli %scan3A_58, %mul3A_293 : i32
        %add3A_295 = arith.constant 11 : i32
        %add3A_296 = arith.addi %mul3A_294, %add3A_295 : i32
        %get3A_297 = arith.index_cast %add3A_296 : i32 to index
        %get3A_298 = arith.constant 0 : index
        %get3A_299 = tpu.vector_load %arg11[%get3A_297, %get3A_298] {strides = array<i32>} : memref<1000x16xf32, #tpu.memory_space<vmem>>, vector<1x16xf32>,
        %get3A_300 = vector.shape_cast %get3A_299 : vector<1x16xf32> to vector<16xf32>
        %slice3A_301 = vector.extract_strided_slice %get3A_63 {offsets = [11], sizes = [1], strides = [1]} : vector<16xf32> to vector<1xf32>
        %squeeze3A_302 = vector.extract %slice3A_301[0] : f32 from vector<1xf32>
        %mul3A_303 = vector.broadcast %squeeze3A_302 : f32 to vector<16xf32>
        %mul3A_304 = arith.mulf %get3A_300, %mul3A_303 : vector<16xf32>
        %mul3A_305 = arith.constant 16 : i32
        %mul3A_306 = arith.muli %scan3A_58, %mul3A_305 : i32
        %add3A_307 = arith.constant 11 : i32
        %add3A_308 = arith.addi %mul3A_306, %add3A_307 : i32
        %swap3A_309 = arith.index_cast %add3A_308 : i32 to index
        %swap3A_310 = arith.constant 0 : index
        %swap3A_311 = tpu.vector_load %arg11[%swap3A_309, %swap3A_310] {strides = array<i32>} : memref<1000x16xf32, #tpu.memory_space<vmem>>, vector<1x16xf32>,
        %swap3A_312 = vector.shape_cast %swap3A_311 : vector<1x16xf32> to vector<16xf32>
        %swap3A_313 = vector.shape_cast %mul3A_304 : vector<16xf32> to vector<1x16xf32>
        tpu.vector_store %arg11[%swap3A_309, %swap3A_310], %swap3A_313 {strides = array<i32>} : memref<1000x16xf32, #tpu.memory_space<vmem>>, vector<1x16xf32>,
        %mul3A_314 = arith.constant 16 : i32
        %mul3A_315 = arith.muli %scan3A_58, %mul3A_314 : i32
        %add3A_316 = arith.constant 12 : i32
        %add3A_317 = arith.addi %mul3A_315, %add3A_316 : i32
        %get3A_318 = arith.index_cast %add3A_317 : i32 to index
        %get3A_319 = arith.constant 0 : index
        %get3A_320 = tpu.vector_load %arg11[%get3A_318, %get3A_319] {strides = array<i32>} : memref<1000x16xf32, #tpu.memory_space<vmem>>, vector<1x16xf32>,
        %get3A_321 = vector.shape_cast %get3A_320 : vector<1x16xf32> to vector<16xf32>
        %slice3A_322 = vector.extract_strided_slice %get3A_63 {offsets = [12], sizes = [1], strides = [1]} : vector<16xf32> to vector<1xf32>
        %squeeze3A_323 = vector.extract %slice3A_322[0] : f32 from vector<1xf32>
        %mul3A_324 = vector.broadcast %squeeze3A_323 : f32 to vector<16xf32>
        %mul3A_325 = arith.mulf %get3A_321, %mul3A_324 : vector<16xf32>
        %mul3A_326 = arith.constant 16 : i32
        %mul3A_327 = arith.muli %scan3A_58, %mul3A_326 : i32
        %add3A_328 = arith.constant 12 : i32
        %add3A_329 = arith.addi %mul3A_327, %add3A_328 : i32
        %swap3A_330 = arith.index_cast %add3A_329 : i32 to index
        %swap3A_331 = arith.constant 0 : index
        %swap3A_332 = tpu.vector_load %arg11[%swap3A_330, %swap3A_331] {strides = array<i32>} : memref<1000x16xf32, #tpu.memory_space<vmem>>, vector<1x16xf32>,
        %swap3A_333 = vector.shape_cast %swap3A_332 : vector<1x16xf32> to vector<16xf32>
        %swap3A_334 = vector.shape_cast %mul3A_325 : vector<16xf32> to vector<1x16xf32>
        tpu.vector_store %arg11[%swap3A_330, %swap3A_331], %swap3A_334 {strides = array<i32>} : memref<1000x16xf32, #tpu.memory_space<vmem>>, vector<1x16xf32>,
        %mul3A_335 = arith.constant 16 : i32
        %mul3A_336 = arith.muli %scan3A_58, %mul3A_335 : i32
        %add3A_337 = arith.constant 13 : i32
        %add3A_338 = arith.addi %mul3A_336, %add3A_337 : i32
        %get3A_339 = arith.index_cast %add3A_338 : i32 to index
        %get3A_340 = arith.constant 0 : index
        %get3A_341 = tpu.vector_load %arg11[%get3A_339, %get3A_340] {strides = array<i32>} : memref<1000x16xf32, #tpu.memory_space<vmem>>, vector<1x16xf32>,
        %get3A_342 = vector.shape_cast %get3A_341 : vector<1x16xf32> to vector<16xf32>
        %slice3A_343 = vector.extract_strided_slice %get3A_63 {offsets = [13], sizes = [1], strides = [1]} : vector<16xf32> to vector<1xf32>
        %squeeze3A_344 = vector.extract %slice3A_343[0] : f32 from vector<1xf32>
        %mul3A_345 = vector.broadcast %squeeze3A_344 : f32 to vector<16xf32>
        %mul3A_346 = arith.mulf %get3A_342, %mul3A_345 : vector<16xf32>
        %mul3A_347 = arith.constant 16 : i32
        %mul3A_348 = arith.muli %scan3A_58, %mul3A_347 : i32
        %add3A_349 = arith.constant 13 : i32
        %add3A_350 = arith.addi %mul3A_348, %add3A_349 : i32
        %swap3A_351 = arith.index_cast %add3A_350 : i32 to index
        %swap3A_352 = arith.constant 0 : index
        %swap3A_353 = tpu.vector_load %arg11[%swap3A_351, %swap3A_352] {strides = array<i32>} : memref<1000x16xf32, #tpu.memory_space<vmem>>, vector<1x16xf32>,
        %swap3A_354 = vector.shape_cast %swap3A_353 : vector<1x16xf32> to vector<16xf32>
        %swap3A_355 = vector.shape_cast %mul3A_346 : vector<16xf32> to vector<1x16xf32>
        tpu.vector_store %arg11[%swap3A_351, %swap3A_352], %swap3A_355 {strides = array<i32>} : memref<1000x16xf32, #tpu.memory_space<vmem>>, vector<1x16xf32>,
        %mul3A_356 = arith.constant 16 : i32
        %mul3A_357 = arith.muli %scan3A_58, %mul3A_356 : i32
        %add3A_358 = arith.constant 14 : i32
        %add3A_359 = arith.addi %mul3A_357, %add3A_358 : i32
        %get3A_360 = arith.index_cast %add3A_359 : i32 to index
        %get3A_361 = arith.constant 0 : index
        %get3A_362 = tpu.vector_load %arg11[%get3A_360, %get3A_361] {strides = array<i32>} : memref<1000x16xf32, #tpu.memory_space<vmem>>, vector<1x16xf32>,
        %get3A_363 = vector.shape_cast %get3A_362 : vector<1x16xf32> to vector<16xf32>
        %slice3A_364 = vector.extract_strided_slice %get3A_63 {offsets = [14], sizes = [1], strides = [1]} : vector<16xf32> to vector<1xf32>
        %squeeze3A_365 = vector.extract %slice3A_364[0] : f32 from vector<1xf32>
        %mul3A_366 = vector.broadcast %squeeze3A_365 : f32 to vector<16xf32>
        %mul3A_367 = arith.mulf %get3A_363, %mul3A_366 : vector<16xf32>
        %mul3A_368 = arith.constant 16 : i32
        %mul3A_369 = arith.muli %scan3A_58, %mul3A_368 : i32
        %add3A_370 = arith.constant 14 : i32
        %add3A_371 = arith.addi %mul3A_369, %add3A_370 : i32
        %swap3A_372 = arith.index_cast %add3A_371 : i32 to index
        %swap3A_373 = arith.constant 0 : index
        %swap3A_374 = tpu.vector_load %arg11[%swap3A_372, %swap3A_373] {strides = array<i32>} : memref<1000x16xf32, #tpu.memory_space<vmem>>, vector<1x16xf32>,
        %swap3A_375 = vector.shape_cast %swap3A_374 : vector<1x16xf32> to vector<16xf32>
        %swap3A_376 = vector.shape_cast %mul3A_367 : vector<16xf32> to vector<1x16xf32>
        tpu.vector_store %arg11[%swap3A_372, %swap3A_373], %swap3A_376 {strides = array<i32>} : memref<1000x16xf32, #tpu.memory_space<vmem>>, vector<1x16xf32>,
        %mul3A_377 = arith.constant 16 : i32
        %mul3A_378 = arith.muli %scan3A_58, %mul3A_377 : i32
        %add3A_379 = arith.constant 15 : i32
        %add3A_380 = arith.addi %mul3A_378, %add3A_379 : i32
        %get3A_381 = arith.index_cast %add3A_380 : i32 to index
        %get3A_382 = arith.constant 0 : index
        %get3A_383 = tpu.vector_load %arg11[%get3A_381, %get3A_382] {strides = array<i32>} : memref<1000x16xf32, #tpu.memory_space<vmem>>, vector<1x16xf32>,
        %get3A_384 = vector.shape_cast %get3A_383 : vector<1x16xf32> to vector<16xf32>
        %slice3A_385 = vector.extract_strided_slice %get3A_63 {offsets = [15], sizes = [1], strides = [1]} : vector<16xf32> to vector<1xf32>
        %squeeze3A_386 = vector.extract %slice3A_385[0] : f32 from vector<1xf32>
        %mul3A_387 = vector.broadcast %squeeze3A_386 : f32 to vector<16xf32>
        %mul3A_388 = arith.mulf %get3A_384, %mul3A_387 : vector<16xf32>
        %mul3A_389 = arith.constant 16 : i32
        %mul3A_390 = arith.muli %scan3A_58, %mul3A_389 : i32
        %add3A_391 = arith.constant 15 : i32
        %add3A_392 = arith.addi %mul3A_390, %add3A_391 : i32
        %swap3A_393 = arith.index_cast %add3A_392 : i32 to index
        %swap3A_394 = arith.constant 0 : index
        %swap3A_395 = tpu.vector_load %arg11[%swap3A_393, %swap3A_394] {strides = array<i32>} : memref<1000x16xf32, #tpu.memory_space<vmem>>, vector<1x16xf32>,
        %swap3A_396 = vector.shape_cast %swap3A_395 : vector<1x16xf32> to vector<16xf32>
        %swap3A_397 = vector.shape_cast %mul3A_388 : vector<16xf32> to vector<1x16xf32>
        tpu.vector_store %arg11[%swap3A_393, %swap3A_394], %swap3A_397 {strides = array<i32>} : memref<1000x16xf32, #tpu.memory_space<vmem>>, vector<1x16xf32>,
        %scan3A_398 = arith.constant 0 : i32
        scf.yield %scan3A_398 : i32
      }
      %scan3A_57 = arith.constant 41 : i32
      "tpu.region"() ({
        %run_scoped3A = tpu.sem_alloc : memref<!tpu.dma_semaphore, #tpu.memory_space<semaphore_mem>>
        %dma_start3A = arith.constant 0 : i32
        %dma_start3A_58 = arith.constant 0 : i32
        %dma_start3A_59 = tpu.memref_slice %arg11[%dma_start3A, %dma_start3A_58] : memref<1000x16xf32, #tpu.memory_space<vmem>> -> memref<656x16xf32, #tpu.memory_space<vmem>>
        %dma_start3A_60 = arith.constant 0 : i32
        %dma_start3A_61 = tpu.memref_slice %arg8[%arg0, %multiple_of3A_43, %dma_start3A_60] : memref<2x100000x16xf32, #tpu.memory_space<hbm>> -> memref<1x656x16xf32, #tpu.memory_space<hbm>>
        %dma_start3A_62 = tpu.memref_squeeze %dma_start3A_61 : memref<1x656x16xf32, #tpu.memory_space<hbm>> -> memref<656x16xf32, #tpu.memory_space<hbm>>
        %dma_start3A_63 = arith.constant 0 : i32
        %dma_start3A_64 = tpu.memref_slice %arg8[%arg0, %multiple_of3A_43, %dma_start3A_63] : memref<2x100000x16xf32, #tpu.memory_space<hbm>> -> memref<1x656x16xf32, #tpu.memory_space<hbm>>
        %dma_start3A_65 = tpu.memref_squeeze %dma_start3A_64 : memref<1x656x16xf32, #tpu.memory_space<hbm>> -> memref<656x16xf32, #tpu.memory_space<hbm>>
        %dma_start3A_66 = arith.constant 0 : i32
        %dma_start3A_67 = arith.constant 0 : i32
        %dma_start3A_68 = tpu.memref_slice %arg11[%dma_start3A_66, %dma_start3A_67] : memref<1000x16xf32, #tpu.memory_space<vmem>> -> memref<656x16xf32, #tpu.memory_space<vmem>>
        tpu.enqueue_dma source(%dma_start3A_68 : memref<656x16xf32, #tpu.memory_space<vmem>>) target(%dma_start3A_65 : memref<656x16xf32, #tpu.memory_space<hbm>>) target_semaphore(%run_scoped3A : memref<!tpu.dma_semaphore, #tpu.memory_space<semaphore_mem>>)
        %dma_wait3A = arith.constant 0 : i32
        %dma_wait3A_69 = arith.constant 0 : i32
        %dma_wait3A_70 = tpu.memref_slice %arg11[%dma_wait3A, %dma_wait3A_69] : memref<1000x16xf32, #tpu.memory_space<vmem>> -> memref<656x16xf32, #tpu.memory_space<vmem>>
        %dma_wait3A_71 = arith.constant 0 : i32
        %dma_wait3A_72 = tpu.memref_slice %arg8[%arg0, %multiple_of3A_43, %dma_wait3A_71] : memref<2x100000x16xf32, #tpu.memory_space<hbm>> -> memref<1x656x16xf32, #tpu.memory_space<hbm>>
        %dma_wait3A_73 = tpu.memref_squeeze %dma_wait3A_72 : memref<1x656x16xf32, #tpu.memory_space<hbm>> -> memref<656x16xf32, #tpu.memory_space<hbm>>
        %dma_wait3A_74 = arith.constant 0 : i32
        %dma_wait3A_75 = tpu.memref_slice %arg8[%arg0, %multiple_of3A_43, %dma_wait3A_74] : memref<2x100000x16xf32, #tpu.memory_space<hbm>> -> memref<1x656x16xf32, #tpu.memory_space<hbm>>
        %dma_wait3A_76 = tpu.memref_squeeze %dma_wait3A_75 : memref<1x656x16xf32, #tpu.memory_space<hbm>> -> memref<656x16xf32, #tpu.memory_space<hbm>>
        %dma_wait3A_77 = arith.constant 0 : i32
        %dma_wait3A_78 = arith.constant 0 : i32
        %dma_wait3A_79 = tpu.memref_slice %arg11[%dma_wait3A_77, %dma_wait3A_78] : memref<1000x16xf32, #tpu.memory_space<vmem>> -> memref<656x16xf32, #tpu.memory_space<vmem>>
        tpu.wait_dma2 semaphore(%run_scoped3A : memref<!tpu.dma_semaphore, #tpu.memory_space<semaphore_mem>>) src(%dma_wait3A_79 : memref<656x16xf32, #tpu.memory_space<vmem>>) dst(%dma_wait3A_76 : memref<656x16xf32, #tpu.memory_space<hbm>>)
        tpu.yield
      }) : () -> ()
    } else {
    }
    %eq3A_37 = arith.constant 15 : i32
    %eq3A_38 = arith.cmpi eq, %arg1, %eq3A_37 : i32
    %convert_element_type3A_39 = arith.extui %eq3A_38 : i1 to i32
    %cond3A_40 = arith.constant 0 : i32
    %cond3A_41 = arith.cmpi ne, %convert_element_type3A_39, %cond3A_40 : i32
    scf.if %cond3A_41 {
      %add3A = arith.constant 5600 : i32
      %add3A_42 = arith.addi %multiple_of3A, %add3A : i32
      %multiple_of3A_43 = tpu.assume_multiple %add3A_42, 8 : i32
      "tpu.region"() ({
        %run_scoped3A = tpu.sem_alloc : memref<!tpu.dma_semaphore, #tpu.memory_space<semaphore_mem>>
        %dma_start3A = arith.constant 0 : i32
        %dma_start3A_58 = arith.constant 0 : i32
        %dma_start3A_59 = tpu.memref_slice %arg11[%dma_start3A, %dma_start3A_58] : memref<1000x16xf32, #tpu.memory_space<vmem>> -> memref<560x16xf32, #tpu.memory_space<vmem>>
        %dma_start3A_60 = arith.constant 0 : i32
        %dma_start3A_61 = tpu.memref_slice %arg14[%multiple_of3A_43, %dma_start3A_60] : memref<100000x16xf32, #tpu.memory_space<vmem_shared>> -> memref<560x16xf32, #tpu.memory_space<vmem_shared>>
        %dma_start3A_62 = arith.constant 0 : i32
        %dma_start3A_63 = arith.constant 0 : i32
        %dma_start3A_64 = tpu.memref_slice %arg11[%dma_start3A_62, %dma_start3A_63] : memref<1000x16xf32, #tpu.memory_space<vmem>> -> memref<560x16xf32, #tpu.memory_space<vmem>>
        %dma_start3A_65 = arith.constant 0 : i32
        %dma_start3A_66 = tpu.memref_slice %arg14[%multiple_of3A_43, %dma_start3A_65] : memref<100000x16xf32, #tpu.memory_space<vmem_shared>> -> memref<560x16xf32, #tpu.memory_space<vmem_shared>>
        tpu.enqueue_dma source(%dma_start3A_66 : memref<560x16xf32, #tpu.memory_space<vmem_shared>>) target(%dma_start3A_64 : memref<560x16xf32, #tpu.memory_space<vmem>>) target_semaphore(%run_scoped3A : memref<!tpu.dma_semaphore, #tpu.memory_space<semaphore_mem>>)
        %dma_wait3A = arith.constant 0 : i32
        %dma_wait3A_67 = arith.constant 0 : i32
        %dma_wait3A_68 = tpu.memref_slice %arg11[%dma_wait3A, %dma_wait3A_67] : memref<1000x16xf32, #tpu.memory_space<vmem>> -> memref<560x16xf32, #tpu.memory_space<vmem>>
        %dma_wait3A_69 = arith.constant 0 : i32
        %dma_wait3A_70 = tpu.memref_slice %arg14[%multiple_of3A_43, %dma_wait3A_69] : memref<100000x16xf32, #tpu.memory_space<vmem_shared>> -> memref<560x16xf32, #tpu.memory_space<vmem_shared>>
        %dma_wait3A_71 = arith.constant 0 : i32
        %dma_wait3A_72 = arith.constant 0 : i32
        %dma_wait3A_73 = tpu.memref_slice %arg11[%dma_wait3A_71, %dma_wait3A_72] : memref<1000x16xf32, #tpu.memory_space<vmem>> -> memref<560x16xf32, #tpu.memory_space<vmem>>
        %dma_wait3A_74 = arith.constant 0 : i32
        %dma_wait3A_75 = tpu.memref_slice %arg14[%multiple_of3A_43, %dma_wait3A_74] : memref<100000x16xf32, #tpu.memory_space<vmem_shared>> -> memref<560x16xf32, #tpu.memory_space<vmem_shared>>
        tpu.wait_dma2 semaphore(%run_scoped3A : memref<!tpu.dma_semaphore, #tpu.memory_space<semaphore_mem>>) src(%dma_wait3A_75 : memref<560x16xf32, #tpu.memory_space<vmem_shared>>) dst(%dma_wait3A_73 : memref<560x16xf32, #tpu.memory_space<vmem>>)
        tpu.yield
      }) : () -> ()
      "tpu.region"() ({
        %run_scoped3A = tpu.sem_alloc : memref<!tpu.dma_semaphore, #tpu.memory_space<semaphore_mem>>
        %dma_start3A = arith.constant 0 : i32
        %dma_start3A_58 = tpu.memref_slice %arg13[%dma_start3A] : memref<1000xf32, #tpu.memory_space<vmem>> -> memref<560xf32, #tpu.memory_space<vmem>>
        %dma_start3A_59 = tpu.memref_slice %arg15[%multiple_of3A_43] : memref<100000xf32, #tpu.memory_space<vmem_shared>> -> memref<560xf32, #tpu.memory_space<vmem_shared>>
        %dma_start3A_60 = arith.constant 0 : i32
        %dma_start3A_61 = tpu.memref_slice %arg13[%dma_start3A_60] : memref<1000xf32, #tpu.memory_space<vmem>> -> memref<560xf32, #tpu.memory_space<vmem>>
        %dma_start3A_62 = tpu.memref_slice %arg15[%multiple_of3A_43] : memref<100000xf32, #tpu.memory_space<vmem_shared>> -> memref<560xf32, #tpu.memory_space<vmem_shared>>
        tpu.enqueue_dma source(%dma_start3A_62 : memref<560xf32, #tpu.memory_space<vmem_shared>>) target(%dma_start3A_61 : memref<560xf32, #tpu.memory_space<vmem>>) target_semaphore(%run_scoped3A : memref<!tpu.dma_semaphore, #tpu.memory_space<semaphore_mem>>)
        %dma_wait3A = arith.constant 0 : i32
        %dma_wait3A_63 = tpu.memref_slice %arg13[%dma_wait3A] : memref<1000xf32, #tpu.memory_space<vmem>> -> memref<560xf32, #tpu.memory_space<vmem>>
        %dma_wait3A_64 = tpu.memref_slice %arg15[%multiple_of3A_43] : memref<100000xf32, #tpu.memory_space<vmem_shared>> -> memref<560xf32, #tpu.memory_space<vmem_shared>>
        %dma_wait3A_65 = arith.constant 0 : i32
        %dma_wait3A_66 = tpu.memref_slice %arg13[%dma_wait3A_65] : memref<1000xf32, #tpu.memory_space<vmem>> -> memref<560xf32, #tpu.memory_space<vmem>>
        %dma_wait3A_67 = tpu.memref_slice %arg15[%multiple_of3A_43] : memref<100000xf32, #tpu.memory_space<vmem_shared>> -> memref<560xf32, #tpu.memory_space<vmem_shared>>
        tpu.wait_dma2 semaphore(%run_scoped3A : memref<!tpu.dma_semaphore, #tpu.memory_space<semaphore_mem>>) src(%dma_wait3A_67 : memref<560xf32, #tpu.memory_space<vmem_shared>>) dst(%dma_wait3A_66 : memref<560xf32, #tpu.memory_space<vmem>>)
        tpu.yield
      }) : () -> ()
      %scan3A_44 = arith.constant 0 : i32
      %scan3A_45 = arith.constant 0 : i32
      %scan3A_46 = arith.constant 35 : i32
      %scan3A_47 = arith.addi %scan3A_45, %scan3A_46 : i32
      %scan3A_48 = arith.constant 1 : i32
      %scan3A_49 = scf.for %scan3A_58 = %scan3A_45 to %scan3A_47 step %scan3A_48 iter_args(%scan3A_59 = %scan3A_44) -> (i32)  : i32 {
        %mul3A_60 = arith.constant 16 : i32
        %mul3A_61 = arith.muli %scan3A_58, %mul3A_60 : i32
        %get3A = arith.index_cast %mul3A_61 : i32 to index
        %get3A_62 = tpu.vector_load %arg13[%get3A] {strides = array<i32>} : memref<1000xf32, #tpu.memory_space<vmem>>, vector<16xf32>,
        %get3A_63 = vector.shape_cast %get3A_62 : vector<16xf32> to vector<16xf32>
        %max3A = arith.constant 1.000000e+00 : f32
        %max3A_64 = vector.broadcast %max3A : f32 to vector<16xf32>
        %max3A_65 = arith.maximumf %get3A_63, %max3A_64 : vector<16xf32>
        %div3A = arith.constant 1.000000e+00 : f32
        %div3A_66 = vector.broadcast %div3A : f32 to vector<16xf32>
        %div3A_67 = arith.divf %div3A_66, %max3A_65 : vector<16xf32>
        %mul3A_68 = arith.constant 16 : i32
        %mul3A_69 = arith.muli %scan3A_58, %mul3A_68 : i32
        %swap3A_70 = arith.index_cast %mul3A_69 : i32 to index
        %swap3A_71 = tpu.vector_load %arg12[%swap3A_70] {strides = array<i32>} : memref<1000xf32, #tpu.memory_space<vmem>>, vector<16xf32>,
        %swap3A_72 = vector.shape_cast %swap3A_71 : vector<16xf32> to vector<16xf32>
        %swap3A_73 = vector.shape_cast %div3A_67 : vector<16xf32> to vector<16xf32>
        tpu.vector_store %arg12[%swap3A_70], %swap3A_73 {strides = array<i32>} : memref<1000xf32, #tpu.memory_space<vmem>>, vector<16xf32>,
        %scan3A_74 = arith.constant 0 : i32
        scf.yield %scan3A_74 : i32
      }
      %scan3A_50 = arith.constant 35 : i32
      %scan3A_51 = arith.constant 0 : i32
      %scan3A_52 = arith.constant 0 : i32
      %scan3A_53 = arith.constant 35 : i32
      %scan3A_54 = arith.addi %scan3A_52, %scan3A_53 : i32
      %scan3A_55 = arith.constant 1 : i32
      %scan3A_56 = scf.for %scan3A_58 = %scan3A_52 to %scan3A_54 step %scan3A_55 iter_args(%scan3A_59 = %scan3A_51) -> (i32)  : i32 {
        %mul3A_60 = arith.constant 16 : i32
        %mul3A_61 = arith.muli %scan3A_58, %mul3A_60 : i32
        %get3A = arith.index_cast %mul3A_61 : i32 to index
        %get3A_62 = tpu.vector_load %arg12[%get3A] {strides = array<i32>} : memref<1000xf32, #tpu.memory_space<vmem>>, vector<16xf32>,
        %get3A_63 = vector.shape_cast %get3A_62 : vector<16xf32> to vector<16xf32>
        %mul3A_64 = arith.constant 16 : i32
        %mul3A_65 = arith.muli %scan3A_58, %mul3A_64 : i32
        %add3A_66 = arith.constant 0 : i32
        %add3A_67 = arith.addi %mul3A_65, %add3A_66 : i32
        %get3A_68 = arith.index_cast %add3A_67 : i32 to index
        %get3A_69 = arith.constant 0 : index
        %get3A_70 = tpu.vector_load %arg11[%get3A_68, %get3A_69] {strides = array<i32>} : memref<1000x16xf32, #tpu.memory_space<vmem>>, vector<1x16xf32>,
        %get3A_71 = vector.shape_cast %get3A_70 : vector<1x16xf32> to vector<16xf32>
        %slice3A = vector.extract_strided_slice %get3A_63 {offsets = [0], sizes = [1], strides = [1]} : vector<16xf32> to vector<1xf32>
        %squeeze3A = vector.extract %slice3A[0] : f32 from vector<1xf32>
        %mul3A_72 = vector.broadcast %squeeze3A : f32 to vector<16xf32>
        %mul3A_73 = arith.mulf %get3A_71, %mul3A_72 : vector<16xf32>
        %mul3A_74 = arith.constant 16 : i32
        %mul3A_75 = arith.muli %scan3A_58, %mul3A_74 : i32
        %add3A_76 = arith.constant 0 : i32
        %add3A_77 = arith.addi %mul3A_75, %add3A_76 : i32
        %swap3A_78 = arith.index_cast %add3A_77 : i32 to index
        %swap3A_79 = arith.constant 0 : index
        %swap3A_80 = tpu.vector_load %arg11[%swap3A_78, %swap3A_79] {strides = array<i32>} : memref<1000x16xf32, #tpu.memory_space<vmem>>, vector<1x16xf32>,
        %swap3A_81 = vector.shape_cast %swap3A_80 : vector<1x16xf32> to vector<16xf32>
        %swap3A_82 = vector.shape_cast %mul3A_73 : vector<16xf32> to vector<1x16xf32>
        tpu.vector_store %arg11[%swap3A_78, %swap3A_79], %swap3A_82 {strides = array<i32>} : memref<1000x16xf32, #tpu.memory_space<vmem>>, vector<1x16xf32>,
        %mul3A_83 = arith.constant 16 : i32
        %mul3A_84 = arith.muli %scan3A_58, %mul3A_83 : i32
        %add3A_85 = arith.constant 1 : i32
        %add3A_86 = arith.addi %mul3A_84, %add3A_85 : i32
        %get3A_87 = arith.index_cast %add3A_86 : i32 to index
        %get3A_88 = arith.constant 0 : index
        %get3A_89 = tpu.vector_load %arg11[%get3A_87, %get3A_88] {strides = array<i32>} : memref<1000x16xf32, #tpu.memory_space<vmem>>, vector<1x16xf32>,
        %get3A_90 = vector.shape_cast %get3A_89 : vector<1x16xf32> to vector<16xf32>
        %slice3A_91 = vector.extract_strided_slice %get3A_63 {offsets = [1], sizes = [1], strides = [1]} : vector<16xf32> to vector<1xf32>
        %squeeze3A_92 = vector.extract %slice3A_91[0] : f32 from vector<1xf32>
        %mul3A_93 = vector.broadcast %squeeze3A_92 : f32 to vector<16xf32>
        %mul3A_94 = arith.mulf %get3A_90, %mul3A_93 : vector<16xf32>
        %mul3A_95 = arith.constant 16 : i32
        %mul3A_96 = arith.muli %scan3A_58, %mul3A_95 : i32
        %add3A_97 = arith.constant 1 : i32
        %add3A_98 = arith.addi %mul3A_96, %add3A_97 : i32
        %swap3A_99 = arith.index_cast %add3A_98 : i32 to index
        %swap3A_100 = arith.constant 0 : index
        %swap3A_101 = tpu.vector_load %arg11[%swap3A_99, %swap3A_100] {strides = array<i32>} : memref<1000x16xf32, #tpu.memory_space<vmem>>, vector<1x16xf32>,
        %swap3A_102 = vector.shape_cast %swap3A_101 : vector<1x16xf32> to vector<16xf32>
        %swap3A_103 = vector.shape_cast %mul3A_94 : vector<16xf32> to vector<1x16xf32>
        tpu.vector_store %arg11[%swap3A_99, %swap3A_100], %swap3A_103 {strides = array<i32>} : memref<1000x16xf32, #tpu.memory_space<vmem>>, vector<1x16xf32>,
        %mul3A_104 = arith.constant 16 : i32
        %mul3A_105 = arith.muli %scan3A_58, %mul3A_104 : i32
        %add3A_106 = arith.constant 2 : i32
        %add3A_107 = arith.addi %mul3A_105, %add3A_106 : i32
        %get3A_108 = arith.index_cast %add3A_107 : i32 to index
        %get3A_109 = arith.constant 0 : index
        %get3A_110 = tpu.vector_load %arg11[%get3A_108, %get3A_109] {strides = array<i32>} : memref<1000x16xf32, #tpu.memory_space<vmem>>, vector<1x16xf32>,
        %get3A_111 = vector.shape_cast %get3A_110 : vector<1x16xf32> to vector<16xf32>
        %slice3A_112 = vector.extract_strided_slice %get3A_63 {offsets = [2], sizes = [1], strides = [1]} : vector<16xf32> to vector<1xf32>
        %squeeze3A_113 = vector.extract %slice3A_112[0] : f32 from vector<1xf32>
        %mul3A_114 = vector.broadcast %squeeze3A_113 : f32 to vector<16xf32>
        %mul3A_115 = arith.mulf %get3A_111, %mul3A_114 : vector<16xf32>
        %mul3A_116 = arith.constant 16 : i32
        %mul3A_117 = arith.muli %scan3A_58, %mul3A_116 : i32
        %add3A_118 = arith.constant 2 : i32
        %add3A_119 = arith.addi %mul3A_117, %add3A_118 : i32
        %swap3A_120 = arith.index_cast %add3A_119 : i32 to index
        %swap3A_121 = arith.constant 0 : index
        %swap3A_122 = tpu.vector_load %arg11[%swap3A_120, %swap3A_121] {strides = array<i32>} : memref<1000x16xf32, #tpu.memory_space<vmem>>, vector<1x16xf32>,
        %swap3A_123 = vector.shape_cast %swap3A_122 : vector<1x16xf32> to vector<16xf32>
        %swap3A_124 = vector.shape_cast %mul3A_115 : vector<16xf32> to vector<1x16xf32>
        tpu.vector_store %arg11[%swap3A_120, %swap3A_121], %swap3A_124 {strides = array<i32>} : memref<1000x16xf32, #tpu.memory_space<vmem>>, vector<1x16xf32>,
        %mul3A_125 = arith.constant 16 : i32
        %mul3A_126 = arith.muli %scan3A_58, %mul3A_125 : i32
        %add3A_127 = arith.constant 3 : i32
        %add3A_128 = arith.addi %mul3A_126, %add3A_127 : i32
        %get3A_129 = arith.index_cast %add3A_128 : i32 to index
        %get3A_130 = arith.constant 0 : index
        %get3A_131 = tpu.vector_load %arg11[%get3A_129, %get3A_130] {strides = array<i32>} : memref<1000x16xf32, #tpu.memory_space<vmem>>, vector<1x16xf32>,
        %get3A_132 = vector.shape_cast %get3A_131 : vector<1x16xf32> to vector<16xf32>
        %slice3A_133 = vector.extract_strided_slice %get3A_63 {offsets = [3], sizes = [1], strides = [1]} : vector<16xf32> to vector<1xf32>
        %squeeze3A_134 = vector.extract %slice3A_133[0] : f32 from vector<1xf32>
        %mul3A_135 = vector.broadcast %squeeze3A_134 : f32 to vector<16xf32>
        %mul3A_136 = arith.mulf %get3A_132, %mul3A_135 : vector<16xf32>
        %mul3A_137 = arith.constant 16 : i32
        %mul3A_138 = arith.muli %scan3A_58, %mul3A_137 : i32
        %add3A_139 = arith.constant 3 : i32
        %add3A_140 = arith.addi %mul3A_138, %add3A_139 : i32
        %swap3A_141 = arith.index_cast %add3A_140 : i32 to index
        %swap3A_142 = arith.constant 0 : index
        %swap3A_143 = tpu.vector_load %arg11[%swap3A_141, %swap3A_142] {strides = array<i32>} : memref<1000x16xf32, #tpu.memory_space<vmem>>, vector<1x16xf32>,
        %swap3A_144 = vector.shape_cast %swap3A_143 : vector<1x16xf32> to vector<16xf32>
        %swap3A_145 = vector.shape_cast %mul3A_136 : vector<16xf32> to vector<1x16xf32>
        tpu.vector_store %arg11[%swap3A_141, %swap3A_142], %swap3A_145 {strides = array<i32>} : memref<1000x16xf32, #tpu.memory_space<vmem>>, vector<1x16xf32>,
        %mul3A_146 = arith.constant 16 : i32
        %mul3A_147 = arith.muli %scan3A_58, %mul3A_146 : i32
        %add3A_148 = arith.constant 4 : i32
        %add3A_149 = arith.addi %mul3A_147, %add3A_148 : i32
        %get3A_150 = arith.index_cast %add3A_149 : i32 to index
        %get3A_151 = arith.constant 0 : index
        %get3A_152 = tpu.vector_load %arg11[%get3A_150, %get3A_151] {strides = array<i32>} : memref<1000x16xf32, #tpu.memory_space<vmem>>, vector<1x16xf32>,
        %get3A_153 = vector.shape_cast %get3A_152 : vector<1x16xf32> to vector<16xf32>
        %slice3A_154 = vector.extract_strided_slice %get3A_63 {offsets = [4], sizes = [1], strides = [1]} : vector<16xf32> to vector<1xf32>
        %squeeze3A_155 = vector.extract %slice3A_154[0] : f32 from vector<1xf32>
        %mul3A_156 = vector.broadcast %squeeze3A_155 : f32 to vector<16xf32>
        %mul3A_157 = arith.mulf %get3A_153, %mul3A_156 : vector<16xf32>
        %mul3A_158 = arith.constant 16 : i32
        %mul3A_159 = arith.muli %scan3A_58, %mul3A_158 : i32
        %add3A_160 = arith.constant 4 : i32
        %add3A_161 = arith.addi %mul3A_159, %add3A_160 : i32
        %swap3A_162 = arith.index_cast %add3A_161 : i32 to index
        %swap3A_163 = arith.constant 0 : index
        %swap3A_164 = tpu.vector_load %arg11[%swap3A_162, %swap3A_163] {strides = array<i32>} : memref<1000x16xf32, #tpu.memory_space<vmem>>, vector<1x16xf32>,
        %swap3A_165 = vector.shape_cast %swap3A_164 : vector<1x16xf32> to vector<16xf32>
        %swap3A_166 = vector.shape_cast %mul3A_157 : vector<16xf32> to vector<1x16xf32>
        tpu.vector_store %arg11[%swap3A_162, %swap3A_163], %swap3A_166 {strides = array<i32>} : memref<1000x16xf32, #tpu.memory_space<vmem>>, vector<1x16xf32>,
        %mul3A_167 = arith.constant 16 : i32
        %mul3A_168 = arith.muli %scan3A_58, %mul3A_167 : i32
        %add3A_169 = arith.constant 5 : i32
        %add3A_170 = arith.addi %mul3A_168, %add3A_169 : i32
        %get3A_171 = arith.index_cast %add3A_170 : i32 to index
        %get3A_172 = arith.constant 0 : index
        %get3A_173 = tpu.vector_load %arg11[%get3A_171, %get3A_172] {strides = array<i32>} : memref<1000x16xf32, #tpu.memory_space<vmem>>, vector<1x16xf32>,
        %get3A_174 = vector.shape_cast %get3A_173 : vector<1x16xf32> to vector<16xf32>
        %slice3A_175 = vector.extract_strided_slice %get3A_63 {offsets = [5], sizes = [1], strides = [1]} : vector<16xf32> to vector<1xf32>
        %squeeze3A_176 = vector.extract %slice3A_175[0] : f32 from vector<1xf32>
        %mul3A_177 = vector.broadcast %squeeze3A_176 : f32 to vector<16xf32>
        %mul3A_178 = arith.mulf %get3A_174, %mul3A_177 : vector<16xf32>
        %mul3A_179 = arith.constant 16 : i32
        %mul3A_180 = arith.muli %scan3A_58, %mul3A_179 : i32
        %add3A_181 = arith.constant 5 : i32
        %add3A_182 = arith.addi %mul3A_180, %add3A_181 : i32
        %swap3A_183 = arith.index_cast %add3A_182 : i32 to index
        %swap3A_184 = arith.constant 0 : index
        %swap3A_185 = tpu.vector_load %arg11[%swap3A_183, %swap3A_184] {strides = array<i32>} : memref<1000x16xf32, #tpu.memory_space<vmem>>, vector<1x16xf32>,
        %swap3A_186 = vector.shape_cast %swap3A_185 : vector<1x16xf32> to vector<16xf32>
        %swap3A_187 = vector.shape_cast %mul3A_178 : vector<16xf32> to vector<1x16xf32>
        tpu.vector_store %arg11[%swap3A_183, %swap3A_184], %swap3A_187 {strides = array<i32>} : memref<1000x16xf32, #tpu.memory_space<vmem>>, vector<1x16xf32>,
        %mul3A_188 = arith.constant 16 : i32
        %mul3A_189 = arith.muli %scan3A_58, %mul3A_188 : i32
        %add3A_190 = arith.constant 6 : i32
        %add3A_191 = arith.addi %mul3A_189, %add3A_190 : i32
        %get3A_192 = arith.index_cast %add3A_191 : i32 to index
        %get3A_193 = arith.constant 0 : index
        %get3A_194 = tpu.vector_load %arg11[%get3A_192, %get3A_193] {strides = array<i32>} : memref<1000x16xf32, #tpu.memory_space<vmem>>, vector<1x16xf32>,
        %get3A_195 = vector.shape_cast %get3A_194 : vector<1x16xf32> to vector<16xf32>
        %slice3A_196 = vector.extract_strided_slice %get3A_63 {offsets = [6], sizes = [1], strides = [1]} : vector<16xf32> to vector<1xf32>
        %squeeze3A_197 = vector.extract %slice3A_196[0] : f32 from vector<1xf32>
        %mul3A_198 = vector.broadcast %squeeze3A_197 : f32 to vector<16xf32>
        %mul3A_199 = arith.mulf %get3A_195, %mul3A_198 : vector<16xf32>
        %mul3A_200 = arith.constant 16 : i32
        %mul3A_201 = arith.muli %scan3A_58, %mul3A_200 : i32
        %add3A_202 = arith.constant 6 : i32
        %add3A_203 = arith.addi %mul3A_201, %add3A_202 : i32
        %swap3A_204 = arith.index_cast %add3A_203 : i32 to index
        %swap3A_205 = arith.constant 0 : index
        %swap3A_206 = tpu.vector_load %arg11[%swap3A_204, %swap3A_205] {strides = array<i32>} : memref<1000x16xf32, #tpu.memory_space<vmem>>, vector<1x16xf32>,
        %swap3A_207 = vector.shape_cast %swap3A_206 : vector<1x16xf32> to vector<16xf32>
        %swap3A_208 = vector.shape_cast %mul3A_199 : vector<16xf32> to vector<1x16xf32>
        tpu.vector_store %arg11[%swap3A_204, %swap3A_205], %swap3A_208 {strides = array<i32>} : memref<1000x16xf32, #tpu.memory_space<vmem>>, vector<1x16xf32>,
        %mul3A_209 = arith.constant 16 : i32
        %mul3A_210 = arith.muli %scan3A_58, %mul3A_209 : i32
        %add3A_211 = arith.constant 7 : i32
        %add3A_212 = arith.addi %mul3A_210, %add3A_211 : i32
        %get3A_213 = arith.index_cast %add3A_212 : i32 to index
        %get3A_214 = arith.constant 0 : index
        %get3A_215 = tpu.vector_load %arg11[%get3A_213, %get3A_214] {strides = array<i32>} : memref<1000x16xf32, #tpu.memory_space<vmem>>, vector<1x16xf32>,
        %get3A_216 = vector.shape_cast %get3A_215 : vector<1x16xf32> to vector<16xf32>
        %slice3A_217 = vector.extract_strided_slice %get3A_63 {offsets = [7], sizes = [1], strides = [1]} : vector<16xf32> to vector<1xf32>
        %squeeze3A_218 = vector.extract %slice3A_217[0] : f32 from vector<1xf32>
        %mul3A_219 = vector.broadcast %squeeze3A_218 : f32 to vector<16xf32>
        %mul3A_220 = arith.mulf %get3A_216, %mul3A_219 : vector<16xf32>
        %mul3A_221 = arith.constant 16 : i32
        %mul3A_222 = arith.muli %scan3A_58, %mul3A_221 : i32
        %add3A_223 = arith.constant 7 : i32
        %add3A_224 = arith.addi %mul3A_222, %add3A_223 : i32
        %swap3A_225 = arith.index_cast %add3A_224 : i32 to index
        %swap3A_226 = arith.constant 0 : index
        %swap3A_227 = tpu.vector_load %arg11[%swap3A_225, %swap3A_226] {strides = array<i32>} : memref<1000x16xf32, #tpu.memory_space<vmem>>, vector<1x16xf32>,
        %swap3A_228 = vector.shape_cast %swap3A_227 : vector<1x16xf32> to vector<16xf32>
        %swap3A_229 = vector.shape_cast %mul3A_220 : vector<16xf32> to vector<1x16xf32>
        tpu.vector_store %arg11[%swap3A_225, %swap3A_226], %swap3A_229 {strides = array<i32>} : memref<1000x16xf32, #tpu.memory_space<vmem>>, vector<1x16xf32>,
        %mul3A_230 = arith.constant 16 : i32
        %mul3A_231 = arith.muli %scan3A_58, %mul3A_230 : i32
        %add3A_232 = arith.constant 8 : i32
        %add3A_233 = arith.addi %mul3A_231, %add3A_232 : i32
        %get3A_234 = arith.index_cast %add3A_233 : i32 to index
        %get3A_235 = arith.constant 0 : index
        %get3A_236 = tpu.vector_load %arg11[%get3A_234, %get3A_235] {strides = array<i32>} : memref<1000x16xf32, #tpu.memory_space<vmem>>, vector<1x16xf32>,
        %get3A_237 = vector.shape_cast %get3A_236 : vector<1x16xf32> to vector<16xf32>
        %slice3A_238 = vector.extract_strided_slice %get3A_63 {offsets = [8], sizes = [1], strides = [1]} : vector<16xf32> to vector<1xf32>
        %squeeze3A_239 = vector.extract %slice3A_238[0] : f32 from vector<1xf32>
        %mul3A_240 = vector.broadcast %squeeze3A_239 : f32 to vector<16xf32>
        %mul3A_241 = arith.mulf %get3A_237, %mul3A_240 : vector<16xf32>
        %mul3A_242 = arith.constant 16 : i32
        %mul3A_243 = arith.muli %scan3A_58, %mul3A_242 : i32
        %add3A_244 = arith.constant 8 : i32
        %add3A_245 = arith.addi %mul3A_243, %add3A_244 : i32
        %swap3A_246 = arith.index_cast %add3A_245 : i32 to index
        %swap3A_247 = arith.constant 0 : index
        %swap3A_248 = tpu.vector_load %arg11[%swap3A_246, %swap3A_247] {strides = array<i32>} : memref<1000x16xf32, #tpu.memory_space<vmem>>, vector<1x16xf32>,
        %swap3A_249 = vector.shape_cast %swap3A_248 : vector<1x16xf32> to vector<16xf32>
        %swap3A_250 = vector.shape_cast %mul3A_241 : vector<16xf32> to vector<1x16xf32>
        tpu.vector_store %arg11[%swap3A_246, %swap3A_247], %swap3A_250 {strides = array<i32>} : memref<1000x16xf32, #tpu.memory_space<vmem>>, vector<1x16xf32>,
        %mul3A_251 = arith.constant 16 : i32
        %mul3A_252 = arith.muli %scan3A_58, %mul3A_251 : i32
        %add3A_253 = arith.constant 9 : i32
        %add3A_254 = arith.addi %mul3A_252, %add3A_253 : i32
        %get3A_255 = arith.index_cast %add3A_254 : i32 to index
        %get3A_256 = arith.constant 0 : index
        %get3A_257 = tpu.vector_load %arg11[%get3A_255, %get3A_256] {strides = array<i32>} : memref<1000x16xf32, #tpu.memory_space<vmem>>, vector<1x16xf32>,
        %get3A_258 = vector.shape_cast %get3A_257 : vector<1x16xf32> to vector<16xf32>
        %slice3A_259 = vector.extract_strided_slice %get3A_63 {offsets = [9], sizes = [1], strides = [1]} : vector<16xf32> to vector<1xf32>
        %squeeze3A_260 = vector.extract %slice3A_259[0] : f32 from vector<1xf32>
        %mul3A_261 = vector.broadcast %squeeze3A_260 : f32 to vector<16xf32>
        %mul3A_262 = arith.mulf %get3A_258, %mul3A_261 : vector<16xf32>
        %mul3A_263 = arith.constant 16 : i32
        %mul3A_264 = arith.muli %scan3A_58, %mul3A_263 : i32
        %add3A_265 = arith.constant 9 : i32
        %add3A_266 = arith.addi %mul3A_264, %add3A_265 : i32
        %swap3A_267 = arith.index_cast %add3A_266 : i32 to index
        %swap3A_268 = arith.constant 0 : index
        %swap3A_269 = tpu.vector_load %arg11[%swap3A_267, %swap3A_268] {strides = array<i32>} : memref<1000x16xf32, #tpu.memory_space<vmem>>, vector<1x16xf32>,
        %swap3A_270 = vector.shape_cast %swap3A_269 : vector<1x16xf32> to vector<16xf32>
        %swap3A_271 = vector.shape_cast %mul3A_262 : vector<16xf32> to vector<1x16xf32>
        tpu.vector_store %arg11[%swap3A_267, %swap3A_268], %swap3A_271 {strides = array<i32>} : memref<1000x16xf32, #tpu.memory_space<vmem>>, vector<1x16xf32>,
        %mul3A_272 = arith.constant 16 : i32
        %mul3A_273 = arith.muli %scan3A_58, %mul3A_272 : i32
        %add3A_274 = arith.constant 10 : i32
        %add3A_275 = arith.addi %mul3A_273, %add3A_274 : i32
        %get3A_276 = arith.index_cast %add3A_275 : i32 to index
        %get3A_277 = arith.constant 0 : index
        %get3A_278 = tpu.vector_load %arg11[%get3A_276, %get3A_277] {strides = array<i32>} : memref<1000x16xf32, #tpu.memory_space<vmem>>, vector<1x16xf32>,
        %get3A_279 = vector.shape_cast %get3A_278 : vector<1x16xf32> to vector<16xf32>
        %slice3A_280 = vector.extract_strided_slice %get3A_63 {offsets = [10], sizes = [1], strides = [1]} : vector<16xf32> to vector<1xf32>
        %squeeze3A_281 = vector.extract %slice3A_280[0] : f32 from vector<1xf32>
        %mul3A_282 = vector.broadcast %squeeze3A_281 : f32 to vector<16xf32>
        %mul3A_283 = arith.mulf %get3A_279, %mul3A_282 : vector<16xf32>
        %mul3A_284 = arith.constant 16 : i32
        %mul3A_285 = arith.muli %scan3A_58, %mul3A_284 : i32
        %add3A_286 = arith.constant 10 : i32
        %add3A_287 = arith.addi %mul3A_285, %add3A_286 : i32
        %swap3A_288 = arith.index_cast %add3A_287 : i32 to index
        %swap3A_289 = arith.constant 0 : index
        %swap3A_290 = tpu.vector_load %arg11[%swap3A_288, %swap3A_289] {strides = array<i32>} : memref<1000x16xf32, #tpu.memory_space<vmem>>, vector<1x16xf32>,
        %swap3A_291 = vector.shape_cast %swap3A_290 : vector<1x16xf32> to vector<16xf32>
        %swap3A_292 = vector.shape_cast %mul3A_283 : vector<16xf32> to vector<1x16xf32>
        tpu.vector_store %arg11[%swap3A_288, %swap3A_289], %swap3A_292 {strides = array<i32>} : memref<1000x16xf32, #tpu.memory_space<vmem>>, vector<1x16xf32>,
        %mul3A_293 = arith.constant 16 : i32
        %mul3A_294 = arith.muli %scan3A_58, %mul3A_293 : i32
        %add3A_295 = arith.constant 11 : i32
        %add3A_296 = arith.addi %mul3A_294, %add3A_295 : i32
        %get3A_297 = arith.index_cast %add3A_296 : i32 to index
        %get3A_298 = arith.constant 0 : index
        %get3A_299 = tpu.vector_load %arg11[%get3A_297, %get3A_298] {strides = array<i32>} : memref<1000x16xf32, #tpu.memory_space<vmem>>, vector<1x16xf32>,
        %get3A_300 = vector.shape_cast %get3A_299 : vector<1x16xf32> to vector<16xf32>
        %slice3A_301 = vector.extract_strided_slice %get3A_63 {offsets = [11], sizes = [1], strides = [1]} : vector<16xf32> to vector<1xf32>
        %squeeze3A_302 = vector.extract %slice3A_301[0] : f32 from vector<1xf32>
        %mul3A_303 = vector.broadcast %squeeze3A_302 : f32 to vector<16xf32>
        %mul3A_304 = arith.mulf %get3A_300, %mul3A_303 : vector<16xf32>
        %mul3A_305 = arith.constant 16 : i32
        %mul3A_306 = arith.muli %scan3A_58, %mul3A_305 : i32
        %add3A_307 = arith.constant 11 : i32
        %add3A_308 = arith.addi %mul3A_306, %add3A_307 : i32
        %swap3A_309 = arith.index_cast %add3A_308 : i32 to index
        %swap3A_310 = arith.constant 0 : index
        %swap3A_311 = tpu.vector_load %arg11[%swap3A_309, %swap3A_310] {strides = array<i32>} : memref<1000x16xf32, #tpu.memory_space<vmem>>, vector<1x16xf32>,
        %swap3A_312 = vector.shape_cast %swap3A_311 : vector<1x16xf32> to vector<16xf32>
        %swap3A_313 = vector.shape_cast %mul3A_304 : vector<16xf32> to vector<1x16xf32>
        tpu.vector_store %arg11[%swap3A_309, %swap3A_310], %swap3A_313 {strides = array<i32>} : memref<1000x16xf32, #tpu.memory_space<vmem>>, vector<1x16xf32>,
        %mul3A_314 = arith.constant 16 : i32
        %mul3A_315 = arith.muli %scan3A_58, %mul3A_314 : i32
        %add3A_316 = arith.constant 12 : i32
        %add3A_317 = arith.addi %mul3A_315, %add3A_316 : i32
        %get3A_318 = arith.index_cast %add3A_317 : i32 to index
        %get3A_319 = arith.constant 0 : index
        %get3A_320 = tpu.vector_load %arg11[%get3A_318, %get3A_319] {strides = array<i32>} : memref<1000x16xf32, #tpu.memory_space<vmem>>, vector<1x16xf32>,
        %get3A_321 = vector.shape_cast %get3A_320 : vector<1x16xf32> to vector<16xf32>
        %slice3A_322 = vector.extract_strided_slice %get3A_63 {offsets = [12], sizes = [1], strides = [1]} : vector<16xf32> to vector<1xf32>
        %squeeze3A_323 = vector.extract %slice3A_322[0] : f32 from vector<1xf32>
        %mul3A_324 = vector.broadcast %squeeze3A_323 : f32 to vector<16xf32>
        %mul3A_325 = arith.mulf %get3A_321, %mul3A_324 : vector<16xf32>
        %mul3A_326 = arith.constant 16 : i32
        %mul3A_327 = arith.muli %scan3A_58, %mul3A_326 : i32
        %add3A_328 = arith.constant 12 : i32
        %add3A_329 = arith.addi %mul3A_327, %add3A_328 : i32
        %swap3A_330 = arith.index_cast %add3A_329 : i32 to index
        %swap3A_331 = arith.constant 0 : index
        %swap3A_332 = tpu.vector_load %arg11[%swap3A_330, %swap3A_331] {strides = array<i32>} : memref<1000x16xf32, #tpu.memory_space<vmem>>, vector<1x16xf32>,
        %swap3A_333 = vector.shape_cast %swap3A_332 : vector<1x16xf32> to vector<16xf32>
        %swap3A_334 = vector.shape_cast %mul3A_325 : vector<16xf32> to vector<1x16xf32>
        tpu.vector_store %arg11[%swap3A_330, %swap3A_331], %swap3A_334 {strides = array<i32>} : memref<1000x16xf32, #tpu.memory_space<vmem>>, vector<1x16xf32>,
        %mul3A_335 = arith.constant 16 : i32
        %mul3A_336 = arith.muli %scan3A_58, %mul3A_335 : i32
        %add3A_337 = arith.constant 13 : i32
        %add3A_338 = arith.addi %mul3A_336, %add3A_337 : i32
        %get3A_339 = arith.index_cast %add3A_338 : i32 to index
        %get3A_340 = arith.constant 0 : index
        %get3A_341 = tpu.vector_load %arg11[%get3A_339, %get3A_340] {strides = array<i32>} : memref<1000x16xf32, #tpu.memory_space<vmem>>, vector<1x16xf32>,
        %get3A_342 = vector.shape_cast %get3A_341 : vector<1x16xf32> to vector<16xf32>
        %slice3A_343 = vector.extract_strided_slice %get3A_63 {offsets = [13], sizes = [1], strides = [1]} : vector<16xf32> to vector<1xf32>
        %squeeze3A_344 = vector.extract %slice3A_343[0] : f32 from vector<1xf32>
        %mul3A_345 = vector.broadcast %squeeze3A_344 : f32 to vector<16xf32>
        %mul3A_346 = arith.mulf %get3A_342, %mul3A_345 : vector<16xf32>
        %mul3A_347 = arith.constant 16 : i32
        %mul3A_348 = arith.muli %scan3A_58, %mul3A_347 : i32
        %add3A_349 = arith.constant 13 : i32
        %add3A_350 = arith.addi %mul3A_348, %add3A_349 : i32
        %swap3A_351 = arith.index_cast %add3A_350 : i32 to index
        %swap3A_352 = arith.constant 0 : index
        %swap3A_353 = tpu.vector_load %arg11[%swap3A_351, %swap3A_352] {strides = array<i32>} : memref<1000x16xf32, #tpu.memory_space<vmem>>, vector<1x16xf32>,
        %swap3A_354 = vector.shape_cast %swap3A_353 : vector<1x16xf32> to vector<16xf32>
        %swap3A_355 = vector.shape_cast %mul3A_346 : vector<16xf32> to vector<1x16xf32>
        tpu.vector_store %arg11[%swap3A_351, %swap3A_352], %swap3A_355 {strides = array<i32>} : memref<1000x16xf32, #tpu.memory_space<vmem>>, vector<1x16xf32>,
        %mul3A_356 = arith.constant 16 : i32
        %mul3A_357 = arith.muli %scan3A_58, %mul3A_356 : i32
        %add3A_358 = arith.constant 14 : i32
        %add3A_359 = arith.addi %mul3A_357, %add3A_358 : i32
        %get3A_360 = arith.index_cast %add3A_359 : i32 to index
        %get3A_361 = arith.constant 0 : index
        %get3A_362 = tpu.vector_load %arg11[%get3A_360, %get3A_361] {strides = array<i32>} : memref<1000x16xf32, #tpu.memory_space<vmem>>, vector<1x16xf32>,
        %get3A_363 = vector.shape_cast %get3A_362 : vector<1x16xf32> to vector<16xf32>
        %slice3A_364 = vector.extract_strided_slice %get3A_63 {offsets = [14], sizes = [1], strides = [1]} : vector<16xf32> to vector<1xf32>
        %squeeze3A_365 = vector.extract %slice3A_364[0] : f32 from vector<1xf32>
        %mul3A_366 = vector.broadcast %squeeze3A_365 : f32 to vector<16xf32>
        %mul3A_367 = arith.mulf %get3A_363, %mul3A_366 : vector<16xf32>
        %mul3A_368 = arith.constant 16 : i32
        %mul3A_369 = arith.muli %scan3A_58, %mul3A_368 : i32
        %add3A_370 = arith.constant 14 : i32
        %add3A_371 = arith.addi %mul3A_369, %add3A_370 : i32
        %swap3A_372 = arith.index_cast %add3A_371 : i32 to index
        %swap3A_373 = arith.constant 0 : index
        %swap3A_374 = tpu.vector_load %arg11[%swap3A_372, %swap3A_373] {strides = array<i32>} : memref<1000x16xf32, #tpu.memory_space<vmem>>, vector<1x16xf32>,
        %swap3A_375 = vector.shape_cast %swap3A_374 : vector<1x16xf32> to vector<16xf32>
        %swap3A_376 = vector.shape_cast %mul3A_367 : vector<16xf32> to vector<1x16xf32>
        tpu.vector_store %arg11[%swap3A_372, %swap3A_373], %swap3A_376 {strides = array<i32>} : memref<1000x16xf32, #tpu.memory_space<vmem>>, vector<1x16xf32>,
        %mul3A_377 = arith.constant 16 : i32
        %mul3A_378 = arith.muli %scan3A_58, %mul3A_377 : i32
        %add3A_379 = arith.constant 15 : i32
        %add3A_380 = arith.addi %mul3A_378, %add3A_379 : i32
        %get3A_381 = arith.index_cast %add3A_380 : i32 to index
        %get3A_382 = arith.constant 0 : index
        %get3A_383 = tpu.vector_load %arg11[%get3A_381, %get3A_382] {strides = array<i32>} : memref<1000x16xf32, #tpu.memory_space<vmem>>, vector<1x16xf32>,
        %get3A_384 = vector.shape_cast %get3A_383 : vector<1x16xf32> to vector<16xf32>
        %slice3A_385 = vector.extract_strided_slice %get3A_63 {offsets = [15], sizes = [1], strides = [1]} : vector<16xf32> to vector<1xf32>
        %squeeze3A_386 = vector.extract %slice3A_385[0] : f32 from vector<1xf32>
        %mul3A_387 = vector.broadcast %squeeze3A_386 : f32 to vector<16xf32>
        %mul3A_388 = arith.mulf %get3A_384, %mul3A_387 : vector<16xf32>
        %mul3A_389 = arith.constant 16 : i32
        %mul3A_390 = arith.muli %scan3A_58, %mul3A_389 : i32
        %add3A_391 = arith.constant 15 : i32
        %add3A_392 = arith.addi %mul3A_390, %add3A_391 : i32
        %swap3A_393 = arith.index_cast %add3A_392 : i32 to index
        %swap3A_394 = arith.constant 0 : index
        %swap3A_395 = tpu.vector_load %arg11[%swap3A_393, %swap3A_394] {strides = array<i32>} : memref<1000x16xf32, #tpu.memory_space<vmem>>, vector<1x16xf32>,
        %swap3A_396 = vector.shape_cast %swap3A_395 : vector<1x16xf32> to vector<16xf32>
        %swap3A_397 = vector.shape_cast %mul3A_388 : vector<16xf32> to vector<1x16xf32>
        tpu.vector_store %arg11[%swap3A_393, %swap3A_394], %swap3A_397 {strides = array<i32>} : memref<1000x16xf32, #tpu.memory_space<vmem>>, vector<1x16xf32>,
        %scan3A_398 = arith.constant 0 : i32
        scf.yield %scan3A_398 : i32
      }
      %scan3A_57 = arith.constant 35 : i32
      "tpu.region"() ({
        %run_scoped3A = tpu.sem_alloc : memref<!tpu.dma_semaphore, #tpu.memory_space<semaphore_mem>>
        %dma_start3A = arith.constant 0 : i32
        %dma_start3A_58 = arith.constant 0 : i32
        %dma_start3A_59 = tpu.memref_slice %arg11[%dma_start3A, %dma_start3A_58] : memref<1000x16xf32, #tpu.memory_space<vmem>> -> memref<560x16xf32, #tpu.memory_space<vmem>>
        %dma_start3A_60 = arith.constant 0 : i32
        %dma_start3A_61 = tpu.memref_slice %arg8[%arg0, %multiple_of3A_43, %dma_start3A_60] : memref<2x100000x16xf32, #tpu.memory_space<hbm>> -> memref<1x560x16xf32, #tpu.memory_space<hbm>>
        %dma_start3A_62 = tpu.memref_squeeze %dma_start3A_61 : memref<1x560x16xf32, #tpu.memory_space<hbm>> -> memref<560x16xf32, #tpu.memory_space<hbm>>
        %dma_start3A_63 = arith.constant 0 : i32
        %dma_start3A_64 = tpu.memref_slice %arg8[%arg0, %multiple_of3A_43, %dma_start3A_63] : memref<2x100000x16xf32, #tpu.memory_space<hbm>> -> memref<1x560x16xf32, #tpu.memory_space<hbm>>
        %dma_start3A_65 = tpu.memref_squeeze %dma_start3A_64 : memref<1x560x16xf32, #tpu.memory_space<hbm>> -> memref<560x16xf32, #tpu.memory_space<hbm>>
        %dma_start3A_66 = arith.constant 0 : i32
        %dma_start3A_67 = arith.constant 0 : i32
        %dma_start3A_68 = tpu.memref_slice %arg11[%dma_start3A_66, %dma_start3A_67] : memref<1000x16xf32, #tpu.memory_space<vmem>> -> memref<560x16xf32, #tpu.memory_space<vmem>>
        tpu.enqueue_dma source(%dma_start3A_68 : memref<560x16xf32, #tpu.memory_space<vmem>>) target(%dma_start3A_65 : memref<560x16xf32, #tpu.memory_space<hbm>>) target_semaphore(%run_scoped3A : memref<!tpu.dma_semaphore, #tpu.memory_space<semaphore_mem>>)
        %dma_wait3A = arith.constant 0 : i32
        %dma_wait3A_69 = arith.constant 0 : i32
        %dma_wait3A_70 = tpu.memref_slice %arg11[%dma_wait3A, %dma_wait3A_69] : memref<1000x16xf32, #tpu.memory_space<vmem>> -> memref<560x16xf32, #tpu.memory_space<vmem>>
        %dma_wait3A_71 = arith.constant 0 : i32
        %dma_wait3A_72 = tpu.memref_slice %arg8[%arg0, %multiple_of3A_43, %dma_wait3A_71] : memref<2x100000x16xf32, #tpu.memory_space<hbm>> -> memref<1x560x16xf32, #tpu.memory_space<hbm>>
        %dma_wait3A_73 = tpu.memref_squeeze %dma_wait3A_72 : memref<1x560x16xf32, #tpu.memory_space<hbm>> -> memref<560x16xf32, #tpu.memory_space<hbm>>
        %dma_wait3A_74 = arith.constant 0 : i32
        %dma_wait3A_75 = tpu.memref_slice %arg8[%arg0, %multiple_of3A_43, %dma_wait3A_74] : memref<2x100000x16xf32, #tpu.memory_space<hbm>> -> memref<1x560x16xf32, #tpu.memory_space<hbm>>
        %dma_wait3A_76 = tpu.memref_squeeze %dma_wait3A_75 : memref<1x560x16xf32, #tpu.memory_space<hbm>> -> memref<560x16xf32, #tpu.memory_space<hbm>>
        %dma_wait3A_77 = arith.constant 0 : i32
        %dma_wait3A_78 = arith.constant 0 : i32
        %dma_wait3A_79 = tpu.memref_slice %arg11[%dma_wait3A_77, %dma_wait3A_78] : memref<1000x16xf32, #tpu.memory_space<vmem>> -> memref<560x16xf32, #tpu.memory_space<vmem>>
        tpu.wait_dma2 semaphore(%run_scoped3A : memref<!tpu.dma_semaphore, #tpu.memory_space<semaphore_mem>>) src(%dma_wait3A_79 : memref<560x16xf32, #tpu.memory_space<vmem>>) dst(%dma_wait3A_76 : memref<560x16xf32, #tpu.memory_space<hbm>>)
        tpu.yield
      }) : () -> ()
    } else {
    }
    return
  }
}

#map = affine_map<(d0, d1) -> (0, 0)>
#map1 = affine_map<(d0, d1) -> (0)>
#map2 = affine_map<(d0, d1) -> (0, 0, 0)>
module attributes {stable_mosaic.version = 14 : i64} {
  func.func @_scatter1_body(%arg0: i32, %arg1: i32, %arg2: memref<100000x16xf32, #tpu.memory_space<hbm>>, %arg3: memref<1600000xi32, #tpu.memory_space<hbm>>, %arg4: memref<1600000xi32, #tpu.memory_space<hbm>>, %arg5: memref<100000x16xf32, #tpu.memory_space<hbm>>, %arg6: memref<100000xf32, #tpu.memory_space<hbm>>, %arg7: memref<2x100000x16xf32, #tpu.memory_space<hbm>>, %arg8: memref<1000xi32, #tpu.memory_space<vmem>>, %arg9: memref<1000xi32, #tpu.memory_space<vmem>>, %arg10: memref<1000x16xf32, #tpu.memory_space<vmem>>, %arg11: memref<1000xf32, #tpu.memory_space<vmem>>, %arg12: memref<1000xf32, #tpu.memory_space<vmem>>, %arg13: memref<100000x16xf32, #tpu.memory_space<vmem_shared>>, %arg14: memref<100000xf32, #tpu.memory_space<vmem_shared>>, %arg15: memref<!tpu.dma_semaphore, #tpu.memory_space<semaphore_mem>>) attributes {dimension_semantics = [#tpu.dimension_semantics<core_parallel>, #tpu.dimension_semantics<subcore_parallel>], iteration_bounds = array<i64: 2, 16>, scalar_prefetch = 0 : i64, scratch_operands = 8 : i64, tpu.core_type = #tpu.core_type<sc_vector_subcore>, window_params = [{transform_indices = #map}, {transform_indices = #map1}, {transform_indices = #map1}, {transform_indices = #map}, {transform_indices = #map1}, {transform_indices = #map2}]} {
    %broadcast_in_dim3A = arith.constant 1.000000e+00 : f32
    %broadcast_in_dim3A_0 = vector.broadcast %broadcast_in_dim3A : f32 to vector<16xf32>
    %scan3A = arith.constant 0 : i32
    %scan3A_1 = arith.constant 0 : i32
    %scan3A_2 = arith.constant 62 : i32
    %scan3A_3 = arith.addi %scan3A_1, %scan3A_2 : i32
    %scan3A_4 = arith.constant 1 : i32
    %scan3A_5 = scf.for %scan3A_52 = %scan3A_1 to %scan3A_3 step %scan3A_4 iter_args(%scan3A_53 = %scan3A) -> (i32)  : i32 {
      %mul3A_54 = arith.constant 16 : i32
      %mul3A_55 = arith.muli %scan3A_52, %mul3A_54 : i32
      %swap3A_56 = arith.index_cast %mul3A_55 : i32 to index
      %swap3A_57 = tpu.vector_load %arg11[%swap3A_56] {strides = array<i32>} : memref<1000xf32, #tpu.memory_space<vmem>>, vector<16xf32>,
      %swap3A_58 = vector.shape_cast %swap3A_57 : vector<16xf32> to vector<16xf32>
      %swap3A_59 = vector.shape_cast %broadcast_in_dim3A_0 : vector<16xf32> to vector<16xf32>
      tpu.vector_store %arg11[%swap3A_56], %swap3A_59 {strides = array<i32>} : memref<1000xf32, #tpu.memory_space<vmem>>, vector<16xf32>,
      %scan3A_60 = arith.constant 0 : i32
      scf.yield %scan3A_60 : i32
    }
    %scan3A_6 = arith.constant 62 : i32
    %swap3A = arith.constant 984 : index
    %swap3A_7 = tpu.vector_load %arg11[%swap3A] {strides = array<i32>} : memref<1000xf32, #tpu.memory_space<vmem>>, vector<16xf32>,
    %swap3A_8 = vector.shape_cast %swap3A_7 : vector<16xf32> to vector<16xf32>
    %swap3A_9 = vector.shape_cast %broadcast_in_dim3A_0 : vector<16xf32> to vector<16xf32>
    tpu.vector_store %arg11[%swap3A], %swap3A_9 {strides = array<i32>} : memref<1000xf32, #tpu.memory_space<vmem>>, vector<16xf32>,
    %eq3A = arith.constant 0 : i32
    %eq3A_10 = arith.cmpi eq, %arg1, %eq3A : i32
    %convert_element_type3A = arith.extui %eq3A_10 : i1 to i32
    %cond3A = arith.constant 0 : i32
    %cond3A_11 = arith.cmpi ne, %convert_element_type3A, %cond3A : i32
    scf.if %cond3A_11 {
      "tpu.region"() ({
        %run_scoped3A = tpu.sem_alloc : memref<!tpu.dma_semaphore, #tpu.memory_space<semaphore_mem>>
        tpu.enqueue_dma source(%arg5 : memref<100000x16xf32, #tpu.memory_space<hbm>>) target(%arg13 : memref<100000x16xf32, #tpu.memory_space<vmem_shared>>) target_semaphore(%run_scoped3A : memref<!tpu.dma_semaphore, #tpu.memory_space<semaphore_mem>>)
        tpu.wait_dma2 semaphore(%run_scoped3A : memref<!tpu.dma_semaphore, #tpu.memory_space<semaphore_mem>>) src(%arg5 : memref<100000x16xf32, #tpu.memory_space<hbm>>) dst(%arg13 : memref<100000x16xf32, #tpu.memory_space<vmem_shared>>)
        tpu.yield
      }) : () -> ()
      "tpu.region"() ({
        %run_scoped3A = tpu.sem_alloc : memref<!tpu.dma_semaphore, #tpu.memory_space<semaphore_mem>>
        tpu.enqueue_dma source(%arg6 : memref<100000xf32, #tpu.memory_space<hbm>>) target(%arg14 : memref<100000xf32, #tpu.memory_space<vmem_shared>>) target_semaphore(%run_scoped3A : memref<!tpu.dma_semaphore, #tpu.memory_space<semaphore_mem>>)
        tpu.wait_dma2 semaphore(%run_scoped3A : memref<!tpu.dma_semaphore, #tpu.memory_space<semaphore_mem>>) src(%arg6 : memref<100000xf32, #tpu.memory_space<hbm>>) dst(%arg14 : memref<100000xf32, #tpu.memory_space<vmem_shared>>)
        tpu.yield
      }) : () -> ()
    } else {
    }
    %barrier3A = arith.constant 0 : index
    tpu.barrier barrier_id(%barrier3A)
    %mul3A = arith.constant 100000 : i32
    %mul3A_12 = arith.muli %arg1, %mul3A : i32
    %mul3A_13 = arith.constant 50000 : i32
    %mul3A_14 = arith.muli %arg0, %mul3A_13 : i32
    %add3A = arith.addi %mul3A_12, %mul3A_14 : i32
    %scan3A_15 = arith.constant 0 : i32
    %scan3A_16 = arith.constant 0 : i32
    %scan3A_17 = arith.constant 50 : i32
    %scan3A_18 = arith.addi %scan3A_16, %scan3A_17 : i32
    %scan3A_19 = arith.constant 1 : i32
    %scan3A_20 = scf.for %scan3A_52 = %scan3A_16 to %scan3A_18 step %scan3A_19 iter_args(%scan3A_53 = %scan3A_15) -> (i32)  : i32 {
      %mul3A_54 = arith.constant 1000 : i32
      %mul3A_55 = arith.muli %scan3A_52, %mul3A_54 : i32
      %add3A_56 = arith.addi %add3A, %mul3A_55 : i32
      %multiple_of3A_57 = tpu.assume_multiple %add3A_56, 8 : i32
      "tpu.region"() ({
        %run_scoped3A = tpu.sem_alloc : memref<!tpu.dma_semaphore, #tpu.memory_space<semaphore_mem>>
        %dma_start3A_63 = tpu.memref_slice %arg3[%multiple_of3A_57] : memref<1600000xi32, #tpu.memory_space<hbm>> -> memref<1000xi32, #tpu.memory_space<hbm>>
        %dma_start3A_64 = tpu.memref_slice %arg3[%multiple_of3A_57] : memref<1600000xi32, #tpu.memory_space<hbm>> -> memref<1000xi32, #tpu.memory_space<hbm>>
        tpu.enqueue_dma source(%dma_start3A_64 : memref<1000xi32, #tpu.memory_space<hbm>>) target(%arg8 : memref<1000xi32, #tpu.memory_space<vmem>>) target_semaphore(%run_scoped3A : memref<!tpu.dma_semaphore, #tpu.memory_space<semaphore_mem>>)
        %dma_wait3A_65 = tpu.memref_slice %arg3[%multiple_of3A_57] : memref<1600000xi32, #tpu.memory_space<hbm>> -> memref<1000xi32, #tpu.memory_space<hbm>>
        %dma_wait3A_66 = tpu.memref_slice %arg3[%multiple_of3A_57] : memref<1600000xi32, #tpu.memory_space<hbm>> -> memref<1000xi32, #tpu.memory_space<hbm>>
        tpu.wait_dma2 semaphore(%run_scoped3A : memref<!tpu.dma_semaphore, #tpu.memory_space<semaphore_mem>>) src(%dma_wait3A_66 : memref<1000xi32, #tpu.memory_space<hbm>>) dst(%arg8 : memref<1000xi32, #tpu.memory_space<vmem>>)
        tpu.yield
      }) : () -> ()
      "tpu.region"() ({
        %run_scoped3A = tpu.sem_alloc : memref<!tpu.dma_semaphore, #tpu.memory_space<semaphore_mem>>
        %dma_start3A_63 = tpu.memref_slice %arg4[%multiple_of3A_57] : memref<1600000xi32, #tpu.memory_space<hbm>> -> memref<1000xi32, #tpu.memory_space<hbm>>
        %dma_start3A_64 = tpu.memref_slice %arg4[%multiple_of3A_57] : memref<1600000xi32, #tpu.memory_space<hbm>> -> memref<1000xi32, #tpu.memory_space<hbm>>
        tpu.enqueue_dma source(%dma_start3A_64 : memref<1000xi32, #tpu.memory_space<hbm>>) target(%arg9 : memref<1000xi32, #tpu.memory_space<vmem>>) target_semaphore(%run_scoped3A : memref<!tpu.dma_semaphore, #tpu.memory_space<semaphore_mem>>)
        %dma_wait3A_65 = tpu.memref_slice %arg4[%multiple_of3A_57] : memref<1600000xi32, #tpu.memory_space<hbm>> -> memref<1000xi32, #tpu.memory_space<hbm>>
        %dma_wait3A_66 = tpu.memref_slice %arg4[%multiple_of3A_57] : memref<1600000xi32, #tpu.memory_space<hbm>> -> memref<1000xi32, #tpu.memory_space<hbm>>
        tpu.wait_dma2 semaphore(%run_scoped3A : memref<!tpu.dma_semaphore, #tpu.memory_space<semaphore_mem>>) src(%dma_wait3A_66 : memref<1000xi32, #tpu.memory_space<hbm>>) dst(%arg9 : memref<1000xi32, #tpu.memory_space<vmem>>)
        tpu.yield
      }) : () -> ()
      %dma_start3A = arith.constant 0 : i32
      %dma_start3A_58 = arith.constant 0 : i32
      %dma_start3A_59 = tpu.memref_slice %arg2[%dma_start3A, %dma_start3A_58] : memref<100000x16xf32, #tpu.memory_space<hbm>> -> memref<100000x16xf32, #tpu.memory_space<hbm>>
      tpu.enqueue_indirect_dma source(%dma_start3A_59 : memref<100000x16xf32, #tpu.memory_space<hbm>>) target(%arg10 : memref<1000x16xf32, #tpu.memory_space<vmem>>) offsets(%arg8 : memref<1000xi32, #tpu.memory_space<vmem>>) semaphore(%arg15 : memref<!tpu.dma_semaphore, #tpu.memory_space<semaphore_mem>>)
      %dma_wait3A = arith.constant 0 : i32
      %dma_wait3A_60 = arith.constant 0 : i32
      %dma_wait3A_61 = tpu.memref_slice %arg2[%dma_wait3A, %dma_wait3A_60] : memref<100000x16xf32, #tpu.memory_space<hbm>> -> memref<100000x16xf32, #tpu.memory_space<hbm>>
      tpu.wait_indirect_dma semaphore(%arg15 : memref<!tpu.dma_semaphore, #tpu.memory_space<semaphore_mem>>) src(%dma_wait3A_61 : memref<100000x16xf32, #tpu.memory_space<hbm>>) dst(%arg10 : memref<1000x16xf32, #tpu.memory_space<vmem>>)
      "tpu.region"() ({
        %run_scoped3A = tpu.sem_alloc : memref<!tpu.dma_semaphore, #tpu.memory_space<semaphore_mem>>
        %dma_start3A_63 = arith.constant 0 : i32
        %dma_start3A_64 = arith.constant 0 : i32
        %dma_start3A_65 = tpu.memref_slice %arg13[%dma_start3A_63, %dma_start3A_64] : memref<100000x16xf32, #tpu.memory_space<vmem_shared>> -> memref<100000x16xf32, #tpu.memory_space<vmem_shared>>
        tpu.enqueue_indirect_dma source(%arg10 : memref<1000x16xf32, #tpu.memory_space<vmem>>) target(%dma_start3A_65 : memref<100000x16xf32, #tpu.memory_space<vmem_shared>>) offsets(%arg9 : memref<1000xi32, #tpu.memory_space<vmem>>) semaphore(%run_scoped3A : memref<!tpu.dma_semaphore, #tpu.memory_space<semaphore_mem>>) {add = true}
        %dma_wait3A_66 = arith.constant 0 : i32
        %dma_wait3A_67 = arith.constant 0 : i32
        %dma_wait3A_68 = tpu.memref_slice %arg13[%dma_wait3A_66, %dma_wait3A_67] : memref<100000x16xf32, #tpu.memory_space<vmem_shared>> -> memref<100000x16xf32, #tpu.memory_space<vmem_shared>>
        tpu.wait_indirect_dma semaphore(%run_scoped3A : memref<!tpu.dma_semaphore, #tpu.memory_space<semaphore_mem>>) src(%arg10 : memref<1000x16xf32, #tpu.memory_space<vmem>>) dst(%dma_wait3A_68 : memref<100000x16xf32, #tpu.memory_space<vmem_shared>>)
        tpu.yield
      }) : () -> ()
      "tpu.region"() ({
        %run_scoped3A = tpu.sem_alloc : memref<!tpu.dma_semaphore, #tpu.memory_space<semaphore_mem>>
        %dma_start3A_63 = arith.constant 0 : i32
        %dma_start3A_64 = tpu.memref_slice %arg14[%dma_start3A_63] : memref<100000xf32, #tpu.memory_space<vmem_shared>> -> memref<100000xf32, #tpu.memory_space<vmem_shared>>
        tpu.enqueue_indirect_dma source(%arg11 : memref<1000xf32, #tpu.memory_space<vmem>>) target(%dma_start3A_64 : memref<100000xf32, #tpu.memory_space<vmem_shared>>) offsets(%arg9 : memref<1000xi32, #tpu.memory_space<vmem>>) semaphore(%run_scoped3A : memref<!tpu.dma_semaphore, #tpu.memory_space<semaphore_mem>>) {add = true}
        %dma_wait3A_65 = arith.constant 0 : i32
        %dma_wait3A_66 = tpu.memref_slice %arg14[%dma_wait3A_65] : memref<100000xf32, #tpu.memory_space<vmem_shared>> -> memref<100000xf32, #tpu.memory_space<vmem_shared>>
        tpu.wait_indirect_dma semaphore(%run_scoped3A : memref<!tpu.dma_semaphore, #tpu.memory_space<semaphore_mem>>) src(%arg11 : memref<1000xf32, #tpu.memory_space<vmem>>) dst(%dma_wait3A_66 : memref<100000xf32, #tpu.memory_space<vmem_shared>>)
        tpu.yield
      }) : () -> ()
      %scan3A_62 = arith.constant 0 : i32
      scf.yield %scan3A_62 : i32
    }
    %scan3A_21 = arith.constant 50 : i32
    %sub3A = arith.constant 1 : i32
    %sub3A_22 = arith.subi %sub3A, %arg0 : i32
    %mul3A_23 = arith.constant 50000 : i32
    %mul3A_24 = arith.muli %sub3A_22, %mul3A_23 : i32
    %add3A_25 = arith.addi %mul3A_12, %mul3A_24 : i32
    %scan3A_26 = arith.constant 0 : i32
    %scan3A_27 = arith.constant 0 : i32
    %scan3A_28 = arith.constant 50 : i32
    %scan3A_29 = arith.addi %scan3A_27, %scan3A_28 : i32
    %scan3A_30 = arith.constant 1 : i32
    %scan3A_31 = scf.for %scan3A_52 = %scan3A_27 to %scan3A_29 step %scan3A_30 iter_args(%scan3A_53 = %scan3A_26) -> (i32)  : i32 {
      %mul3A_54 = arith.constant 1000 : i32
      %mul3A_55 = arith.muli %scan3A_52, %mul3A_54 : i32
      %add3A_56 = arith.addi %add3A_25, %mul3A_55 : i32
      %multiple_of3A_57 = tpu.assume_multiple %add3A_56, 8 : i32
      "tpu.region"() ({
        %run_scoped3A = tpu.sem_alloc : memref<!tpu.dma_semaphore, #tpu.memory_space<semaphore_mem>>
        %dma_start3A = tpu.memref_slice %arg4[%multiple_of3A_57] : memref<1600000xi32, #tpu.memory_space<hbm>> -> memref<1000xi32, #tpu.memory_space<hbm>>
        %dma_start3A_59 = tpu.memref_slice %arg4[%multiple_of3A_57] : memref<1600000xi32, #tpu.memory_space<hbm>> -> memref<1000xi32, #tpu.memory_space<hbm>>
        tpu.enqueue_dma source(%dma_start3A_59 : memref<1000xi32, #tpu.memory_space<hbm>>) target(%arg9 : memref<1000xi32, #tpu.memory_space<vmem>>) target_semaphore(%run_scoped3A : memref<!tpu.dma_semaphore, #tpu.memory_space<semaphore_mem>>)
        %dma_wait3A = tpu.memref_slice %arg4[%multiple_of3A_57] : memref<1600000xi32, #tpu.memory_space<hbm>> -> memref<1000xi32, #tpu.memory_space<hbm>>
        %dma_wait3A_60 = tpu.memref_slice %arg4[%multiple_of3A_57] : memref<1600000xi32, #tpu.memory_space<hbm>> -> memref<1000xi32, #tpu.memory_space<hbm>>
        tpu.wait_dma2 semaphore(%run_scoped3A : memref<!tpu.dma_semaphore, #tpu.memory_space<semaphore_mem>>) src(%dma_wait3A_60 : memref<1000xi32, #tpu.memory_space<hbm>>) dst(%arg9 : memref<1000xi32, #tpu.memory_space<vmem>>)
        tpu.yield
      }) : () -> ()
      "tpu.region"() ({
        %run_scoped3A = tpu.sem_alloc : memref<!tpu.dma_semaphore, #tpu.memory_space<semaphore_mem>>
        %dma_start3A = arith.constant 0 : i32
        %dma_start3A_59 = tpu.memref_slice %arg14[%dma_start3A] : memref<100000xf32, #tpu.memory_space<vmem_shared>> -> memref<100000xf32, #tpu.memory_space<vmem_shared>>
        tpu.enqueue_indirect_dma source(%arg11 : memref<1000xf32, #tpu.memory_space<vmem>>) target(%dma_start3A_59 : memref<100000xf32, #tpu.memory_space<vmem_shared>>) offsets(%arg9 : memref<1000xi32, #tpu.memory_space<vmem>>) semaphore(%run_scoped3A : memref<!tpu.dma_semaphore, #tpu.memory_space<semaphore_mem>>) {add = true}
        %dma_wait3A = arith.constant 0 : i32
        %dma_wait3A_60 = tpu.memref_slice %arg14[%dma_wait3A] : memref<100000xf32, #tpu.memory_space<vmem_shared>> -> memref<100000xf32, #tpu.memory_space<vmem_shared>>
        tpu.wait_indirect_dma semaphore(%run_scoped3A : memref<!tpu.dma_semaphore, #tpu.memory_space<semaphore_mem>>) src(%arg11 : memref<1000xf32, #tpu.memory_space<vmem>>) dst(%dma_wait3A_60 : memref<100000xf32, #tpu.memory_space<vmem_shared>>)
        tpu.yield
      }) : () -> ()
      %scan3A_58 = arith.constant 0 : i32
      scf.yield %scan3A_58 : i32
    }
    %scan3A_32 = arith.constant 50 : i32
    %barrier3A_33 = arith.constant 0 : index
    tpu.barrier barrier_id(%barrier3A_33)
    %mul3A_34 = arith.constant 6256 : i32
    %mul3A_35 = arith.muli %arg1, %mul3A_34 : i32
    %multiple_of3A = tpu.assume_multiple %mul3A_35, 8 : i32
    %scan3A_36 = arith.constant 0 : i32
    %scan3A_37 = arith.constant 0 : i32
    %scan3A_38 = arith.constant 7 : i32
    %scan3A_39 = arith.addi %scan3A_37, %scan3A_38 : i32
    %scan3A_40 = arith.constant 1 : i32
    %scan3A_41 = scf.for %scan3A_52 = %scan3A_37 to %scan3A_39 step %scan3A_40 iter_args(%scan3A_53 = %scan3A_36) -> (i32)  : i32 {
      %mul3A_54 = arith.constant 800 : i32
      %mul3A_55 = arith.muli %scan3A_52, %mul3A_54 : i32
      %add3A_56 = arith.addi %multiple_of3A, %mul3A_55 : i32
      %multiple_of3A_57 = tpu.assume_multiple %add3A_56, 8 : i32
      "tpu.region"() ({
        %run_scoped3A = tpu.sem_alloc : memref<!tpu.dma_semaphore, #tpu.memory_space<semaphore_mem>>
        %dma_start3A = arith.constant 0 : i32
        %dma_start3A_73 = arith.constant 0 : i32
        %dma_start3A_74 = tpu.memref_slice %arg10[%dma_start3A, %dma_start3A_73] : memref<1000x16xf32, #tpu.memory_space<vmem>> -> memref<800x16xf32, #tpu.memory_space<vmem>>
        %dma_start3A_75 = arith.constant 0 : i32
        %dma_start3A_76 = tpu.memref_slice %arg13[%multiple_of3A_57, %dma_start3A_75] : memref<100000x16xf32, #tpu.memory_space<vmem_shared>> -> memref<800x16xf32, #tpu.memory_space<vmem_shared>>
        %dma_start3A_77 = arith.constant 0 : i32
        %dma_start3A_78 = arith.constant 0 : i32
        %dma_start3A_79 = tpu.memref_slice %arg10[%dma_start3A_77, %dma_start3A_78] : memref<1000x16xf32, #tpu.memory_space<vmem>> -> memref<800x16xf32, #tpu.memory_space<vmem>>
        %dma_start3A_80 = arith.constant 0 : i32
        %dma_start3A_81 = tpu.memref_slice %arg13[%multiple_of3A_57, %dma_start3A_80] : memref<100000x16xf32, #tpu.memory_space<vmem_shared>> -> memref<800x16xf32, #tpu.memory_space<vmem_shared>>
        tpu.enqueue_dma source(%dma_start3A_81 : memref<800x16xf32, #tpu.memory_space<vmem_shared>>) target(%dma_start3A_79 : memref<800x16xf32, #tpu.memory_space<vmem>>) target_semaphore(%run_scoped3A : memref<!tpu.dma_semaphore, #tpu.memory_space<semaphore_mem>>)
        %dma_wait3A = arith.constant 0 : i32
        %dma_wait3A_82 = arith.constant 0 : i32
        %dma_wait3A_83 = tpu.memref_slice %arg10[%dma_wait3A, %dma_wait3A_82] : memref<1000x16xf32, #tpu.memory_space<vmem>> -> memref<800x16xf32, #tpu.memory_space<vmem>>
        %dma_wait3A_84 = arith.constant 0 : i32
        %dma_wait3A_85 = tpu.memref_slice %arg13[%multiple_of3A_57, %dma_wait3A_84] : memref<100000x16xf32, #tpu.memory_space<vmem_shared>> -> memref<800x16xf32, #tpu.memory_space<vmem_shared>>
        %dma_wait3A_86 = arith.constant 0 : i32
        %dma_wait3A_87 = arith.constant 0 : i32
        %dma_wait3A_88 = tpu.memref_slice %arg10[%dma_wait3A_86, %dma_wait3A_87] : memref<1000x16xf32, #tpu.memory_space<vmem>> -> memref<800x16xf32, #tpu.memory_space<vmem>>
        %dma_wait3A_89 = arith.constant 0 : i32
        %dma_wait3A_90 = tpu.memref_slice %arg13[%multiple_of3A_57, %dma_wait3A_89] : memref<100000x16xf32, #tpu.memory_space<vmem_shared>> -> memref<800x16xf32, #tpu.memory_space<vmem_shared>>
        tpu.wait_dma2 semaphore(%run_scoped3A : memref<!tpu.dma_semaphore, #tpu.memory_space<semaphore_mem>>) src(%dma_wait3A_90 : memref<800x16xf32, #tpu.memory_space<vmem_shared>>) dst(%dma_wait3A_88 : memref<800x16xf32, #tpu.memory_space<vmem>>)
        tpu.yield
      }) : () -> ()
      "tpu.region"() ({
        %run_scoped3A = tpu.sem_alloc : memref<!tpu.dma_semaphore, #tpu.memory_space<semaphore_mem>>
        %dma_start3A = arith.constant 0 : i32
        %dma_start3A_73 = tpu.memref_slice %arg12[%dma_start3A] : memref<1000xf32, #tpu.memory_space<vmem>> -> memref<800xf32, #tpu.memory_space<vmem>>
        %dma_start3A_74 = tpu.memref_slice %arg14[%multiple_of3A_57] : memref<100000xf32, #tpu.memory_space<vmem_shared>> -> memref<800xf32, #tpu.memory_space<vmem_shared>>
        %dma_start3A_75 = arith.constant 0 : i32
        %dma_start3A_76 = tpu.memref_slice %arg12[%dma_start3A_75] : memref<1000xf32, #tpu.memory_space<vmem>> -> memref<800xf32, #tpu.memory_space<vmem>>
        %dma_start3A_77 = tpu.memref_slice %arg14[%multiple_of3A_57] : memref<100000xf32, #tpu.memory_space<vmem_shared>> -> memref<800xf32, #tpu.memory_space<vmem_shared>>
        tpu.enqueue_dma source(%dma_start3A_77 : memref<800xf32, #tpu.memory_space<vmem_shared>>) target(%dma_start3A_76 : memref<800xf32, #tpu.memory_space<vmem>>) target_semaphore(%run_scoped3A : memref<!tpu.dma_semaphore, #tpu.memory_space<semaphore_mem>>)
        %dma_wait3A = arith.constant 0 : i32
        %dma_wait3A_78 = tpu.memref_slice %arg12[%dma_wait3A] : memref<1000xf32, #tpu.memory_space<vmem>> -> memref<800xf32, #tpu.memory_space<vmem>>
        %dma_wait3A_79 = tpu.memref_slice %arg14[%multiple_of3A_57] : memref<100000xf32, #tpu.memory_space<vmem_shared>> -> memref<800xf32, #tpu.memory_space<vmem_shared>>
        %dma_wait3A_80 = arith.constant 0 : i32
        %dma_wait3A_81 = tpu.memref_slice %arg12[%dma_wait3A_80] : memref<1000xf32, #tpu.memory_space<vmem>> -> memref<800xf32, #tpu.memory_space<vmem>>
        %dma_wait3A_82 = tpu.memref_slice %arg14[%multiple_of3A_57] : memref<100000xf32, #tpu.memory_space<vmem_shared>> -> memref<800xf32, #tpu.memory_space<vmem_shared>>
        tpu.wait_dma2 semaphore(%run_scoped3A : memref<!tpu.dma_semaphore, #tpu.memory_space<semaphore_mem>>) src(%dma_wait3A_82 : memref<800xf32, #tpu.memory_space<vmem_shared>>) dst(%dma_wait3A_81 : memref<800xf32, #tpu.memory_space<vmem>>)
        tpu.yield
      }) : () -> ()
      %scan3A_58 = arith.constant 0 : i32
      %scan3A_59 = arith.constant 0 : i32
      %scan3A_60 = arith.constant 50 : i32
      %scan3A_61 = arith.addi %scan3A_59, %scan3A_60 : i32
      %scan3A_62 = arith.constant 1 : i32
      %scan3A_63 = scf.for %scan3A_73 = %scan3A_59 to %scan3A_61 step %scan3A_62 iter_args(%scan3A_74 = %scan3A_58) -> (i32)  : i32 {
        %mul3A_75 = arith.constant 16 : i32
        %mul3A_76 = arith.muli %scan3A_73, %mul3A_75 : i32
        %get3A = arith.index_cast %mul3A_76 : i32 to index
        %get3A_77 = tpu.vector_load %arg12[%get3A] {strides = array<i32>} : memref<1000xf32, #tpu.memory_space<vmem>>, vector<16xf32>,
        %get3A_78 = vector.shape_cast %get3A_77 : vector<16xf32> to vector<16xf32>
        %max3A = arith.constant 1.000000e+00 : f32
        %max3A_79 = vector.broadcast %max3A : f32 to vector<16xf32>
        %max3A_80 = arith.maximumf %get3A_78, %max3A_79 : vector<16xf32>
        %div3A = arith.constant 1.000000e+00 : f32
        %div3A_81 = vector.broadcast %div3A : f32 to vector<16xf32>
        %div3A_82 = arith.divf %div3A_81, %max3A_80 : vector<16xf32>
        %mul3A_83 = arith.constant 16 : i32
        %mul3A_84 = arith.muli %scan3A_73, %mul3A_83 : i32
        %swap3A_85 = arith.index_cast %mul3A_84 : i32 to index
        %swap3A_86 = tpu.vector_load %arg11[%swap3A_85] {strides = array<i32>} : memref<1000xf32, #tpu.memory_space<vmem>>, vector<16xf32>,
        %swap3A_87 = vector.shape_cast %swap3A_86 : vector<16xf32> to vector<16xf32>
        %swap3A_88 = vector.shape_cast %div3A_82 : vector<16xf32> to vector<16xf32>
        tpu.vector_store %arg11[%swap3A_85], %swap3A_88 {strides = array<i32>} : memref<1000xf32, #tpu.memory_space<vmem>>, vector<16xf32>,
        %scan3A_89 = arith.constant 0 : i32
        scf.yield %scan3A_89 : i32
      }
      %scan3A_64 = arith.constant 50 : i32
      %scan3A_65 = arith.constant 0 : i32
      %scan3A_66 = arith.constant 0 : i32
      %scan3A_67 = arith.constant 50 : i32
      %scan3A_68 = arith.addi %scan3A_66, %scan3A_67 : i32
      %scan3A_69 = arith.constant 1 : i32
      %scan3A_70 = scf.for %scan3A_73 = %scan3A_66 to %scan3A_68 step %scan3A_69 iter_args(%scan3A_74 = %scan3A_65) -> (i32)  : i32 {
        %mul3A_75 = arith.constant 16 : i32
        %mul3A_76 = arith.muli %scan3A_73, %mul3A_75 : i32
        %get3A = arith.index_cast %mul3A_76 : i32 to index
        %get3A_77 = tpu.vector_load %arg11[%get3A] {strides = array<i32>} : memref<1000xf32, #tpu.memory_space<vmem>>, vector<16xf32>,
        %get3A_78 = vector.shape_cast %get3A_77 : vector<16xf32> to vector<16xf32>
        %mul3A_79 = arith.constant 16 : i32
        %mul3A_80 = arith.muli %scan3A_73, %mul3A_79 : i32
        %add3A_81 = arith.constant 0 : i32
        %add3A_82 = arith.addi %mul3A_80, %add3A_81 : i32
        %get3A_83 = arith.index_cast %add3A_82 : i32 to index
        %get3A_84 = arith.constant 0 : index
        %get3A_85 = tpu.vector_load %arg10[%get3A_83, %get3A_84] {strides = array<i32>} : memref<1000x16xf32, #tpu.memory_space<vmem>>, vector<1x16xf32>,
        %get3A_86 = vector.shape_cast %get3A_85 : vector<1x16xf32> to vector<16xf32>
        %slice3A = vector.extract_strided_slice %get3A_78 {offsets = [0], sizes = [1], strides = [1]} : vector<16xf32> to vector<1xf32>
        %squeeze3A = vector.extract %slice3A[0] : f32 from vector<1xf32>
        %mul3A_87 = vector.broadcast %squeeze3A : f32 to vector<16xf32>
        %mul3A_88 = arith.mulf %get3A_86, %mul3A_87 : vector<16xf32>
        %mul3A_89 = arith.constant 16 : i32
        %mul3A_90 = arith.muli %scan3A_73, %mul3A_89 : i32
        %add3A_91 = arith.constant 0 : i32
        %add3A_92 = arith.addi %mul3A_90, %add3A_91 : i32
        %swap3A_93 = arith.index_cast %add3A_92 : i32 to index
        %swap3A_94 = arith.constant 0 : index
        %swap3A_95 = tpu.vector_load %arg10[%swap3A_93, %swap3A_94] {strides = array<i32>} : memref<1000x16xf32, #tpu.memory_space<vmem>>, vector<1x16xf32>,
        %swap3A_96 = vector.shape_cast %swap3A_95 : vector<1x16xf32> to vector<16xf32>
        %swap3A_97 = vector.shape_cast %mul3A_88 : vector<16xf32> to vector<1x16xf32>
        tpu.vector_store %arg10[%swap3A_93, %swap3A_94], %swap3A_97 {strides = array<i32>} : memref<1000x16xf32, #tpu.memory_space<vmem>>, vector<1x16xf32>,
        %mul3A_98 = arith.constant 16 : i32
        %mul3A_99 = arith.muli %scan3A_73, %mul3A_98 : i32
        %add3A_100 = arith.constant 1 : i32
        %add3A_101 = arith.addi %mul3A_99, %add3A_100 : i32
        %get3A_102 = arith.index_cast %add3A_101 : i32 to index
        %get3A_103 = arith.constant 0 : index
        %get3A_104 = tpu.vector_load %arg10[%get3A_102, %get3A_103] {strides = array<i32>} : memref<1000x16xf32, #tpu.memory_space<vmem>>, vector<1x16xf32>,
        %get3A_105 = vector.shape_cast %get3A_104 : vector<1x16xf32> to vector<16xf32>
        %slice3A_106 = vector.extract_strided_slice %get3A_78 {offsets = [1], sizes = [1], strides = [1]} : vector<16xf32> to vector<1xf32>
        %squeeze3A_107 = vector.extract %slice3A_106[0] : f32 from vector<1xf32>
        %mul3A_108 = vector.broadcast %squeeze3A_107 : f32 to vector<16xf32>
        %mul3A_109 = arith.mulf %get3A_105, %mul3A_108 : vector<16xf32>
        %mul3A_110 = arith.constant 16 : i32
        %mul3A_111 = arith.muli %scan3A_73, %mul3A_110 : i32
        %add3A_112 = arith.constant 1 : i32
        %add3A_113 = arith.addi %mul3A_111, %add3A_112 : i32
        %swap3A_114 = arith.index_cast %add3A_113 : i32 to index
        %swap3A_115 = arith.constant 0 : index
        %swap3A_116 = tpu.vector_load %arg10[%swap3A_114, %swap3A_115] {strides = array<i32>} : memref<1000x16xf32, #tpu.memory_space<vmem>>, vector<1x16xf32>,
        %swap3A_117 = vector.shape_cast %swap3A_116 : vector<1x16xf32> to vector<16xf32>
        %swap3A_118 = vector.shape_cast %mul3A_109 : vector<16xf32> to vector<1x16xf32>
        tpu.vector_store %arg10[%swap3A_114, %swap3A_115], %swap3A_118 {strides = array<i32>} : memref<1000x16xf32, #tpu.memory_space<vmem>>, vector<1x16xf32>,
        %mul3A_119 = arith.constant 16 : i32
        %mul3A_120 = arith.muli %scan3A_73, %mul3A_119 : i32
        %add3A_121 = arith.constant 2 : i32
        %add3A_122 = arith.addi %mul3A_120, %add3A_121 : i32
        %get3A_123 = arith.index_cast %add3A_122 : i32 to index
        %get3A_124 = arith.constant 0 : index
        %get3A_125 = tpu.vector_load %arg10[%get3A_123, %get3A_124] {strides = array<i32>} : memref<1000x16xf32, #tpu.memory_space<vmem>>, vector<1x16xf32>,
        %get3A_126 = vector.shape_cast %get3A_125 : vector<1x16xf32> to vector<16xf32>
        %slice3A_127 = vector.extract_strided_slice %get3A_78 {offsets = [2], sizes = [1], strides = [1]} : vector<16xf32> to vector<1xf32>
        %squeeze3A_128 = vector.extract %slice3A_127[0] : f32 from vector<1xf32>
        %mul3A_129 = vector.broadcast %squeeze3A_128 : f32 to vector<16xf32>
        %mul3A_130 = arith.mulf %get3A_126, %mul3A_129 : vector<16xf32>
        %mul3A_131 = arith.constant 16 : i32
        %mul3A_132 = arith.muli %scan3A_73, %mul3A_131 : i32
        %add3A_133 = arith.constant 2 : i32
        %add3A_134 = arith.addi %mul3A_132, %add3A_133 : i32
        %swap3A_135 = arith.index_cast %add3A_134 : i32 to index
        %swap3A_136 = arith.constant 0 : index
        %swap3A_137 = tpu.vector_load %arg10[%swap3A_135, %swap3A_136] {strides = array<i32>} : memref<1000x16xf32, #tpu.memory_space<vmem>>, vector<1x16xf32>,
        %swap3A_138 = vector.shape_cast %swap3A_137 : vector<1x16xf32> to vector<16xf32>
        %swap3A_139 = vector.shape_cast %mul3A_130 : vector<16xf32> to vector<1x16xf32>
        tpu.vector_store %arg10[%swap3A_135, %swap3A_136], %swap3A_139 {strides = array<i32>} : memref<1000x16xf32, #tpu.memory_space<vmem>>, vector<1x16xf32>,
        %mul3A_140 = arith.constant 16 : i32
        %mul3A_141 = arith.muli %scan3A_73, %mul3A_140 : i32
        %add3A_142 = arith.constant 3 : i32
        %add3A_143 = arith.addi %mul3A_141, %add3A_142 : i32
        %get3A_144 = arith.index_cast %add3A_143 : i32 to index
        %get3A_145 = arith.constant 0 : index
        %get3A_146 = tpu.vector_load %arg10[%get3A_144, %get3A_145] {strides = array<i32>} : memref<1000x16xf32, #tpu.memory_space<vmem>>, vector<1x16xf32>,
        %get3A_147 = vector.shape_cast %get3A_146 : vector<1x16xf32> to vector<16xf32>
        %slice3A_148 = vector.extract_strided_slice %get3A_78 {offsets = [3], sizes = [1], strides = [1]} : vector<16xf32> to vector<1xf32>
        %squeeze3A_149 = vector.extract %slice3A_148[0] : f32 from vector<1xf32>
        %mul3A_150 = vector.broadcast %squeeze3A_149 : f32 to vector<16xf32>
        %mul3A_151 = arith.mulf %get3A_147, %mul3A_150 : vector<16xf32>
        %mul3A_152 = arith.constant 16 : i32
        %mul3A_153 = arith.muli %scan3A_73, %mul3A_152 : i32
        %add3A_154 = arith.constant 3 : i32
        %add3A_155 = arith.addi %mul3A_153, %add3A_154 : i32
        %swap3A_156 = arith.index_cast %add3A_155 : i32 to index
        %swap3A_157 = arith.constant 0 : index
        %swap3A_158 = tpu.vector_load %arg10[%swap3A_156, %swap3A_157] {strides = array<i32>} : memref<1000x16xf32, #tpu.memory_space<vmem>>, vector<1x16xf32>,
        %swap3A_159 = vector.shape_cast %swap3A_158 : vector<1x16xf32> to vector<16xf32>
        %swap3A_160 = vector.shape_cast %mul3A_151 : vector<16xf32> to vector<1x16xf32>
        tpu.vector_store %arg10[%swap3A_156, %swap3A_157], %swap3A_160 {strides = array<i32>} : memref<1000x16xf32, #tpu.memory_space<vmem>>, vector<1x16xf32>,
        %mul3A_161 = arith.constant 16 : i32
        %mul3A_162 = arith.muli %scan3A_73, %mul3A_161 : i32
        %add3A_163 = arith.constant 4 : i32
        %add3A_164 = arith.addi %mul3A_162, %add3A_163 : i32
        %get3A_165 = arith.index_cast %add3A_164 : i32 to index
        %get3A_166 = arith.constant 0 : index
        %get3A_167 = tpu.vector_load %arg10[%get3A_165, %get3A_166] {strides = array<i32>} : memref<1000x16xf32, #tpu.memory_space<vmem>>, vector<1x16xf32>,
        %get3A_168 = vector.shape_cast %get3A_167 : vector<1x16xf32> to vector<16xf32>
        %slice3A_169 = vector.extract_strided_slice %get3A_78 {offsets = [4], sizes = [1], strides = [1]} : vector<16xf32> to vector<1xf32>
        %squeeze3A_170 = vector.extract %slice3A_169[0] : f32 from vector<1xf32>
        %mul3A_171 = vector.broadcast %squeeze3A_170 : f32 to vector<16xf32>
        %mul3A_172 = arith.mulf %get3A_168, %mul3A_171 : vector<16xf32>
        %mul3A_173 = arith.constant 16 : i32
        %mul3A_174 = arith.muli %scan3A_73, %mul3A_173 : i32
        %add3A_175 = arith.constant 4 : i32
        %add3A_176 = arith.addi %mul3A_174, %add3A_175 : i32
        %swap3A_177 = arith.index_cast %add3A_176 : i32 to index
        %swap3A_178 = arith.constant 0 : index
        %swap3A_179 = tpu.vector_load %arg10[%swap3A_177, %swap3A_178] {strides = array<i32>} : memref<1000x16xf32, #tpu.memory_space<vmem>>, vector<1x16xf32>,
        %swap3A_180 = vector.shape_cast %swap3A_179 : vector<1x16xf32> to vector<16xf32>
        %swap3A_181 = vector.shape_cast %mul3A_172 : vector<16xf32> to vector<1x16xf32>
        tpu.vector_store %arg10[%swap3A_177, %swap3A_178], %swap3A_181 {strides = array<i32>} : memref<1000x16xf32, #tpu.memory_space<vmem>>, vector<1x16xf32>,
        %mul3A_182 = arith.constant 16 : i32
        %mul3A_183 = arith.muli %scan3A_73, %mul3A_182 : i32
        %add3A_184 = arith.constant 5 : i32
        %add3A_185 = arith.addi %mul3A_183, %add3A_184 : i32
        %get3A_186 = arith.index_cast %add3A_185 : i32 to index
        %get3A_187 = arith.constant 0 : index
        %get3A_188 = tpu.vector_load %arg10[%get3A_186, %get3A_187] {strides = array<i32>} : memref<1000x16xf32, #tpu.memory_space<vmem>>, vector<1x16xf32>,
        %get3A_189 = vector.shape_cast %get3A_188 : vector<1x16xf32> to vector<16xf32>
        %slice3A_190 = vector.extract_strided_slice %get3A_78 {offsets = [5], sizes = [1], strides = [1]} : vector<16xf32> to vector<1xf32>
        %squeeze3A_191 = vector.extract %slice3A_190[0] : f32 from vector<1xf32>
        %mul3A_192 = vector.broadcast %squeeze3A_191 : f32 to vector<16xf32>
        %mul3A_193 = arith.mulf %get3A_189, %mul3A_192 : vector<16xf32>
        %mul3A_194 = arith.constant 16 : i32
        %mul3A_195 = arith.muli %scan3A_73, %mul3A_194 : i32
        %add3A_196 = arith.constant 5 : i32
        %add3A_197 = arith.addi %mul3A_195, %add3A_196 : i32
        %swap3A_198 = arith.index_cast %add3A_197 : i32 to index
        %swap3A_199 = arith.constant 0 : index
        %swap3A_200 = tpu.vector_load %arg10[%swap3A_198, %swap3A_199] {strides = array<i32>} : memref<1000x16xf32, #tpu.memory_space<vmem>>, vector<1x16xf32>,
        %swap3A_201 = vector.shape_cast %swap3A_200 : vector<1x16xf32> to vector<16xf32>
        %swap3A_202 = vector.shape_cast %mul3A_193 : vector<16xf32> to vector<1x16xf32>
        tpu.vector_store %arg10[%swap3A_198, %swap3A_199], %swap3A_202 {strides = array<i32>} : memref<1000x16xf32, #tpu.memory_space<vmem>>, vector<1x16xf32>,
        %mul3A_203 = arith.constant 16 : i32
        %mul3A_204 = arith.muli %scan3A_73, %mul3A_203 : i32
        %add3A_205 = arith.constant 6 : i32
        %add3A_206 = arith.addi %mul3A_204, %add3A_205 : i32
        %get3A_207 = arith.index_cast %add3A_206 : i32 to index
        %get3A_208 = arith.constant 0 : index
        %get3A_209 = tpu.vector_load %arg10[%get3A_207, %get3A_208] {strides = array<i32>} : memref<1000x16xf32, #tpu.memory_space<vmem>>, vector<1x16xf32>,
        %get3A_210 = vector.shape_cast %get3A_209 : vector<1x16xf32> to vector<16xf32>
        %slice3A_211 = vector.extract_strided_slice %get3A_78 {offsets = [6], sizes = [1], strides = [1]} : vector<16xf32> to vector<1xf32>
        %squeeze3A_212 = vector.extract %slice3A_211[0] : f32 from vector<1xf32>
        %mul3A_213 = vector.broadcast %squeeze3A_212 : f32 to vector<16xf32>
        %mul3A_214 = arith.mulf %get3A_210, %mul3A_213 : vector<16xf32>
        %mul3A_215 = arith.constant 16 : i32
        %mul3A_216 = arith.muli %scan3A_73, %mul3A_215 : i32
        %add3A_217 = arith.constant 6 : i32
        %add3A_218 = arith.addi %mul3A_216, %add3A_217 : i32
        %swap3A_219 = arith.index_cast %add3A_218 : i32 to index
        %swap3A_220 = arith.constant 0 : index
        %swap3A_221 = tpu.vector_load %arg10[%swap3A_219, %swap3A_220] {strides = array<i32>} : memref<1000x16xf32, #tpu.memory_space<vmem>>, vector<1x16xf32>,
        %swap3A_222 = vector.shape_cast %swap3A_221 : vector<1x16xf32> to vector<16xf32>
        %swap3A_223 = vector.shape_cast %mul3A_214 : vector<16xf32> to vector<1x16xf32>
        tpu.vector_store %arg10[%swap3A_219, %swap3A_220], %swap3A_223 {strides = array<i32>} : memref<1000x16xf32, #tpu.memory_space<vmem>>, vector<1x16xf32>,
        %mul3A_224 = arith.constant 16 : i32
        %mul3A_225 = arith.muli %scan3A_73, %mul3A_224 : i32
        %add3A_226 = arith.constant 7 : i32
        %add3A_227 = arith.addi %mul3A_225, %add3A_226 : i32
        %get3A_228 = arith.index_cast %add3A_227 : i32 to index
        %get3A_229 = arith.constant 0 : index
        %get3A_230 = tpu.vector_load %arg10[%get3A_228, %get3A_229] {strides = array<i32>} : memref<1000x16xf32, #tpu.memory_space<vmem>>, vector<1x16xf32>,
        %get3A_231 = vector.shape_cast %get3A_230 : vector<1x16xf32> to vector<16xf32>
        %slice3A_232 = vector.extract_strided_slice %get3A_78 {offsets = [7], sizes = [1], strides = [1]} : vector<16xf32> to vector<1xf32>
        %squeeze3A_233 = vector.extract %slice3A_232[0] : f32 from vector<1xf32>
        %mul3A_234 = vector.broadcast %squeeze3A_233 : f32 to vector<16xf32>
        %mul3A_235 = arith.mulf %get3A_231, %mul3A_234 : vector<16xf32>
        %mul3A_236 = arith.constant 16 : i32
        %mul3A_237 = arith.muli %scan3A_73, %mul3A_236 : i32
        %add3A_238 = arith.constant 7 : i32
        %add3A_239 = arith.addi %mul3A_237, %add3A_238 : i32
        %swap3A_240 = arith.index_cast %add3A_239 : i32 to index
        %swap3A_241 = arith.constant 0 : index
        %swap3A_242 = tpu.vector_load %arg10[%swap3A_240, %swap3A_241] {strides = array<i32>} : memref<1000x16xf32, #tpu.memory_space<vmem>>, vector<1x16xf32>,
        %swap3A_243 = vector.shape_cast %swap3A_242 : vector<1x16xf32> to vector<16xf32>
        %swap3A_244 = vector.shape_cast %mul3A_235 : vector<16xf32> to vector<1x16xf32>
        tpu.vector_store %arg10[%swap3A_240, %swap3A_241], %swap3A_244 {strides = array<i32>} : memref<1000x16xf32, #tpu.memory_space<vmem>>, vector<1x16xf32>,
        %mul3A_245 = arith.constant 16 : i32
        %mul3A_246 = arith.muli %scan3A_73, %mul3A_245 : i32
        %add3A_247 = arith.constant 8 : i32
        %add3A_248 = arith.addi %mul3A_246, %add3A_247 : i32
        %get3A_249 = arith.index_cast %add3A_248 : i32 to index
        %get3A_250 = arith.constant 0 : index
        %get3A_251 = tpu.vector_load %arg10[%get3A_249, %get3A_250] {strides = array<i32>} : memref<1000x16xf32, #tpu.memory_space<vmem>>, vector<1x16xf32>,
        %get3A_252 = vector.shape_cast %get3A_251 : vector<1x16xf32> to vector<16xf32>
        %slice3A_253 = vector.extract_strided_slice %get3A_78 {offsets = [8], sizes = [1], strides = [1]} : vector<16xf32> to vector<1xf32>
        %squeeze3A_254 = vector.extract %slice3A_253[0] : f32 from vector<1xf32>
        %mul3A_255 = vector.broadcast %squeeze3A_254 : f32 to vector<16xf32>
        %mul3A_256 = arith.mulf %get3A_252, %mul3A_255 : vector<16xf32>
        %mul3A_257 = arith.constant 16 : i32
        %mul3A_258 = arith.muli %scan3A_73, %mul3A_257 : i32
        %add3A_259 = arith.constant 8 : i32
        %add3A_260 = arith.addi %mul3A_258, %add3A_259 : i32
        %swap3A_261 = arith.index_cast %add3A_260 : i32 to index
        %swap3A_262 = arith.constant 0 : index
        %swap3A_263 = tpu.vector_load %arg10[%swap3A_261, %swap3A_262] {strides = array<i32>} : memref<1000x16xf32, #tpu.memory_space<vmem>>, vector<1x16xf32>,
        %swap3A_264 = vector.shape_cast %swap3A_263 : vector<1x16xf32> to vector<16xf32>
        %swap3A_265 = vector.shape_cast %mul3A_256 : vector<16xf32> to vector<1x16xf32>
        tpu.vector_store %arg10[%swap3A_261, %swap3A_262], %swap3A_265 {strides = array<i32>} : memref<1000x16xf32, #tpu.memory_space<vmem>>, vector<1x16xf32>,
        %mul3A_266 = arith.constant 16 : i32
        %mul3A_267 = arith.muli %scan3A_73, %mul3A_266 : i32
        %add3A_268 = arith.constant 9 : i32
        %add3A_269 = arith.addi %mul3A_267, %add3A_268 : i32
        %get3A_270 = arith.index_cast %add3A_269 : i32 to index
        %get3A_271 = arith.constant 0 : index
        %get3A_272 = tpu.vector_load %arg10[%get3A_270, %get3A_271] {strides = array<i32>} : memref<1000x16xf32, #tpu.memory_space<vmem>>, vector<1x16xf32>,
        %get3A_273 = vector.shape_cast %get3A_272 : vector<1x16xf32> to vector<16xf32>
        %slice3A_274 = vector.extract_strided_slice %get3A_78 {offsets = [9], sizes = [1], strides = [1]} : vector<16xf32> to vector<1xf32>
        %squeeze3A_275 = vector.extract %slice3A_274[0] : f32 from vector<1xf32>
        %mul3A_276 = vector.broadcast %squeeze3A_275 : f32 to vector<16xf32>
        %mul3A_277 = arith.mulf %get3A_273, %mul3A_276 : vector<16xf32>
        %mul3A_278 = arith.constant 16 : i32
        %mul3A_279 = arith.muli %scan3A_73, %mul3A_278 : i32
        %add3A_280 = arith.constant 9 : i32
        %add3A_281 = arith.addi %mul3A_279, %add3A_280 : i32
        %swap3A_282 = arith.index_cast %add3A_281 : i32 to index
        %swap3A_283 = arith.constant 0 : index
        %swap3A_284 = tpu.vector_load %arg10[%swap3A_282, %swap3A_283] {strides = array<i32>} : memref<1000x16xf32, #tpu.memory_space<vmem>>, vector<1x16xf32>,
        %swap3A_285 = vector.shape_cast %swap3A_284 : vector<1x16xf32> to vector<16xf32>
        %swap3A_286 = vector.shape_cast %mul3A_277 : vector<16xf32> to vector<1x16xf32>
        tpu.vector_store %arg10[%swap3A_282, %swap3A_283], %swap3A_286 {strides = array<i32>} : memref<1000x16xf32, #tpu.memory_space<vmem>>, vector<1x16xf32>,
        %mul3A_287 = arith.constant 16 : i32
        %mul3A_288 = arith.muli %scan3A_73, %mul3A_287 : i32
        %add3A_289 = arith.constant 10 : i32
        %add3A_290 = arith.addi %mul3A_288, %add3A_289 : i32
        %get3A_291 = arith.index_cast %add3A_290 : i32 to index
        %get3A_292 = arith.constant 0 : index
        %get3A_293 = tpu.vector_load %arg10[%get3A_291, %get3A_292] {strides = array<i32>} : memref<1000x16xf32, #tpu.memory_space<vmem>>, vector<1x16xf32>,
        %get3A_294 = vector.shape_cast %get3A_293 : vector<1x16xf32> to vector<16xf32>
        %slice3A_295 = vector.extract_strided_slice %get3A_78 {offsets = [10], sizes = [1], strides = [1]} : vector<16xf32> to vector<1xf32>
        %squeeze3A_296 = vector.extract %slice3A_295[0] : f32 from vector<1xf32>
        %mul3A_297 = vector.broadcast %squeeze3A_296 : f32 to vector<16xf32>
        %mul3A_298 = arith.mulf %get3A_294, %mul3A_297 : vector<16xf32>
        %mul3A_299 = arith.constant 16 : i32
        %mul3A_300 = arith.muli %scan3A_73, %mul3A_299 : i32
        %add3A_301 = arith.constant 10 : i32
        %add3A_302 = arith.addi %mul3A_300, %add3A_301 : i32
        %swap3A_303 = arith.index_cast %add3A_302 : i32 to index
        %swap3A_304 = arith.constant 0 : index
        %swap3A_305 = tpu.vector_load %arg10[%swap3A_303, %swap3A_304] {strides = array<i32>} : memref<1000x16xf32, #tpu.memory_space<vmem>>, vector<1x16xf32>,
        %swap3A_306 = vector.shape_cast %swap3A_305 : vector<1x16xf32> to vector<16xf32>
        %swap3A_307 = vector.shape_cast %mul3A_298 : vector<16xf32> to vector<1x16xf32>
        tpu.vector_store %arg10[%swap3A_303, %swap3A_304], %swap3A_307 {strides = array<i32>} : memref<1000x16xf32, #tpu.memory_space<vmem>>, vector<1x16xf32>,
        %mul3A_308 = arith.constant 16 : i32
        %mul3A_309 = arith.muli %scan3A_73, %mul3A_308 : i32
        %add3A_310 = arith.constant 11 : i32
        %add3A_311 = arith.addi %mul3A_309, %add3A_310 : i32
        %get3A_312 = arith.index_cast %add3A_311 : i32 to index
        %get3A_313 = arith.constant 0 : index
        %get3A_314 = tpu.vector_load %arg10[%get3A_312, %get3A_313] {strides = array<i32>} : memref<1000x16xf32, #tpu.memory_space<vmem>>, vector<1x16xf32>,
        %get3A_315 = vector.shape_cast %get3A_314 : vector<1x16xf32> to vector<16xf32>
        %slice3A_316 = vector.extract_strided_slice %get3A_78 {offsets = [11], sizes = [1], strides = [1]} : vector<16xf32> to vector<1xf32>
        %squeeze3A_317 = vector.extract %slice3A_316[0] : f32 from vector<1xf32>
        %mul3A_318 = vector.broadcast %squeeze3A_317 : f32 to vector<16xf32>
        %mul3A_319 = arith.mulf %get3A_315, %mul3A_318 : vector<16xf32>
        %mul3A_320 = arith.constant 16 : i32
        %mul3A_321 = arith.muli %scan3A_73, %mul3A_320 : i32
        %add3A_322 = arith.constant 11 : i32
        %add3A_323 = arith.addi %mul3A_321, %add3A_322 : i32
        %swap3A_324 = arith.index_cast %add3A_323 : i32 to index
        %swap3A_325 = arith.constant 0 : index
        %swap3A_326 = tpu.vector_load %arg10[%swap3A_324, %swap3A_325] {strides = array<i32>} : memref<1000x16xf32, #tpu.memory_space<vmem>>, vector<1x16xf32>,
        %swap3A_327 = vector.shape_cast %swap3A_326 : vector<1x16xf32> to vector<16xf32>
        %swap3A_328 = vector.shape_cast %mul3A_319 : vector<16xf32> to vector<1x16xf32>
        tpu.vector_store %arg10[%swap3A_324, %swap3A_325], %swap3A_328 {strides = array<i32>} : memref<1000x16xf32, #tpu.memory_space<vmem>>, vector<1x16xf32>,
        %mul3A_329 = arith.constant 16 : i32
        %mul3A_330 = arith.muli %scan3A_73, %mul3A_329 : i32
        %add3A_331 = arith.constant 12 : i32
        %add3A_332 = arith.addi %mul3A_330, %add3A_331 : i32
        %get3A_333 = arith.index_cast %add3A_332 : i32 to index
        %get3A_334 = arith.constant 0 : index
        %get3A_335 = tpu.vector_load %arg10[%get3A_333, %get3A_334] {strides = array<i32>} : memref<1000x16xf32, #tpu.memory_space<vmem>>, vector<1x16xf32>,
        %get3A_336 = vector.shape_cast %get3A_335 : vector<1x16xf32> to vector<16xf32>
        %slice3A_337 = vector.extract_strided_slice %get3A_78 {offsets = [12], sizes = [1], strides = [1]} : vector<16xf32> to vector<1xf32>
        %squeeze3A_338 = vector.extract %slice3A_337[0] : f32 from vector<1xf32>
        %mul3A_339 = vector.broadcast %squeeze3A_338 : f32 to vector<16xf32>
        %mul3A_340 = arith.mulf %get3A_336, %mul3A_339 : vector<16xf32>
        %mul3A_341 = arith.constant 16 : i32
        %mul3A_342 = arith.muli %scan3A_73, %mul3A_341 : i32
        %add3A_343 = arith.constant 12 : i32
        %add3A_344 = arith.addi %mul3A_342, %add3A_343 : i32
        %swap3A_345 = arith.index_cast %add3A_344 : i32 to index
        %swap3A_346 = arith.constant 0 : index
        %swap3A_347 = tpu.vector_load %arg10[%swap3A_345, %swap3A_346] {strides = array<i32>} : memref<1000x16xf32, #tpu.memory_space<vmem>>, vector<1x16xf32>,
        %swap3A_348 = vector.shape_cast %swap3A_347 : vector<1x16xf32> to vector<16xf32>
        %swap3A_349 = vector.shape_cast %mul3A_340 : vector<16xf32> to vector<1x16xf32>
        tpu.vector_store %arg10[%swap3A_345, %swap3A_346], %swap3A_349 {strides = array<i32>} : memref<1000x16xf32, #tpu.memory_space<vmem>>, vector<1x16xf32>,
        %mul3A_350 = arith.constant 16 : i32
        %mul3A_351 = arith.muli %scan3A_73, %mul3A_350 : i32
        %add3A_352 = arith.constant 13 : i32
        %add3A_353 = arith.addi %mul3A_351, %add3A_352 : i32
        %get3A_354 = arith.index_cast %add3A_353 : i32 to index
        %get3A_355 = arith.constant 0 : index
        %get3A_356 = tpu.vector_load %arg10[%get3A_354, %get3A_355] {strides = array<i32>} : memref<1000x16xf32, #tpu.memory_space<vmem>>, vector<1x16xf32>,
        %get3A_357 = vector.shape_cast %get3A_356 : vector<1x16xf32> to vector<16xf32>
        %slice3A_358 = vector.extract_strided_slice %get3A_78 {offsets = [13], sizes = [1], strides = [1]} : vector<16xf32> to vector<1xf32>
        %squeeze3A_359 = vector.extract %slice3A_358[0] : f32 from vector<1xf32>
        %mul3A_360 = vector.broadcast %squeeze3A_359 : f32 to vector<16xf32>
        %mul3A_361 = arith.mulf %get3A_357, %mul3A_360 : vector<16xf32>
        %mul3A_362 = arith.constant 16 : i32
        %mul3A_363 = arith.muli %scan3A_73, %mul3A_362 : i32
        %add3A_364 = arith.constant 13 : i32
        %add3A_365 = arith.addi %mul3A_363, %add3A_364 : i32
        %swap3A_366 = arith.index_cast %add3A_365 : i32 to index
        %swap3A_367 = arith.constant 0 : index
        %swap3A_368 = tpu.vector_load %arg10[%swap3A_366, %swap3A_367] {strides = array<i32>} : memref<1000x16xf32, #tpu.memory_space<vmem>>, vector<1x16xf32>,
        %swap3A_369 = vector.shape_cast %swap3A_368 : vector<1x16xf32> to vector<16xf32>
        %swap3A_370 = vector.shape_cast %mul3A_361 : vector<16xf32> to vector<1x16xf32>
        tpu.vector_store %arg10[%swap3A_366, %swap3A_367], %swap3A_370 {strides = array<i32>} : memref<1000x16xf32, #tpu.memory_space<vmem>>, vector<1x16xf32>,
        %mul3A_371 = arith.constant 16 : i32
        %mul3A_372 = arith.muli %scan3A_73, %mul3A_371 : i32
        %add3A_373 = arith.constant 14 : i32
        %add3A_374 = arith.addi %mul3A_372, %add3A_373 : i32
        %get3A_375 = arith.index_cast %add3A_374 : i32 to index
        %get3A_376 = arith.constant 0 : index
        %get3A_377 = tpu.vector_load %arg10[%get3A_375, %get3A_376] {strides = array<i32>} : memref<1000x16xf32, #tpu.memory_space<vmem>>, vector<1x16xf32>,
        %get3A_378 = vector.shape_cast %get3A_377 : vector<1x16xf32> to vector<16xf32>
        %slice3A_379 = vector.extract_strided_slice %get3A_78 {offsets = [14], sizes = [1], strides = [1]} : vector<16xf32> to vector<1xf32>
        %squeeze3A_380 = vector.extract %slice3A_379[0] : f32 from vector<1xf32>
        %mul3A_381 = vector.broadcast %squeeze3A_380 : f32 to vector<16xf32>
        %mul3A_382 = arith.mulf %get3A_378, %mul3A_381 : vector<16xf32>
        %mul3A_383 = arith.constant 16 : i32
        %mul3A_384 = arith.muli %scan3A_73, %mul3A_383 : i32
        %add3A_385 = arith.constant 14 : i32
        %add3A_386 = arith.addi %mul3A_384, %add3A_385 : i32
        %swap3A_387 = arith.index_cast %add3A_386 : i32 to index
        %swap3A_388 = arith.constant 0 : index
        %swap3A_389 = tpu.vector_load %arg10[%swap3A_387, %swap3A_388] {strides = array<i32>} : memref<1000x16xf32, #tpu.memory_space<vmem>>, vector<1x16xf32>,
        %swap3A_390 = vector.shape_cast %swap3A_389 : vector<1x16xf32> to vector<16xf32>
        %swap3A_391 = vector.shape_cast %mul3A_382 : vector<16xf32> to vector<1x16xf32>
        tpu.vector_store %arg10[%swap3A_387, %swap3A_388], %swap3A_391 {strides = array<i32>} : memref<1000x16xf32, #tpu.memory_space<vmem>>, vector<1x16xf32>,
        %mul3A_392 = arith.constant 16 : i32
        %mul3A_393 = arith.muli %scan3A_73, %mul3A_392 : i32
        %add3A_394 = arith.constant 15 : i32
        %add3A_395 = arith.addi %mul3A_393, %add3A_394 : i32
        %get3A_396 = arith.index_cast %add3A_395 : i32 to index
        %get3A_397 = arith.constant 0 : index
        %get3A_398 = tpu.vector_load %arg10[%get3A_396, %get3A_397] {strides = array<i32>} : memref<1000x16xf32, #tpu.memory_space<vmem>>, vector<1x16xf32>,
        %get3A_399 = vector.shape_cast %get3A_398 : vector<1x16xf32> to vector<16xf32>
        %slice3A_400 = vector.extract_strided_slice %get3A_78 {offsets = [15], sizes = [1], strides = [1]} : vector<16xf32> to vector<1xf32>
        %squeeze3A_401 = vector.extract %slice3A_400[0] : f32 from vector<1xf32>
        %mul3A_402 = vector.broadcast %squeeze3A_401 : f32 to vector<16xf32>
        %mul3A_403 = arith.mulf %get3A_399, %mul3A_402 : vector<16xf32>
        %mul3A_404 = arith.constant 16 : i32
        %mul3A_405 = arith.muli %scan3A_73, %mul3A_404 : i32
        %add3A_406 = arith.constant 15 : i32
        %add3A_407 = arith.addi %mul3A_405, %add3A_406 : i32
        %swap3A_408 = arith.index_cast %add3A_407 : i32 to index
        %swap3A_409 = arith.constant 0 : index
        %swap3A_410 = tpu.vector_load %arg10[%swap3A_408, %swap3A_409] {strides = array<i32>} : memref<1000x16xf32, #tpu.memory_space<vmem>>, vector<1x16xf32>,
        %swap3A_411 = vector.shape_cast %swap3A_410 : vector<1x16xf32> to vector<16xf32>
        %swap3A_412 = vector.shape_cast %mul3A_403 : vector<16xf32> to vector<1x16xf32>
        tpu.vector_store %arg10[%swap3A_408, %swap3A_409], %swap3A_412 {strides = array<i32>} : memref<1000x16xf32, #tpu.memory_space<vmem>>, vector<1x16xf32>,
        %scan3A_413 = arith.constant 0 : i32
        scf.yield %scan3A_413 : i32
      }
      %scan3A_71 = arith.constant 50 : i32
      "tpu.region"() ({
        %run_scoped3A = tpu.sem_alloc : memref<!tpu.dma_semaphore, #tpu.memory_space<semaphore_mem>>
        %dma_start3A = arith.constant 0 : i32
        %dma_start3A_73 = arith.constant 0 : i32
        %dma_start3A_74 = tpu.memref_slice %arg10[%dma_start3A, %dma_start3A_73] : memref<1000x16xf32, #tpu.memory_space<vmem>> -> memref<800x16xf32, #tpu.memory_space<vmem>>
        %dma_start3A_75 = arith.constant 0 : i32
        %dma_start3A_76 = tpu.memref_slice %arg7[%arg0, %multiple_of3A_57, %dma_start3A_75] : memref<2x100000x16xf32, #tpu.memory_space<hbm>> -> memref<1x800x16xf32, #tpu.memory_space<hbm>>
        %dma_start3A_77 = tpu.memref_squeeze %dma_start3A_76 : memref<1x800x16xf32, #tpu.memory_space<hbm>> -> memref<800x16xf32, #tpu.memory_space<hbm>>
        %dma_start3A_78 = arith.constant 0 : i32
        %dma_start3A_79 = tpu.memref_slice %arg7[%arg0, %multiple_of3A_57, %dma_start3A_78] : memref<2x100000x16xf32, #tpu.memory_space<hbm>> -> memref<1x800x16xf32, #tpu.memory_space<hbm>>
        %dma_start3A_80 = tpu.memref_squeeze %dma_start3A_79 : memref<1x800x16xf32, #tpu.memory_space<hbm>> -> memref<800x16xf32, #tpu.memory_space<hbm>>
        %dma_start3A_81 = arith.constant 0 : i32
        %dma_start3A_82 = arith.constant 0 : i32
        %dma_start3A_83 = tpu.memref_slice %arg10[%dma_start3A_81, %dma_start3A_82] : memref<1000x16xf32, #tpu.memory_space<vmem>> -> memref<800x16xf32, #tpu.memory_space<vmem>>
        tpu.enqueue_dma source(%dma_start3A_83 : memref<800x16xf32, #tpu.memory_space<vmem>>) target(%dma_start3A_80 : memref<800x16xf32, #tpu.memory_space<hbm>>) target_semaphore(%run_scoped3A : memref<!tpu.dma_semaphore, #tpu.memory_space<semaphore_mem>>)
        %dma_wait3A = arith.constant 0 : i32
        %dma_wait3A_84 = arith.constant 0 : i32
        %dma_wait3A_85 = tpu.memref_slice %arg10[%dma_wait3A, %dma_wait3A_84] : memref<1000x16xf32, #tpu.memory_space<vmem>> -> memref<800x16xf32, #tpu.memory_space<vmem>>
        %dma_wait3A_86 = arith.constant 0 : i32
        %dma_wait3A_87 = tpu.memref_slice %arg7[%arg0, %multiple_of3A_57, %dma_wait3A_86] : memref<2x100000x16xf32, #tpu.memory_space<hbm>> -> memref<1x800x16xf32, #tpu.memory_space<hbm>>
        %dma_wait3A_88 = tpu.memref_squeeze %dma_wait3A_87 : memref<1x800x16xf32, #tpu.memory_space<hbm>> -> memref<800x16xf32, #tpu.memory_space<hbm>>
        %dma_wait3A_89 = arith.constant 0 : i32
        %dma_wait3A_90 = tpu.memref_slice %arg7[%arg0, %multiple_of3A_57, %dma_wait3A_89] : memref<2x100000x16xf32, #tpu.memory_space<hbm>> -> memref<1x800x16xf32, #tpu.memory_space<hbm>>
        %dma_wait3A_91 = tpu.memref_squeeze %dma_wait3A_90 : memref<1x800x16xf32, #tpu.memory_space<hbm>> -> memref<800x16xf32, #tpu.memory_space<hbm>>
        %dma_wait3A_92 = arith.constant 0 : i32
        %dma_wait3A_93 = arith.constant 0 : i32
        %dma_wait3A_94 = tpu.memref_slice %arg10[%dma_wait3A_92, %dma_wait3A_93] : memref<1000x16xf32, #tpu.memory_space<vmem>> -> memref<800x16xf32, #tpu.memory_space<vmem>>
        tpu.wait_dma2 semaphore(%run_scoped3A : memref<!tpu.dma_semaphore, #tpu.memory_space<semaphore_mem>>) src(%dma_wait3A_94 : memref<800x16xf32, #tpu.memory_space<vmem>>) dst(%dma_wait3A_91 : memref<800x16xf32, #tpu.memory_space<hbm>>)
        tpu.yield
      }) : () -> ()
      %scan3A_72 = arith.constant 0 : i32
      scf.yield %scan3A_72 : i32
    }
    %scan3A_42 = arith.constant 7 : i32
    %lt3A = arith.constant 15 : i32
    %lt3A_43 = arith.cmpi slt, %arg1, %lt3A : i32
    %convert_element_type3A_44 = arith.extui %lt3A_43 : i1 to i32
    %cond3A_45 = arith.constant 0 : i32
    %cond3A_46 = arith.cmpi ne, %convert_element_type3A_44, %cond3A_45 : i32
    scf.if %cond3A_46 {
      %add3A_52 = arith.constant 5600 : i32
      %add3A_53 = arith.addi %multiple_of3A, %add3A_52 : i32
      %multiple_of3A_54 = tpu.assume_multiple %add3A_53, 8 : i32
      "tpu.region"() ({
        %run_scoped3A = tpu.sem_alloc : memref<!tpu.dma_semaphore, #tpu.memory_space<semaphore_mem>>
        %dma_start3A = arith.constant 0 : i32
        %dma_start3A_69 = arith.constant 0 : i32
        %dma_start3A_70 = tpu.memref_slice %arg10[%dma_start3A, %dma_start3A_69] : memref<1000x16xf32, #tpu.memory_space<vmem>> -> memref<656x16xf32, #tpu.memory_space<vmem>>
        %dma_start3A_71 = arith.constant 0 : i32
        %dma_start3A_72 = tpu.memref_slice %arg13[%multiple_of3A_54, %dma_start3A_71] : memref<100000x16xf32, #tpu.memory_space<vmem_shared>> -> memref<656x16xf32, #tpu.memory_space<vmem_shared>>
        %dma_start3A_73 = arith.constant 0 : i32
        %dma_start3A_74 = arith.constant 0 : i32
        %dma_start3A_75 = tpu.memref_slice %arg10[%dma_start3A_73, %dma_start3A_74] : memref<1000x16xf32, #tpu.memory_space<vmem>> -> memref<656x16xf32, #tpu.memory_space<vmem>>
        %dma_start3A_76 = arith.constant 0 : i32
        %dma_start3A_77 = tpu.memref_slice %arg13[%multiple_of3A_54, %dma_start3A_76] : memref<100000x16xf32, #tpu.memory_space<vmem_shared>> -> memref<656x16xf32, #tpu.memory_space<vmem_shared>>
        tpu.enqueue_dma source(%dma_start3A_77 : memref<656x16xf32, #tpu.memory_space<vmem_shared>>) target(%dma_start3A_75 : memref<656x16xf32, #tpu.memory_space<vmem>>) target_semaphore(%run_scoped3A : memref<!tpu.dma_semaphore, #tpu.memory_space<semaphore_mem>>)
        %dma_wait3A = arith.constant 0 : i32
        %dma_wait3A_78 = arith.constant 0 : i32
        %dma_wait3A_79 = tpu.memref_slice %arg10[%dma_wait3A, %dma_wait3A_78] : memref<1000x16xf32, #tpu.memory_space<vmem>> -> memref<656x16xf32, #tpu.memory_space<vmem>>
        %dma_wait3A_80 = arith.constant 0 : i32
        %dma_wait3A_81 = tpu.memref_slice %arg13[%multiple_of3A_54, %dma_wait3A_80] : memref<100000x16xf32, #tpu.memory_space<vmem_shared>> -> memref<656x16xf32, #tpu.memory_space<vmem_shared>>
        %dma_wait3A_82 = arith.constant 0 : i32
        %dma_wait3A_83 = arith.constant 0 : i32
        %dma_wait3A_84 = tpu.memref_slice %arg10[%dma_wait3A_82, %dma_wait3A_83] : memref<1000x16xf32, #tpu.memory_space<vmem>> -> memref<656x16xf32, #tpu.memory_space<vmem>>
        %dma_wait3A_85 = arith.constant 0 : i32
        %dma_wait3A_86 = tpu.memref_slice %arg13[%multiple_of3A_54, %dma_wait3A_85] : memref<100000x16xf32, #tpu.memory_space<vmem_shared>> -> memref<656x16xf32, #tpu.memory_space<vmem_shared>>
        tpu.wait_dma2 semaphore(%run_scoped3A : memref<!tpu.dma_semaphore, #tpu.memory_space<semaphore_mem>>) src(%dma_wait3A_86 : memref<656x16xf32, #tpu.memory_space<vmem_shared>>) dst(%dma_wait3A_84 : memref<656x16xf32, #tpu.memory_space<vmem>>)
        tpu.yield
      }) : () -> ()
      "tpu.region"() ({
        %run_scoped3A = tpu.sem_alloc : memref<!tpu.dma_semaphore, #tpu.memory_space<semaphore_mem>>
        %dma_start3A = arith.constant 0 : i32
        %dma_start3A_69 = tpu.memref_slice %arg12[%dma_start3A] : memref<1000xf32, #tpu.memory_space<vmem>> -> memref<656xf32, #tpu.memory_space<vmem>>
        %dma_start3A_70 = tpu.memref_slice %arg14[%multiple_of3A_54] : memref<100000xf32, #tpu.memory_space<vmem_shared>> -> memref<656xf32, #tpu.memory_space<vmem_shared>>
        %dma_start3A_71 = arith.constant 0 : i32
        %dma_start3A_72 = tpu.memref_slice %arg12[%dma_start3A_71] : memref<1000xf32, #tpu.memory_space<vmem>> -> memref<656xf32, #tpu.memory_space<vmem>>
        %dma_start3A_73 = tpu.memref_slice %arg14[%multiple_of3A_54] : memref<100000xf32, #tpu.memory_space<vmem_shared>> -> memref<656xf32, #tpu.memory_space<vmem_shared>>
        tpu.enqueue_dma source(%dma_start3A_73 : memref<656xf32, #tpu.memory_space<vmem_shared>>) target(%dma_start3A_72 : memref<656xf32, #tpu.memory_space<vmem>>) target_semaphore(%run_scoped3A : memref<!tpu.dma_semaphore, #tpu.memory_space<semaphore_mem>>)
        %dma_wait3A = arith.constant 0 : i32
        %dma_wait3A_74 = tpu.memref_slice %arg12[%dma_wait3A] : memref<1000xf32, #tpu.memory_space<vmem>> -> memref<656xf32, #tpu.memory_space<vmem>>
        %dma_wait3A_75 = tpu.memref_slice %arg14[%multiple_of3A_54] : memref<100000xf32, #tpu.memory_space<vmem_shared>> -> memref<656xf32, #tpu.memory_space<vmem_shared>>
        %dma_wait3A_76 = arith.constant 0 : i32
        %dma_wait3A_77 = tpu.memref_slice %arg12[%dma_wait3A_76] : memref<1000xf32, #tpu.memory_space<vmem>> -> memref<656xf32, #tpu.memory_space<vmem>>
        %dma_wait3A_78 = tpu.memref_slice %arg14[%multiple_of3A_54] : memref<100000xf32, #tpu.memory_space<vmem_shared>> -> memref<656xf32, #tpu.memory_space<vmem_shared>>
        tpu.wait_dma2 semaphore(%run_scoped3A : memref<!tpu.dma_semaphore, #tpu.memory_space<semaphore_mem>>) src(%dma_wait3A_78 : memref<656xf32, #tpu.memory_space<vmem_shared>>) dst(%dma_wait3A_77 : memref<656xf32, #tpu.memory_space<vmem>>)
        tpu.yield
      }) : () -> ()
      %scan3A_55 = arith.constant 0 : i32
      %scan3A_56 = arith.constant 0 : i32
      %scan3A_57 = arith.constant 41 : i32
      %scan3A_58 = arith.addi %scan3A_56, %scan3A_57 : i32
      %scan3A_59 = arith.constant 1 : i32
      %scan3A_60 = scf.for %scan3A_69 = %scan3A_56 to %scan3A_58 step %scan3A_59 iter_args(%scan3A_70 = %scan3A_55) -> (i32)  : i32 {
        %mul3A_71 = arith.constant 16 : i32
        %mul3A_72 = arith.muli %scan3A_69, %mul3A_71 : i32
        %get3A = arith.index_cast %mul3A_72 : i32 to index
        %get3A_73 = tpu.vector_load %arg12[%get3A] {strides = array<i32>} : memref<1000xf32, #tpu.memory_space<vmem>>, vector<16xf32>,
        %get3A_74 = vector.shape_cast %get3A_73 : vector<16xf32> to vector<16xf32>
        %max3A = arith.constant 1.000000e+00 : f32
        %max3A_75 = vector.broadcast %max3A : f32 to vector<16xf32>
        %max3A_76 = arith.maximumf %get3A_74, %max3A_75 : vector<16xf32>
        %div3A = arith.constant 1.000000e+00 : f32
        %div3A_77 = vector.broadcast %div3A : f32 to vector<16xf32>
        %div3A_78 = arith.divf %div3A_77, %max3A_76 : vector<16xf32>
        %mul3A_79 = arith.constant 16 : i32
        %mul3A_80 = arith.muli %scan3A_69, %mul3A_79 : i32
        %swap3A_81 = arith.index_cast %mul3A_80 : i32 to index
        %swap3A_82 = tpu.vector_load %arg11[%swap3A_81] {strides = array<i32>} : memref<1000xf32, #tpu.memory_space<vmem>>, vector<16xf32>,
        %swap3A_83 = vector.shape_cast %swap3A_82 : vector<16xf32> to vector<16xf32>
        %swap3A_84 = vector.shape_cast %div3A_78 : vector<16xf32> to vector<16xf32>
        tpu.vector_store %arg11[%swap3A_81], %swap3A_84 {strides = array<i32>} : memref<1000xf32, #tpu.memory_space<vmem>>, vector<16xf32>,
        %scan3A_85 = arith.constant 0 : i32
        scf.yield %scan3A_85 : i32
      }
      %scan3A_61 = arith.constant 41 : i32
      %scan3A_62 = arith.constant 0 : i32
      %scan3A_63 = arith.constant 0 : i32
      %scan3A_64 = arith.constant 41 : i32
      %scan3A_65 = arith.addi %scan3A_63, %scan3A_64 : i32
      %scan3A_66 = arith.constant 1 : i32
      %scan3A_67 = scf.for %scan3A_69 = %scan3A_63 to %scan3A_65 step %scan3A_66 iter_args(%scan3A_70 = %scan3A_62) -> (i32)  : i32 {
        %mul3A_71 = arith.constant 16 : i32
        %mul3A_72 = arith.muli %scan3A_69, %mul3A_71 : i32
        %get3A = arith.index_cast %mul3A_72 : i32 to index
        %get3A_73 = tpu.vector_load %arg11[%get3A] {strides = array<i32>} : memref<1000xf32, #tpu.memory_space<vmem>>, vector<16xf32>,
        %get3A_74 = vector.shape_cast %get3A_73 : vector<16xf32> to vector<16xf32>
        %mul3A_75 = arith.constant 16 : i32
        %mul3A_76 = arith.muli %scan3A_69, %mul3A_75 : i32
        %add3A_77 = arith.constant 0 : i32
        %add3A_78 = arith.addi %mul3A_76, %add3A_77 : i32
        %get3A_79 = arith.index_cast %add3A_78 : i32 to index
        %get3A_80 = arith.constant 0 : index
        %get3A_81 = tpu.vector_load %arg10[%get3A_79, %get3A_80] {strides = array<i32>} : memref<1000x16xf32, #tpu.memory_space<vmem>>, vector<1x16xf32>,
        %get3A_82 = vector.shape_cast %get3A_81 : vector<1x16xf32> to vector<16xf32>
        %slice3A = vector.extract_strided_slice %get3A_74 {offsets = [0], sizes = [1], strides = [1]} : vector<16xf32> to vector<1xf32>
        %squeeze3A = vector.extract %slice3A[0] : f32 from vector<1xf32>
        %mul3A_83 = vector.broadcast %squeeze3A : f32 to vector<16xf32>
        %mul3A_84 = arith.mulf %get3A_82, %mul3A_83 : vector<16xf32>
        %mul3A_85 = arith.constant 16 : i32
        %mul3A_86 = arith.muli %scan3A_69, %mul3A_85 : i32
        %add3A_87 = arith.constant 0 : i32
        %add3A_88 = arith.addi %mul3A_86, %add3A_87 : i32
        %swap3A_89 = arith.index_cast %add3A_88 : i32 to index
        %swap3A_90 = arith.constant 0 : index
        %swap3A_91 = tpu.vector_load %arg10[%swap3A_89, %swap3A_90] {strides = array<i32>} : memref<1000x16xf32, #tpu.memory_space<vmem>>, vector<1x16xf32>,
        %swap3A_92 = vector.shape_cast %swap3A_91 : vector<1x16xf32> to vector<16xf32>
        %swap3A_93 = vector.shape_cast %mul3A_84 : vector<16xf32> to vector<1x16xf32>
        tpu.vector_store %arg10[%swap3A_89, %swap3A_90], %swap3A_93 {strides = array<i32>} : memref<1000x16xf32, #tpu.memory_space<vmem>>, vector<1x16xf32>,
        %mul3A_94 = arith.constant 16 : i32
        %mul3A_95 = arith.muli %scan3A_69, %mul3A_94 : i32
        %add3A_96 = arith.constant 1 : i32
        %add3A_97 = arith.addi %mul3A_95, %add3A_96 : i32
        %get3A_98 = arith.index_cast %add3A_97 : i32 to index
        %get3A_99 = arith.constant 0 : index
        %get3A_100 = tpu.vector_load %arg10[%get3A_98, %get3A_99] {strides = array<i32>} : memref<1000x16xf32, #tpu.memory_space<vmem>>, vector<1x16xf32>,
        %get3A_101 = vector.shape_cast %get3A_100 : vector<1x16xf32> to vector<16xf32>
        %slice3A_102 = vector.extract_strided_slice %get3A_74 {offsets = [1], sizes = [1], strides = [1]} : vector<16xf32> to vector<1xf32>
        %squeeze3A_103 = vector.extract %slice3A_102[0] : f32 from vector<1xf32>
        %mul3A_104 = vector.broadcast %squeeze3A_103 : f32 to vector<16xf32>
        %mul3A_105 = arith.mulf %get3A_101, %mul3A_104 : vector<16xf32>
        %mul3A_106 = arith.constant 16 : i32
        %mul3A_107 = arith.muli %scan3A_69, %mul3A_106 : i32
        %add3A_108 = arith.constant 1 : i32
        %add3A_109 = arith.addi %mul3A_107, %add3A_108 : i32
        %swap3A_110 = arith.index_cast %add3A_109 : i32 to index
        %swap3A_111 = arith.constant 0 : index
        %swap3A_112 = tpu.vector_load %arg10[%swap3A_110, %swap3A_111] {strides = array<i32>} : memref<1000x16xf32, #tpu.memory_space<vmem>>, vector<1x16xf32>,
        %swap3A_113 = vector.shape_cast %swap3A_112 : vector<1x16xf32> to vector<16xf32>
        %swap3A_114 = vector.shape_cast %mul3A_105 : vector<16xf32> to vector<1x16xf32>
        tpu.vector_store %arg10[%swap3A_110, %swap3A_111], %swap3A_114 {strides = array<i32>} : memref<1000x16xf32, #tpu.memory_space<vmem>>, vector<1x16xf32>,
        %mul3A_115 = arith.constant 16 : i32
        %mul3A_116 = arith.muli %scan3A_69, %mul3A_115 : i32
        %add3A_117 = arith.constant 2 : i32
        %add3A_118 = arith.addi %mul3A_116, %add3A_117 : i32
        %get3A_119 = arith.index_cast %add3A_118 : i32 to index
        %get3A_120 = arith.constant 0 : index
        %get3A_121 = tpu.vector_load %arg10[%get3A_119, %get3A_120] {strides = array<i32>} : memref<1000x16xf32, #tpu.memory_space<vmem>>, vector<1x16xf32>,
        %get3A_122 = vector.shape_cast %get3A_121 : vector<1x16xf32> to vector<16xf32>
        %slice3A_123 = vector.extract_strided_slice %get3A_74 {offsets = [2], sizes = [1], strides = [1]} : vector<16xf32> to vector<1xf32>
        %squeeze3A_124 = vector.extract %slice3A_123[0] : f32 from vector<1xf32>
        %mul3A_125 = vector.broadcast %squeeze3A_124 : f32 to vector<16xf32>
        %mul3A_126 = arith.mulf %get3A_122, %mul3A_125 : vector<16xf32>
        %mul3A_127 = arith.constant 16 : i32
        %mul3A_128 = arith.muli %scan3A_69, %mul3A_127 : i32
        %add3A_129 = arith.constant 2 : i32
        %add3A_130 = arith.addi %mul3A_128, %add3A_129 : i32
        %swap3A_131 = arith.index_cast %add3A_130 : i32 to index
        %swap3A_132 = arith.constant 0 : index
        %swap3A_133 = tpu.vector_load %arg10[%swap3A_131, %swap3A_132] {strides = array<i32>} : memref<1000x16xf32, #tpu.memory_space<vmem>>, vector<1x16xf32>,
        %swap3A_134 = vector.shape_cast %swap3A_133 : vector<1x16xf32> to vector<16xf32>
        %swap3A_135 = vector.shape_cast %mul3A_126 : vector<16xf32> to vector<1x16xf32>
        tpu.vector_store %arg10[%swap3A_131, %swap3A_132], %swap3A_135 {strides = array<i32>} : memref<1000x16xf32, #tpu.memory_space<vmem>>, vector<1x16xf32>,
        %mul3A_136 = arith.constant 16 : i32
        %mul3A_137 = arith.muli %scan3A_69, %mul3A_136 : i32
        %add3A_138 = arith.constant 3 : i32
        %add3A_139 = arith.addi %mul3A_137, %add3A_138 : i32
        %get3A_140 = arith.index_cast %add3A_139 : i32 to index
        %get3A_141 = arith.constant 0 : index
        %get3A_142 = tpu.vector_load %arg10[%get3A_140, %get3A_141] {strides = array<i32>} : memref<1000x16xf32, #tpu.memory_space<vmem>>, vector<1x16xf32>,
        %get3A_143 = vector.shape_cast %get3A_142 : vector<1x16xf32> to vector<16xf32>
        %slice3A_144 = vector.extract_strided_slice %get3A_74 {offsets = [3], sizes = [1], strides = [1]} : vector<16xf32> to vector<1xf32>
        %squeeze3A_145 = vector.extract %slice3A_144[0] : f32 from vector<1xf32>
        %mul3A_146 = vector.broadcast %squeeze3A_145 : f32 to vector<16xf32>
        %mul3A_147 = arith.mulf %get3A_143, %mul3A_146 : vector<16xf32>
        %mul3A_148 = arith.constant 16 : i32
        %mul3A_149 = arith.muli %scan3A_69, %mul3A_148 : i32
        %add3A_150 = arith.constant 3 : i32
        %add3A_151 = arith.addi %mul3A_149, %add3A_150 : i32
        %swap3A_152 = arith.index_cast %add3A_151 : i32 to index
        %swap3A_153 = arith.constant 0 : index
        %swap3A_154 = tpu.vector_load %arg10[%swap3A_152, %swap3A_153] {strides = array<i32>} : memref<1000x16xf32, #tpu.memory_space<vmem>>, vector<1x16xf32>,
        %swap3A_155 = vector.shape_cast %swap3A_154 : vector<1x16xf32> to vector<16xf32>
        %swap3A_156 = vector.shape_cast %mul3A_147 : vector<16xf32> to vector<1x16xf32>
        tpu.vector_store %arg10[%swap3A_152, %swap3A_153], %swap3A_156 {strides = array<i32>} : memref<1000x16xf32, #tpu.memory_space<vmem>>, vector<1x16xf32>,
        %mul3A_157 = arith.constant 16 : i32
        %mul3A_158 = arith.muli %scan3A_69, %mul3A_157 : i32
        %add3A_159 = arith.constant 4 : i32
        %add3A_160 = arith.addi %mul3A_158, %add3A_159 : i32
        %get3A_161 = arith.index_cast %add3A_160 : i32 to index
        %get3A_162 = arith.constant 0 : index
        %get3A_163 = tpu.vector_load %arg10[%get3A_161, %get3A_162] {strides = array<i32>} : memref<1000x16xf32, #tpu.memory_space<vmem>>, vector<1x16xf32>,
        %get3A_164 = vector.shape_cast %get3A_163 : vector<1x16xf32> to vector<16xf32>
        %slice3A_165 = vector.extract_strided_slice %get3A_74 {offsets = [4], sizes = [1], strides = [1]} : vector<16xf32> to vector<1xf32>
        %squeeze3A_166 = vector.extract %slice3A_165[0] : f32 from vector<1xf32>
        %mul3A_167 = vector.broadcast %squeeze3A_166 : f32 to vector<16xf32>
        %mul3A_168 = arith.mulf %get3A_164, %mul3A_167 : vector<16xf32>
        %mul3A_169 = arith.constant 16 : i32
        %mul3A_170 = arith.muli %scan3A_69, %mul3A_169 : i32
        %add3A_171 = arith.constant 4 : i32
        %add3A_172 = arith.addi %mul3A_170, %add3A_171 : i32
        %swap3A_173 = arith.index_cast %add3A_172 : i32 to index
        %swap3A_174 = arith.constant 0 : index
        %swap3A_175 = tpu.vector_load %arg10[%swap3A_173, %swap3A_174] {strides = array<i32>} : memref<1000x16xf32, #tpu.memory_space<vmem>>, vector<1x16xf32>,
        %swap3A_176 = vector.shape_cast %swap3A_175 : vector<1x16xf32> to vector<16xf32>
        %swap3A_177 = vector.shape_cast %mul3A_168 : vector<16xf32> to vector<1x16xf32>
        tpu.vector_store %arg10[%swap3A_173, %swap3A_174], %swap3A_177 {strides = array<i32>} : memref<1000x16xf32, #tpu.memory_space<vmem>>, vector<1x16xf32>,
        %mul3A_178 = arith.constant 16 : i32
        %mul3A_179 = arith.muli %scan3A_69, %mul3A_178 : i32
        %add3A_180 = arith.constant 5 : i32
        %add3A_181 = arith.addi %mul3A_179, %add3A_180 : i32
        %get3A_182 = arith.index_cast %add3A_181 : i32 to index
        %get3A_183 = arith.constant 0 : index
        %get3A_184 = tpu.vector_load %arg10[%get3A_182, %get3A_183] {strides = array<i32>} : memref<1000x16xf32, #tpu.memory_space<vmem>>, vector<1x16xf32>,
        %get3A_185 = vector.shape_cast %get3A_184 : vector<1x16xf32> to vector<16xf32>
        %slice3A_186 = vector.extract_strided_slice %get3A_74 {offsets = [5], sizes = [1], strides = [1]} : vector<16xf32> to vector<1xf32>
        %squeeze3A_187 = vector.extract %slice3A_186[0] : f32 from vector<1xf32>
        %mul3A_188 = vector.broadcast %squeeze3A_187 : f32 to vector<16xf32>
        %mul3A_189 = arith.mulf %get3A_185, %mul3A_188 : vector<16xf32>
        %mul3A_190 = arith.constant 16 : i32
        %mul3A_191 = arith.muli %scan3A_69, %mul3A_190 : i32
        %add3A_192 = arith.constant 5 : i32
        %add3A_193 = arith.addi %mul3A_191, %add3A_192 : i32
        %swap3A_194 = arith.index_cast %add3A_193 : i32 to index
        %swap3A_195 = arith.constant 0 : index
        %swap3A_196 = tpu.vector_load %arg10[%swap3A_194, %swap3A_195] {strides = array<i32>} : memref<1000x16xf32, #tpu.memory_space<vmem>>, vector<1x16xf32>,
        %swap3A_197 = vector.shape_cast %swap3A_196 : vector<1x16xf32> to vector<16xf32>
        %swap3A_198 = vector.shape_cast %mul3A_189 : vector<16xf32> to vector<1x16xf32>
        tpu.vector_store %arg10[%swap3A_194, %swap3A_195], %swap3A_198 {strides = array<i32>} : memref<1000x16xf32, #tpu.memory_space<vmem>>, vector<1x16xf32>,
        %mul3A_199 = arith.constant 16 : i32
        %mul3A_200 = arith.muli %scan3A_69, %mul3A_199 : i32
        %add3A_201 = arith.constant 6 : i32
        %add3A_202 = arith.addi %mul3A_200, %add3A_201 : i32
        %get3A_203 = arith.index_cast %add3A_202 : i32 to index
        %get3A_204 = arith.constant 0 : index
        %get3A_205 = tpu.vector_load %arg10[%get3A_203, %get3A_204] {strides = array<i32>} : memref<1000x16xf32, #tpu.memory_space<vmem>>, vector<1x16xf32>,
        %get3A_206 = vector.shape_cast %get3A_205 : vector<1x16xf32> to vector<16xf32>
        %slice3A_207 = vector.extract_strided_slice %get3A_74 {offsets = [6], sizes = [1], strides = [1]} : vector<16xf32> to vector<1xf32>
        %squeeze3A_208 = vector.extract %slice3A_207[0] : f32 from vector<1xf32>
        %mul3A_209 = vector.broadcast %squeeze3A_208 : f32 to vector<16xf32>
        %mul3A_210 = arith.mulf %get3A_206, %mul3A_209 : vector<16xf32>
        %mul3A_211 = arith.constant 16 : i32
        %mul3A_212 = arith.muli %scan3A_69, %mul3A_211 : i32
        %add3A_213 = arith.constant 6 : i32
        %add3A_214 = arith.addi %mul3A_212, %add3A_213 : i32
        %swap3A_215 = arith.index_cast %add3A_214 : i32 to index
        %swap3A_216 = arith.constant 0 : index
        %swap3A_217 = tpu.vector_load %arg10[%swap3A_215, %swap3A_216] {strides = array<i32>} : memref<1000x16xf32, #tpu.memory_space<vmem>>, vector<1x16xf32>,
        %swap3A_218 = vector.shape_cast %swap3A_217 : vector<1x16xf32> to vector<16xf32>
        %swap3A_219 = vector.shape_cast %mul3A_210 : vector<16xf32> to vector<1x16xf32>
        tpu.vector_store %arg10[%swap3A_215, %swap3A_216], %swap3A_219 {strides = array<i32>} : memref<1000x16xf32, #tpu.memory_space<vmem>>, vector<1x16xf32>,
        %mul3A_220 = arith.constant 16 : i32
        %mul3A_221 = arith.muli %scan3A_69, %mul3A_220 : i32
        %add3A_222 = arith.constant 7 : i32
        %add3A_223 = arith.addi %mul3A_221, %add3A_222 : i32
        %get3A_224 = arith.index_cast %add3A_223 : i32 to index
        %get3A_225 = arith.constant 0 : index
        %get3A_226 = tpu.vector_load %arg10[%get3A_224, %get3A_225] {strides = array<i32>} : memref<1000x16xf32, #tpu.memory_space<vmem>>, vector<1x16xf32>,
        %get3A_227 = vector.shape_cast %get3A_226 : vector<1x16xf32> to vector<16xf32>
        %slice3A_228 = vector.extract_strided_slice %get3A_74 {offsets = [7], sizes = [1], strides = [1]} : vector<16xf32> to vector<1xf32>
        %squeeze3A_229 = vector.extract %slice3A_228[0] : f32 from vector<1xf32>
        %mul3A_230 = vector.broadcast %squeeze3A_229 : f32 to vector<16xf32>
        %mul3A_231 = arith.mulf %get3A_227, %mul3A_230 : vector<16xf32>
        %mul3A_232 = arith.constant 16 : i32
        %mul3A_233 = arith.muli %scan3A_69, %mul3A_232 : i32
        %add3A_234 = arith.constant 7 : i32
        %add3A_235 = arith.addi %mul3A_233, %add3A_234 : i32
        %swap3A_236 = arith.index_cast %add3A_235 : i32 to index
        %swap3A_237 = arith.constant 0 : index
        %swap3A_238 = tpu.vector_load %arg10[%swap3A_236, %swap3A_237] {strides = array<i32>} : memref<1000x16xf32, #tpu.memory_space<vmem>>, vector<1x16xf32>,
        %swap3A_239 = vector.shape_cast %swap3A_238 : vector<1x16xf32> to vector<16xf32>
        %swap3A_240 = vector.shape_cast %mul3A_231 : vector<16xf32> to vector<1x16xf32>
        tpu.vector_store %arg10[%swap3A_236, %swap3A_237], %swap3A_240 {strides = array<i32>} : memref<1000x16xf32, #tpu.memory_space<vmem>>, vector<1x16xf32>,
        %mul3A_241 = arith.constant 16 : i32
        %mul3A_242 = arith.muli %scan3A_69, %mul3A_241 : i32
        %add3A_243 = arith.constant 8 : i32
        %add3A_244 = arith.addi %mul3A_242, %add3A_243 : i32
        %get3A_245 = arith.index_cast %add3A_244 : i32 to index
        %get3A_246 = arith.constant 0 : index
        %get3A_247 = tpu.vector_load %arg10[%get3A_245, %get3A_246] {strides = array<i32>} : memref<1000x16xf32, #tpu.memory_space<vmem>>, vector<1x16xf32>,
        %get3A_248 = vector.shape_cast %get3A_247 : vector<1x16xf32> to vector<16xf32>
        %slice3A_249 = vector.extract_strided_slice %get3A_74 {offsets = [8], sizes = [1], strides = [1]} : vector<16xf32> to vector<1xf32>
        %squeeze3A_250 = vector.extract %slice3A_249[0] : f32 from vector<1xf32>
        %mul3A_251 = vector.broadcast %squeeze3A_250 : f32 to vector<16xf32>
        %mul3A_252 = arith.mulf %get3A_248, %mul3A_251 : vector<16xf32>
        %mul3A_253 = arith.constant 16 : i32
        %mul3A_254 = arith.muli %scan3A_69, %mul3A_253 : i32
        %add3A_255 = arith.constant 8 : i32
        %add3A_256 = arith.addi %mul3A_254, %add3A_255 : i32
        %swap3A_257 = arith.index_cast %add3A_256 : i32 to index
        %swap3A_258 = arith.constant 0 : index
        %swap3A_259 = tpu.vector_load %arg10[%swap3A_257, %swap3A_258] {strides = array<i32>} : memref<1000x16xf32, #tpu.memory_space<vmem>>, vector<1x16xf32>,
        %swap3A_260 = vector.shape_cast %swap3A_259 : vector<1x16xf32> to vector<16xf32>
        %swap3A_261 = vector.shape_cast %mul3A_252 : vector<16xf32> to vector<1x16xf32>
        tpu.vector_store %arg10[%swap3A_257, %swap3A_258], %swap3A_261 {strides = array<i32>} : memref<1000x16xf32, #tpu.memory_space<vmem>>, vector<1x16xf32>,
        %mul3A_262 = arith.constant 16 : i32
        %mul3A_263 = arith.muli %scan3A_69, %mul3A_262 : i32
        %add3A_264 = arith.constant 9 : i32
        %add3A_265 = arith.addi %mul3A_263, %add3A_264 : i32
        %get3A_266 = arith.index_cast %add3A_265 : i32 to index
        %get3A_267 = arith.constant 0 : index
        %get3A_268 = tpu.vector_load %arg10[%get3A_266, %get3A_267] {strides = array<i32>} : memref<1000x16xf32, #tpu.memory_space<vmem>>, vector<1x16xf32>,
        %get3A_269 = vector.shape_cast %get3A_268 : vector<1x16xf32> to vector<16xf32>
        %slice3A_270 = vector.extract_strided_slice %get3A_74 {offsets = [9], sizes = [1], strides = [1]} : vector<16xf32> to vector<1xf32>
        %squeeze3A_271 = vector.extract %slice3A_270[0] : f32 from vector<1xf32>
        %mul3A_272 = vector.broadcast %squeeze3A_271 : f32 to vector<16xf32>
        %mul3A_273 = arith.mulf %get3A_269, %mul3A_272 : vector<16xf32>
        %mul3A_274 = arith.constant 16 : i32
        %mul3A_275 = arith.muli %scan3A_69, %mul3A_274 : i32
        %add3A_276 = arith.constant 9 : i32
        %add3A_277 = arith.addi %mul3A_275, %add3A_276 : i32
        %swap3A_278 = arith.index_cast %add3A_277 : i32 to index
        %swap3A_279 = arith.constant 0 : index
        %swap3A_280 = tpu.vector_load %arg10[%swap3A_278, %swap3A_279] {strides = array<i32>} : memref<1000x16xf32, #tpu.memory_space<vmem>>, vector<1x16xf32>,
        %swap3A_281 = vector.shape_cast %swap3A_280 : vector<1x16xf32> to vector<16xf32>
        %swap3A_282 = vector.shape_cast %mul3A_273 : vector<16xf32> to vector<1x16xf32>
        tpu.vector_store %arg10[%swap3A_278, %swap3A_279], %swap3A_282 {strides = array<i32>} : memref<1000x16xf32, #tpu.memory_space<vmem>>, vector<1x16xf32>,
        %mul3A_283 = arith.constant 16 : i32
        %mul3A_284 = arith.muli %scan3A_69, %mul3A_283 : i32
        %add3A_285 = arith.constant 10 : i32
        %add3A_286 = arith.addi %mul3A_284, %add3A_285 : i32
        %get3A_287 = arith.index_cast %add3A_286 : i32 to index
        %get3A_288 = arith.constant 0 : index
        %get3A_289 = tpu.vector_load %arg10[%get3A_287, %get3A_288] {strides = array<i32>} : memref<1000x16xf32, #tpu.memory_space<vmem>>, vector<1x16xf32>,
        %get3A_290 = vector.shape_cast %get3A_289 : vector<1x16xf32> to vector<16xf32>
        %slice3A_291 = vector.extract_strided_slice %get3A_74 {offsets = [10], sizes = [1], strides = [1]} : vector<16xf32> to vector<1xf32>
        %squeeze3A_292 = vector.extract %slice3A_291[0] : f32 from vector<1xf32>
        %mul3A_293 = vector.broadcast %squeeze3A_292 : f32 to vector<16xf32>
        %mul3A_294 = arith.mulf %get3A_290, %mul3A_293 : vector<16xf32>
        %mul3A_295 = arith.constant 16 : i32
        %mul3A_296 = arith.muli %scan3A_69, %mul3A_295 : i32
        %add3A_297 = arith.constant 10 : i32
        %add3A_298 = arith.addi %mul3A_296, %add3A_297 : i32
        %swap3A_299 = arith.index_cast %add3A_298 : i32 to index
        %swap3A_300 = arith.constant 0 : index
        %swap3A_301 = tpu.vector_load %arg10[%swap3A_299, %swap3A_300] {strides = array<i32>} : memref<1000x16xf32, #tpu.memory_space<vmem>>, vector<1x16xf32>,
        %swap3A_302 = vector.shape_cast %swap3A_301 : vector<1x16xf32> to vector<16xf32>
        %swap3A_303 = vector.shape_cast %mul3A_294 : vector<16xf32> to vector<1x16xf32>
        tpu.vector_store %arg10[%swap3A_299, %swap3A_300], %swap3A_303 {strides = array<i32>} : memref<1000x16xf32, #tpu.memory_space<vmem>>, vector<1x16xf32>,
        %mul3A_304 = arith.constant 16 : i32
        %mul3A_305 = arith.muli %scan3A_69, %mul3A_304 : i32
        %add3A_306 = arith.constant 11 : i32
        %add3A_307 = arith.addi %mul3A_305, %add3A_306 : i32
        %get3A_308 = arith.index_cast %add3A_307 : i32 to index
        %get3A_309 = arith.constant 0 : index
        %get3A_310 = tpu.vector_load %arg10[%get3A_308, %get3A_309] {strides = array<i32>} : memref<1000x16xf32, #tpu.memory_space<vmem>>, vector<1x16xf32>,
        %get3A_311 = vector.shape_cast %get3A_310 : vector<1x16xf32> to vector<16xf32>
        %slice3A_312 = vector.extract_strided_slice %get3A_74 {offsets = [11], sizes = [1], strides = [1]} : vector<16xf32> to vector<1xf32>
        %squeeze3A_313 = vector.extract %slice3A_312[0] : f32 from vector<1xf32>
        %mul3A_314 = vector.broadcast %squeeze3A_313 : f32 to vector<16xf32>
        %mul3A_315 = arith.mulf %get3A_311, %mul3A_314 : vector<16xf32>
        %mul3A_316 = arith.constant 16 : i32
        %mul3A_317 = arith.muli %scan3A_69, %mul3A_316 : i32
        %add3A_318 = arith.constant 11 : i32
        %add3A_319 = arith.addi %mul3A_317, %add3A_318 : i32
        %swap3A_320 = arith.index_cast %add3A_319 : i32 to index
        %swap3A_321 = arith.constant 0 : index
        %swap3A_322 = tpu.vector_load %arg10[%swap3A_320, %swap3A_321] {strides = array<i32>} : memref<1000x16xf32, #tpu.memory_space<vmem>>, vector<1x16xf32>,
        %swap3A_323 = vector.shape_cast %swap3A_322 : vector<1x16xf32> to vector<16xf32>
        %swap3A_324 = vector.shape_cast %mul3A_315 : vector<16xf32> to vector<1x16xf32>
        tpu.vector_store %arg10[%swap3A_320, %swap3A_321], %swap3A_324 {strides = array<i32>} : memref<1000x16xf32, #tpu.memory_space<vmem>>, vector<1x16xf32>,
        %mul3A_325 = arith.constant 16 : i32
        %mul3A_326 = arith.muli %scan3A_69, %mul3A_325 : i32
        %add3A_327 = arith.constant 12 : i32
        %add3A_328 = arith.addi %mul3A_326, %add3A_327 : i32
        %get3A_329 = arith.index_cast %add3A_328 : i32 to index
        %get3A_330 = arith.constant 0 : index
        %get3A_331 = tpu.vector_load %arg10[%get3A_329, %get3A_330] {strides = array<i32>} : memref<1000x16xf32, #tpu.memory_space<vmem>>, vector<1x16xf32>,
        %get3A_332 = vector.shape_cast %get3A_331 : vector<1x16xf32> to vector<16xf32>
        %slice3A_333 = vector.extract_strided_slice %get3A_74 {offsets = [12], sizes = [1], strides = [1]} : vector<16xf32> to vector<1xf32>
        %squeeze3A_334 = vector.extract %slice3A_333[0] : f32 from vector<1xf32>
        %mul3A_335 = vector.broadcast %squeeze3A_334 : f32 to vector<16xf32>
        %mul3A_336 = arith.mulf %get3A_332, %mul3A_335 : vector<16xf32>
        %mul3A_337 = arith.constant 16 : i32
        %mul3A_338 = arith.muli %scan3A_69, %mul3A_337 : i32
        %add3A_339 = arith.constant 12 : i32
        %add3A_340 = arith.addi %mul3A_338, %add3A_339 : i32
        %swap3A_341 = arith.index_cast %add3A_340 : i32 to index
        %swap3A_342 = arith.constant 0 : index
        %swap3A_343 = tpu.vector_load %arg10[%swap3A_341, %swap3A_342] {strides = array<i32>} : memref<1000x16xf32, #tpu.memory_space<vmem>>, vector<1x16xf32>,
        %swap3A_344 = vector.shape_cast %swap3A_343 : vector<1x16xf32> to vector<16xf32>
        %swap3A_345 = vector.shape_cast %mul3A_336 : vector<16xf32> to vector<1x16xf32>
        tpu.vector_store %arg10[%swap3A_341, %swap3A_342], %swap3A_345 {strides = array<i32>} : memref<1000x16xf32, #tpu.memory_space<vmem>>, vector<1x16xf32>,
        %mul3A_346 = arith.constant 16 : i32
        %mul3A_347 = arith.muli %scan3A_69, %mul3A_346 : i32
        %add3A_348 = arith.constant 13 : i32
        %add3A_349 = arith.addi %mul3A_347, %add3A_348 : i32
        %get3A_350 = arith.index_cast %add3A_349 : i32 to index
        %get3A_351 = arith.constant 0 : index
        %get3A_352 = tpu.vector_load %arg10[%get3A_350, %get3A_351] {strides = array<i32>} : memref<1000x16xf32, #tpu.memory_space<vmem>>, vector<1x16xf32>,
        %get3A_353 = vector.shape_cast %get3A_352 : vector<1x16xf32> to vector<16xf32>
        %slice3A_354 = vector.extract_strided_slice %get3A_74 {offsets = [13], sizes = [1], strides = [1]} : vector<16xf32> to vector<1xf32>
        %squeeze3A_355 = vector.extract %slice3A_354[0] : f32 from vector<1xf32>
        %mul3A_356 = vector.broadcast %squeeze3A_355 : f32 to vector<16xf32>
        %mul3A_357 = arith.mulf %get3A_353, %mul3A_356 : vector<16xf32>
        %mul3A_358 = arith.constant 16 : i32
        %mul3A_359 = arith.muli %scan3A_69, %mul3A_358 : i32
        %add3A_360 = arith.constant 13 : i32
        %add3A_361 = arith.addi %mul3A_359, %add3A_360 : i32
        %swap3A_362 = arith.index_cast %add3A_361 : i32 to index
        %swap3A_363 = arith.constant 0 : index
        %swap3A_364 = tpu.vector_load %arg10[%swap3A_362, %swap3A_363] {strides = array<i32>} : memref<1000x16xf32, #tpu.memory_space<vmem>>, vector<1x16xf32>,
        %swap3A_365 = vector.shape_cast %swap3A_364 : vector<1x16xf32> to vector<16xf32>
        %swap3A_366 = vector.shape_cast %mul3A_357 : vector<16xf32> to vector<1x16xf32>
        tpu.vector_store %arg10[%swap3A_362, %swap3A_363], %swap3A_366 {strides = array<i32>} : memref<1000x16xf32, #tpu.memory_space<vmem>>, vector<1x16xf32>,
        %mul3A_367 = arith.constant 16 : i32
        %mul3A_368 = arith.muli %scan3A_69, %mul3A_367 : i32
        %add3A_369 = arith.constant 14 : i32
        %add3A_370 = arith.addi %mul3A_368, %add3A_369 : i32
        %get3A_371 = arith.index_cast %add3A_370 : i32 to index
        %get3A_372 = arith.constant 0 : index
        %get3A_373 = tpu.vector_load %arg10[%get3A_371, %get3A_372] {strides = array<i32>} : memref<1000x16xf32, #tpu.memory_space<vmem>>, vector<1x16xf32>,
        %get3A_374 = vector.shape_cast %get3A_373 : vector<1x16xf32> to vector<16xf32>
        %slice3A_375 = vector.extract_strided_slice %get3A_74 {offsets = [14], sizes = [1], strides = [1]} : vector<16xf32> to vector<1xf32>
        %squeeze3A_376 = vector.extract %slice3A_375[0] : f32 from vector<1xf32>
        %mul3A_377 = vector.broadcast %squeeze3A_376 : f32 to vector<16xf32>
        %mul3A_378 = arith.mulf %get3A_374, %mul3A_377 : vector<16xf32>
        %mul3A_379 = arith.constant 16 : i32
        %mul3A_380 = arith.muli %scan3A_69, %mul3A_379 : i32
        %add3A_381 = arith.constant 14 : i32
        %add3A_382 = arith.addi %mul3A_380, %add3A_381 : i32
        %swap3A_383 = arith.index_cast %add3A_382 : i32 to index
        %swap3A_384 = arith.constant 0 : index
        %swap3A_385 = tpu.vector_load %arg10[%swap3A_383, %swap3A_384] {strides = array<i32>} : memref<1000x16xf32, #tpu.memory_space<vmem>>, vector<1x16xf32>,
        %swap3A_386 = vector.shape_cast %swap3A_385 : vector<1x16xf32> to vector<16xf32>
        %swap3A_387 = vector.shape_cast %mul3A_378 : vector<16xf32> to vector<1x16xf32>
        tpu.vector_store %arg10[%swap3A_383, %swap3A_384], %swap3A_387 {strides = array<i32>} : memref<1000x16xf32, #tpu.memory_space<vmem>>, vector<1x16xf32>,
        %mul3A_388 = arith.constant 16 : i32
        %mul3A_389 = arith.muli %scan3A_69, %mul3A_388 : i32
        %add3A_390 = arith.constant 15 : i32
        %add3A_391 = arith.addi %mul3A_389, %add3A_390 : i32
        %get3A_392 = arith.index_cast %add3A_391 : i32 to index
        %get3A_393 = arith.constant 0 : index
        %get3A_394 = tpu.vector_load %arg10[%get3A_392, %get3A_393] {strides = array<i32>} : memref<1000x16xf32, #tpu.memory_space<vmem>>, vector<1x16xf32>,
        %get3A_395 = vector.shape_cast %get3A_394 : vector<1x16xf32> to vector<16xf32>
        %slice3A_396 = vector.extract_strided_slice %get3A_74 {offsets = [15], sizes = [1], strides = [1]} : vector<16xf32> to vector<1xf32>
        %squeeze3A_397 = vector.extract %slice3A_396[0] : f32 from vector<1xf32>
        %mul3A_398 = vector.broadcast %squeeze3A_397 : f32 to vector<16xf32>
        %mul3A_399 = arith.mulf %get3A_395, %mul3A_398 : vector<16xf32>
        %mul3A_400 = arith.constant 16 : i32
        %mul3A_401 = arith.muli %scan3A_69, %mul3A_400 : i32
        %add3A_402 = arith.constant 15 : i32
        %add3A_403 = arith.addi %mul3A_401, %add3A_402 : i32
        %swap3A_404 = arith.index_cast %add3A_403 : i32 to index
        %swap3A_405 = arith.constant 0 : index
        %swap3A_406 = tpu.vector_load %arg10[%swap3A_404, %swap3A_405] {strides = array<i32>} : memref<1000x16xf32, #tpu.memory_space<vmem>>, vector<1x16xf32>,
        %swap3A_407 = vector.shape_cast %swap3A_406 : vector<1x16xf32> to vector<16xf32>
        %swap3A_408 = vector.shape_cast %mul3A_399 : vector<16xf32> to vector<1x16xf32>
        tpu.vector_store %arg10[%swap3A_404, %swap3A_405], %swap3A_408 {strides = array<i32>} : memref<1000x16xf32, #tpu.memory_space<vmem>>, vector<1x16xf32>,
        %scan3A_409 = arith.constant 0 : i32
        scf.yield %scan3A_409 : i32
      }
      %scan3A_68 = arith.constant 41 : i32
      "tpu.region"() ({
        %run_scoped3A = tpu.sem_alloc : memref<!tpu.dma_semaphore, #tpu.memory_space<semaphore_mem>>
        %dma_start3A = arith.constant 0 : i32
        %dma_start3A_69 = arith.constant 0 : i32
        %dma_start3A_70 = tpu.memref_slice %arg10[%dma_start3A, %dma_start3A_69] : memref<1000x16xf32, #tpu.memory_space<vmem>> -> memref<656x16xf32, #tpu.memory_space<vmem>>
        %dma_start3A_71 = arith.constant 0 : i32
        %dma_start3A_72 = tpu.memref_slice %arg7[%arg0, %multiple_of3A_54, %dma_start3A_71] : memref<2x100000x16xf32, #tpu.memory_space<hbm>> -> memref<1x656x16xf32, #tpu.memory_space<hbm>>
        %dma_start3A_73 = tpu.memref_squeeze %dma_start3A_72 : memref<1x656x16xf32, #tpu.memory_space<hbm>> -> memref<656x16xf32, #tpu.memory_space<hbm>>
        %dma_start3A_74 = arith.constant 0 : i32
        %dma_start3A_75 = tpu.memref_slice %arg7[%arg0, %multiple_of3A_54, %dma_start3A_74] : memref<2x100000x16xf32, #tpu.memory_space<hbm>> -> memref<1x656x16xf32, #tpu.memory_space<hbm>>
        %dma_start3A_76 = tpu.memref_squeeze %dma_start3A_75 : memref<1x656x16xf32, #tpu.memory_space<hbm>> -> memref<656x16xf32, #tpu.memory_space<hbm>>
        %dma_start3A_77 = arith.constant 0 : i32
        %dma_start3A_78 = arith.constant 0 : i32
        %dma_start3A_79 = tpu.memref_slice %arg10[%dma_start3A_77, %dma_start3A_78] : memref<1000x16xf32, #tpu.memory_space<vmem>> -> memref<656x16xf32, #tpu.memory_space<vmem>>
        tpu.enqueue_dma source(%dma_start3A_79 : memref<656x16xf32, #tpu.memory_space<vmem>>) target(%dma_start3A_76 : memref<656x16xf32, #tpu.memory_space<hbm>>) target_semaphore(%run_scoped3A : memref<!tpu.dma_semaphore, #tpu.memory_space<semaphore_mem>>)
        %dma_wait3A = arith.constant 0 : i32
        %dma_wait3A_80 = arith.constant 0 : i32
        %dma_wait3A_81 = tpu.memref_slice %arg10[%dma_wait3A, %dma_wait3A_80] : memref<1000x16xf32, #tpu.memory_space<vmem>> -> memref<656x16xf32, #tpu.memory_space<vmem>>
        %dma_wait3A_82 = arith.constant 0 : i32
        %dma_wait3A_83 = tpu.memref_slice %arg7[%arg0, %multiple_of3A_54, %dma_wait3A_82] : memref<2x100000x16xf32, #tpu.memory_space<hbm>> -> memref<1x656x16xf32, #tpu.memory_space<hbm>>
        %dma_wait3A_84 = tpu.memref_squeeze %dma_wait3A_83 : memref<1x656x16xf32, #tpu.memory_space<hbm>> -> memref<656x16xf32, #tpu.memory_space<hbm>>
        %dma_wait3A_85 = arith.constant 0 : i32
        %dma_wait3A_86 = tpu.memref_slice %arg7[%arg0, %multiple_of3A_54, %dma_wait3A_85] : memref<2x100000x16xf32, #tpu.memory_space<hbm>> -> memref<1x656x16xf32, #tpu.memory_space<hbm>>
        %dma_wait3A_87 = tpu.memref_squeeze %dma_wait3A_86 : memref<1x656x16xf32, #tpu.memory_space<hbm>> -> memref<656x16xf32, #tpu.memory_space<hbm>>
        %dma_wait3A_88 = arith.constant 0 : i32
        %dma_wait3A_89 = arith.constant 0 : i32
        %dma_wait3A_90 = tpu.memref_slice %arg10[%dma_wait3A_88, %dma_wait3A_89] : memref<1000x16xf32, #tpu.memory_space<vmem>> -> memref<656x16xf32, #tpu.memory_space<vmem>>
        tpu.wait_dma2 semaphore(%run_scoped3A : memref<!tpu.dma_semaphore, #tpu.memory_space<semaphore_mem>>) src(%dma_wait3A_90 : memref<656x16xf32, #tpu.memory_space<vmem>>) dst(%dma_wait3A_87 : memref<656x16xf32, #tpu.memory_space<hbm>>)
        tpu.yield
      }) : () -> ()
    } else {
    }
    %eq3A_47 = arith.constant 15 : i32
    %eq3A_48 = arith.cmpi eq, %arg1, %eq3A_47 : i32
    %convert_element_type3A_49 = arith.extui %eq3A_48 : i1 to i32
    %cond3A_50 = arith.constant 0 : i32
    %cond3A_51 = arith.cmpi ne, %convert_element_type3A_49, %cond3A_50 : i32
    scf.if %cond3A_51 {
      %add3A_52 = arith.constant 5600 : i32
      %add3A_53 = arith.addi %multiple_of3A, %add3A_52 : i32
      %multiple_of3A_54 = tpu.assume_multiple %add3A_53, 8 : i32
      "tpu.region"() ({
        %run_scoped3A = tpu.sem_alloc : memref<!tpu.dma_semaphore, #tpu.memory_space<semaphore_mem>>
        %dma_start3A = arith.constant 0 : i32
        %dma_start3A_69 = arith.constant 0 : i32
        %dma_start3A_70 = tpu.memref_slice %arg10[%dma_start3A, %dma_start3A_69] : memref<1000x16xf32, #tpu.memory_space<vmem>> -> memref<560x16xf32, #tpu.memory_space<vmem>>
        %dma_start3A_71 = arith.constant 0 : i32
        %dma_start3A_72 = tpu.memref_slice %arg13[%multiple_of3A_54, %dma_start3A_71] : memref<100000x16xf32, #tpu.memory_space<vmem_shared>> -> memref<560x16xf32, #tpu.memory_space<vmem_shared>>
        %dma_start3A_73 = arith.constant 0 : i32
        %dma_start3A_74 = arith.constant 0 : i32
        %dma_start3A_75 = tpu.memref_slice %arg10[%dma_start3A_73, %dma_start3A_74] : memref<1000x16xf32, #tpu.memory_space<vmem>> -> memref<560x16xf32, #tpu.memory_space<vmem>>
        %dma_start3A_76 = arith.constant 0 : i32
        %dma_start3A_77 = tpu.memref_slice %arg13[%multiple_of3A_54, %dma_start3A_76] : memref<100000x16xf32, #tpu.memory_space<vmem_shared>> -> memref<560x16xf32, #tpu.memory_space<vmem_shared>>
        tpu.enqueue_dma source(%dma_start3A_77 : memref<560x16xf32, #tpu.memory_space<vmem_shared>>) target(%dma_start3A_75 : memref<560x16xf32, #tpu.memory_space<vmem>>) target_semaphore(%run_scoped3A : memref<!tpu.dma_semaphore, #tpu.memory_space<semaphore_mem>>)
        %dma_wait3A = arith.constant 0 : i32
        %dma_wait3A_78 = arith.constant 0 : i32
        %dma_wait3A_79 = tpu.memref_slice %arg10[%dma_wait3A, %dma_wait3A_78] : memref<1000x16xf32, #tpu.memory_space<vmem>> -> memref<560x16xf32, #tpu.memory_space<vmem>>
        %dma_wait3A_80 = arith.constant 0 : i32
        %dma_wait3A_81 = tpu.memref_slice %arg13[%multiple_of3A_54, %dma_wait3A_80] : memref<100000x16xf32, #tpu.memory_space<vmem_shared>> -> memref<560x16xf32, #tpu.memory_space<vmem_shared>>
        %dma_wait3A_82 = arith.constant 0 : i32
        %dma_wait3A_83 = arith.constant 0 : i32
        %dma_wait3A_84 = tpu.memref_slice %arg10[%dma_wait3A_82, %dma_wait3A_83] : memref<1000x16xf32, #tpu.memory_space<vmem>> -> memref<560x16xf32, #tpu.memory_space<vmem>>
        %dma_wait3A_85 = arith.constant 0 : i32
        %dma_wait3A_86 = tpu.memref_slice %arg13[%multiple_of3A_54, %dma_wait3A_85] : memref<100000x16xf32, #tpu.memory_space<vmem_shared>> -> memref<560x16xf32, #tpu.memory_space<vmem_shared>>
        tpu.wait_dma2 semaphore(%run_scoped3A : memref<!tpu.dma_semaphore, #tpu.memory_space<semaphore_mem>>) src(%dma_wait3A_86 : memref<560x16xf32, #tpu.memory_space<vmem_shared>>) dst(%dma_wait3A_84 : memref<560x16xf32, #tpu.memory_space<vmem>>)
        tpu.yield
      }) : () -> ()
      "tpu.region"() ({
        %run_scoped3A = tpu.sem_alloc : memref<!tpu.dma_semaphore, #tpu.memory_space<semaphore_mem>>
        %dma_start3A = arith.constant 0 : i32
        %dma_start3A_69 = tpu.memref_slice %arg12[%dma_start3A] : memref<1000xf32, #tpu.memory_space<vmem>> -> memref<560xf32, #tpu.memory_space<vmem>>
        %dma_start3A_70 = tpu.memref_slice %arg14[%multiple_of3A_54] : memref<100000xf32, #tpu.memory_space<vmem_shared>> -> memref<560xf32, #tpu.memory_space<vmem_shared>>
        %dma_start3A_71 = arith.constant 0 : i32
        %dma_start3A_72 = tpu.memref_slice %arg12[%dma_start3A_71] : memref<1000xf32, #tpu.memory_space<vmem>> -> memref<560xf32, #tpu.memory_space<vmem>>
        %dma_start3A_73 = tpu.memref_slice %arg14[%multiple_of3A_54] : memref<100000xf32, #tpu.memory_space<vmem_shared>> -> memref<560xf32, #tpu.memory_space<vmem_shared>>
        tpu.enqueue_dma source(%dma_start3A_73 : memref<560xf32, #tpu.memory_space<vmem_shared>>) target(%dma_start3A_72 : memref<560xf32, #tpu.memory_space<vmem>>) target_semaphore(%run_scoped3A : memref<!tpu.dma_semaphore, #tpu.memory_space<semaphore_mem>>)
        %dma_wait3A = arith.constant 0 : i32
        %dma_wait3A_74 = tpu.memref_slice %arg12[%dma_wait3A] : memref<1000xf32, #tpu.memory_space<vmem>> -> memref<560xf32, #tpu.memory_space<vmem>>
        %dma_wait3A_75 = tpu.memref_slice %arg14[%multiple_of3A_54] : memref<100000xf32, #tpu.memory_space<vmem_shared>> -> memref<560xf32, #tpu.memory_space<vmem_shared>>
        %dma_wait3A_76 = arith.constant 0 : i32
        %dma_wait3A_77 = tpu.memref_slice %arg12[%dma_wait3A_76] : memref<1000xf32, #tpu.memory_space<vmem>> -> memref<560xf32, #tpu.memory_space<vmem>>
        %dma_wait3A_78 = tpu.memref_slice %arg14[%multiple_of3A_54] : memref<100000xf32, #tpu.memory_space<vmem_shared>> -> memref<560xf32, #tpu.memory_space<vmem_shared>>
        tpu.wait_dma2 semaphore(%run_scoped3A : memref<!tpu.dma_semaphore, #tpu.memory_space<semaphore_mem>>) src(%dma_wait3A_78 : memref<560xf32, #tpu.memory_space<vmem_shared>>) dst(%dma_wait3A_77 : memref<560xf32, #tpu.memory_space<vmem>>)
        tpu.yield
      }) : () -> ()
      %scan3A_55 = arith.constant 0 : i32
      %scan3A_56 = arith.constant 0 : i32
      %scan3A_57 = arith.constant 35 : i32
      %scan3A_58 = arith.addi %scan3A_56, %scan3A_57 : i32
      %scan3A_59 = arith.constant 1 : i32
      %scan3A_60 = scf.for %scan3A_69 = %scan3A_56 to %scan3A_58 step %scan3A_59 iter_args(%scan3A_70 = %scan3A_55) -> (i32)  : i32 {
        %mul3A_71 = arith.constant 16 : i32
        %mul3A_72 = arith.muli %scan3A_69, %mul3A_71 : i32
        %get3A = arith.index_cast %mul3A_72 : i32 to index
        %get3A_73 = tpu.vector_load %arg12[%get3A] {strides = array<i32>} : memref<1000xf32, #tpu.memory_space<vmem>>, vector<16xf32>,
        %get3A_74 = vector.shape_cast %get3A_73 : vector<16xf32> to vector<16xf32>
        %max3A = arith.constant 1.000000e+00 : f32
        %max3A_75 = vector.broadcast %max3A : f32 to vector<16xf32>
        %max3A_76 = arith.maximumf %get3A_74, %max3A_75 : vector<16xf32>
        %div3A = arith.constant 1.000000e+00 : f32
        %div3A_77 = vector.broadcast %div3A : f32 to vector<16xf32>
        %div3A_78 = arith.divf %div3A_77, %max3A_76 : vector<16xf32>
        %mul3A_79 = arith.constant 16 : i32
        %mul3A_80 = arith.muli %scan3A_69, %mul3A_79 : i32
        %swap3A_81 = arith.index_cast %mul3A_80 : i32 to index
        %swap3A_82 = tpu.vector_load %arg11[%swap3A_81] {strides = array<i32>} : memref<1000xf32, #tpu.memory_space<vmem>>, vector<16xf32>,
        %swap3A_83 = vector.shape_cast %swap3A_82 : vector<16xf32> to vector<16xf32>
        %swap3A_84 = vector.shape_cast %div3A_78 : vector<16xf32> to vector<16xf32>
        tpu.vector_store %arg11[%swap3A_81], %swap3A_84 {strides = array<i32>} : memref<1000xf32, #tpu.memory_space<vmem>>, vector<16xf32>,
        %scan3A_85 = arith.constant 0 : i32
        scf.yield %scan3A_85 : i32
      }
      %scan3A_61 = arith.constant 35 : i32
      %scan3A_62 = arith.constant 0 : i32
      %scan3A_63 = arith.constant 0 : i32
      %scan3A_64 = arith.constant 35 : i32
      %scan3A_65 = arith.addi %scan3A_63, %scan3A_64 : i32
      %scan3A_66 = arith.constant 1 : i32
      %scan3A_67 = scf.for %scan3A_69 = %scan3A_63 to %scan3A_65 step %scan3A_66 iter_args(%scan3A_70 = %scan3A_62) -> (i32)  : i32 {
        %mul3A_71 = arith.constant 16 : i32
        %mul3A_72 = arith.muli %scan3A_69, %mul3A_71 : i32
        %get3A = arith.index_cast %mul3A_72 : i32 to index
        %get3A_73 = tpu.vector_load %arg11[%get3A] {strides = array<i32>} : memref<1000xf32, #tpu.memory_space<vmem>>, vector<16xf32>,
        %get3A_74 = vector.shape_cast %get3A_73 : vector<16xf32> to vector<16xf32>
        %mul3A_75 = arith.constant 16 : i32
        %mul3A_76 = arith.muli %scan3A_69, %mul3A_75 : i32
        %add3A_77 = arith.constant 0 : i32
        %add3A_78 = arith.addi %mul3A_76, %add3A_77 : i32
        %get3A_79 = arith.index_cast %add3A_78 : i32 to index
        %get3A_80 = arith.constant 0 : index
        %get3A_81 = tpu.vector_load %arg10[%get3A_79, %get3A_80] {strides = array<i32>} : memref<1000x16xf32, #tpu.memory_space<vmem>>, vector<1x16xf32>,
        %get3A_82 = vector.shape_cast %get3A_81 : vector<1x16xf32> to vector<16xf32>
        %slice3A = vector.extract_strided_slice %get3A_74 {offsets = [0], sizes = [1], strides = [1]} : vector<16xf32> to vector<1xf32>
        %squeeze3A = vector.extract %slice3A[0] : f32 from vector<1xf32>
        %mul3A_83 = vector.broadcast %squeeze3A : f32 to vector<16xf32>
        %mul3A_84 = arith.mulf %get3A_82, %mul3A_83 : vector<16xf32>
        %mul3A_85 = arith.constant 16 : i32
        %mul3A_86 = arith.muli %scan3A_69, %mul3A_85 : i32
        %add3A_87 = arith.constant 0 : i32
        %add3A_88 = arith.addi %mul3A_86, %add3A_87 : i32
        %swap3A_89 = arith.index_cast %add3A_88 : i32 to index
        %swap3A_90 = arith.constant 0 : index
        %swap3A_91 = tpu.vector_load %arg10[%swap3A_89, %swap3A_90] {strides = array<i32>} : memref<1000x16xf32, #tpu.memory_space<vmem>>, vector<1x16xf32>,
        %swap3A_92 = vector.shape_cast %swap3A_91 : vector<1x16xf32> to vector<16xf32>
        %swap3A_93 = vector.shape_cast %mul3A_84 : vector<16xf32> to vector<1x16xf32>
        tpu.vector_store %arg10[%swap3A_89, %swap3A_90], %swap3A_93 {strides = array<i32>} : memref<1000x16xf32, #tpu.memory_space<vmem>>, vector<1x16xf32>,
        %mul3A_94 = arith.constant 16 : i32
        %mul3A_95 = arith.muli %scan3A_69, %mul3A_94 : i32
        %add3A_96 = arith.constant 1 : i32
        %add3A_97 = arith.addi %mul3A_95, %add3A_96 : i32
        %get3A_98 = arith.index_cast %add3A_97 : i32 to index
        %get3A_99 = arith.constant 0 : index
        %get3A_100 = tpu.vector_load %arg10[%get3A_98, %get3A_99] {strides = array<i32>} : memref<1000x16xf32, #tpu.memory_space<vmem>>, vector<1x16xf32>,
        %get3A_101 = vector.shape_cast %get3A_100 : vector<1x16xf32> to vector<16xf32>
        %slice3A_102 = vector.extract_strided_slice %get3A_74 {offsets = [1], sizes = [1], strides = [1]} : vector<16xf32> to vector<1xf32>
        %squeeze3A_103 = vector.extract %slice3A_102[0] : f32 from vector<1xf32>
        %mul3A_104 = vector.broadcast %squeeze3A_103 : f32 to vector<16xf32>
        %mul3A_105 = arith.mulf %get3A_101, %mul3A_104 : vector<16xf32>
        %mul3A_106 = arith.constant 16 : i32
        %mul3A_107 = arith.muli %scan3A_69, %mul3A_106 : i32
        %add3A_108 = arith.constant 1 : i32
        %add3A_109 = arith.addi %mul3A_107, %add3A_108 : i32
        %swap3A_110 = arith.index_cast %add3A_109 : i32 to index
        %swap3A_111 = arith.constant 0 : index
        %swap3A_112 = tpu.vector_load %arg10[%swap3A_110, %swap3A_111] {strides = array<i32>} : memref<1000x16xf32, #tpu.memory_space<vmem>>, vector<1x16xf32>,
        %swap3A_113 = vector.shape_cast %swap3A_112 : vector<1x16xf32> to vector<16xf32>
        %swap3A_114 = vector.shape_cast %mul3A_105 : vector<16xf32> to vector<1x16xf32>
        tpu.vector_store %arg10[%swap3A_110, %swap3A_111], %swap3A_114 {strides = array<i32>} : memref<1000x16xf32, #tpu.memory_space<vmem>>, vector<1x16xf32>,
        %mul3A_115 = arith.constant 16 : i32
        %mul3A_116 = arith.muli %scan3A_69, %mul3A_115 : i32
        %add3A_117 = arith.constant 2 : i32
        %add3A_118 = arith.addi %mul3A_116, %add3A_117 : i32
        %get3A_119 = arith.index_cast %add3A_118 : i32 to index
        %get3A_120 = arith.constant 0 : index
        %get3A_121 = tpu.vector_load %arg10[%get3A_119, %get3A_120] {strides = array<i32>} : memref<1000x16xf32, #tpu.memory_space<vmem>>, vector<1x16xf32>,
        %get3A_122 = vector.shape_cast %get3A_121 : vector<1x16xf32> to vector<16xf32>
        %slice3A_123 = vector.extract_strided_slice %get3A_74 {offsets = [2], sizes = [1], strides = [1]} : vector<16xf32> to vector<1xf32>
        %squeeze3A_124 = vector.extract %slice3A_123[0] : f32 from vector<1xf32>
        %mul3A_125 = vector.broadcast %squeeze3A_124 : f32 to vector<16xf32>
        %mul3A_126 = arith.mulf %get3A_122, %mul3A_125 : vector<16xf32>
        %mul3A_127 = arith.constant 16 : i32
        %mul3A_128 = arith.muli %scan3A_69, %mul3A_127 : i32
        %add3A_129 = arith.constant 2 : i32
        %add3A_130 = arith.addi %mul3A_128, %add3A_129 : i32
        %swap3A_131 = arith.index_cast %add3A_130 : i32 to index
        %swap3A_132 = arith.constant 0 : index
        %swap3A_133 = tpu.vector_load %arg10[%swap3A_131, %swap3A_132] {strides = array<i32>} : memref<1000x16xf32, #tpu.memory_space<vmem>>, vector<1x16xf32>,
        %swap3A_134 = vector.shape_cast %swap3A_133 : vector<1x16xf32> to vector<16xf32>
        %swap3A_135 = vector.shape_cast %mul3A_126 : vector<16xf32> to vector<1x16xf32>
        tpu.vector_store %arg10[%swap3A_131, %swap3A_132], %swap3A_135 {strides = array<i32>} : memref<1000x16xf32, #tpu.memory_space<vmem>>, vector<1x16xf32>,
        %mul3A_136 = arith.constant 16 : i32
        %mul3A_137 = arith.muli %scan3A_69, %mul3A_136 : i32
        %add3A_138 = arith.constant 3 : i32
        %add3A_139 = arith.addi %mul3A_137, %add3A_138 : i32
        %get3A_140 = arith.index_cast %add3A_139 : i32 to index
        %get3A_141 = arith.constant 0 : index
        %get3A_142 = tpu.vector_load %arg10[%get3A_140, %get3A_141] {strides = array<i32>} : memref<1000x16xf32, #tpu.memory_space<vmem>>, vector<1x16xf32>,
        %get3A_143 = vector.shape_cast %get3A_142 : vector<1x16xf32> to vector<16xf32>
        %slice3A_144 = vector.extract_strided_slice %get3A_74 {offsets = [3], sizes = [1], strides = [1]} : vector<16xf32> to vector<1xf32>
        %squeeze3A_145 = vector.extract %slice3A_144[0] : f32 from vector<1xf32>
        %mul3A_146 = vector.broadcast %squeeze3A_145 : f32 to vector<16xf32>
        %mul3A_147 = arith.mulf %get3A_143, %mul3A_146 : vector<16xf32>
        %mul3A_148 = arith.constant 16 : i32
        %mul3A_149 = arith.muli %scan3A_69, %mul3A_148 : i32
        %add3A_150 = arith.constant 3 : i32
        %add3A_151 = arith.addi %mul3A_149, %add3A_150 : i32
        %swap3A_152 = arith.index_cast %add3A_151 : i32 to index
        %swap3A_153 = arith.constant 0 : index
        %swap3A_154 = tpu.vector_load %arg10[%swap3A_152, %swap3A_153] {strides = array<i32>} : memref<1000x16xf32, #tpu.memory_space<vmem>>, vector<1x16xf32>,
        %swap3A_155 = vector.shape_cast %swap3A_154 : vector<1x16xf32> to vector<16xf32>
        %swap3A_156 = vector.shape_cast %mul3A_147 : vector<16xf32> to vector<1x16xf32>
        tpu.vector_store %arg10[%swap3A_152, %swap3A_153], %swap3A_156 {strides = array<i32>} : memref<1000x16xf32, #tpu.memory_space<vmem>>, vector<1x16xf32>,
        %mul3A_157 = arith.constant 16 : i32
        %mul3A_158 = arith.muli %scan3A_69, %mul3A_157 : i32
        %add3A_159 = arith.constant 4 : i32
        %add3A_160 = arith.addi %mul3A_158, %add3A_159 : i32
        %get3A_161 = arith.index_cast %add3A_160 : i32 to index
        %get3A_162 = arith.constant 0 : index
        %get3A_163 = tpu.vector_load %arg10[%get3A_161, %get3A_162] {strides = array<i32>} : memref<1000x16xf32, #tpu.memory_space<vmem>>, vector<1x16xf32>,
        %get3A_164 = vector.shape_cast %get3A_163 : vector<1x16xf32> to vector<16xf32>
        %slice3A_165 = vector.extract_strided_slice %get3A_74 {offsets = [4], sizes = [1], strides = [1]} : vector<16xf32> to vector<1xf32>
        %squeeze3A_166 = vector.extract %slice3A_165[0] : f32 from vector<1xf32>
        %mul3A_167 = vector.broadcast %squeeze3A_166 : f32 to vector<16xf32>
        %mul3A_168 = arith.mulf %get3A_164, %mul3A_167 : vector<16xf32>
        %mul3A_169 = arith.constant 16 : i32
        %mul3A_170 = arith.muli %scan3A_69, %mul3A_169 : i32
        %add3A_171 = arith.constant 4 : i32
        %add3A_172 = arith.addi %mul3A_170, %add3A_171 : i32
        %swap3A_173 = arith.index_cast %add3A_172 : i32 to index
        %swap3A_174 = arith.constant 0 : index
        %swap3A_175 = tpu.vector_load %arg10[%swap3A_173, %swap3A_174] {strides = array<i32>} : memref<1000x16xf32, #tpu.memory_space<vmem>>, vector<1x16xf32>,
        %swap3A_176 = vector.shape_cast %swap3A_175 : vector<1x16xf32> to vector<16xf32>
        %swap3A_177 = vector.shape_cast %mul3A_168 : vector<16xf32> to vector<1x16xf32>
        tpu.vector_store %arg10[%swap3A_173, %swap3A_174], %swap3A_177 {strides = array<i32>} : memref<1000x16xf32, #tpu.memory_space<vmem>>, vector<1x16xf32>,
        %mul3A_178 = arith.constant 16 : i32
        %mul3A_179 = arith.muli %scan3A_69, %mul3A_178 : i32
        %add3A_180 = arith.constant 5 : i32
        %add3A_181 = arith.addi %mul3A_179, %add3A_180 : i32
        %get3A_182 = arith.index_cast %add3A_181 : i32 to index
        %get3A_183 = arith.constant 0 : index
        %get3A_184 = tpu.vector_load %arg10[%get3A_182, %get3A_183] {strides = array<i32>} : memref<1000x16xf32, #tpu.memory_space<vmem>>, vector<1x16xf32>,
        %get3A_185 = vector.shape_cast %get3A_184 : vector<1x16xf32> to vector<16xf32>
        %slice3A_186 = vector.extract_strided_slice %get3A_74 {offsets = [5], sizes = [1], strides = [1]} : vector<16xf32> to vector<1xf32>
        %squeeze3A_187 = vector.extract %slice3A_186[0] : f32 from vector<1xf32>
        %mul3A_188 = vector.broadcast %squeeze3A_187 : f32 to vector<16xf32>
        %mul3A_189 = arith.mulf %get3A_185, %mul3A_188 : vector<16xf32>
        %mul3A_190 = arith.constant 16 : i32
        %mul3A_191 = arith.muli %scan3A_69, %mul3A_190 : i32
        %add3A_192 = arith.constant 5 : i32
        %add3A_193 = arith.addi %mul3A_191, %add3A_192 : i32
        %swap3A_194 = arith.index_cast %add3A_193 : i32 to index
        %swap3A_195 = arith.constant 0 : index
        %swap3A_196 = tpu.vector_load %arg10[%swap3A_194, %swap3A_195] {strides = array<i32>} : memref<1000x16xf32, #tpu.memory_space<vmem>>, vector<1x16xf32>,
        %swap3A_197 = vector.shape_cast %swap3A_196 : vector<1x16xf32> to vector<16xf32>
        %swap3A_198 = vector.shape_cast %mul3A_189 : vector<16xf32> to vector<1x16xf32>
        tpu.vector_store %arg10[%swap3A_194, %swap3A_195], %swap3A_198 {strides = array<i32>} : memref<1000x16xf32, #tpu.memory_space<vmem>>, vector<1x16xf32>,
        %mul3A_199 = arith.constant 16 : i32
        %mul3A_200 = arith.muli %scan3A_69, %mul3A_199 : i32
        %add3A_201 = arith.constant 6 : i32
        %add3A_202 = arith.addi %mul3A_200, %add3A_201 : i32
        %get3A_203 = arith.index_cast %add3A_202 : i32 to index
        %get3A_204 = arith.constant 0 : index
        %get3A_205 = tpu.vector_load %arg10[%get3A_203, %get3A_204] {strides = array<i32>} : memref<1000x16xf32, #tpu.memory_space<vmem>>, vector<1x16xf32>,
        %get3A_206 = vector.shape_cast %get3A_205 : vector<1x16xf32> to vector<16xf32>
        %slice3A_207 = vector.extract_strided_slice %get3A_74 {offsets = [6], sizes = [1], strides = [1]} : vector<16xf32> to vector<1xf32>
        %squeeze3A_208 = vector.extract %slice3A_207[0] : f32 from vector<1xf32>
        %mul3A_209 = vector.broadcast %squeeze3A_208 : f32 to vector<16xf32>
        %mul3A_210 = arith.mulf %get3A_206, %mul3A_209 : vector<16xf32>
        %mul3A_211 = arith.constant 16 : i32
        %mul3A_212 = arith.muli %scan3A_69, %mul3A_211 : i32
        %add3A_213 = arith.constant 6 : i32
        %add3A_214 = arith.addi %mul3A_212, %add3A_213 : i32
        %swap3A_215 = arith.index_cast %add3A_214 : i32 to index
        %swap3A_216 = arith.constant 0 : index
        %swap3A_217 = tpu.vector_load %arg10[%swap3A_215, %swap3A_216] {strides = array<i32>} : memref<1000x16xf32, #tpu.memory_space<vmem>>, vector<1x16xf32>,
        %swap3A_218 = vector.shape_cast %swap3A_217 : vector<1x16xf32> to vector<16xf32>
        %swap3A_219 = vector.shape_cast %mul3A_210 : vector<16xf32> to vector<1x16xf32>
        tpu.vector_store %arg10[%swap3A_215, %swap3A_216], %swap3A_219 {strides = array<i32>} : memref<1000x16xf32, #tpu.memory_space<vmem>>, vector<1x16xf32>,
        %mul3A_220 = arith.constant 16 : i32
        %mul3A_221 = arith.muli %scan3A_69, %mul3A_220 : i32
        %add3A_222 = arith.constant 7 : i32
        %add3A_223 = arith.addi %mul3A_221, %add3A_222 : i32
        %get3A_224 = arith.index_cast %add3A_223 : i32 to index
        %get3A_225 = arith.constant 0 : index
        %get3A_226 = tpu.vector_load %arg10[%get3A_224, %get3A_225] {strides = array<i32>} : memref<1000x16xf32, #tpu.memory_space<vmem>>, vector<1x16xf32>,
        %get3A_227 = vector.shape_cast %get3A_226 : vector<1x16xf32> to vector<16xf32>
        %slice3A_228 = vector.extract_strided_slice %get3A_74 {offsets = [7], sizes = [1], strides = [1]} : vector<16xf32> to vector<1xf32>
        %squeeze3A_229 = vector.extract %slice3A_228[0] : f32 from vector<1xf32>
        %mul3A_230 = vector.broadcast %squeeze3A_229 : f32 to vector<16xf32>
        %mul3A_231 = arith.mulf %get3A_227, %mul3A_230 : vector<16xf32>
        %mul3A_232 = arith.constant 16 : i32
        %mul3A_233 = arith.muli %scan3A_69, %mul3A_232 : i32
        %add3A_234 = arith.constant 7 : i32
        %add3A_235 = arith.addi %mul3A_233, %add3A_234 : i32
        %swap3A_236 = arith.index_cast %add3A_235 : i32 to index
        %swap3A_237 = arith.constant 0 : index
        %swap3A_238 = tpu.vector_load %arg10[%swap3A_236, %swap3A_237] {strides = array<i32>} : memref<1000x16xf32, #tpu.memory_space<vmem>>, vector<1x16xf32>,
        %swap3A_239 = vector.shape_cast %swap3A_238 : vector<1x16xf32> to vector<16xf32>
        %swap3A_240 = vector.shape_cast %mul3A_231 : vector<16xf32> to vector<1x16xf32>
        tpu.vector_store %arg10[%swap3A_236, %swap3A_237], %swap3A_240 {strides = array<i32>} : memref<1000x16xf32, #tpu.memory_space<vmem>>, vector<1x16xf32>,
        %mul3A_241 = arith.constant 16 : i32
        %mul3A_242 = arith.muli %scan3A_69, %mul3A_241 : i32
        %add3A_243 = arith.constant 8 : i32
        %add3A_244 = arith.addi %mul3A_242, %add3A_243 : i32
        %get3A_245 = arith.index_cast %add3A_244 : i32 to index
        %get3A_246 = arith.constant 0 : index
        %get3A_247 = tpu.vector_load %arg10[%get3A_245, %get3A_246] {strides = array<i32>} : memref<1000x16xf32, #tpu.memory_space<vmem>>, vector<1x16xf32>,
        %get3A_248 = vector.shape_cast %get3A_247 : vector<1x16xf32> to vector<16xf32>
        %slice3A_249 = vector.extract_strided_slice %get3A_74 {offsets = [8], sizes = [1], strides = [1]} : vector<16xf32> to vector<1xf32>
        %squeeze3A_250 = vector.extract %slice3A_249[0] : f32 from vector<1xf32>
        %mul3A_251 = vector.broadcast %squeeze3A_250 : f32 to vector<16xf32>
        %mul3A_252 = arith.mulf %get3A_248, %mul3A_251 : vector<16xf32>
        %mul3A_253 = arith.constant 16 : i32
        %mul3A_254 = arith.muli %scan3A_69, %mul3A_253 : i32
        %add3A_255 = arith.constant 8 : i32
        %add3A_256 = arith.addi %mul3A_254, %add3A_255 : i32
        %swap3A_257 = arith.index_cast %add3A_256 : i32 to index
        %swap3A_258 = arith.constant 0 : index
        %swap3A_259 = tpu.vector_load %arg10[%swap3A_257, %swap3A_258] {strides = array<i32>} : memref<1000x16xf32, #tpu.memory_space<vmem>>, vector<1x16xf32>,
        %swap3A_260 = vector.shape_cast %swap3A_259 : vector<1x16xf32> to vector<16xf32>
        %swap3A_261 = vector.shape_cast %mul3A_252 : vector<16xf32> to vector<1x16xf32>
        tpu.vector_store %arg10[%swap3A_257, %swap3A_258], %swap3A_261 {strides = array<i32>} : memref<1000x16xf32, #tpu.memory_space<vmem>>, vector<1x16xf32>,
        %mul3A_262 = arith.constant 16 : i32
        %mul3A_263 = arith.muli %scan3A_69, %mul3A_262 : i32
        %add3A_264 = arith.constant 9 : i32
        %add3A_265 = arith.addi %mul3A_263, %add3A_264 : i32
        %get3A_266 = arith.index_cast %add3A_265 : i32 to index
        %get3A_267 = arith.constant 0 : index
        %get3A_268 = tpu.vector_load %arg10[%get3A_266, %get3A_267] {strides = array<i32>} : memref<1000x16xf32, #tpu.memory_space<vmem>>, vector<1x16xf32>,
        %get3A_269 = vector.shape_cast %get3A_268 : vector<1x16xf32> to vector<16xf32>
        %slice3A_270 = vector.extract_strided_slice %get3A_74 {offsets = [9], sizes = [1], strides = [1]} : vector<16xf32> to vector<1xf32>
        %squeeze3A_271 = vector.extract %slice3A_270[0] : f32 from vector<1xf32>
        %mul3A_272 = vector.broadcast %squeeze3A_271 : f32 to vector<16xf32>
        %mul3A_273 = arith.mulf %get3A_269, %mul3A_272 : vector<16xf32>
        %mul3A_274 = arith.constant 16 : i32
        %mul3A_275 = arith.muli %scan3A_69, %mul3A_274 : i32
        %add3A_276 = arith.constant 9 : i32
        %add3A_277 = arith.addi %mul3A_275, %add3A_276 : i32
        %swap3A_278 = arith.index_cast %add3A_277 : i32 to index
        %swap3A_279 = arith.constant 0 : index
        %swap3A_280 = tpu.vector_load %arg10[%swap3A_278, %swap3A_279] {strides = array<i32>} : memref<1000x16xf32, #tpu.memory_space<vmem>>, vector<1x16xf32>,
        %swap3A_281 = vector.shape_cast %swap3A_280 : vector<1x16xf32> to vector<16xf32>
        %swap3A_282 = vector.shape_cast %mul3A_273 : vector<16xf32> to vector<1x16xf32>
        tpu.vector_store %arg10[%swap3A_278, %swap3A_279], %swap3A_282 {strides = array<i32>} : memref<1000x16xf32, #tpu.memory_space<vmem>>, vector<1x16xf32>,
        %mul3A_283 = arith.constant 16 : i32
        %mul3A_284 = arith.muli %scan3A_69, %mul3A_283 : i32
        %add3A_285 = arith.constant 10 : i32
        %add3A_286 = arith.addi %mul3A_284, %add3A_285 : i32
        %get3A_287 = arith.index_cast %add3A_286 : i32 to index
        %get3A_288 = arith.constant 0 : index
        %get3A_289 = tpu.vector_load %arg10[%get3A_287, %get3A_288] {strides = array<i32>} : memref<1000x16xf32, #tpu.memory_space<vmem>>, vector<1x16xf32>,
        %get3A_290 = vector.shape_cast %get3A_289 : vector<1x16xf32> to vector<16xf32>
        %slice3A_291 = vector.extract_strided_slice %get3A_74 {offsets = [10], sizes = [1], strides = [1]} : vector<16xf32> to vector<1xf32>
        %squeeze3A_292 = vector.extract %slice3A_291[0] : f32 from vector<1xf32>
        %mul3A_293 = vector.broadcast %squeeze3A_292 : f32 to vector<16xf32>
        %mul3A_294 = arith.mulf %get3A_290, %mul3A_293 : vector<16xf32>
        %mul3A_295 = arith.constant 16 : i32
        %mul3A_296 = arith.muli %scan3A_69, %mul3A_295 : i32
        %add3A_297 = arith.constant 10 : i32
        %add3A_298 = arith.addi %mul3A_296, %add3A_297 : i32
        %swap3A_299 = arith.index_cast %add3A_298 : i32 to index
        %swap3A_300 = arith.constant 0 : index
        %swap3A_301 = tpu.vector_load %arg10[%swap3A_299, %swap3A_300] {strides = array<i32>} : memref<1000x16xf32, #tpu.memory_space<vmem>>, vector<1x16xf32>,
        %swap3A_302 = vector.shape_cast %swap3A_301 : vector<1x16xf32> to vector<16xf32>
        %swap3A_303 = vector.shape_cast %mul3A_294 : vector<16xf32> to vector<1x16xf32>
        tpu.vector_store %arg10[%swap3A_299, %swap3A_300], %swap3A_303 {strides = array<i32>} : memref<1000x16xf32, #tpu.memory_space<vmem>>, vector<1x16xf32>,
        %mul3A_304 = arith.constant 16 : i32
        %mul3A_305 = arith.muli %scan3A_69, %mul3A_304 : i32
        %add3A_306 = arith.constant 11 : i32
        %add3A_307 = arith.addi %mul3A_305, %add3A_306 : i32
        %get3A_308 = arith.index_cast %add3A_307 : i32 to index
        %get3A_309 = arith.constant 0 : index
        %get3A_310 = tpu.vector_load %arg10[%get3A_308, %get3A_309] {strides = array<i32>} : memref<1000x16xf32, #tpu.memory_space<vmem>>, vector<1x16xf32>,
        %get3A_311 = vector.shape_cast %get3A_310 : vector<1x16xf32> to vector<16xf32>
        %slice3A_312 = vector.extract_strided_slice %get3A_74 {offsets = [11], sizes = [1], strides = [1]} : vector<16xf32> to vector<1xf32>
        %squeeze3A_313 = vector.extract %slice3A_312[0] : f32 from vector<1xf32>
        %mul3A_314 = vector.broadcast %squeeze3A_313 : f32 to vector<16xf32>
        %mul3A_315 = arith.mulf %get3A_311, %mul3A_314 : vector<16xf32>
        %mul3A_316 = arith.constant 16 : i32
        %mul3A_317 = arith.muli %scan3A_69, %mul3A_316 : i32
        %add3A_318 = arith.constant 11 : i32
        %add3A_319 = arith.addi %mul3A_317, %add3A_318 : i32
        %swap3A_320 = arith.index_cast %add3A_319 : i32 to index
        %swap3A_321 = arith.constant 0 : index
        %swap3A_322 = tpu.vector_load %arg10[%swap3A_320, %swap3A_321] {strides = array<i32>} : memref<1000x16xf32, #tpu.memory_space<vmem>>, vector<1x16xf32>,
        %swap3A_323 = vector.shape_cast %swap3A_322 : vector<1x16xf32> to vector<16xf32>
        %swap3A_324 = vector.shape_cast %mul3A_315 : vector<16xf32> to vector<1x16xf32>
        tpu.vector_store %arg10[%swap3A_320, %swap3A_321], %swap3A_324 {strides = array<i32>} : memref<1000x16xf32, #tpu.memory_space<vmem>>, vector<1x16xf32>,
        %mul3A_325 = arith.constant 16 : i32
        %mul3A_326 = arith.muli %scan3A_69, %mul3A_325 : i32
        %add3A_327 = arith.constant 12 : i32
        %add3A_328 = arith.addi %mul3A_326, %add3A_327 : i32
        %get3A_329 = arith.index_cast %add3A_328 : i32 to index
        %get3A_330 = arith.constant 0 : index
        %get3A_331 = tpu.vector_load %arg10[%get3A_329, %get3A_330] {strides = array<i32>} : memref<1000x16xf32, #tpu.memory_space<vmem>>, vector<1x16xf32>,
        %get3A_332 = vector.shape_cast %get3A_331 : vector<1x16xf32> to vector<16xf32>
        %slice3A_333 = vector.extract_strided_slice %get3A_74 {offsets = [12], sizes = [1], strides = [1]} : vector<16xf32> to vector<1xf32>
        %squeeze3A_334 = vector.extract %slice3A_333[0] : f32 from vector<1xf32>
        %mul3A_335 = vector.broadcast %squeeze3A_334 : f32 to vector<16xf32>
        %mul3A_336 = arith.mulf %get3A_332, %mul3A_335 : vector<16xf32>
        %mul3A_337 = arith.constant 16 : i32
        %mul3A_338 = arith.muli %scan3A_69, %mul3A_337 : i32
        %add3A_339 = arith.constant 12 : i32
        %add3A_340 = arith.addi %mul3A_338, %add3A_339 : i32
        %swap3A_341 = arith.index_cast %add3A_340 : i32 to index
        %swap3A_342 = arith.constant 0 : index
        %swap3A_343 = tpu.vector_load %arg10[%swap3A_341, %swap3A_342] {strides = array<i32>} : memref<1000x16xf32, #tpu.memory_space<vmem>>, vector<1x16xf32>,
        %swap3A_344 = vector.shape_cast %swap3A_343 : vector<1x16xf32> to vector<16xf32>
        %swap3A_345 = vector.shape_cast %mul3A_336 : vector<16xf32> to vector<1x16xf32>
        tpu.vector_store %arg10[%swap3A_341, %swap3A_342], %swap3A_345 {strides = array<i32>} : memref<1000x16xf32, #tpu.memory_space<vmem>>, vector<1x16xf32>,
        %mul3A_346 = arith.constant 16 : i32
        %mul3A_347 = arith.muli %scan3A_69, %mul3A_346 : i32
        %add3A_348 = arith.constant 13 : i32
        %add3A_349 = arith.addi %mul3A_347, %add3A_348 : i32
        %get3A_350 = arith.index_cast %add3A_349 : i32 to index
        %get3A_351 = arith.constant 0 : index
        %get3A_352 = tpu.vector_load %arg10[%get3A_350, %get3A_351] {strides = array<i32>} : memref<1000x16xf32, #tpu.memory_space<vmem>>, vector<1x16xf32>,
        %get3A_353 = vector.shape_cast %get3A_352 : vector<1x16xf32> to vector<16xf32>
        %slice3A_354 = vector.extract_strided_slice %get3A_74 {offsets = [13], sizes = [1], strides = [1]} : vector<16xf32> to vector<1xf32>
        %squeeze3A_355 = vector.extract %slice3A_354[0] : f32 from vector<1xf32>
        %mul3A_356 = vector.broadcast %squeeze3A_355 : f32 to vector<16xf32>
        %mul3A_357 = arith.mulf %get3A_353, %mul3A_356 : vector<16xf32>
        %mul3A_358 = arith.constant 16 : i32
        %mul3A_359 = arith.muli %scan3A_69, %mul3A_358 : i32
        %add3A_360 = arith.constant 13 : i32
        %add3A_361 = arith.addi %mul3A_359, %add3A_360 : i32
        %swap3A_362 = arith.index_cast %add3A_361 : i32 to index
        %swap3A_363 = arith.constant 0 : index
        %swap3A_364 = tpu.vector_load %arg10[%swap3A_362, %swap3A_363] {strides = array<i32>} : memref<1000x16xf32, #tpu.memory_space<vmem>>, vector<1x16xf32>,
        %swap3A_365 = vector.shape_cast %swap3A_364 : vector<1x16xf32> to vector<16xf32>
        %swap3A_366 = vector.shape_cast %mul3A_357 : vector<16xf32> to vector<1x16xf32>
        tpu.vector_store %arg10[%swap3A_362, %swap3A_363], %swap3A_366 {strides = array<i32>} : memref<1000x16xf32, #tpu.memory_space<vmem>>, vector<1x16xf32>,
        %mul3A_367 = arith.constant 16 : i32
        %mul3A_368 = arith.muli %scan3A_69, %mul3A_367 : i32
        %add3A_369 = arith.constant 14 : i32
        %add3A_370 = arith.addi %mul3A_368, %add3A_369 : i32
        %get3A_371 = arith.index_cast %add3A_370 : i32 to index
        %get3A_372 = arith.constant 0 : index
        %get3A_373 = tpu.vector_load %arg10[%get3A_371, %get3A_372] {strides = array<i32>} : memref<1000x16xf32, #tpu.memory_space<vmem>>, vector<1x16xf32>,
        %get3A_374 = vector.shape_cast %get3A_373 : vector<1x16xf32> to vector<16xf32>
        %slice3A_375 = vector.extract_strided_slice %get3A_74 {offsets = [14], sizes = [1], strides = [1]} : vector<16xf32> to vector<1xf32>
        %squeeze3A_376 = vector.extract %slice3A_375[0] : f32 from vector<1xf32>
        %mul3A_377 = vector.broadcast %squeeze3A_376 : f32 to vector<16xf32>
        %mul3A_378 = arith.mulf %get3A_374, %mul3A_377 : vector<16xf32>
        %mul3A_379 = arith.constant 16 : i32
        %mul3A_380 = arith.muli %scan3A_69, %mul3A_379 : i32
        %add3A_381 = arith.constant 14 : i32
        %add3A_382 = arith.addi %mul3A_380, %add3A_381 : i32
        %swap3A_383 = arith.index_cast %add3A_382 : i32 to index
        %swap3A_384 = arith.constant 0 : index
        %swap3A_385 = tpu.vector_load %arg10[%swap3A_383, %swap3A_384] {strides = array<i32>} : memref<1000x16xf32, #tpu.memory_space<vmem>>, vector<1x16xf32>,
        %swap3A_386 = vector.shape_cast %swap3A_385 : vector<1x16xf32> to vector<16xf32>
        %swap3A_387 = vector.shape_cast %mul3A_378 : vector<16xf32> to vector<1x16xf32>
        tpu.vector_store %arg10[%swap3A_383, %swap3A_384], %swap3A_387 {strides = array<i32>} : memref<1000x16xf32, #tpu.memory_space<vmem>>, vector<1x16xf32>,
        %mul3A_388 = arith.constant 16 : i32
        %mul3A_389 = arith.muli %scan3A_69, %mul3A_388 : i32
        %add3A_390 = arith.constant 15 : i32
        %add3A_391 = arith.addi %mul3A_389, %add3A_390 : i32
        %get3A_392 = arith.index_cast %add3A_391 : i32 to index
        %get3A_393 = arith.constant 0 : index
        %get3A_394 = tpu.vector_load %arg10[%get3A_392, %get3A_393] {strides = array<i32>} : memref<1000x16xf32, #tpu.memory_space<vmem>>, vector<1x16xf32>,
        %get3A_395 = vector.shape_cast %get3A_394 : vector<1x16xf32> to vector<16xf32>
        %slice3A_396 = vector.extract_strided_slice %get3A_74 {offsets = [15], sizes = [1], strides = [1]} : vector<16xf32> to vector<1xf32>
        %squeeze3A_397 = vector.extract %slice3A_396[0] : f32 from vector<1xf32>
        %mul3A_398 = vector.broadcast %squeeze3A_397 : f32 to vector<16xf32>
        %mul3A_399 = arith.mulf %get3A_395, %mul3A_398 : vector<16xf32>
        %mul3A_400 = arith.constant 16 : i32
        %mul3A_401 = arith.muli %scan3A_69, %mul3A_400 : i32
        %add3A_402 = arith.constant 15 : i32
        %add3A_403 = arith.addi %mul3A_401, %add3A_402 : i32
        %swap3A_404 = arith.index_cast %add3A_403 : i32 to index
        %swap3A_405 = arith.constant 0 : index
        %swap3A_406 = tpu.vector_load %arg10[%swap3A_404, %swap3A_405] {strides = array<i32>} : memref<1000x16xf32, #tpu.memory_space<vmem>>, vector<1x16xf32>,
        %swap3A_407 = vector.shape_cast %swap3A_406 : vector<1x16xf32> to vector<16xf32>
        %swap3A_408 = vector.shape_cast %mul3A_399 : vector<16xf32> to vector<1x16xf32>
        tpu.vector_store %arg10[%swap3A_404, %swap3A_405], %swap3A_408 {strides = array<i32>} : memref<1000x16xf32, #tpu.memory_space<vmem>>, vector<1x16xf32>,
        %scan3A_409 = arith.constant 0 : i32
        scf.yield %scan3A_409 : i32
      }
      %scan3A_68 = arith.constant 35 : i32
      "tpu.region"() ({
        %run_scoped3A = tpu.sem_alloc : memref<!tpu.dma_semaphore, #tpu.memory_space<semaphore_mem>>
        %dma_start3A = arith.constant 0 : i32
        %dma_start3A_69 = arith.constant 0 : i32
        %dma_start3A_70 = tpu.memref_slice %arg10[%dma_start3A, %dma_start3A_69] : memref<1000x16xf32, #tpu.memory_space<vmem>> -> memref<560x16xf32, #tpu.memory_space<vmem>>
        %dma_start3A_71 = arith.constant 0 : i32
        %dma_start3A_72 = tpu.memref_slice %arg7[%arg0, %multiple_of3A_54, %dma_start3A_71] : memref<2x100000x16xf32, #tpu.memory_space<hbm>> -> memref<1x560x16xf32, #tpu.memory_space<hbm>>
        %dma_start3A_73 = tpu.memref_squeeze %dma_start3A_72 : memref<1x560x16xf32, #tpu.memory_space<hbm>> -> memref<560x16xf32, #tpu.memory_space<hbm>>
        %dma_start3A_74 = arith.constant 0 : i32
        %dma_start3A_75 = tpu.memref_slice %arg7[%arg0, %multiple_of3A_54, %dma_start3A_74] : memref<2x100000x16xf32, #tpu.memory_space<hbm>> -> memref<1x560x16xf32, #tpu.memory_space<hbm>>
        %dma_start3A_76 = tpu.memref_squeeze %dma_start3A_75 : memref<1x560x16xf32, #tpu.memory_space<hbm>> -> memref<560x16xf32, #tpu.memory_space<hbm>>
        %dma_start3A_77 = arith.constant 0 : i32
        %dma_start3A_78 = arith.constant 0 : i32
        %dma_start3A_79 = tpu.memref_slice %arg10[%dma_start3A_77, %dma_start3A_78] : memref<1000x16xf32, #tpu.memory_space<vmem>> -> memref<560x16xf32, #tpu.memory_space<vmem>>
        tpu.enqueue_dma source(%dma_start3A_79 : memref<560x16xf32, #tpu.memory_space<vmem>>) target(%dma_start3A_76 : memref<560x16xf32, #tpu.memory_space<hbm>>) target_semaphore(%run_scoped3A : memref<!tpu.dma_semaphore, #tpu.memory_space<semaphore_mem>>)
        %dma_wait3A = arith.constant 0 : i32
        %dma_wait3A_80 = arith.constant 0 : i32
        %dma_wait3A_81 = tpu.memref_slice %arg10[%dma_wait3A, %dma_wait3A_80] : memref<1000x16xf32, #tpu.memory_space<vmem>> -> memref<560x16xf32, #tpu.memory_space<vmem>>
        %dma_wait3A_82 = arith.constant 0 : i32
        %dma_wait3A_83 = tpu.memref_slice %arg7[%arg0, %multiple_of3A_54, %dma_wait3A_82] : memref<2x100000x16xf32, #tpu.memory_space<hbm>> -> memref<1x560x16xf32, #tpu.memory_space<hbm>>
        %dma_wait3A_84 = tpu.memref_squeeze %dma_wait3A_83 : memref<1x560x16xf32, #tpu.memory_space<hbm>> -> memref<560x16xf32, #tpu.memory_space<hbm>>
        %dma_wait3A_85 = arith.constant 0 : i32
        %dma_wait3A_86 = tpu.memref_slice %arg7[%arg0, %multiple_of3A_54, %dma_wait3A_85] : memref<2x100000x16xf32, #tpu.memory_space<hbm>> -> memref<1x560x16xf32, #tpu.memory_space<hbm>>
        %dma_wait3A_87 = tpu.memref_squeeze %dma_wait3A_86 : memref<1x560x16xf32, #tpu.memory_space<hbm>> -> memref<560x16xf32, #tpu.memory_space<hbm>>
        %dma_wait3A_88 = arith.constant 0 : i32
        %dma_wait3A_89 = arith.constant 0 : i32
        %dma_wait3A_90 = tpu.memref_slice %arg10[%dma_wait3A_88, %dma_wait3A_89] : memref<1000x16xf32, #tpu.memory_space<vmem>> -> memref<560x16xf32, #tpu.memory_space<vmem>>
        tpu.wait_dma2 semaphore(%run_scoped3A : memref<!tpu.dma_semaphore, #tpu.memory_space<semaphore_mem>>) src(%dma_wait3A_90 : memref<560x16xf32, #tpu.memory_space<vmem>>) dst(%dma_wait3A_87 : memref<560x16xf32, #tpu.memory_space<hbm>>)
        tpu.yield
      }) : () -> ()
    } else {
    }
    return
  }
}

module attributes {stable_mosaic.version = 14 : i64} {
  func.func @_encode_body(%arg0: i32, %arg1: memref<4000x8xf32, #tpu.memory_space<vmem>>, %arg2: memref<4000x10xf32, #tpu.memory_space<vmem>>, %arg3: memref<8x16xf32, #tpu.memory_space<vmem>>, %arg4: memref<1x16xf32, #tpu.memory_space<vmem>>, %arg5: memref<10x16xf32, #tpu.memory_space<vmem>>, %arg6: memref<1x16xf32, #tpu.memory_space<vmem>>, %arg7: memref<4000x16xf32, #tpu.memory_space<vmem>>, %arg8: memref<4000x16xf32, #tpu.memory_space<vmem>>) attributes {dimension_semantics = [#tpu.dimension_semantics<arbitrary>], iteration_bounds = array<i64: 25>, scalar_prefetch = 0 : i64, scratch_operands = 0 : i64, tpu.core_type = #tpu.core_type<tc>, window_params = [{transform_indices = @transform_0, window_bounds = array<i64: 4000, 8>}, {transform_indices = @transform_1, window_bounds = array<i64: 4000, 10>}, {pipeline_mode = #tpu.pipeline_mode<synchronous>, transform_indices = @transform_2, window_bounds = array<i64: 8, 16>}, {pipeline_mode = #tpu.pipeline_mode<synchronous>, transform_indices = @transform_3, window_bounds = array<i64: 1, 16>}, {pipeline_mode = #tpu.pipeline_mode<synchronous>, transform_indices = @transform_4, window_bounds = array<i64: 10, 16>}, {pipeline_mode = #tpu.pipeline_mode<synchronous>, transform_indices = @transform_5, window_bounds = array<i64: 1, 16>}, {transform_indices = @transform_6, window_bounds = array<i64: 4000, 16>}, {transform_indices = @transform_7, window_bounds = array<i64: 4000, 16>}]} {
    %get3A = arith.constant 0 : index
    %get3A_0 = arith.constant 0 : index
    %get3A_1 = vector.load %arg1[%get3A, %get3A_0] : memref<4000x8xf32, #tpu.memory_space<vmem>>, vector<4000x8xf32>
    %get3A_2 = arith.constant 0 : index
    %get3A_3 = arith.constant 0 : index
    %get3A_4 = vector.load %arg3[%get3A_2, %get3A_3] : memref<8x16xf32, #tpu.memory_space<vmem>>, vector<8x16xf32>
    %dot_general3A = arith.constant dense<0.000000e+00> : vector<4000x16xf32>
    %dot_general3A_5 = tpu.matmul %get3A_1, %get3A_4, %dot_general3A {dimension_numbers = #tpu.dot_dimension_numbers<[1], [0], [0], [1], [0, 0, 1, 1], [], []>, transpose_lhs_hint = false} : vector<4000x8xf32>, vector<8x16xf32>, vector<4000x16xf32> -> vector<4000x16xf32>
    %get3A_6 = arith.constant 0 : index
    %get3A_7 = arith.constant 0 : index
    %get3A_8 = vector.load %arg4[%get3A_6, %get3A_7] : memref<1x16xf32, #tpu.memory_space<vmem>>, vector<1x16xf32>
    %add3A = vector.broadcast %get3A_8 : vector<1x16xf32> to vector<4000x16xf32>
    %add3A_9 = arith.addf %dot_general3A_5, %add3A : vector<4000x16xf32>
    %tanh3A = math.tanh %add3A_9 : vector<4000x16xf32>
    %swap3A = arith.constant 0 : index
    %swap3A_10 = arith.constant 0 : index
    %swap3A_11 = vector.load %arg7[%swap3A, %swap3A_10] : memref<4000x16xf32, #tpu.memory_space<vmem>>, vector<4000x16xf32>
    tpu.vector_store %arg7[%swap3A, %swap3A_10], %tanh3A {strides = array<i32>} : memref<4000x16xf32, #tpu.memory_space<vmem>>, vector<4000x16xf32>,
    %get3A_12 = arith.constant 0 : index
    %get3A_13 = arith.constant 0 : index
    %get3A_14 = vector.load %arg2[%get3A_12, %get3A_13] : memref<4000x10xf32, #tpu.memory_space<vmem>>, vector<4000x10xf32>
    %get3A_15 = arith.constant 0 : index
    %get3A_16 = arith.constant 0 : index
    %get3A_17 = vector.load %arg5[%get3A_15, %get3A_16] : memref<10x16xf32, #tpu.memory_space<vmem>>, vector<10x16xf32>
    %dot_general3A_18 = arith.constant dense<0.000000e+00> : vector<4000x16xf32>
    %dot_general3A_19 = tpu.matmul %get3A_14, %get3A_17, %dot_general3A_18 {dimension_numbers = #tpu.dot_dimension_numbers<[1], [0], [0], [1], [0, 0, 1, 1], [], []>, transpose_lhs_hint = false} : vector<4000x10xf32>, vector<10x16xf32>, vector<4000x16xf32> -> vector<4000x16xf32>
    %get3A_20 = arith.constant 0 : index
    %get3A_21 = arith.constant 0 : index
    %get3A_22 = vector.load %arg6[%get3A_20, %get3A_21] : memref<1x16xf32, #tpu.memory_space<vmem>>, vector<1x16xf32>
    %add3A_23 = vector.broadcast %get3A_22 : vector<1x16xf32> to vector<4000x16xf32>
    %add3A_24 = arith.addf %dot_general3A_19, %add3A_23 : vector<4000x16xf32>
    %tanh3A_25 = math.tanh %add3A_24 : vector<4000x16xf32>
    %swap3A_26 = arith.constant 0 : index
    %swap3A_27 = arith.constant 0 : index
    %swap3A_28 = vector.load %arg8[%swap3A_26, %swap3A_27] : memref<4000x16xf32, #tpu.memory_space<vmem>>, vector<4000x16xf32>
    tpu.vector_store %arg8[%swap3A_26, %swap3A_27], %tanh3A_25 {strides = array<i32>} : memref<4000x16xf32, #tpu.memory_space<vmem>>, vector<4000x16xf32>,
    return
  }
  func.func @transform_0(%arg0: i32) -> (i32, i32) {
    %c0_i32 = arith.constant 0 : i32
    %c0_i32_0 = arith.constant 0 : i32
    return %arg0, %c0_i32 : i32, i32
  }
  func.func @transform_1(%arg0: i32) -> (i32, i32) {
    %c0_i32 = arith.constant 0 : i32
    %c0_i32_0 = arith.constant 0 : i32
    return %arg0, %c0_i32 : i32, i32
  }
  func.func @transform_2(%arg0: i32) -> (i32, i32) {
    %c0_i32 = arith.constant 0 : i32
    %c0_i32_0 = arith.constant 0 : i32
    %c0_i32_1 = arith.constant 0 : i32
    return %c0_i32, %c0_i32_0 : i32, i32
  }
  func.func @transform_3(%arg0: i32) -> (i32, i32) {
    %c0_i32 = arith.constant 0 : i32
    %c0_i32_0 = arith.constant 0 : i32
    %c0_i32_1 = arith.constant 0 : i32
    return %c0_i32, %c0_i32_0 : i32, i32
  }
  func.func @transform_4(%arg0: i32) -> (i32, i32) {
    %c0_i32 = arith.constant 0 : i32
    %c0_i32_0 = arith.constant 0 : i32
    %c0_i32_1 = arith.constant 0 : i32
    return %c0_i32, %c0_i32_0 : i32, i32
  }
  func.func @transform_5(%arg0: i32) -> (i32, i32) {
    %c0_i32 = arith.constant 0 : i32
    %c0_i32_0 = arith.constant 0 : i32
    %c0_i32_1 = arith.constant 0 : i32
    return %c0_i32, %c0_i32_0 : i32, i32
  }
  func.func @transform_6(%arg0: i32) -> (i32, i32) {
    %c0_i32 = arith.constant 0 : i32
    %c0_i32_0 = arith.constant 0 : i32
    return %arg0, %c0_i32 : i32, i32
  }
  func.func @transform_7(%arg0: i32) -> (i32, i32) {
    %c0_i32 = arith.constant 0 : i32
    %c0_i32_0 = arith.constant 0 : i32
    return %arg0, %c0_i32 : i32, i32
  }
}

module attributes {stable_mosaic.version = 14 : i64} {
  func.func @_merge_body(%arg0: i32, %arg1: memref<1x12500x128xf32, #tpu.memory_space<vmem>>, %arg2: memref<1x12500x128xf32, #tpu.memory_space<vmem>>, %arg3: memref<12500x128xf32, #tpu.memory_space<vmem>>) attributes {dimension_semantics = [#tpu.dimension_semantics<arbitrary>], iteration_bounds = array<i64: 1>, scalar_prefetch = 0 : i64, scratch_operands = 0 : i64, tpu.core_type = #tpu.core_type<tc>, window_params = [{transform_indices = @transform_0, window_bounds = array<i64: 1, 12500, 128>}, {transform_indices = @transform_1, window_bounds = array<i64: 1, 12500, 128>}, {pipeline_mode = #tpu.pipeline_mode<synchronous>, transform_indices = @transform_2, window_bounds = array<i64: 12500, 128>}]} {
    %get3A = arith.constant 0 : index
    %get3A_0 = arith.constant 0 : index
    %get3A_1 = arith.constant 0 : index
    %get3A_2 = vector.load %arg1[%get3A, %get3A_0, %get3A_1] : memref<1x12500x128xf32, #tpu.memory_space<vmem>>, vector<1x12500x128xf32>
    %get3A_3 = vector.shape_cast %get3A_2 : vector<1x12500x128xf32> to vector<12500x128xf32>
    %get3A_4 = arith.constant 0 : index
    %get3A_5 = arith.constant 0 : index
    %get3A_6 = arith.constant 0 : index
    %get3A_7 = vector.load %arg2[%get3A_4, %get3A_5, %get3A_6] : memref<1x12500x128xf32, #tpu.memory_space<vmem>>, vector<1x12500x128xf32>
    %get3A_8 = vector.shape_cast %get3A_7 : vector<1x12500x128xf32> to vector<12500x128xf32>
    %add3A = arith.addf %get3A_3, %get3A_8 : vector<12500x128xf32>
    %swap3A = arith.constant 0 : index
    %swap3A_9 = arith.constant 0 : index
    %swap3A_10 = vector.load %arg3[%swap3A, %swap3A_9] : memref<12500x128xf32, #tpu.memory_space<vmem>>, vector<12500x128xf32>
    tpu.vector_store %arg3[%swap3A, %swap3A_9], %add3A {strides = array<i32>} : memref<12500x128xf32, #tpu.memory_space<vmem>>, vector<12500x128xf32>,
    return
  }
  func.func @transform_0(%arg0: i32) -> (i32, i32, i32) {
    %c0_i32 = arith.constant 0 : i32
    %c0_i32_0 = arith.constant 0 : i32
    %c0_i32_1 = arith.constant 0 : i32
    %c0_i32_2 = arith.constant 0 : i32
    return %c0_i32, %c0_i32_0, %c0_i32_1 : i32, i32, i32
  }
  func.func @transform_1(%arg0: i32) -> (i32, i32, i32) {
    %c1_i32 = arith.constant 1 : i32
    %c0_i32 = arith.constant 0 : i32
    %c0_i32_0 = arith.constant 0 : i32
    %c0_i32_1 = arith.constant 0 : i32
    return %c1_i32, %c0_i32, %c0_i32_0 : i32, i32, i32
  }
  func.func @transform_2(%arg0: i32) -> (i32, i32) {
    %c0_i32 = arith.constant 0 : i32
    %c0_i32_0 = arith.constant 0 : i32
    %c0_i32_1 = arith.constant 0 : i32
    return %c0_i32, %c0_i32_0 : i32, i32
  }
}

module attributes {stable_mosaic.version = 14 : i64} {
  func.func @_head_body(%arg0: i32, %arg1: memref<4000x10xf32, #tpu.memory_space<vmem>>, %arg2: memref<2x4000x16xf32, #tpu.memory_space<vmem>>, %arg3: memref<10x16xf32, #tpu.memory_space<vmem>>, %arg4: memref<1x16xf32, #tpu.memory_space<vmem>>, %arg5: memref<48x64xf32, #tpu.memory_space<vmem>>, %arg6: memref<1x64xf32, #tpu.memory_space<vmem>>, %arg7: memref<64x64xf32, #tpu.memory_space<vmem>>, %arg8: memref<1x64xf32, #tpu.memory_space<vmem>>, %arg9: memref<64x1xf32, #tpu.memory_space<vmem>>, %arg10: memref<1x1xf32, #tpu.memory_space<vmem>>, %arg11: memref<4000x1xf32, #tpu.memory_space<vmem>>) attributes {dimension_semantics = [#tpu.dimension_semantics<arbitrary>], iteration_bounds = array<i64: 25>, scalar_prefetch = 0 : i64, scratch_operands = 0 : i64, tpu.core_type = #tpu.core_type<tc>, window_params = [{transform_indices = @transform_0, window_bounds = array<i64: 4000, 10>}, {transform_indices = @transform_1, window_bounds = array<i64: 2, 4000, 16>}, {pipeline_mode = #tpu.pipeline_mode<synchronous>, transform_indices = @transform_2, window_bounds = array<i64: 10, 16>}, {pipeline_mode = #tpu.pipeline_mode<synchronous>, transform_indices = @transform_3, window_bounds = array<i64: 1, 16>}, {pipeline_mode = #tpu.pipeline_mode<synchronous>, transform_indices = @transform_4, window_bounds = array<i64: 48, 64>}, {pipeline_mode = #tpu.pipeline_mode<synchronous>, transform_indices = @transform_5, window_bounds = array<i64: 1, 64>}, {pipeline_mode = #tpu.pipeline_mode<synchronous>, transform_indices = @transform_6, window_bounds = array<i64: 64, 64>}, {pipeline_mode = #tpu.pipeline_mode<synchronous>, transform_indices = @transform_7, window_bounds = array<i64: 1, 64>}, {pipeline_mode = #tpu.pipeline_mode<synchronous>, transform_indices = @transform_8, window_bounds = array<i64: 64, 1>}, {pipeline_mode = #tpu.pipeline_mode<synchronous>, transform_indices = @transform_9, window_bounds = array<i64: 1, 1>}, {transform_indices = @transform_10, window_bounds = array<i64: 4000, 1>}]} {
    %get3A = arith.constant 0 : index
    %get3A_0 = arith.constant 0 : index
    %get3A_1 = vector.load %arg1[%get3A, %get3A_0] : memref<4000x10xf32, #tpu.memory_space<vmem>>, vector<4000x10xf32>
    %get3A_2 = arith.constant 0 : index
    %get3A_3 = arith.constant 0 : index
    %get3A_4 = vector.load %arg3[%get3A_2, %get3A_3] : memref<10x16xf32, #tpu.memory_space<vmem>>, vector<10x16xf32>
    %dot_general3A = arith.constant dense<0.000000e+00> : vector<4000x16xf32>
    %dot_general3A_5 = tpu.matmul %get3A_1, %get3A_4, %dot_general3A {dimension_numbers = #tpu.dot_dimension_numbers<[1], [0], [0], [1], [0, 0, 1, 1], [], []>, transpose_lhs_hint = false} : vector<4000x10xf32>, vector<10x16xf32>, vector<4000x16xf32> -> vector<4000x16xf32>
    %get3A_6 = arith.constant 0 : index
    %get3A_7 = arith.constant 0 : index
    %get3A_8 = vector.load %arg4[%get3A_6, %get3A_7] : memref<1x16xf32, #tpu.memory_space<vmem>>, vector<1x16xf32>
    %add3A = vector.broadcast %get3A_8 : vector<1x16xf32> to vector<4000x16xf32>
    %add3A_9 = arith.addf %dot_general3A_5, %add3A : vector<4000x16xf32>
    %tanh3A = math.tanh %add3A_9 : vector<4000x16xf32>
    %get3A_10 = arith.constant 0 : index
    %get3A_11 = arith.constant 0 : index
    %get3A_12 = arith.constant 0 : index
    %get3A_13 = vector.load %arg2[%get3A_10, %get3A_11, %get3A_12] : memref<2x4000x16xf32, #tpu.memory_space<vmem>>, vector<1x4000x16xf32>
    %get3A_14 = vector.shape_cast %get3A_13 : vector<1x4000x16xf32> to vector<4000x16xf32>
    %get3A_15 = arith.constant 1 : index
    %get3A_16 = arith.constant 0 : index
    %get3A_17 = arith.constant 0 : index
    %get3A_18 = vector.load %arg2[%get3A_15, %get3A_16, %get3A_17] : memref<2x4000x16xf32, #tpu.memory_space<vmem>>, vector<1x4000x16xf32>
    %get3A_19 = vector.shape_cast %get3A_18 : vector<1x4000x16xf32> to vector<4000x16xf32>
    %concatenate3A = tpu.concatenate %tanh3A, %get3A_14, %get3A_19 in 1 : vector<4000x16xf32>, vector<4000x16xf32>, vector<4000x16xf32> -> vector<4000x48xf32>
    %get3A_20 = arith.constant 0 : index
    %get3A_21 = arith.constant 0 : index
    %get3A_22 = vector.load %arg5[%get3A_20, %get3A_21] : memref<48x64xf32, #tpu.memory_space<vmem>>, vector<48x64xf32>
    %dot_general3A_23 = arith.constant dense<0.000000e+00> : vector<4000x64xf32>
    %dot_general3A_24 = tpu.matmul %concatenate3A, %get3A_22, %dot_general3A_23 {dimension_numbers = #tpu.dot_dimension_numbers<[1], [0], [0], [1], [0, 0, 1, 1], [], []>, transpose_lhs_hint = false} : vector<4000x48xf32>, vector<48x64xf32>, vector<4000x64xf32> -> vector<4000x64xf32>
    %get3A_25 = arith.constant 0 : index
    %get3A_26 = arith.constant 0 : index
    %get3A_27 = vector.load %arg6[%get3A_25, %get3A_26] : memref<1x64xf32, #tpu.memory_space<vmem>>, vector<1x64xf32>
    %add3A_28 = vector.broadcast %get3A_27 : vector<1x64xf32> to vector<4000x64xf32>
    %add3A_29 = arith.addf %dot_general3A_24, %add3A_28 : vector<4000x64xf32>
    %tanh3A_30 = math.tanh %add3A_29 : vector<4000x64xf32>
    %get3A_31 = arith.constant 0 : index
    %get3A_32 = arith.constant 0 : index
    %get3A_33 = vector.load %arg7[%get3A_31, %get3A_32] : memref<64x64xf32, #tpu.memory_space<vmem>>, vector<64x64xf32>
    %dot_general3A_34 = arith.constant dense<0.000000e+00> : vector<4000x64xf32>
    %dot_general3A_35 = tpu.matmul %tanh3A_30, %get3A_33, %dot_general3A_34 {dimension_numbers = #tpu.dot_dimension_numbers<[1], [0], [0], [1], [0, 0, 1, 1], [], []>, transpose_lhs_hint = false} : vector<4000x64xf32>, vector<64x64xf32>, vector<4000x64xf32> -> vector<4000x64xf32>
    %get3A_36 = arith.constant 0 : index
    %get3A_37 = arith.constant 0 : index
    %get3A_38 = vector.load %arg8[%get3A_36, %get3A_37] : memref<1x64xf32, #tpu.memory_space<vmem>>, vector<1x64xf32>
    %add3A_39 = vector.broadcast %get3A_38 : vector<1x64xf32> to vector<4000x64xf32>
    %add3A_40 = arith.addf %dot_general3A_35, %add3A_39 : vector<4000x64xf32>
    %tanh3A_41 = math.tanh %add3A_40 : vector<4000x64xf32>
    %get3A_42 = arith.constant 0 : index
    %get3A_43 = arith.constant 0 : index
    %get3A_44 = vector.load %arg9[%get3A_42, %get3A_43] : memref<64x1xf32, #tpu.memory_space<vmem>>, vector<64x1xf32>
    %dot_general3A_45 = arith.constant dense<0.000000e+00> : vector<4000x1xf32>
    %dot_general3A_46 = tpu.matmul %tanh3A_41, %get3A_44, %dot_general3A_45 {dimension_numbers = #tpu.dot_dimension_numbers<[1], [0], [0], [1], [0, 0, 1, 1], [], []>, transpose_lhs_hint = false} : vector<4000x64xf32>, vector<64x1xf32>, vector<4000x1xf32> -> vector<4000x1xf32>
    %get3A_47 = arith.constant 0 : index
    %get3A_48 = arith.constant 0 : index
    %get3A_49 = vector.load %arg10[%get3A_47, %get3A_48] : memref<1x1xf32, #tpu.memory_space<vmem>>, vector<1x1xf32>
    %add3A_50 = vector.broadcast %get3A_49 : vector<1x1xf32> to vector<4000x1xf32>
    %add3A_51 = arith.addf %dot_general3A_46, %add3A_50 : vector<4000x1xf32>
    %swap3A = arith.constant 0 : index
    %swap3A_52 = arith.constant 0 : index
    %swap3A_53 = vector.load %arg11[%swap3A, %swap3A_52] : memref<4000x1xf32, #tpu.memory_space<vmem>>, vector<4000x1xf32>
    tpu.vector_store %arg11[%swap3A, %swap3A_52], %add3A_51 {strides = array<i32>} : memref<4000x1xf32, #tpu.memory_space<vmem>>, vector<4000x1xf32>,
    return
  }
  func.func @transform_0(%arg0: i32) -> (i32, i32) {
    %c0_i32 = arith.constant 0 : i32
    %c0_i32_0 = arith.constant 0 : i32
    return %arg0, %c0_i32 : i32, i32
  }
  func.func @transform_1(%arg0: i32) -> (i32, i32, i32) {
    %c0_i32 = arith.constant 0 : i32
    %c0_i32_0 = arith.constant 0 : i32
    %c0_i32_1 = arith.constant 0 : i32
    return %c0_i32, %arg0, %c0_i32_0 : i32, i32, i32
  }
  func.func @transform_2(%arg0: i32) -> (i32, i32) {
    %c0_i32 = arith.constant 0 : i32
    %c0_i32_0 = arith.constant 0 : i32
    %c0_i32_1 = arith.constant 0 : i32
    return %c0_i32, %c0_i32_0 : i32, i32
  }
  func.func @transform_3(%arg0: i32) -> (i32, i32) {
    %c0_i32 = arith.constant 0 : i32
    %c0_i32_0 = arith.constant 0 : i32
    %c0_i32_1 = arith.constant 0 : i32
    return %c0_i32, %c0_i32_0 : i32, i32
  }
  func.func @transform_4(%arg0: i32) -> (i32, i32) {
    %c0_i32 = arith.constant 0 : i32
    %c0_i32_0 = arith.constant 0 : i32
    %c0_i32_1 = arith.constant 0 : i32
    return %c0_i32, %c0_i32_0 : i32, i32
  }
  func.func @transform_5(%arg0: i32) -> (i32, i32) {
    %c0_i32 = arith.constant 0 : i32
    %c0_i32_0 = arith.constant 0 : i32
    %c0_i32_1 = arith.constant 0 : i32
    return %c0_i32, %c0_i32_0 : i32, i32
  }
  func.func @transform_6(%arg0: i32) -> (i32, i32) {
    %c0_i32 = arith.constant 0 : i32
    %c0_i32_0 = arith.constant 0 : i32
    %c0_i32_1 = arith.constant 0 : i32
    return %c0_i32, %c0_i32_0 : i32, i32
  }
  func.func @transform_7(%arg0: i32) -> (i32, i32) {
    %c0_i32 = arith.constant 0 : i32
    %c0_i32_0 = arith.constant 0 : i32
    %c0_i32_1 = arith.constant 0 : i32
    return %c0_i32, %c0_i32_0 : i32, i32
  }
  func.func @transform_8(%arg0: i32) -> (i32, i32) {
    %c0_i32 = arith.constant 0 : i32
    %c0_i32_0 = arith.constant 0 : i32
    %c0_i32_1 = arith.constant 0 : i32
    return %c0_i32, %c0_i32_0 : i32, i32
  }
  func.func @transform_9(%arg0: i32) -> (i32, i32) {
    %c0_i32 = arith.constant 0 : i32
    %c0_i32_0 = arith.constant 0 : i32
    %c0_i32_1 = arith.constant 0 : i32
    return %c0_i32, %c0_i32_0 : i32, i32
  }
  func.func @transform_10(%arg0: i32) -> (i32, i32) {
    %c0_i32 = arith.constant 0 : i32
    %c0_i32_0 = arith.constant 0 : i32
    return %arg0, %c0_i32 : i32, i32
  }
}

</mosaic_0001>

<sc_bundles>
// kernel: kernel.10.cloned.1.call-start
scs
__scs_entry_jumppad:
0x0: {  	(pc) =	sbr.rel $0x88, $3  }
0x1: {  	(tag) =	ssettag $0x0;
	lr =	simm.s32 $0x1  }
0x2: {  	[smem:$0x3F8E] =	sst lr;
	_ =	strace $0xD0000000  }
0x3: {  	_ = 	snop  }
0x4: {  	_ = 	snop  }
0x5: {  	_ = 	snop  }
0x6: {  	_ = 	snop  }
0x7: {  	_ = 	snop  }
__scs_overlays_trampoline_lowered:
0x8: {  	[smem:$0x3F9D] =	sst s0  }
0x9: {  	[smem:$0x3F9E] =	sst s1  }
0xa: {  	[smem:$0x3F9F] =	sst s2  }
0xb: {  	[smem:$0x3FA0] =	sst s3  }
0xc: {  	[smem:$0x3FA1] =	sst s4  }
0xd: {  	[smem:$0x3FA2] =	sst s5  }
0xe: {  	[smem:$0x3FA3] =	sst s6  }
0xf: {  	[smem:$0x3FA4] =	sst s7  }
0x10: {  	[smem:$0x3FA5] =	sst s8  }
0x11: {  	[smem:$0x3FA6] =	sst s9;
	s0 =	simm.s32 @!p0 $0x0  }
0x12: {  	s1 =	sld [smem:$0x3F8C];
	s0 =	simm.s32 @p0 $0x1  }
0x13: {  	[smem:$0x3FA7] =	sst s0;
	s0 =	simm.s32 @!p1 $0x0  }
0x14: {  	s2 =	sld [smem:$0x3F8B];
	s0 =	simm.s32 @p1 $0x1  }
0x15: {  	[smem:$0x3FA8] =	sst s0;
	s0 =	simm.s32 @!p2 $0x0  }
0x16: {  	s3 =	sld [smem:$0x3FDB];
	s0 =	simm.s32 @p2 $0x1  }
0x17: {  	s4 =	simm.s32 $0x1BF5;
	[smem:$0x3FAA] =	sst s0  }
0x18: {  	s0 =	sld [smem:$0x3F8D];
	_ =	swait.ge [sflag:s4], $0x0  }
0x19: {  	s7 =	sld [smem:$0x3F8E]  }
0x1a: {  	s8 =	sadd.s32 $0xFFFFE003, lr  }
0x1b: {  	s9 =	sadd.s32 $0xFFFFFEF7, lr;
	s5 =	simm.s32 $0xFFFFFFFF;
	p2 =	slt.u32 s8, $0xFFFFF086  }
0x1c: {  	p1 =	slt.u32 s9, $0xF7A;
	s5 =	simm.s32 @!p2 $0x0  }
0x1d: {  	s5 =	simm.s32 @p1 $0x1;
	p0 =	seq.s32 s7, s2  }
0x1e: {  	s7 =	smul.u32 @!p0 $0xF7A, s2;
	p2 =	seq.s32 @!p0 s5, $0x0  }
0x1f: {  	s9 =	smul.u32 $0xF7A, s1;
	s8 =	simm.s32 @!p0 $0x1BF5;
	p2 =	por !p2, p0  }
0x20: {  	[sflag:s8] =	ssyncset.s32 @!p0 $0xFFFFF086;
	s6 =	sadd.s32 @!p0 s3, s7;
	s7 =	simm.s32 @!p0 $0x108  }
0x21: {  	s3 =	sadd.s32 s3, s9;
	s6 =	sadd.s32 @!p0 $0x88, s6;
	s7 =	simm.s32 @p2 $0x1082  }
0x22: {  	[simem:s7], [sflag:s8] =	dma.local @!p0 [hbm:s6], $0xF7A  }
0x23: {  	s9 =	sor.u32 $0xD0000000, s2;
	s6 =	simm.s32 $0x108;
	_ =	swait.ge @!p0 [sflag:s8], $0x0  }
0x24: {  	s3 =	sadd.s32 $0x88, s3;
	s6 =	simm.s32 @!p1 $0x1082;
	[sflag:s4] =	ssyncset.s32 $0xFFFFF086  }
0x25: {  	[simem:s6], [sflag:s4] =	dma.local [hbm:s3], $0xF7A  }
0x26: {  	[smem:$0x3F8E] =	sst s1;
	(tag) =	ssettag s2;
	_ =	strace s9  }
0x27: {  	s1 =	sld [smem:$0x3F9E]  }
0x28: {  	s2 =	sld [smem:$0x3F9F]  }
0x29: {  	s4 =	sld [smem:$0x3FA1]  }
0x2a: {  	p0 =	seq.s32 s5, $0x0;
	s5 =	sld [smem:$0x3FA2]  }
0x2b: {  	s6 =	sld [smem:$0x3FA3]  }
0x2c: {  	s7 =	sld [smem:$0x3FA4]  }
0x2d: {  	s3 =	simm.s32 $0x108;
	s8 =	sld [smem:$0x3FA5]  }
0x2e: {  	s3 =	simm.s32 @!p0 $0x1082;
	s9 =	sld [smem:$0x3FA6]  }
0x2f: {  	lr =	sadd.s32 s0, s3;
	s0 =	sld [smem:$0x3F9D]  }
0x30: {  	s3 =	sld [smem:$0x3FA0]  }
0x31: {  	[smem:$0x3FA9] =	sst s10  }
0x32: {  	s10 =	sld [smem:$0x3FA7];
	_ =	sdelay $0x3  }
0x33: {  	p0 =	seq.s32 s10, $0x1;
	s10 =	sld [smem:$0x3FA9];
	_ =	sdelay $0x3  }
0x34: {  	[smem:$0x3FA9] =	sst s10  }
0x35: {  	s10 =	sld [smem:$0x3FA8];
	_ =	sdelay $0x3  }
0x36: {  	p1 =	seq.s32 s10, $0x1;
	s10 =	sld [smem:$0x3FA9];
	_ =	sdelay $0x3  }
0x37: {  	[smem:$0x3FA9] =	sst s10  }
0x38: {  	s10 =	sld [smem:$0x3FAA]  }
0x39: {  	_ = 	snop;
	(pc) =	sbr.ind lr, $3  }
0x3a: {  	_ = 	snop  }
0x3b: {  	_ = 	snop  }
0x3c: {  	p2 =	seq.s32 s10, $0x1;
	s10 =	sld [smem:$0x3FA9]  }
0x3d: {  	_ =	shalt  }
0x3e: {  	_ =	shalt  }
0x3f: {  	_ =	shalt  }
0x40: {  	_ =	shalt  }
0x41: {  	_ =	shalt  }
0x42: {  	_ =	shalt  }
0x43: {  	_ =	shalt  }
0x44: {  	_ =	shalt  }
0x45: {  	_ =	shalt  }
0x46: {  	_ =	shalt  }
0x47: {  	_ =	shalt  }
0x48: {  	_ =	shalt  }
0x49: {  	_ =	shalt  }
0x4a: {  	_ =	shalt  }
0x4b: {  	_ =	shalt  }
0x4c: {  	_ =	shalt  }
0x4d: {  	_ =	shalt  }
0x4e: {  	_ =	shalt  }
0x4f: {  	_ =	shalt  }
0x50: {  	_ =	shalt  }
0x51: {  	_ =	shalt  }
0x52: {  	_ =	shalt  }
0x53: {  	_ =	shalt  }
0x54: {  	_ =	shalt  }
0x55: {  	_ =	shalt  }
0x56: {  	_ =	shalt  }
0x57: {  	_ =	shalt  }
0x58: {  	_ =	shalt  }
0x59: {  	_ =	shalt  }
0x5a: {  	_ =	shalt  }
0x5b: {  	_ =	shalt  }
0x5c: {  	_ =	shalt  }
0x5d: {  	_ =	shalt  }
0x5e: {  	_ =	shalt  }
0x5f: {  	_ =	shalt  }
0x60: {  	_ =	shalt  }
0x61: {  	_ =	shalt  }
0x62: {  	_ =	shalt  }
0x63: {  	_ =	shalt  }
0x64: {  	_ =	shalt  }
0x65: {  	_ =	shalt  }
0x66: {  	_ =	shalt  }
0x67: {  	_ =	shalt  }
0x68: {  	_ =	shalt  }
0x69: {  	_ =	shalt  }
0x6a: {  	_ =	shalt  }
0x6b: {  	_ =	shalt  }
0x6c: {  	_ =	shalt  }
0x6d: {  	_ =	shalt  }
0x6e: {  	_ =	shalt  }
0x6f: {  	_ =	shalt  }
0x70: {  	_ =	shalt  }
0x71: {  	_ =	shalt  }
0x72: {  	_ =	shalt  }
0x73: {  	_ =	shalt  }
0x74: {  	_ =	shalt  }
0x75: {  	_ =	shalt  }
0x76: {  	_ =	shalt  }
0x77: {  	_ =	shalt  }
0x78: {  	_ =	shalt  }
0x79: {  	_ =	shalt  }
0x7a: {  	_ =	shalt  }
0x7b: {  	_ =	shalt  }
0x7c: {  	_ =	shalt  }
0x7d: {  	_ =	shalt  }
0x7e: {  	_ =	shalt  }
0x7f: {  	_ =	shalt  }
0x80: {  	_ =	shalt  }
0x81: {  	_ =	shalt  }
0x82: {  	_ =	shalt  }
0x83: {  	_ =	shalt  }
0x84: {  	_ =	shalt  }
0x85: {  	_ =	shalt  }
0x86: {  	_ =	shalt  }
0x87: {  	_ =	shalt  }
.Lfunc_end0:
.L_simem_size_0:
called_computation.1_lowered:
.L_overlay_start_0:
0x88: {  	s2 =	sld [smem:$0x3FD9]  }
0x89: {  	s3 =	sld [smem:$0x3FFE];
	_ =	sdelay $0x1  }
0x8a: {  	s1 =	srdreg.scid  }
0x8b: {  	s0 =	sand.u32 $0x1, s1  }
0x8c: {  	s17 =	sshll.u32 s0, $0xA;
	s2 =	sadd.s32 s3, s2  }
0x8d: {  	s2 =	sadd.s32 s2, s17  }
0x8e: {  	[smem:$0x3FB5] =	sst s2  }
0x8f: {  	_ = 	snop  }
0x90: {  	s2 =	sld [smem:$0x3FC4]  }
0x91: {  	s18 =	sld [smem:$0x3FC3];
	(tm) =	ssettm $0x1  }
0x92: {  	s4 =	sld [smem:$0x3FFB];
	_ =	sdelay $0x3  }
0x93: {  	_ =	strace s4  }
0x94: {  	s4 =	sld [smem:$0x3FFC];
	_ =	sdelay $0x3  }
0x95: {  	_ =	strace s4  }
0x96: {  	s4 =	sld [smem:$0x3FFD];
	_ =	sdelay $0x3  }
0x97: {  	_ =	strace s4  }
0x98: {  	_ =	strace $0x8FFFFFFF  }
0x99: {  	s19 =	sld [smem:$0x3FDB];
	_ =	sdelay $0x1  }
0x9a: {  	s5 =	simm.s32 $_scs_section_size  }
0x9b: {  	s6 =	simm.s32 $_size__tile_overlayer_lowered;
	s7 =	simm.s32 $_tile_overlayer_lowered  }
0x9c: {  	s22 =	simm.s32 $0x1BFF;
	s21 =	sshll.u32 s7, $0x1;
	s4 =	sadd.s32 s5, s19  }
0x9d: {  	s8 =	simm.s32 $0x0;
	s20 =	sshll.u32 s6, $0x1;
	s6 =	sadd.s32 s21, s4  }
0x9e: {  	[timem:s8], [sflag:s22] =	dma.local [hbm:s6], s20  }
0x9f: {  	_ =	swait.ge [sflag:s22], s20  }
0xa0: {  	s5 =	ssub.s32 $0x0, s20;
	[sflag:s22] =	ssyncset.done $0x0  }
0xa1: {  	[sflag:s22] =	ssyncadd.s32 s5;
	_ =	sdelay $0x1  }
0xa2: {  	s23 =	simm.s32 $0x1B8B  }
0xa3: {  	_ =	swait.ge [sflag:s23], $0x1  }
0xa4: {  	[sflag:s23] =	ssyncset.done $0x0  }
0xa5: {  	s25 =	simm.s32 $0x1B8E;
	s24 =	sld [smem:$0x3FFE];
	[sflag:s23] =	ssyncadd.s32 $0xFFFFFFFF  }
0xa6: {  	s26 =	simm.s32 $execute0_lowered;
	[smem:$0x3FD2] =	sst s25  }
0xa7: {  	s6 =	sshll.u32 s26, $0x1;
	_ =	strace $0x80000049;
	[dreg:$0x1] =	wrdreg $0xFFFFFFFF  }
0xa8: {  	s28 =	simm.s32 $_size_execute0_lowered;
	s4 =	sadd.s32 s4, s6;
	[dreg:$0x0] =	wrdreg $0x0  }
0xa9: {  	s6 =	sshll.u32 s28, $0x1;
	[dreg:$0x2] =	wrdreg s4  }
0xaa: {  	[dreg:$0x3] =	wrdreg s6  }
0xab: {  	[dreg:$0x4] =	wrdreg $0xC0  }
0xac: {  	_ =	task [dreg:s8], $0x5FFFF  }
0xad: {  	[dreg:$0x1] =	wrdreg $0xFFFFFFFF  }
0xae: {  	[dreg:$0x0] =	wrdreg $0x60  }
0xaf: {  	[dreg:$0x2] =	wrdreg s24  }
0xb0: {  	[dreg:$0x3] =	wrdreg s18  }
0xb1: {  	[dreg:$0x4] =	wrdreg s2  }
0xb2: {  	[dreg:$0x5] =	wrdreg $0x4E200  }
0xb3: {  	[dreg:$0x6] =	wrdreg $0x1D4C00  }
0xb4: {  	[dreg:$0x7] =	wrdreg $0x9  }
0xb5: {  	_ =	task.clear_ibuf [dreg:s8], $0x8FFFF;
	_ =	strace $0x90000049  }
0xb6: {  	s29 =	simm.s32 $0x9;
	_ =	strace $0x8000004B  }
0xb7: {  	_ =	swait.ge [sflag:s29], $0x1  }
0xb8: {  	[sflag:s29] =	ssyncadd.s32 $0xFFFFFFFF  }
0xb9: {  	_ =	strace $0x9000004B  }
0xba: {  	_ =	sfence  }
0xbb: {  	s30 =	sld [smem:$0x0];
	_ =	sdelay $0x2  }
0xbc: {  	s31 =	sshll.u32 s1, $0xD;
	s1 =	sshrl.u32 s1, $0x2  }
0xbd: {  	s3 =	sand.u32 $0x4000, s31;
	s1 =	sadd.s32 s1, s30  }
0xbe: {  	s0 =	sor.u32 s3, s0;
	s1 =	sshll.u32 s1, $0x11  }
0xbf: {  	s0 =	sor.u32 s1, s0  }
0xc0: {  	s0 =	sadd.s32 $0x8F2B, s0  }
0xc1: {  	[sflag:s0] =	ssyncadd.remote.s32 $0x1  }
0xc2: {  	_ =	sfence.sel $0xFFFF  }
0xc3: {  	[dreg:$0x0] =	wrdreg $0xFFFFFFFF;
	(pc) =	sbr.abs _section_cstart, $3  }
0xc4: {  	[dreg:$0x1] =	wrdreg $0xFFFFFFFF  }
0xc5: {  	_ =	task.clear_ibuf [dreg:s8], $0x2FFFF;
	_ =	strace $0x9FFFFFFF  }
0xc6: {  	(tm) =	ssettm $0x7FFFFFFF  }
0xc7: {  	_ =	shalt  }
tec
execute0_lowered:
.L_overlay_start_1:
0x0: {  	(tag) =	ssettag $0x1  }
0x1: {  	s0 =	rddreg [dreg:$0x0]  }
0x2: {  	s11 =	rddreg [dreg:$0x1]  }
0x3: {  	s18 =	rddreg [dreg:$0x2]  }
0x4: {  	s1 =	rddreg [dreg:$0x3]  }
0x5: {  	s2 =	rddreg [dreg:$0x4];
	s3 =	simm.s32 $0x0;
	s6 =	srdreg.scid  }
0x6: {  	s25 =	stileid.u32;
	s20 =	simm.s32 $0x2;
	s21 =	simm.s32 $0x3E8  }
0x7: {  	s22 =	simm.s32 $0x7D0;
	s23 =	simm.s32 $0x1;
	s24 =	simm.s32 $0x4650  }
0x8: {  	s26 =	simm.s32 $0x0;
	[smem:$0x7FF] =	sst s3;
	s4 =	sadd.s32 $0xC9600, s0  }
0x9: {  	s5 =	sadd.s32 $0x2C00, s0;
	s12 =	sand.u32 $0x1, s6;
	s6 =	smul.u32 $0x1870, s25  }
0xa: {  	s7 =	sadd.s32 $0x33A00, s0;
	s8 =	sadd.s32 $0x64800, s0;
	s10 =	sadd.s32 $0x67A00, s0  }
0xb: {  	s19 =	smul.u32 $0x30D4, s25;
	p1 =	sne.s32 s25, $0x0;
	p2 =	seq.s32 s25, $0xF  }
0xc: {  	s25 =	simm.s32 $0x4A38;
	_ =	strace $0x8000004A;
	s13 =	ssub.s32 $0x2, s12  }
0xd: {  	s9 =	smul.u32 $0x186A00, s12;
	p0 =	seq.s32 s12, $0x1;
	s14 =	sshrl.u32 s13, $0x1  }
0xe: {  	s15 =	sadd.s32 $0x15E0, s6;
	s18 =	sadd.s32 s19, s18;
	s19 =	sadd.s32 s19, s11  }
.Ltmp0:
0xf: {  	s28 =	ssub.s32 s13, s14;
	s29 =	sshll.u32 s15, $0x4;
	(pc) =	sbr.rel .LBB2_1-.Ltmp0, $4  }
0x10: {  	s12 =	sadd.s32 s15, s2;
	s31 =	sshrl.u32 s9, $0x3;
	s14 =	sadd.s32 $0x184700, s1  }
0x11: {  	s15 =	sadd.s32 $0x18470, s2;
	s30 =	sadd.s32 s29, s1;
	s13 =	sadd.s32 s9, s29  }
0x12: {  	s16 =	sadd.s32 s10, s31;
	s17 =	smax.u32 s28, $0x1;
	s13 =	sshrl.u32 s13, $0x3  }
0x13: {  	v0 =	vimm.f32 $1.000000000e+00;
	[dreg:$0x6] =	wrdreg s30;
	s16 =	sadd.s32 $0x308E0, s16;
	s13 =	sadd.s32 s10, s13  }
.LBB2_27:
0x14: {  	s26 =	sadd.s32 $0x1, s26  }
0x15: {  	p3 =	sne.s32 s26, s17  }
.Ltmp1:
0x16: {  	_ = 	snop;
	(pc) =	sbr.rel @!p3 .LBB2_28-.Ltmp1, $1  }
0x17: {  	_ =	sdelay $0x3  }
.LBB2_1:
0x18: {  	s0 =	simm.s32 $0x40;
	s11 =	simm.s32 $0x0  }
.LBB2_2:
0x19: {  	p3 =	sne.s32 s0, $0xF40;
	[tilespmem:s11+$0x4650] =	vst v0;
	s11 =	smov.u32 s0;
	s0 =	sadd.s32 $0x40, s0  }
.Ltmp2:
0x1a: {  	(pc) =	sbr.rel @p3 .LBB2_2-.Ltmp2, $2  }
0x1b: {  	_ =	sdelay $0x2  }
0x1c: {  	s11 =	sshra.s32 s11, $0x2  }
0x1d: {  	[tilespmem:s11+$0x4650] =	vst v0  }
0x1e: {  	s0 =	sshrl.u32 @!p1 s1, $0x3;
	s11 =	simm.s32 @!p1 $0x1C02;
	[tilespmem:$0x4A28] =	vst v0  }
0x1f: {  	[spmem:s0], [sflag:s11] =	dma.local @!p1 [hbm:s7], $0x30D40  }
0x20: {  	s0 =	simm.s32 @!p1 $0x2  }
0x21: {  	_ =	swait.ge @!p1 [sflag:s0], $0x30D40  }
0x22: {  	[sflag:s0] =	ssyncset.done @!p1 $0x0  }
0x23: {  	s28 =	sshrl.u32 @!p1 s2, $0x3;
	[sflag:s0] =	ssyncadd.s32 @!p1 $0xFFFCF2C0  }
0x24: {  	[spmem:s28], [sflag:s11] =	dma.local @!p1 [hbm:s8], $0x30D4  }
.Ltmp3:
0x25: {  	_ =	swait.ge @!p1 [sflag:s0], $0x30D4;
	(pc) =	sbr.rel @!p0 .LBB2_4-.Ltmp3, $4  }
0x26: {  	[sflag:s0] =	ssyncset.done @!p1 $0x0  }
0x27: {  	[sflag:s0] =	ssyncadd.s32 @!p1 $0xFFFFCF2C  }
0x28: {  	[bflag:$0x0] =	sbarrier.arrive $0xFFFF  }
0x29: {  	s0 =	sadd.s32 $0x0, s19  }
0x2a: {  	[tilespmem:s3], [sflag:$0x2] =	stream.linear.gather [hbm4b:s0+s3], $0x3E8, $0x38;
	[tilespmem:$0x1ED30] =	vst v63  }
0x2b: {  	_ =	swait.ge [sflag:s20], $0x3E8  }
0x2c: {  	[sflag:s20] =	ssyncset.done $0x0  }
0x2d: {  	s31 =	sadd.s32 $0x0, s18;
	[sflag:s20] =	ssyncadd.s32 $0xFFFFFC18  }
0x2e: {  	[tilespmem:s21], [sflag:$0x2] =	stream.linear.gather [hbm4b:s31+s3], $0x3E8, $0x38;
	[tilespmem:$0x1ED30] =	vst v63  }
0x2f: {  	_ =	swait.ge [sflag:s20], $0x3E8  }
0x30: {  	[sflag:s20] =	ssyncset.done $0x0  }
0x31: {  	[sflag:s20] =	ssyncadd.s32 $0xFFFFFC18  }
0x32: {  	[tilespmem:s22], [sflag:$0x1] =	stream.indirect.gather [hbm4b:s5+s21], $0x10, s3, s21, $0xb8;
	[tilespmem:$0x1ED30] =	vst v63  }
0x33: {  	_ =	swait.ge [sflag:s23], $0x3E80  }
0x34: {  	[sflag:s23] =	ssyncset.done $0x0  }
0x35: {  	[sflag:s23] =	ssyncadd.s32 $0xFFFFC180  }
0x36: {  	[spmem:s1] =	stream.indirect.scatter.add.f32 [tilespmem:s22], [sflag:$0x2], $0x10, s21, s21, $0xb8;
	[tilespmem:$0x1ED30] =	vst v63  }
0x37: {  	_ =	swait.ge [sflag:s20], $0x3E80  }
0x38: {  	[sflag:s20] =	ssyncset.done $0x0  }
0x39: {  	[sflag:s20] =	ssyncadd.s32 $0xFFFFC180  }
0x3a: {  	[spmem:s2] =	stream.indirect.scatter.add.f32 [tilespmem:s24], [sflag:$0x2], $0x1, s21, s21, $0xb8;
	[tilespmem:$0x1ED30] =	vst v63  }
0x3b: {  	_ =	swait.ge [sflag:s20], $0x3E8  }
0x3c: {  	s0 =	simm.s32 $0x7D;
	s11 =	simm.s32 $0xFA;
	[sflag:s20] =	ssyncset.done $0x0  }
.LBB2_8:
0x3d: {  	s28 =	sadd.s32 s0, s19  }
0x3e: {  	[sflag:s20] =	ssyncadd.s32 $0xFFFFFC18;
	s29 =	smov.u32 s11;
	s30 =	sadd.s32 $0x7D, s11  }
0x3f: {  	[tilespmem:s3], [sflag:$0x2] =	stream.linear.gather [hbm4b:s28+s3], $0x3E8, $0x38;
	[tilespmem:$0x1ED30] =	vst v63  }
0x40: {  	p3 =	sne.s32 s11, $0x3057;
	_ =	swait.ge [sflag:s20], $0x3E8  }
0x41: {  	[sflag:s20] =	ssyncset.done $0x0  }
0x42: {  	s11 =	sadd.s32 s0, s18;
	s0 =	smov.u32 s29;
	[sflag:s20] =	ssyncadd.s32 $0xFFFFFC18  }
0x43: {  	[tilespmem:s21], [sflag:$0x2] =	stream.linear.gather [hbm4b:s11+s3], $0x3E8, $0x38;
	[tilespmem:$0x1ED30] =	vst v63  }
0x44: {  	_ =	swait.ge [sflag:s20], $0x3E8  }
0x45: {  	[sflag:s20] =	ssyncset.done $0x0  }
0x46: {  	[sflag:s20] =	ssyncadd.s32 $0xFFFFFC18  }
0x47: {  	[tilespmem:s22], [sflag:$0x1] =	stream.indirect.gather [hbm4b:s5+s21], $0x10, s3, s21, $0xb8;
	[tilespmem:$0x1ED30] =	vst v63  }
0x48: {  	_ =	swait.ge [sflag:s23], $0x3E80  }
0x49: {  	[sflag:s23] =	ssyncset.done $0x0  }
0x4a: {  	[sflag:s23] =	ssyncadd.s32 $0xFFFFC180  }
0x4b: {  	[spmem:s1] =	stream.indirect.scatter.add.f32 [tilespmem:s22], [sflag:$0x2], $0x10, s21, s21, $0xb8;
	[tilespmem:$0x1ED30] =	vst v63  }
0x4c: {  	_ =	swait.ge [sflag:s20], $0x3E80  }
.Ltmp4:
0x4d: {  	[sflag:s20] =	ssyncset.done $0x0;
	(pc) =	sbr.rel @p3 .LBB2_8-.Ltmp4, $4  }
0x4e: {  	[sflag:s20] =	ssyncadd.s32 $0xFFFFC180  }
0x4f: {  	[spmem:s2] =	stream.indirect.scatter.add.f32 [tilespmem:s24], [sflag:$0x2], $0x1, s21, s21, $0xb8;
	[tilespmem:$0x1ED30] =	vst v63  }
0x50: {  	_ =	swait.ge [sflag:s20], $0x3E8  }
0x51: {  	s11 =	smov.u32 s30;
	[sflag:s20] =	ssyncset.done $0x0  }
0x52: {  	s11 =	sadd.s32 s0, s19;
	[sflag:s20] =	ssyncadd.s32 $0xFFFFFC18  }
0x53: {  	[tilespmem:s3], [sflag:$0x2] =	stream.linear.gather [hbm4b:s11+s3], $0x3E8, $0x38;
	[tilespmem:$0x1ED30] =	vst v63  }
0x54: {  	_ =	swait.ge [sflag:s20], $0x3E8  }
0x55: {  	[sflag:s20] =	ssyncset.done $0x0  }
0x56: {  	s31 =	sadd.s32 s0, s18;
	[sflag:s20] =	ssyncadd.s32 $0xFFFFFC18  }
0x57: {  	[tilespmem:s21], [sflag:$0x2] =	stream.linear.gather [hbm4b:s31+s3], $0x3E8, $0x38;
	[tilespmem:$0x1ED30] =	vst v63  }
0x58: {  	_ =	swait.ge [sflag:s20], $0x3E8  }
0x59: {  	[sflag:s20] =	ssyncset.done $0x0  }
0x5a: {  	[sflag:s20] =	ssyncadd.s32 $0xFFFFFC18  }
0x5b: {  	[tilespmem:s22], [sflag:$0x1] =	stream.indirect.gather [hbm4b:s5+s21], $0x10, s3, s21, $0xb8;
	[tilespmem:$0x1ED30] =	vst v63  }
0x5c: {  	_ =	swait.ge [sflag:s23], $0x3E80  }
0x5d: {  	[sflag:s23] =	ssyncset.done $0x0  }
0x5e: {  	[sflag:s23] =	ssyncadd.s32 $0xFFFFC180  }
0x5f: {  	[spmem:s1] =	stream.indirect.scatter.add.f32 [tilespmem:s22], [sflag:$0x2], $0x10, s21, s21, $0xb8;
	[tilespmem:$0x1ED30] =	vst v63  }
0x60: {  	_ =	swait.ge [sflag:s20], $0x3E80  }
0x61: {  	[sflag:s20] =	ssyncset.done $0x0  }
.Ltmp5:
0x62: {  	[sflag:s20] =	ssyncadd.s32 $0xFFFFC180;
	(pc) =	sbr.rel .LBB2_10-.Ltmp5, $4  }
0x63: {  	[spmem:s2] =	stream.indirect.scatter.add.f32 [tilespmem:s24], [sflag:$0x2], $0x1, s21, s21, $0xb8;
	[tilespmem:$0x1ED30] =	vst v63  }
0x64: {  	_ =	swait.ge [sflag:s20], $0x3E8  }
0x65: {  	[sflag:s20] =	ssyncset.done $0x0  }
0x66: {  	[sflag:s20] =	ssyncadd.s32 $0xFFFFFC18  }
.LBB2_4:
0x67: {  	[tilespmem:s3], [sflag:$0x2] =	stream.linear.gather [hbm4b:s0+s3], $0x3E8, $0x38;
	[tilespmem:$0x1ED30] =	vst v63  }
0x68: {  	_ =	swait.ge [sflag:s20], $0x3E8  }
0x69: {  	[sflag:s20] =	ssyncset.done $0x0  }
0x6a: {  	s31 =	sadd.s32 $0x0, s18;
	[sflag:s20] =	ssyncadd.s32 $0xFFFFFC18  }
0x6b: {  	[tilespmem:s21], [sflag:$0x2] =	stream.linear.gather [hbm4b:s31+s3], $0x3E8, $0x38;
	[tilespmem:$0x1ED30] =	vst v63  }
0x6c: {  	_ =	swait.ge [sflag:s20], $0x3E8  }
0x6d: {  	[sflag:s20] =	ssyncset.done $0x0  }
0x6e: {  	[sflag:s20] =	ssyncadd.s32 $0xFFFFFC18  }
0x6f: {  	[tilespmem:s22], [sflag:$0x1] =	stream.indirect.gather [hbm4b:s4+s21], $0x10, s3, s21, $0xb8;
	[tilespmem:$0x1ED30] =	vst v63  }
0x70: {  	_ =	swait.ge [sflag:s23], $0x3E80  }
0x71: {  	[sflag:s23] =	ssyncset.done $0x0  }
0x72: {  	[sflag:s23] =	ssyncadd.s32 $0xFFFFC180  }
0x73: {  	[spmem:s1] =	stream.indirect.scatter.add.f32 [tilespmem:s22], [sflag:$0x2], $0x10, s21, s21, $0xb8;
	[tilespmem:$0x1ED30] =	vst v63  }
0x74: {  	_ =	swait.ge [sflag:s20], $0x3E80  }
0x75: {  	[sflag:s20] =	ssyncset.done $0x0  }
0x76: {  	[sflag:s20] =	ssyncadd.s32 $0xFFFFC180  }
0x77: {  	[spmem:s2] =	stream.indirect.scatter.add.f32 [tilespmem:s24], [sflag:$0x2], $0x1, s21, s21, $0xb8;
	[tilespmem:$0x1ED30] =	vst v63  }
0x78: {  	_ =	swait.ge [sflag:s20], $0x3E8  }
0x79: {  	s0 =	simm.s32 $0x7D;
	s11 =	simm.s32 $0xFA;
	[sflag:s20] =	ssyncset.done $0x0  }
.LBB2_5:
0x7a: {  	s28 =	sadd.s32 s0, s19  }
0x7b: {  	[sflag:s20] =	ssyncadd.s32 $0xFFFFFC18;
	s29 =	smov.u32 s11;
	s30 =	sadd.s32 $0x7D, s11  }
0x7c: {  	[tilespmem:s3], [sflag:$0x2] =	stream.linear.gather [hbm4b:s28+s3], $0x3E8, $0x38;
	[tilespmem:$0x1ED30] =	vst v63  }
0x7d: {  	p3 =	seq.s32 s11, $0x3057;
	_ =	swait.ge [sflag:s20], $0x3E8  }
0x7e: {  	[sflag:s20] =	ssyncset.done $0x0  }
0x7f: {  	s11 =	sadd.s32 s0, s18;
	s0 =	smov.u32 s29;
	[sflag:s20] =	ssyncadd.s32 $0xFFFFFC18  }
0x80: {  	[tilespmem:s21], [sflag:$0x2] =	stream.linear.gather [hbm4b:s11+s3], $0x3E8, $0x38;
	[tilespmem:$0x1ED30] =	vst v63  }
0x81: {  	_ =	swait.ge [sflag:s20], $0x3E8  }
0x82: {  	[sflag:s20] =	ssyncset.done $0x0  }
0x83: {  	[sflag:s20] =	ssyncadd.s32 $0xFFFFFC18  }
0x84: {  	[tilespmem:s22], [sflag:$0x1] =	stream.indirect.gather [hbm4b:s4+s21], $0x10, s3, s21, $0xb8;
	[tilespmem:$0x1ED30] =	vst v63  }
0x85: {  	_ =	swait.ge [sflag:s23], $0x3E80  }
0x86: {  	[sflag:s23] =	ssyncset.done $0x0  }
0x87: {  	[sflag:s23] =	ssyncadd.s32 $0xFFFFC180  }
0x88: {  	[spmem:s1] =	stream.indirect.scatter.add.f32 [tilespmem:s22], [sflag:$0x2], $0x10, s21, s21, $0xb8;
	[tilespmem:$0x1ED30] =	vst v63  }
0x89: {  	_ =	swait.ge [sflag:s20], $0x3E80  }
.Ltmp6:
0x8a: {  	[sflag:s20] =	ssyncset.done $0x0;
	(pc) =	sbr.rel @!p3 .LBB2_5-.Ltmp6, $4  }
0x8b: {  	[sflag:s20] =	ssyncadd.s32 $0xFFFFC180  }
0x8c: {  	[spmem:s2] =	stream.indirect.scatter.add.f32 [tilespmem:s24], [sflag:$0x2], $0x1, s21, s21, $0xb8;
	[tilespmem:$0x1ED30] =	vst v63  }
0x8d: {  	_ =	swait.ge [sflag:s20], $0x3E8  }
0x8e: {  	s11 =	smov.u32 s30;
	[sflag:s20] =	ssyncset.done $0x0  }
0x8f: {  	s11 =	sadd.s32 s0, s19;
	[sflag:s20] =	ssyncadd.s32 $0xFFFFFC18  }
0x90: {  	[tilespmem:s3], [sflag:$0x2] =	stream.linear.gather [hbm4b:s11+s3], $0x3E8, $0x38;
	[tilespmem:$0x1ED30] =	vst v63  }
0x91: {  	_ =	swait.ge [sflag:s20], $0x3E8  }
0x92: {  	[sflag:s20] =	ssyncset.done $0x0  }
0x93: {  	s31 =	sadd.s32 s0, s18;
	[sflag:s20] =	ssyncadd.s32 $0xFFFFFC18  }
0x94: {  	[tilespmem:s21], [sflag:$0x2] =	stream.linear.gather [hbm4b:s31+s3], $0x3E8, $0x38;
	[tilespmem:$0x1ED30] =	vst v63  }
0x95: {  	_ =	swait.ge [sflag:s20], $0x3E8  }
0x96: {  	[sflag:s20] =	ssyncset.done $0x0  }
0x97: {  	[sflag:s20] =	ssyncadd.s32 $0xFFFFFC18  }
0x98: {  	[tilespmem:s22], [sflag:$0x1] =	stream.indirect.gather [hbm4b:s4+s21], $0x10, s3, s21, $0xb8;
	[tilespmem:$0x1ED30] =	vst v63  }
0x99: {  	_ =	swait.ge [sflag:s23], $0x3E80  }
0x9a: {  	[sflag:s23] =	ssyncset.done $0x0  }
0x9b: {  	[sflag:s23] =	ssyncadd.s32 $0xFFFFC180  }
0x9c: {  	[spmem:s1] =	stream.indirect.scatter.add.f32 [tilespmem:s22], [sflag:$0x2], $0x10, s21, s21, $0xb8;
	[tilespmem:$0x1ED30] =	vst v63  }
0x9d: {  	_ =	swait.ge [sflag:s20], $0x3E80  }
0x9e: {  	[sflag:s20] =	ssyncset.done $0x0  }
0x9f: {  	[sflag:s20] =	ssyncadd.s32 $0xFFFFC180  }
0xa0: {  	[spmem:s2] =	stream.indirect.scatter.add.f32 [tilespmem:s24], [sflag:$0x2], $0x1, s21, s21, $0xb8;
	[tilespmem:$0x1ED30] =	vst v63  }
0xa1: {  	_ =	swait.ge [sflag:s20], $0x3E8  }
0xa2: {  	[sflag:s20] =	ssyncset.done $0x0  }
0xa3: {  	[sflag:s20] =	ssyncadd.s32 $0xFFFFFC18  }
.LBB2_10:
0xa4: {  	[bflag:$0x0] =	sbarrier.arrive $0xFFFF;
	s28 =	simm.s32 $0x0  }
.LBB2_11:
0xa5: {  	s0 =	smul.u32 $0x320, s28;
	_ =	sdelay $0x1  }
0xa6: {  	s0 =	sadd.s32 s6, s0  }
0xa7: {  	s29 =	sshll.u32 s0, $0x4  }
0xa8: {  	s11 =	sadd.s32 s29, s1  }
0xa9: {  	[tilespmem:s22], [sflag:$0x2] =	stream.linear.gather [spmem:s11], $0x3200, $0x38;
	[tilespmem:$0x1ED30] =	vst v63  }
0xaa: {  	_ =	swait.ge [sflag:s20], $0x3200  }
0xab: {  	[sflag:s20] =	ssyncset.done $0x0  }
0xac: {  	s0 =	sadd.s32 s0, s2;
	[sflag:s20] =	ssyncadd.s32 $0xFFFFCE00  }
0xad: {  	[tilespmem:s25], [sflag:$0x2] =	stream.linear.gather [spmem:s0], $0x320, $0x38;
	[tilespmem:$0x1ED30] =	vst v63  }
0xae: {  	_ =	swait.ge [sflag:s20], $0x320  }
0xaf: {  	[sflag:s20] =	ssyncset.done $0x0  }
0xb0: {  	s0 =	simm.s32 $0x0;
	[sflag:s20] =	ssyncadd.s32 $0xFFFFFCE0  }
0xb1: {  	v1 =	vld [tilespmem:s0+$0x4A38];
	_ =	sdelay $0x4  }
0xb2: {  	s30 =	simm.s32 $0x10;
	v2 =	vmax.f32 v1, $1.000000000e+00  }
0xb3: {  	v1 =	vld [tilespmem:s30+$0x4A38];
	(erf) = vrcp.f32 v2;
	_ =	sdelay $0x3  }
0xb4: {  	s31 =	simm.s32 $0x80  }
.LBB2_12:
0xb5: {  	s11 =	sshra.s32 s31, $0x2;
	p3 =	sne.s32 s31, $0xC40;
	s31 =	sadd.s32 $0x40, s31;
	v2 =	vmax.f32 v1, $1.000000000e+00  }
.Ltmp7:
0xb6: {  	v1 =	vld [tilespmem:s11+$0x4A38];
	(erf) = vrcp.f32 v2;
	(pc) =	sbr.rel @p3 .LBB2_12-.Ltmp7, $3  }
0xb7: {  	_ =	sdelay $0x1  }
0xb8: {  	v2 =	vpop (erf)  }
0xb9: {  	[tilespmem:s0+$0x4650] =	vst v2;
	s0 =	smov.u32 s30;
	s30 =	smov.u32 s11  }
0xba: {  	v1 =	vmax.f32 v1, $1.000000000e+00  }
0xbb: {  	(erf) = vrcp.f32 v1;
	_ =	sdelay $0x7  }
0xbc: {  	v1 =	vpop (erf)  }
0xbd: {  	[tilespmem:s0+$0x4650] =	vst v1;
	v1 =	vpop (erf)  }
0xbe: {  	[tilespmem:s30+$0x4650] =	vst v1;
	s30 =	simm.s32 $0x850  }
0xbf: {  	s11 =	simm.s32 $0x0;
	s31 =	simm.s32 $0x850;
	s0 =	simm.s32 $0x40;
	v1 =	vld [tilespmem:s30+$0xFFFFFFB0]  }
.LBB2_14:
0xc0: {  	p3 =	sne.s32 s0, $0xC40;
	v2 =	vld [tilespmem:s11+$0x4650]  }
0xc1: {  	v3 =	vld [tilespmem:s30+$0xFFFFFF90]  }
0xc2: {  	v4 =	vld [tilespmem:s30+$0xFFFFFF80]  }
0xc3: {  	v5 =	vld [tilespmem:s30+$0xFFFFFFA0]  }
0xc4: {  	v6 =	vld [tilespmem:s30+$0xFFFFFFF0]  }
0xc5: {  	v7 =	vbroadcast v2, $0x0;
	v8 =	vbroadcast v2, $0x1;
	v9 =	vld [tilespmem:s30+$0xFFFFFFD0]  }
0xc6: {  	v10 =	vbroadcast v2, $0x2;
	v11 =	vbroadcast v2, $0x3;
	v12 =	vld [tilespmem:s30+$0xFFFFFFC0]  }
0xc7: {  	v4 =	vmul.f32 v7, v4;
	v3 =	vmul.f32 v3, v8;
	v7 =	vld [tilespmem:s30+$0xFFFFFFE0]  }
0xc8: {  	v1 =	vmul.f32 v1, v11;
	v5 =	vmul.f32 v5, v10;
	v8 =	vld [tilespmem:s30+$0x30]  }
0xc9: {  	v10 =	vbroadcast v2, $0x5;
	[tilespmem:s30+$0xFFFFFF80] =	vst v4;
	v4 =	vbroadcast v2, $0x4;
	v11 =	vld [tilespmem:s30+$0x10]  }
0xca: {  	v13 =	vbroadcast v2, $0x7;
	[tilespmem:s30+$0xFFFFFF90] =	vst v3;
	v3 =	vbroadcast v2, $0x6;
	v14 =	vld [tilespmem:s30+$0x0]  }
0xcb: {  	[tilespmem:s30+$0xFFFFFFA0] =	vst v5;
	v4 =	vmul.f32 v12, v4;
	v5 =	vmul.f32 v9, v10;
	v9 =	vld [tilespmem:s30+$0x20]  }
0xcc: {  	[tilespmem:s30+$0xFFFFFFB0] =	vst v1;
	v1 =	vmul.f32 v7, v3;
	v3 =	vmul.f32 v6, v13;
	v6 =	vld [tilespmem:s30+$0x70]  }
0xcd: {  	v7 =	vbroadcast v2, $0x9;
	[tilespmem:s30+$0xFFFFFFC0] =	vst v4;
	v4 =	vbroadcast v2, $0x8;
	v10 =	vld [tilespmem:s30+$0x50]  }
0xce: {  	v12 =	vbroadcast v2, $0xB;
	[tilespmem:s30+$0xFFFFFFD0] =	vst v5;
	v5 =	vbroadcast v2, $0xA;
	v13 =	vld [tilespmem:s30+$0x40]  }
0xcf: {  	[tilespmem:s30+$0xFFFFFFE0] =	vst v1;
	v1 =	vmul.f32 v14, v4;
	v4 =	vmul.f32 v11, v7;
	v7 =	vld [tilespmem:s30+$0x60]  }
0xd0: {  	[tilespmem:s30+$0xFFFFFFF0] =	vst v3;
	v3 =	vmul.f32 v9, v5;
	v5 =	vmul.f32 v8, v12  }
0xd1: {  	v8 =	vbroadcast v2, $0xD;
	[tilespmem:s30+$0x0] =	vst v1;
	v1 =	vbroadcast v2, $0xC  }
0xd2: {  	[tilespmem:s30+$0x10] =	vst v4;
	v4 =	vbroadcast v2, $0xE;
	v2 =	vbroadcast v2, $0xF  }
0xd3: {  	[tilespmem:s30+$0x20] =	vst v3;
	v1 =	vmul.f32 v13, v1;
	v3 =	vmul.f32 v10, v8  }
.Ltmp8:
0xd4: {  	[tilespmem:s30+$0x30] =	vst v5;
	v4 =	vmul.f32 v7, v4;
	v2 =	vmul.f32 v6, v2;
	(pc) =	sbr.rel @p3 .LBB2_14-.Ltmp8, $4  }
0xd5: {  	[tilespmem:s30+$0x40] =	vst v1  }
0xd6: {  	[tilespmem:s30+$0x50] =	vst v3  }
0xd7: {  	s30 =	sadd.s32 $0x100, s30;
	[tilespmem:s31+$0x60] =	vst v4  }
0xd8: {  	s11 =	sshra.s32 s0, $0x2;
	s0 =	sadd.s32 $0x40, s0;
	v1 =	vld [tilespmem:s30+$0xFFFFFFB0];
	[tilespmem:s31+$0x70] =	vst v2;
	s31 =	smov.u32 s30  }
0xd9: {  	v2 =	vld [tilespmem:s11+$0x4650];
	_ =	sdelay $0x1  }
0xda: {  	v3 =	vld [tilespmem:s30+$0xFFFFFF80]  }
0xdb: {  	v4 =	vld [tilespmem:s30+$0xFFFFFF90]  }
0xdc: {  	v5 =	vld [tilespmem:s30+$0xFFFFFFA0]  }
0xdd: {  	v6 =	vbroadcast v2, $0x0  }
0xde: {  	v9 =	vld [tilespmem:s30+$0xFFFFFFD0];
	v7 =	vbroadcast v2, $0x1  }
0xdf: {  	v8 =	vld [tilespmem:s30+$0xFFFFFFC0];
	v10 =	vbroadcast v2, $0x2;
	v3 =	vmul.f32 v6, v3  }
0xe0: {  	v48 =	vld [tilespmem:s30+$0xFFFFFFE0];
	v47 =	vbroadcast v2, $0x3;
	v4 =	vmul.f32 v4, v7  }
0xe1: {  	v51 =	vld [tilespmem:s30+$0x10];
	v49 =	vbroadcast v2, $0x5;
	v5 =	vmul.f32 v5, v10;
	[tilespmem:s30+$0xFFFFFF80] =	vst v3  }
0xe2: {  	v11 =	vld [tilespmem:s30+$0xFFFFFFF0];
	v1 =	vmul.f32 v1, v47;
	v3 =	vbroadcast v2, $0x4;
	[tilespmem:s30+$0xFFFFFF90] =	vst v4  }
0xe3: {  	v50 =	vld [tilespmem:s30+$0x0];
	v12 =	vbroadcast v2, $0x6;
	v6 =	vmul.f32 v9, v49;
	[tilespmem:s30+$0xFFFFFFA0] =	vst v5  }
0xe4: {  	v56 =	vld [tilespmem:s30+$0x50];
	v54 =	vbroadcast v2, $0x9;
	[tilespmem:s30+$0xFFFFFFB0] =	vst v1;
	v3 =	vmul.f32 v8, v3  }
0xe5: {  	v53 =	vld [tilespmem:s30+$0x20];
	v52 =	vbroadcast v2, $0x7;
	v7 =	vmul.f32 v48, v12;
	[tilespmem:s30+$0xFFFFFFD0] =	vst v6  }
0xe6: {  	v59 =	vmul.f32 v51, v54;
	v1 =	vld [tilespmem:s30+$0x30];
	[tilespmem:s30+$0xFFFFFFC0] =	vst v3;
	v3 =	vbroadcast v2, $0x8  }
0xe7: {  	v55 =	vld [tilespmem:s30+$0x40];
	v62 =	vbroadcast v2, $0xD;
	v5 =	vmul.f32 v11, v52;
	[tilespmem:s30+$0xFFFFFFE0] =	vst v7  }
0xe8: {  	v60 =	vld [tilespmem:s30+$0x60];
	v57 =	vbroadcast v2, $0xA;
	[tilespmem:s30+$0x10] =	vst v59;
	v3 =	vmul.f32 v50, v3  }
0xe9: {  	v61 =	vld [tilespmem:s30+$0x70];
	v58 =	vbroadcast v2, $0xB;
	v4 =	vmul.f32 v56, v62;
	[tilespmem:s30+$0xFFFFFFF0] =	vst v5  }
0xea: {  	v8 =	vmul.f32 v53, v57;
	[tilespmem:s30+$0x0] =	vst v3;
	v3 =	vbroadcast v2, $0xC  }
0xeb: {  	v63 =	vbroadcast v2, $0xE;
	[tilespmem:s30+$0x50] =	vst v4;
	v1 =	vmul.f32 v1, v58  }
0xec: {  	[tilespmem:s30+$0x20] =	vst v8;
	v2 =	vbroadcast v2, $0xF;
	v3 =	vmul.f32 v55, v3  }
0xed: {  	[tilespmem:s30+$0x30] =	vst v1;
	v1 =	vmul.f32 v60, v63  }
0xee: {  	s0 =	sadd.s32 s9, s29;
	s28 =	sadd.s32 $0x1, s28;
	v2 =	vmul.f32 v61, v2;
	[tilespmem:s30+$0x40] =	vst v3  }
0xef: {  	s0 =	sshrl.u32 s0, $0x3;
	p3 =	sne.s32 s28, $0x7;
	[tilespmem:s31+$0x60] =	vst v1  }
.Ltmp9:
0xf0: {  	s0 =	sadd.s32 s10, s0;
	[tilespmem:s31+$0x70] =	vst v2;
	(pc) =	sbr.rel @p3 .LBB2_11-.Ltmp9, $4  }
0xf1: {  	[hbm4b:s0+s3] =	stream.linear.scatter [tilespmem:s22], [sflag:$0x2], $0x3200, $0x38;
	[tilespmem:$0x1ED30] =	vst v63  }
0xf2: {  	_ =	swait.ge [sflag:s20], $0x3200  }
0xf3: {  	[sflag:s20] =	ssyncset.done $0x0  }
0xf4: {  	[sflag:s20] =	ssyncadd.s32 $0xFFFFCE00  }
.Ltmp10:
0xf5: {  	(pc) =	sbr.rel @!p2 .LBB2_17-.Ltmp10, $1  }
0xf6: {  	_ =	sdelay $0x3  }
0xf7: {  	[tilespmem:s22], [sflag:$0x2] =	stream.linear.gather [spmem:s14], $0x2300, $0x38;
	[tilespmem:$0x1ED30] =	vst v63  }
0xf8: {  	_ =	swait.ge [sflag:s20], $0x2300  }
0xf9: {  	[sflag:s20] =	ssyncset.done $0x0  }
0xfa: {  	[sflag:s20] =	ssyncadd.s32 $0xFFFFDD00  }
0xfb: {  	[tilespmem:s25], [sflag:$0x2] =	stream.linear.gather [spmem:s15], $0x230, $0x38;
	[tilespmem:$0x1ED30] =	vst v63  }
0xfc: {  	_ =	swait.ge [sflag:s20], $0x230  }
0xfd: {  	[sflag:s20] =	ssyncset.done $0x0  }
0xfe: {  	s0 =	simm.s32 $0x0;
	[sflag:s20] =	ssyncadd.s32 $0xFFFFFDD0  }
0xff: {  	v1 =	vld [tilespmem:s0+$0x4A38];
	_ =	sdelay $0x4  }
0x100: {  	s28 =	simm.s32 $0x10;
	v2 =	vmax.f32 v1, $1.000000000e+00  }
0x101: {  	v1 =	vld [tilespmem:s28+$0x4A38];
	(erf) = vrcp.f32 v2;
	_ =	sdelay $0x3  }
0x102: {  	s30 =	simm.s32 $0x40;
	s31 =	simm.s32 $0x80;
	s29 =	simm.s32 $0x0  }
.LBB2_23:
0x103: {  	s11 =	sshra.s32 s31, $0x2;
	p3 =	sne.s32 s31, $0x880;
	s31 =	sadd.s32 $0x40, s31;
	v2 =	vmax.f32 v1, $1.000000000e+00  }
.Ltmp11:
0x104: {  	v1 =	vld [tilespmem:s11+$0x4A38];
	(erf) = vrcp.f32 v2;
	(pc) =	sbr.rel @p3 .LBB2_23-.Ltmp11, $3  }
0x105: {  	_ =	sdelay $0x1  }
0x106: {  	v2 =	vpop (erf)  }
0x107: {  	[tilespmem:s29+$0x4650] =	vst v2;
	s29 =	smov.u32 s28;
	s28 =	smov.u32 s11  }
0x108: {  	v1 =	vmax.f32 v1, $1.000000000e+00  }
0x109: {  	(erf) = vrcp.f32 v1;
	_ =	sdelay $0x7  }
0x10a: {  	v1 =	vpop (erf)  }
0x10b: {  	[tilespmem:s29+$0x4650] =	vst v1;
	v1 =	vpop (erf)  }
0x10c: {  	[tilespmem:s28+$0x4650] =	vst v1;
	s28 =	simm.s32 $0x850  }
0x10d: {  	s29 =	simm.s32 $0x850;
	v1 =	vld [tilespmem:s28+$0xFFFFFFB0]  }
.LBB2_25:
0x10e: {  	p3 =	sne.s32 s30, $0x880;
	v2 =	vld [tilespmem:s0+$0x4650]  }
0x10f: {  	v3 =	vld [tilespmem:s28+$0xFFFFFF90]  }
0x110: {  	v4 =	vld [tilespmem:s28+$0xFFFFFF80]  }
0x111: {  	v5 =	vld [tilespmem:s28+$0xFFFFFFA0]  }
0x112: {  	v6 =	vld [tilespmem:s28+$0xFFFFFFF0]  }
0x113: {  	v7 =	vbroadcast v2, $0x0;
	v8 =	vbroadcast v2, $0x1;
	v9 =	vld [tilespmem:s28+$0xFFFFFFD0]  }
0x114: {  	v10 =	vbroadcast v2, $0x2;
	v11 =	vbroadcast v2, $0x3;
	v12 =	vld [tilespmem:s28+$0xFFFFFFC0]  }
0x115: {  	v4 =	vmul.f32 v7, v4;
	v3 =	vmul.f32 v3, v8;
	v7 =	vld [tilespmem:s28+$0xFFFFFFE0]  }
0x116: {  	v1 =	vmul.f32 v1, v11;
	v5 =	vmul.f32 v5, v10;
	v8 =	vld [tilespmem:s28+$0x30]  }
0x117: {  	v10 =	vbroadcast v2, $0x5;
	[tilespmem:s28+$0xFFFFFF80] =	vst v4;
	v4 =	vbroadcast v2, $0x4;
	v11 =	vld [tilespmem:s28+$0x10]  }
0x118: {  	v13 =	vbroadcast v2, $0x7;
	[tilespmem:s28+$0xFFFFFF90] =	vst v3;
	v3 =	vbroadcast v2, $0x6;
	v14 =	vld [tilespmem:s28+$0x0]  }
0x119: {  	[tilespmem:s28+$0xFFFFFFA0] =	vst v5;
	v4 =	vmul.f32 v12, v4;
	v5 =	vmul.f32 v9, v10;
	v9 =	vld [tilespmem:s28+$0x20]  }
0x11a: {  	[tilespmem:s28+$0xFFFFFFB0] =	vst v1;
	v1 =	vmul.f32 v7, v3;
	v3 =	vmul.f32 v6, v13;
	v6 =	vld [tilespmem:s28+$0x70]  }
0x11b: {  	v7 =	vbroadcast v2, $0x9;
	[tilespmem:s28+$0xFFFFFFC0] =	vst v4;
	v4 =	vbroadcast v2, $0x8;
	v10 =	vld [tilespmem:s28+$0x50]  }
0x11c: {  	v12 =	vbroadcast v2, $0xB;
	[tilespmem:s28+$0xFFFFFFD0] =	vst v5;
	v5 =	vbroadcast v2, $0xA;
	v13 =	vld [tilespmem:s28+$0x40]  }
0x11d: {  	[tilespmem:s28+$0xFFFFFFE0] =	vst v1;
	v1 =	vmul.f32 v14, v4;
	v4 =	vmul.f32 v11, v7;
	v7 =	vld [tilespmem:s28+$0x60]  }
0x11e: {  	[tilespmem:s28+$0xFFFFFFF0] =	vst v3;
	v3 =	vmul.f32 v9, v5;
	v5 =	vmul.f32 v8, v12  }
0x11f: {  	v8 =	vbroadcast v2, $0xD;
	[tilespmem:s28+$0x0] =	vst v1;
	v1 =	vbroadcast v2, $0xC  }
0x120: {  	[tilespmem:s28+$0x10] =	vst v4;
	v4 =	vbroadcast v2, $0xE;
	v2 =	vbroadcast v2, $0xF  }
0x121: {  	[tilespmem:s28+$0x20] =	vst v3;
	v1 =	vmul.f32 v13, v1;
	v3 =	vmul.f32 v10, v8  }
.Ltmp12:
0x122: {  	[tilespmem:s28+$0x30] =	vst v5;
	v4 =	vmul.f32 v7, v4;
	v2 =	vmul.f32 v6, v2;
	(pc) =	sbr.rel @p3 .LBB2_25-.Ltmp12, $4  }
0x123: {  	[tilespmem:s28+$0x40] =	vst v1  }
0x124: {  	[tilespmem:s28+$0x50] =	vst v3  }
0x125: {  	s28 =	sadd.s32 $0x100, s28;
	[tilespmem:s29+$0x60] =	vst v4  }
0x126: {  	s0 =	sshra.s32 s30, $0x2;
	s30 =	sadd.s32 $0x40, s30;
	v1 =	vld [tilespmem:s28+$0xFFFFFFB0];
	[tilespmem:s29+$0x70] =	vst v2;
	s29 =	smov.u32 s28  }
0x127: {  	v2 =	vld [tilespmem:s0+$0x4650];
	_ =	sdelay $0x1  }
0x128: {  	v3 =	vld [tilespmem:s28+$0xFFFFFF80]  }
0x129: {  	v4 =	vld [tilespmem:s28+$0xFFFFFF90]  }
0x12a: {  	v5 =	vld [tilespmem:s28+$0xFFFFFFA0]  }
0x12b: {  	v6 =	vbroadcast v2, $0x0  }
0x12c: {  	v9 =	vld [tilespmem:s28+$0xFFFFFFD0];
	v7 =	vbroadcast v2, $0x1  }
0x12d: {  	v8 =	vld [tilespmem:s28+$0xFFFFFFC0];
	v10 =	vbroadcast v2, $0x2;
	v3 =	vmul.f32 v6, v3  }
0x12e: {  	v48 =	vld [tilespmem:s28+$0xFFFFFFE0];
	v47 =	vbroadcast v2, $0x3;
	v4 =	vmul.f32 v4, v7  }
0x12f: {  	v51 =	vld [tilespmem:s28+$0x10];
	v49 =	vbroadcast v2, $0x5;
	v5 =	vmul.f32 v5, v10;
	[tilespmem:s28+$0xFFFFFF80] =	vst v3  }
0x130: {  	v11 =	vld [tilespmem:s28+$0xFFFFFFF0];
	v1 =	vmul.f32 v1, v47;
	v3 =	vbroadcast v2, $0x4;
	[tilespmem:s28+$0xFFFFFF90] =	vst v4  }
0x131: {  	v50 =	vld [tilespmem:s28+$0x0];
	v12 =	vbroadcast v2, $0x6;
	v6 =	vmul.f32 v9, v49;
	[tilespmem:s28+$0xFFFFFFA0] =	vst v5  }
0x132: {  	v56 =	vld [tilespmem:s28+$0x50];
	v54 =	vbroadcast v2, $0x9;
	[tilespmem:s28+$0xFFFFFFB0] =	vst v1;
	v3 =	vmul.f32 v8, v3  }
0x133: {  	v53 =	vld [tilespmem:s28+$0x20];
	v52 =	vbroadcast v2, $0x7;
	v7 =	vmul.f32 v48, v12;
	[tilespmem:s28+$0xFFFFFFD0] =	vst v6  }
0x134: {  	v59 =	vmul.f32 v51, v54;
	v1 =	vld [tilespmem:s28+$0x30];
	[tilespmem:s28+$0xFFFFFFC0] =	vst v3;
	v3 =	vbroadcast v2, $0x8  }
0x135: {  	v55 =	vld [tilespmem:s28+$0x40];
	v62 =	vbroadcast v2, $0xD;
	v5 =	vmul.f32 v11, v52;
	[tilespmem:s28+$0xFFFFFFE0] =	vst v7  }
0x136: {  	v60 =	vld [tilespmem:s28+$0x60];
	v57 =	vbroadcast v2, $0xA;
	[tilespmem:s28+$0x10] =	vst v59;
	v3 =	vmul.f32 v50, v3  }
0x137: {  	v61 =	vld [tilespmem:s28+$0x70];
	v58 =	vbroadcast v2, $0xB;
	v4 =	vmul.f32 v56, v62;
	[tilespmem:s28+$0xFFFFFFF0] =	vst v5  }
0x138: {  	v8 =	vmul.f32 v53, v57;
	[tilespmem:s28+$0x0] =	vst v3;
	v3 =	vbroadcast v2, $0xC  }
0x139: {  	v63 =	vbroadcast v2, $0xE;
	[tilespmem:s28+$0x50] =	vst v4;
	v1 =	vmul.f32 v1, v58  }
0x13a: {  	[tilespmem:s28+$0x20] =	vst v8;
	v2 =	vbroadcast v2, $0xF;
	v3 =	vmul.f32 v55, v3  }
0x13b: {  	[tilespmem:s28+$0x30] =	vst v1;
	v1 =	vmul.f32 v60, v63  }
0x13c: {  	v2 =	vmul.f32 v61, v2;
	[tilespmem:s28+$0x40] =	vst v3  }
0x13d: {  	[tilespmem:s29+$0x60] =	vst v1  }
.Ltmp13:
0x13e: {  	[tilespmem:s29+$0x70] =	vst v2;
	(pc) =	sbr.rel .LBB2_27-.Ltmp13, $4  }
0x13f: {  	[hbm4b:s16+s3] =	stream.linear.scatter [tilespmem:s22], [sflag:$0x2], $0x2300, $0x38;
	[tilespmem:$0x1ED30] =	vst v63  }
0x140: {  	_ =	swait.ge [sflag:s20], $0x2300  }
0x141: {  	[sflag:s20] =	ssyncset.done $0x0  }
0x142: {  	[sflag:s20] =	ssyncadd.s32 $0xFFFFDD00  }
.LBB2_17:
0x143: {  	s0 =	rddreg [dreg:$0x6]  }
0x144: {  	[tilespmem:s22], [sflag:$0x2] =	stream.linear.gather [spmem:s0], $0x2900, $0x38;
	[tilespmem:$0x1ED30] =	vst v63  }
0x145: {  	_ =	swait.ge [sflag:s20], $0x2900  }
0x146: {  	[sflag:s20] =	ssyncset.done $0x0  }
0x147: {  	[sflag:s20] =	ssyncadd.s32 $0xFFFFD700  }
0x148: {  	[tilespmem:s25], [sflag:$0x2] =	stream.linear.gather [spmem:s12], $0x290, $0x38;
	[tilespmem:$0x1ED30] =	vst v63  }
0x149: {  	_ =	swait.ge [sflag:s20], $0x290  }
0x14a: {  	[sflag:s20] =	ssyncset.done $0x0  }
0x14b: {  	s0 =	simm.s32 $0x0;
	[sflag:s20] =	ssyncadd.s32 $0xFFFFFD70  }
0x14c: {  	v1 =	vld [tilespmem:s0+$0x4A38];
	_ =	sdelay $0x4  }
0x14d: {  	s28 =	simm.s32 $0x10;
	v2 =	vmax.f32 v1, $1.000000000e+00  }
0x14e: {  	v1 =	vld [tilespmem:s28+$0x4A38];
	(erf) = vrcp.f32 v2;
	_ =	sdelay $0x3  }
0x14f: {  	s30 =	simm.s32 $0x40;
	s31 =	simm.s32 $0x80;
	s29 =	simm.s32 $0x0  }
.LBB2_18:
0x150: {  	s11 =	sshra.s32 s31, $0x2;
	p3 =	sne.s32 s31, $0xA00;
	s31 =	sadd.s32 $0x40, s31;
	v2 =	vmax.f32 v1, $1.000000000e+00  }
.Ltmp14:
0x151: {  	v1 =	vld [tilespmem:s11+$0x4A38];
	(erf) = vrcp.f32 v2;
	(pc) =	sbr.rel @p3 .LBB2_18-.Ltmp14, $3  }
0x152: {  	_ =	sdelay $0x1  }
0x153: {  	v2 =	vpop (erf)  }
0x154: {  	[tilespmem:s29+$0x4650] =	vst v2;
	s29 =	smov.u32 s28;
	s28 =	smov.u32 s11  }
0x155: {  	v1 =	vmax.f32 v1, $1.000000000e+00  }
0x156: {  	(erf) = vrcp.f32 v1;
	_ =	sdelay $0x7  }
0x157: {  	v1 =	vpop (erf)  }
0x158: {  	[tilespmem:s29+$0x4650] =	vst v1;
	v1 =	vpop (erf)  }
0x159: {  	[tilespmem:s28+$0x4650] =	vst v1;
	s28 =	simm.s32 $0x850  }
0x15a: {  	s29 =	simm.s32 $0x850;
	v1 =	vld [tilespmem:s28+$0xFFFFFFB0]  }
.LBB2_20:
0x15b: {  	p3 =	sne.s32 s30, $0xA00;
	v2 =	vld [tilespmem:s0+$0x4650]  }
0x15c: {  	v3 =	vld [tilespmem:s28+$0xFFFFFF90]  }
0x15d: {  	v4 =	vld [tilespmem:s28+$0xFFFFFF80]  }
0x15e: {  	v5 =	vld [tilespmem:s28+$0xFFFFFFA0]  }
0x15f: {  	v6 =	vld [tilespmem:s28+$0xFFFFFFF0]  }
0x160: {  	v7 =	vbroadcast v2, $0x0;
	v8 =	vbroadcast v2, $0x1;
	v9 =	vld [tilespmem:s28+$0xFFFFFFD0]  }
0x161: {  	v10 =	vbroadcast v2, $0x2;
	v11 =	vbroadcast v2, $0x3;
	v12 =	vld [tilespmem:s28+$0xFFFFFFC0]  }
0x162: {  	v4 =	vmul.f32 v7, v4;
	v3 =	vmul.f32 v3, v8;
	v7 =	vld [tilespmem:s28+$0xFFFFFFE0]  }
0x163: {  	v1 =	vmul.f32 v1, v11;
	v5 =	vmul.f32 v5, v10;
	v8 =	vld [tilespmem:s28+$0x30]  }
0x164: {  	v10 =	vbroadcast v2, $0x5;
	[tilespmem:s28+$0xFFFFFF80] =	vst v4;
	v4 =	vbroadcast v2, $0x4;
	v11 =	vld [tilespmem:s28+$0x10]  }
0x165: {  	v13 =	vbroadcast v2, $0x7;
	[tilespmem:s28+$0xFFFFFF90] =	vst v3;
	v3 =	vbroadcast v2, $0x6;
	v14 =	vld [tilespmem:s28+$0x0]  }
0x166: {  	[tilespmem:s28+$0xFFFFFFA0] =	vst v5;
	v4 =	vmul.f32 v12, v4;
	v5 =	vmul.f32 v9, v10;
	v9 =	vld [tilespmem:s28+$0x20]  }
0x167: {  	[tilespmem:s28+$0xFFFFFFB0] =	vst v1;
	v1 =	vmul.f32 v7, v3;
	v3 =	vmul.f32 v6, v13;
	v6 =	vld [tilespmem:s28+$0x70]  }
0x168: {  	v7 =	vbroadcast v2, $0x9;
	[tilespmem:s28+$0xFFFFFFC0] =	vst v4;
	v4 =	vbroadcast v2, $0x8;
	v10 =	vld [tilespmem:s28+$0x50]  }
0x169: {  	v12 =	vbroadcast v2, $0xB;
	[tilespmem:s28+$0xFFFFFFD0] =	vst v5;
	v5 =	vbroadcast v2, $0xA;
	v13 =	vld [tilespmem:s28+$0x40]  }
0x16a: {  	[tilespmem:s28+$0xFFFFFFE0] =	vst v1;
	v1 =	vmul.f32 v14, v4;
	v4 =	vmul.f32 v11, v7;
	v7 =	vld [tilespmem:s28+$0x60]  }
0x16b: {  	[tilespmem:s28+$0xFFFFFFF0] =	vst v3;
	v3 =	vmul.f32 v9, v5;
	v5 =	vmul.f32 v8, v12  }
0x16c: {  	v8 =	vbroadcast v2, $0xD;
	[tilespmem:s28+$0x0] =	vst v1;
	v1 =	vbroadcast v2, $0xC  }
0x16d: {  	[tilespmem:s28+$0x10] =	vst v4;
	v4 =	vbroadcast v2, $0xE;
	v2 =	vbroadcast v2, $0xF  }
0x16e: {  	[tilespmem:s28+$0x20] =	vst v3;
	v1 =	vmul.f32 v13, v1;
	v3 =	vmul.f32 v10, v8  }
.Ltmp15:
0x16f: {  	[tilespmem:s28+$0x30] =	vst v5;
	v4 =	vmul.f32 v7, v4;
	v2 =	vmul.f32 v6, v2;
	(pc) =	sbr.rel @p3 .LBB2_20-.Ltmp15, $4  }
0x170: {  	[tilespmem:s28+$0x40] =	vst v1  }
0x171: {  	[tilespmem:s28+$0x50] =	vst v3  }
0x172: {  	s28 =	sadd.s32 $0x100, s28;
	[tilespmem:s29+$0x60] =	vst v4  }
0x173: {  	s0 =	sshra.s32 s30, $0x2;
	s30 =	sadd.s32 $0x40, s30;
	v1 =	vld [tilespmem:s28+$0xFFFFFFB0];
	[tilespmem:s29+$0x70] =	vst v2;
	s29 =	smov.u32 s28  }
0x174: {  	v2 =	vld [tilespmem:s0+$0x4650];
	_ =	sdelay $0x1  }
0x175: {  	v3 =	vld [tilespmem:s28+$0xFFFFFF80]  }
0x176: {  	v4 =	vld [tilespmem:s28+$0xFFFFFF90]  }
0x177: {  	v5 =	vld [tilespmem:s28+$0xFFFFFFA0]  }
0x178: {  	v6 =	vbroadcast v2, $0x0  }
0x179: {  	v9 =	vld [tilespmem:s28+$0xFFFFFFD0];
	v7 =	vbroadcast v2, $0x1  }
0x17a: {  	v8 =	vld [tilespmem:s28+$0xFFFFFFC0];
	v10 =	vbroadcast v2, $0x2;
	v3 =	vmul.f32 v6, v3  }
0x17b: {  	v48 =	vld [tilespmem:s28+$0xFFFFFFE0];
	v47 =	vbroadcast v2, $0x3;
	v4 =	vmul.f32 v4, v7  }
0x17c: {  	v51 =	vld [tilespmem:s28+$0x10];
	v49 =	vbroadcast v2, $0x5;
	v5 =	vmul.f32 v5, v10;
	[tilespmem:s28+$0xFFFFFF80] =	vst v3  }
0x17d: {  	v11 =	vld [tilespmem:s28+$0xFFFFFFF0];
	v1 =	vmul.f32 v1, v47;
	v3 =	vbroadcast v2, $0x4;
	[tilespmem:s28+$0xFFFFFF90] =	vst v4  }
0x17e: {  	v50 =	vld [tilespmem:s28+$0x0];
	v12 =	vbroadcast v2, $0x6;
	v6 =	vmul.f32 v9, v49;
	[tilespmem:s28+$0xFFFFFFA0] =	vst v5  }
0x17f: {  	v56 =	vld [tilespmem:s28+$0x50];
	v54 =	vbroadcast v2, $0x9;
	[tilespmem:s28+$0xFFFFFFB0] =	vst v1;
	v3 =	vmul.f32 v8, v3  }
0x180: {  	v53 =	vld [tilespmem:s28+$0x20];
	v52 =	vbroadcast v2, $0x7;
	v7 =	vmul.f32 v48, v12;
	[tilespmem:s28+$0xFFFFFFD0] =	vst v6  }
0x181: {  	v59 =	vmul.f32 v51, v54;
	v1 =	vld [tilespmem:s28+$0x30];
	[tilespmem:s28+$0xFFFFFFC0] =	vst v3;
	v3 =	vbroadcast v2, $0x8  }
0x182: {  	v55 =	vld [tilespmem:s28+$0x40];
	v62 =	vbroadcast v2, $0xD;
	v5 =	vmul.f32 v11, v52;
	[tilespmem:s28+$0xFFFFFFE0] =	vst v7  }
0x183: {  	v60 =	vld [tilespmem:s28+$0x60];
	v57 =	vbroadcast v2, $0xA;
	[tilespmem:s28+$0x10] =	vst v59;
	v3 =	vmul.f32 v50, v3  }
0x184: {  	v61 =	vld [tilespmem:s28+$0x70];
	v58 =	vbroadcast v2, $0xB;
	v4 =	vmul.f32 v56, v62;
	[tilespmem:s28+$0xFFFFFFF0] =	vst v5  }
0x185: {  	v8 =	vmul.f32 v53, v57;
	[tilespmem:s28+$0x0] =	vst v3;
	v3 =	vbroadcast v2, $0xC  }
0x186: {  	v63 =	vbroadcast v2, $0xE;
	[tilespmem:s28+$0x50] =	vst v4;
	v1 =	vmul.f32 v1, v58  }
0x187: {  	[tilespmem:s28+$0x20] =	vst v8;
	v2 =	vbroadcast v2, $0xF;
	v3 =	vmul.f32 v55, v3  }
0x188: {  	[tilespmem:s28+$0x30] =	vst v1;
	v1 =	vmul.f32 v60, v63  }
0x189: {  	v2 =	vmul.f32 v61, v2;
	[tilespmem:s28+$0x40] =	vst v3  }
0x18a: {  	[tilespmem:s29+$0x60] =	vst v1  }
.Ltmp16:
0x18b: {  	[tilespmem:s29+$0x70] =	vst v2;
	(pc) =	sbr.rel .LBB2_27-.Ltmp16, $4  }
0x18c: {  	[hbm4b:s13+s3] =	stream.linear.scatter [tilespmem:s22], [sflag:$0x2], $0x2900, $0x38;
	[tilespmem:$0x1ED30] =	vst v63  }
0x18d: {  	_ =	swait.ge [sflag:s20], $0x2900  }
0x18e: {  	[sflag:s20] =	ssyncset.done $0x0  }
0x18f: {  	[sflag:s20] =	ssyncadd.s32 $0xFFFFD700  }
.LBB2_28:
0x190: {  	_ =	sfence.sel $0x180000  }
0x191: {  	[bflag:$0x0] =	sbarrier.arrive $0xFFFF  }
0x192: {  	_ =	strace $0x9000004A  }
0x193: {  	[bflag:$0x2] =	sbarrier.arrive $0xFFFF  }
0x194: {  	s0 =	rddreg [dreg:$0x5]  }
0x195: {  	s0 =	sadd.s32 @!p1 $0x100000, s0  }
0x196: {  	[sflag:s0] =	ssyncadd.tile.s32 @!p1 $0x1;
	_ =	shalt  }
.Lfunc_end2:
_tile_overlayer_lowered:
.L_overlay_start_2:
0x197: {  	(tag) =	ssettag $0x2  }
0x198: {  	s0 =	rddreg [dreg:$0x0];
	s2 =	stileid.u32  }
0x199: {  	s1 =	rddreg [dreg:$0x1];
	p0 =	sne.s32 s2, $0x0  }
0x19a: {  	s3 =	rddreg [dreg:$0x2];
	[bflag:$0x3] =	sbarrier.arrive $0xFFFF;
	s2 =	simm.s32 @!p0 $0x1C02  }
0x19b: {  	[timem:s3], [sflag:s2] =	dma.local @!p0 [hbm:s0], s1  }
0x19c: {  	s0 =	simm.s32 @!p0 $0x2  }
0x19d: {  	_ =	swait.ge @!p0 [sflag:s0], s1  }
0x19e: {  	s1 =	ssub.s32 @!p0 $0x0, s1;
	[sflag:s0] =	ssyncset.done @!p0 $0x0  }
0x19f: {  	[sflag:s0] =	ssyncadd.s32 @!p0 s1  }
0x1a0: {  	[bflag:$0x3] =	sbarrier.arrive $0xFFFF  }
0x1a1: {  	_ =	shalt  }

// kernel: kernel.7.cloned.1.call-start
scs
__scs_entry_jumppad:
0x0: {  	(pc) =	sbr.rel $0x88, $3  }
0x1: {  	(tag) =	ssettag $0x0;
	lr =	simm.s32 $0x1  }
0x2: {  	[smem:$0x3F8E] =	sst lr;
	_ =	strace $0xD0000000  }
0x3: {  	_ = 	snop  }
0x4: {  	_ = 	snop  }
0x5: {  	_ = 	snop  }
0x6: {  	_ = 	snop  }
0x7: {  	_ = 	snop  }
__scs_overlays_trampoline_lowered:
0x8: {  	[smem:$0x3F9D] =	sst s0  }
0x9: {  	[smem:$0x3F9E] =	sst s1  }
0xa: {  	[smem:$0x3F9F] =	sst s2  }
0xb: {  	[smem:$0x3FA0] =	sst s3  }
0xc: {  	[smem:$0x3FA1] =	sst s4  }
0xd: {  	[smem:$0x3FA2] =	sst s5  }
0xe: {  	[smem:$0x3FA3] =	sst s6  }
0xf: {  	[smem:$0x3FA4] =	sst s7  }
0x10: {  	[smem:$0x3FA5] =	sst s8  }
0x11: {  	[smem:$0x3FA6] =	sst s9;
	s0 =	simm.s32 @!p0 $0x0  }
0x12: {  	s1 =	sld [smem:$0x3F8C];
	s0 =	simm.s32 @p0 $0x1  }
0x13: {  	[smem:$0x3FA7] =	sst s0;
	s0 =	simm.s32 @!p1 $0x0  }
0x14: {  	s2 =	sld [smem:$0x3F8B];
	s0 =	simm.s32 @p1 $0x1  }
0x15: {  	[smem:$0x3FA8] =	sst s0;
	s0 =	simm.s32 @!p2 $0x0  }
0x16: {  	s3 =	sld [smem:$0x3FDB];
	s0 =	simm.s32 @p2 $0x1  }
0x17: {  	s4 =	simm.s32 $0x1BF5;
	[smem:$0x3FAA] =	sst s0  }
0x18: {  	s0 =	sld [smem:$0x3F8D];
	_ =	swait.ge [sflag:s4], $0x0  }
0x19: {  	s7 =	sld [smem:$0x3F8E]  }
0x1a: {  	s8 =	sadd.s32 $0xFFFFE003, lr  }
0x1b: {  	s9 =	sadd.s32 $0xFFFFFEF7, lr;
	s5 =	simm.s32 $0xFFFFFFFF;
	p2 =	slt.u32 s8, $0xFFFFF086  }
0x1c: {  	p1 =	slt.u32 s9, $0xF7A;
	s5 =	simm.s32 @!p2 $0x0  }
0x1d: {  	s5 =	simm.s32 @p1 $0x1;
	p0 =	seq.s32 s7, s2  }
0x1e: {  	s7 =	smul.u32 @!p0 $0xF7A, s2;
	p2 =	seq.s32 @!p0 s5, $0x0  }
0x1f: {  	s9 =	smul.u32 $0xF7A, s1;
	s8 =	simm.s32 @!p0 $0x1BF5;
	p2 =	por !p2, p0  }
0x20: {  	[sflag:s8] =	ssyncset.s32 @!p0 $0xFFFFF086;
	s6 =	sadd.s32 @!p0 s3, s7;
	s7 =	simm.s32 @!p0 $0x108  }
0x21: {  	s3 =	sadd.s32 s3, s9;
	s6 =	sadd.s32 @!p0 $0x88, s6;
	s7 =	simm.s32 @p2 $0x1082  }
0x22: {  	[simem:s7], [sflag:s8] =	dma.local @!p0 [hbm:s6], $0xF7A  }
0x23: {  	s9 =	sor.u32 $0xD0000000, s2;
	s6 =	simm.s32 $0x108;
	_ =	swait.ge @!p0 [sflag:s8], $0x0  }
0x24: {  	s3 =	sadd.s32 $0x88, s3;
	s6 =	simm.s32 @!p1 $0x1082;
	[sflag:s4] =	ssyncset.s32 $0xFFFFF086  }
0x25: {  	[simem:s6], [sflag:s4] =	dma.local [hbm:s3], $0xF7A  }
0x26: {  	[smem:$0x3F8E] =	sst s1;
	(tag) =	ssettag s2;
	_ =	strace s9  }
0x27: {  	s1 =	sld [smem:$0x3F9E]  }
0x28: {  	s2 =	sld [smem:$0x3F9F]  }
0x29: {  	s4 =	sld [smem:$0x3FA1]  }
0x2a: {  	p0 =	seq.s32 s5, $0x0;
	s5 =	sld [smem:$0x3FA2]  }
0x2b: {  	s6 =	sld [smem:$0x3FA3]  }
0x2c: {  	s7 =	sld [smem:$0x3FA4]  }
0x2d: {  	s3 =	simm.s32 $0x108;
	s8 =	sld [smem:$0x3FA5]  }
0x2e: {  	s3 =	simm.s32 @!p0 $0x1082;
	s9 =	sld [smem:$0x3FA6]  }
0x2f: {  	lr =	sadd.s32 s0, s3;
	s0 =	sld [smem:$0x3F9D]  }
0x30: {  	s3 =	sld [smem:$0x3FA0]  }
0x31: {  	[smem:$0x3FA9] =	sst s10  }
0x32: {  	s10 =	sld [smem:$0x3FA7];
	_ =	sdelay $0x3  }
0x33: {  	p0 =	seq.s32 s10, $0x1;
	s10 =	sld [smem:$0x3FA9];
	_ =	sdelay $0x3  }
0x34: {  	[smem:$0x3FA9] =	sst s10  }
0x35: {  	s10 =	sld [smem:$0x3FA8];
	_ =	sdelay $0x3  }
0x36: {  	p1 =	seq.s32 s10, $0x1;
	s10 =	sld [smem:$0x3FA9];
	_ =	sdelay $0x3  }
0x37: {  	[smem:$0x3FA9] =	sst s10  }
0x38: {  	s10 =	sld [smem:$0x3FAA]  }
0x39: {  	_ = 	snop;
	(pc) =	sbr.ind lr, $3  }
0x3a: {  	_ = 	snop  }
0x3b: {  	_ = 	snop  }
0x3c: {  	p2 =	seq.s32 s10, $0x1;
	s10 =	sld [smem:$0x3FA9]  }
0x3d: {  	_ =	shalt  }
0x3e: {  	_ =	shalt  }
0x3f: {  	_ =	shalt  }
0x40: {  	_ =	shalt  }
0x41: {  	_ =	shalt  }
0x42: {  	_ =	shalt  }
0x43: {  	_ =	shalt  }
0x44: {  	_ =	shalt  }
0x45: {  	_ =	shalt  }
0x46: {  	_ =	shalt  }
0x47: {  	_ =	shalt  }
0x48: {  	_ =	shalt  }
0x49: {  	_ =	shalt  }
0x4a: {  	_ =	shalt  }
0x4b: {  	_ =	shalt  }
0x4c: {  	_ =	shalt  }
0x4d: {  	_ =	shalt  }
0x4e: {  	_ =	shalt  }
0x4f: {  	_ =	shalt  }
0x50: {  	_ =	shalt  }
0x51: {  	_ =	shalt  }
0x52: {  	_ =	shalt  }
0x53: {  	_ =	shalt  }
0x54: {  	_ =	shalt  }
0x55: {  	_ =	shalt  }
0x56: {  	_ =	shalt  }
0x57: {  	_ =	shalt  }
0x58: {  	_ =	shalt  }
0x59: {  	_ =	shalt  }
0x5a: {  	_ =	shalt  }
0x5b: {  	_ =	shalt  }
0x5c: {  	_ =	shalt  }
0x5d: {  	_ =	shalt  }
0x5e: {  	_ =	shalt  }
0x5f: {  	_ =	shalt  }
0x60: {  	_ =	shalt  }
0x61: {  	_ =	shalt  }
0x62: {  	_ =	shalt  }
0x63: {  	_ =	shalt  }
0x64: {  	_ =	shalt  }
0x65: {  	_ =	shalt  }
0x66: {  	_ =	shalt  }
0x67: {  	_ =	shalt  }
0x68: {  	_ =	shalt  }
0x69: {  	_ =	shalt  }
0x6a: {  	_ =	shalt  }
0x6b: {  	_ =	shalt  }
0x6c: {  	_ =	shalt  }
0x6d: {  	_ =	shalt  }
0x6e: {  	_ =	shalt  }
0x6f: {  	_ =	shalt  }
0x70: {  	_ =	shalt  }
0x71: {  	_ =	shalt  }
0x72: {  	_ =	shalt  }
0x73: {  	_ =	shalt  }
0x74: {  	_ =	shalt  }
0x75: {  	_ =	shalt  }
0x76: {  	_ =	shalt  }
0x77: {  	_ =	shalt  }
0x78: {  	_ =	shalt  }
0x79: {  	_ =	shalt  }
0x7a: {  	_ =	shalt  }
0x7b: {  	_ =	shalt  }
0x7c: {  	_ =	shalt  }
0x7d: {  	_ =	shalt  }
0x7e: {  	_ =	shalt  }
0x7f: {  	_ =	shalt  }
0x80: {  	_ =	shalt  }
0x81: {  	_ =	shalt  }
0x82: {  	_ =	shalt  }
0x83: {  	_ =	shalt  }
0x84: {  	_ =	shalt  }
0x85: {  	_ =	shalt  }
0x86: {  	_ =	shalt  }
0x87: {  	_ =	shalt  }
.Lfunc_end0:
.L_simem_size_0:
called_computation_lowered:
.L_overlay_start_0:
0x88: {  	s2 =	sld [smem:$0x3FD9]  }
0x89: {  	s3 =	sld [smem:$0x3FFE];
	_ =	sdelay $0x1  }
0x8a: {  	s1 =	srdreg.scid  }
0x8b: {  	s0 =	sand.u32 $0x1, s1  }
0x8c: {  	s17 =	sshll.u32 s0, $0xA;
	s2 =	sadd.s32 s3, s2  }
0x8d: {  	s2 =	sadd.s32 s2, s17  }
0x8e: {  	[smem:$0x3FB5] =	sst s2  }
0x8f: {  	_ = 	snop  }
0x90: {  	s2 =	sld [smem:$0x3FC6]  }
0x91: {  	s18 =	sld [smem:$0x3FC5];
	(tm) =	ssettm $0x1  }
0x92: {  	s4 =	sld [smem:$0x3FFB];
	_ =	sdelay $0x3  }
0x93: {  	_ =	strace s4  }
0x94: {  	s4 =	sld [smem:$0x3FFC];
	_ =	sdelay $0x3  }
0x95: {  	_ =	strace s4  }
0x96: {  	s4 =	sld [smem:$0x3FFD];
	_ =	sdelay $0x3  }
0x97: {  	_ =	strace s4  }
0x98: {  	_ =	strace $0x8FFFFFFF  }
0x99: {  	s19 =	sld [smem:$0x3FDB];
	_ =	sdelay $0x1  }
0x9a: {  	s5 =	simm.s32 $_scs_section_size  }
0x9b: {  	s6 =	simm.s32 $_size__tile_overlayer_lowered;
	s7 =	simm.s32 $_tile_overlayer_lowered  }
0x9c: {  	s22 =	simm.s32 $0x1BFF;
	s21 =	sshll.u32 s7, $0x1;
	s4 =	sadd.s32 s5, s19  }
0x9d: {  	s8 =	simm.s32 $0x0;
	s20 =	sshll.u32 s6, $0x1;
	s6 =	sadd.s32 s21, s4  }
0x9e: {  	[timem:s8], [sflag:s22] =	dma.local [hbm:s6], s20  }
0x9f: {  	_ =	swait.ge [sflag:s22], s20  }
0xa0: {  	s5 =	ssub.s32 $0x0, s20;
	[sflag:s22] =	ssyncset.done $0x0  }
0xa1: {  	[sflag:s22] =	ssyncadd.s32 s5;
	_ =	sdelay $0x1  }
0xa2: {  	s23 =	simm.s32 $0x1B8B  }
0xa3: {  	_ =	swait.ge [sflag:s23], $0x1  }
0xa4: {  	[sflag:s23] =	ssyncset.done $0x0  }
0xa5: {  	s25 =	simm.s32 $0x1B8E;
	s24 =	sld [smem:$0x3FFE];
	[sflag:s23] =	ssyncadd.s32 $0xFFFFFFFF  }
0xa6: {  	s26 =	simm.s32 $execute0_lowered;
	[smem:$0x3FD2] =	sst s25  }
0xa7: {  	s6 =	sshll.u32 s26, $0x1;
	_ =	strace $0x80000046;
	[dreg:$0x1] =	wrdreg $0xFFFFFFFF  }
0xa8: {  	s28 =	simm.s32 $_size_execute0_lowered;
	s4 =	sadd.s32 s4, s6;
	[dreg:$0x0] =	wrdreg $0x0  }
0xa9: {  	s6 =	sshll.u32 s28, $0x1;
	[dreg:$0x2] =	wrdreg s4  }
0xaa: {  	[dreg:$0x3] =	wrdreg s6  }
0xab: {  	[dreg:$0x4] =	wrdreg $0xC0  }
0xac: {  	_ =	task [dreg:s8], $0x5FFFF  }
0xad: {  	[dreg:$0x1] =	wrdreg $0xFFFFFFFF  }
0xae: {  	[dreg:$0x0] =	wrdreg $0x60  }
0xaf: {  	[dreg:$0x2] =	wrdreg s24  }
0xb0: {  	[dreg:$0x3] =	wrdreg s2  }
0xb1: {  	[dreg:$0x4] =	wrdreg s18  }
0xb2: {  	[dreg:$0x5] =	wrdreg $0x4E200  }
0xb3: {  	[dreg:$0x6] =	wrdreg $0x1D4C00  }
0xb4: {  	[dreg:$0x7] =	wrdreg $0x9  }
0xb5: {  	_ =	task.clear_ibuf [dreg:s8], $0x8FFFF;
	_ =	strace $0x90000046  }
0xb6: {  	s29 =	simm.s32 $0x9;
	_ =	strace $0x80000048  }
0xb7: {  	_ =	swait.ge [sflag:s29], $0x1  }
0xb8: {  	[sflag:s29] =	ssyncadd.s32 $0xFFFFFFFF  }
0xb9: {  	_ =	strace $0x90000048  }
0xba: {  	_ =	sfence  }
0xbb: {  	s30 =	sld [smem:$0x0];
	_ =	sdelay $0x2  }
0xbc: {  	s31 =	sshll.u32 s1, $0xD;
	s1 =	sshrl.u32 s1, $0x2  }
0xbd: {  	s3 =	sand.u32 $0x4000, s31;
	s1 =	sadd.s32 s1, s30  }
0xbe: {  	s0 =	sor.u32 s3, s0;
	s1 =	sshll.u32 s1, $0x11  }
0xbf: {  	s0 =	sor.u32 s1, s0  }
0xc0: {  	s0 =	sadd.s32 $0x8F2B, s0  }
0xc1: {  	[sflag:s0] =	ssyncadd.remote.s32 $0x1  }
0xc2: {  	_ =	sfence.sel $0xFFFF  }
0xc3: {  	[dreg:$0x0] =	wrdreg $0xFFFFFFFF;
	(pc) =	sbr.abs _section_cstart, $3  }
0xc4: {  	[dreg:$0x1] =	wrdreg $0xFFFFFFFF  }
0xc5: {  	_ =	task.clear_ibuf [dreg:s8], $0x2FFFF;
	_ =	strace $0x9FFFFFFF  }
0xc6: {  	(tm) =	ssettm $0x7FFFFFFF  }
0xc7: {  	_ =	shalt  }
tec
execute0_lowered:
.L_overlay_start_1:
0x0: {  	(tag) =	ssettag $0x1  }
0x1: {  	s0 =	rddreg [dreg:$0x0]  }
0x2: {  	s10 =	rddreg [dreg:$0x1]  }
0x3: {  	s19 =	rddreg [dreg:$0x2]  }
0x4: {  	s1 =	rddreg [dreg:$0x3]  }
0x5: {  	s2 =	rddreg [dreg:$0x4]  }
0x6: {  	s3 =	simm.s32 $0x0;
	s6 =	srdreg.scid;
	s25 =	stileid.u32  }
0x7: {  	s21 =	simm.s32 $0x3E8;
	s22 =	simm.s32 $0x7D0;
	s23 =	simm.s32 $0x1  }
0x8: {  	[smem:$0x7FF] =	sst s3;
	s4 =	sadd.s32 $0x2C00, s0;
	s5 =	sadd.s32 $0x33A00, s0  }
0x9: {  	s11 =	sand.u32 $0x1, s6;
	s6 =	smul.u32 $0x1870, s25;
	s7 =	sadd.s32 $0x64800, s0  }
0xa: {  	s8 =	sadd.s32 $0x67A00, s0;
	s16 =	smul.u32 $0x186A0, s25;
	p0 =	sne.s32 s25, $0x0  }
0xb: {  	p1 =	seq.s32 s25, $0xF;
	s25 =	simm.s32 $0x4A38;
	s9 =	smul.u32 $0x186A00, s11  }
0xc: {  	_ =	strace $0x80000047;
	s24 =	ssub.s32 $0x2, s11;
	s17 =	smul.u32 $0xC350, s11  }
0xd: {  	s11 =	sxor.u32 $0x1, s11;
	s12 =	sshrl.u32 s24, $0x1;
	s13 =	sadd.s32 $0x15E0, s6  }
0xe: {  	s18 =	smul.u32 $0xC350, s11;
	s0 =	ssub.s32 s24, s12;
	s26 =	sshll.u32 s13, $0x4  }
0xf: {  	s30 =	sadd.s32 s13, s2;
	s15 =	sshrl.u32 s9, $0x3;
	s13 =	sadd.s32 $0x184700, s1  }
0x10: {  	s17 =	sadd.s32 s17, s16;
	s24 =	simm.s32 $0x4650;
	s14 =	sadd.s32 s9, s26  }
0x11: {  	s28 =	sadd.s32 s26, s1;
	[dreg:$0x7] =	wrdreg s30;
	s15 =	sadd.s32 s8, s15  }
.Ltmp0:
0x12: {  	s18 =	sadd.s32 s18, s16;
	s16 =	smax.u32 s0, $0x1;
	(pc) =	sbr.rel .LBB2_1-.Ltmp0, $4  }
0x13: {  	s31 =	sshrl.u32 s17, $0x3;
	s26 =	simm.s32 $0x0;
	[dreg:$0x6] =	wrdreg s28  }
0x14: {  	s29 =	sshrl.u32 s14, $0x3;
	s14 =	sadd.s32 $0x18470, s2;
	s15 =	sadd.s32 $0x308E0, s15  }
0x15: {  	s20 =	sshrl.u32 s18, $0x3;
	s17 =	sadd.s32 s31, s19;
	s18 =	sadd.s32 s31, s10  }
0x16: {  	v0 =	vimm.f32 $1.000000000e+00;
	s12 =	sadd.s32 s8, s29;
	s19 =	sadd.s32 s20, s19;
	s20 =	simm.s32 $0x2  }
.LBB2_24:
0x17: {  	s26 =	sadd.s32 $0x1, s26  }
0x18: {  	p2 =	sne.s32 s26, s16  }
.Ltmp1:
0x19: {  	_ = 	snop;
	(pc) =	sbr.rel @!p2 .LBB2_25-.Ltmp1, $1  }
0x1a: {  	_ =	sdelay $0x3  }
.LBB2_1:
0x1b: {  	s0 =	simm.s32 $0x40;
	s10 =	simm.s32 $0x0  }
.LBB2_2:
0x1c: {  	p2 =	sne.s32 s0, $0xF40;
	[tilespmem:s10+$0x4650] =	vst v0;
	s10 =	smov.u32 s0;
	s0 =	sadd.s32 $0x40, s0  }
.Ltmp2:
0x1d: {  	(pc) =	sbr.rel @p2 .LBB2_2-.Ltmp2, $2  }
0x1e: {  	_ =	sdelay $0x2  }
0x1f: {  	s10 =	sshra.s32 s10, $0x2  }
0x20: {  	[tilespmem:s10+$0x4650] =	vst v0  }
0x21: {  	s0 =	sshrl.u32 @!p0 s1, $0x3;
	s10 =	simm.s32 @!p0 $0x1C02;
	[tilespmem:$0x4A28] =	vst v0  }
0x22: {  	[spmem:s0], [sflag:s10] =	dma.local @!p0 [hbm:s5], $0x30D40  }
0x23: {  	s0 =	simm.s32 @!p0 $0x2  }
0x24: {  	_ =	swait.ge @!p0 [sflag:s0], $0x30D40  }
0x25: {  	[sflag:s0] =	ssyncset.done @!p0 $0x0  }
0x26: {  	s28 =	sshrl.u32 @!p0 s2, $0x3;
	[sflag:s0] =	ssyncadd.s32 @!p0 $0xFFFCF2C0  }
0x27: {  	[spmem:s28], [sflag:s10] =	dma.local @!p0 [hbm:s7], $0x30D4  }
0x28: {  	_ =	swait.ge @!p0 [sflag:s0], $0x30D4  }
0x29: {  	[sflag:s0] =	ssyncset.done @!p0 $0x0  }
0x2a: {  	[sflag:s0] =	ssyncadd.s32 @!p0 $0xFFFFCF2C  }
0x2b: {  	s30 =	sadd.s32 $0x0, s18;
	s0 =	simm.s32 $0x0;
	[bflag:$0x0] =	sbarrier.arrive $0xFFFF  }
0x2c: {  	[tilespmem:s0], [sflag:$0x2] =	stream.linear.gather [hbm4b:s30+s0], $0x3E8, $0x38;
	[tilespmem:$0x1ED30] =	vst v63  }
0x2d: {  	_ =	swait.ge [sflag:s20], $0x3E8  }
0x2e: {  	[sflag:s20] =	ssyncset.done $0x0  }
0x2f: {  	s31 =	sadd.s32 $0x0, s17;
	[sflag:s20] =	ssyncadd.s32 $0xFFFFFC18  }
0x30: {  	[tilespmem:s21], [sflag:$0x2] =	stream.linear.gather [hbm4b:s31+s0], $0x3E8, $0x38;
	[tilespmem:$0x1ED30] =	vst v63  }
0x31: {  	_ =	swait.ge [sflag:s20], $0x3E8  }
0x32: {  	[sflag:s20] =	ssyncset.done $0x0  }
0x33: {  	[sflag:s20] =	ssyncadd.s32 $0xFFFFFC18  }
0x34: {  	[tilespmem:s22], [sflag:$0x1] =	stream.indirect.gather [hbm4b:s4+s21], $0x10, s0, s21, $0xb8;
	[tilespmem:$0x1ED30] =	vst v63  }
0x35: {  	_ =	swait.ge [sflag:s23], $0x3E80  }
0x36: {  	[sflag:s23] =	ssyncset.done $0x0  }
0x37: {  	[sflag:s23] =	ssyncadd.s32 $0xFFFFC180  }
0x38: {  	[spmem:s1] =	stream.indirect.scatter.add.f32 [tilespmem:s22], [sflag:$0x2], $0x10, s21, s21, $0xb8;
	[tilespmem:$0x1ED30] =	vst v63  }
0x39: {  	_ =	swait.ge [sflag:s20], $0x3E80  }
0x3a: {  	[sflag:s20] =	ssyncset.done $0x0  }
0x3b: {  	[sflag:s20] =	ssyncadd.s32 $0xFFFFC180  }
0x3c: {  	[spmem:s2] =	stream.indirect.scatter.add.f32 [tilespmem:s24], [sflag:$0x2], $0x1, s21, s21, $0xb8;
	[tilespmem:$0x1ED30] =	vst v63  }
0x3d: {  	s29 =	simm.s32 $0x7D;
	_ =	swait.ge [sflag:s20], $0x3E8  }
0x3e: {  	s28 =	simm.s32 $0x7D;
	s10 =	simm.s32 $0xFA;
	[sflag:s20] =	ssyncset.done $0x0  }
.LBB2_4:
0x3f: {  	s30 =	sadd.s32 s29, s18  }
0x40: {  	[sflag:s20] =	ssyncadd.s32 $0xFFFFFC18;
	s31 =	smov.u32 s10;
	s11 =	sadd.s32 $0x7D, s10  }
0x41: {  	[tilespmem:s0], [sflag:$0x2] =	stream.linear.gather [hbm4b:s30+s0], $0x3E8, $0x38;
	[tilespmem:$0x1ED30] =	vst v63  }
0x42: {  	p2 =	sne.s32 s10, $0x17ED;
	_ =	swait.ge [sflag:s20], $0x3E8  }
0x43: {  	[sflag:s20] =	ssyncset.done $0x0  }
0x44: {  	s10 =	sadd.s32 s29, s17;
	s29 =	smov.u32 s31;
	[sflag:s20] =	ssyncadd.s32 $0xFFFFFC18  }
0x45: {  	[tilespmem:s21], [sflag:$0x2] =	stream.linear.gather [hbm4b:s10+s0], $0x3E8, $0x38;
	[tilespmem:$0x1ED30] =	vst v63  }
0x46: {  	_ =	swait.ge [sflag:s20], $0x3E8  }
0x47: {  	[sflag:s20] =	ssyncset.done $0x0  }
0x48: {  	[sflag:s20] =	ssyncadd.s32 $0xFFFFFC18  }
0x49: {  	[tilespmem:s22], [sflag:$0x1] =	stream.indirect.gather [hbm4b:s4+s21], $0x10, s0, s21, $0xb8;
	[tilespmem:$0x1ED30] =	vst v63  }
0x4a: {  	_ =	swait.ge [sflag:s23], $0x3E80  }
0x4b: {  	[sflag:s23] =	ssyncset.done $0x0  }
0x4c: {  	[sflag:s23] =	ssyncadd.s32 $0xFFFFC180  }
0x4d: {  	[spmem:s1] =	stream.indirect.scatter.add.f32 [tilespmem:s22], [sflag:$0x2], $0x10, s21, s21, $0xb8;
	[tilespmem:$0x1ED30] =	vst v63  }
0x4e: {  	_ =	swait.ge [sflag:s20], $0x3E80  }
.Ltmp3:
0x4f: {  	[sflag:s20] =	ssyncset.done $0x0;
	(pc) =	sbr.rel @p2 .LBB2_4-.Ltmp3, $4  }
0x50: {  	[sflag:s20] =	ssyncadd.s32 $0xFFFFC180  }
0x51: {  	[spmem:s2] =	stream.indirect.scatter.add.f32 [tilespmem:s24], [sflag:$0x2], $0x1, s21, s21, $0xb8;
	[tilespmem:$0x1ED30] =	vst v63  }
0x52: {  	_ =	swait.ge [sflag:s20], $0x3E8  }
0x53: {  	s10 =	smov.u32 s11;
	[sflag:s20] =	ssyncset.done $0x0  }
0x54: {  	s10 =	sadd.s32 s29, s18;
	[sflag:s20] =	ssyncadd.s32 $0xFFFFFC18  }
0x55: {  	[tilespmem:s0], [sflag:$0x2] =	stream.linear.gather [hbm4b:s10+s0], $0x3E8, $0x38;
	[tilespmem:$0x1ED30] =	vst v63  }
0x56: {  	_ =	swait.ge [sflag:s20], $0x3E8  }
0x57: {  	[sflag:s20] =	ssyncset.done $0x0  }
0x58: {  	s30 =	sadd.s32 s29, s17;
	[sflag:s20] =	ssyncadd.s32 $0xFFFFFC18  }
0x59: {  	[tilespmem:s21], [sflag:$0x2] =	stream.linear.gather [hbm4b:s30+s0], $0x3E8, $0x38;
	[tilespmem:$0x1ED30] =	vst v63  }
0x5a: {  	_ =	swait.ge [sflag:s20], $0x3E8  }
0x5b: {  	[sflag:s20] =	ssyncset.done $0x0  }
0x5c: {  	[sflag:s20] =	ssyncadd.s32 $0xFFFFFC18  }
0x5d: {  	[tilespmem:s22], [sflag:$0x1] =	stream.indirect.gather [hbm4b:s4+s21], $0x10, s0, s21, $0xb8;
	[tilespmem:$0x1ED30] =	vst v63  }
0x5e: {  	_ =	swait.ge [sflag:s23], $0x3E80  }
0x5f: {  	[sflag:s23] =	ssyncset.done $0x0  }
0x60: {  	[sflag:s23] =	ssyncadd.s32 $0xFFFFC180  }
0x61: {  	[spmem:s1] =	stream.indirect.scatter.add.f32 [tilespmem:s22], [sflag:$0x2], $0x10, s21, s21, $0xb8;
	[tilespmem:$0x1ED30] =	vst v63  }
0x62: {  	_ =	swait.ge [sflag:s20], $0x3E80  }
0x63: {  	[sflag:s20] =	ssyncset.done $0x0  }
0x64: {  	[sflag:s20] =	ssyncadd.s32 $0xFFFFC180  }
0x65: {  	[spmem:s2] =	stream.indirect.scatter.add.f32 [tilespmem:s24], [sflag:$0x2], $0x1, s21, s21, $0xb8;
	[tilespmem:$0x1ED30] =	vst v63  }
0x66: {  	_ =	swait.ge [sflag:s20], $0x3E8  }
0x67: {  	[sflag:s20] =	ssyncset.done $0x0  }
0x68: {  	s31 =	sadd.s32 $0x0, s19;
	[sflag:s20] =	ssyncadd.s32 $0xFFFFFC18  }
0x69: {  	[tilespmem:s21], [sflag:$0x2] =	stream.linear.gather [hbm4b:s31+s3], $0x3E8, $0x38;
	[tilespmem:$0x1ED30] =	vst v63  }
0x6a: {  	_ =	swait.ge [sflag:s20], $0x3E8  }
0x6b: {  	[sflag:s20] =	ssyncset.done $0x0  }
0x6c: {  	[sflag:s20] =	ssyncadd.s32 $0xFFFFFC18  }
0x6d: {  	[spmem:s2] =	stream.indirect.scatter.add.f32 [tilespmem:s24], [sflag:$0x2], $0x1, s21, s21, $0xb8;
	[tilespmem:$0x1ED30] =	vst v63  }
0x6e: {  	_ =	swait.ge [sflag:s20], $0x3E8  }
0x6f: {  	s0 =	simm.s32 $0xFA;
	[sflag:s20] =	ssyncset.done $0x0  }
.LBB2_6:
0x70: {  	s10 =	sadd.s32 s28, s19  }
0x71: {  	[sflag:s20] =	ssyncadd.s32 $0xFFFFFC18;
	s28 =	smov.u32 s0;
	s11 =	sadd.s32 $0x7D, s0  }
0x72: {  	[tilespmem:s21], [sflag:$0x2] =	stream.linear.gather [hbm4b:s10+s3], $0x3E8, $0x38;
	[tilespmem:$0x1ED30] =	vst v63  }
0x73: {  	p2 =	sne.s32 s0, $0x17ED;
	_ =	swait.ge [sflag:s20], $0x3E8  }
.Ltmp4:
0x74: {  	[sflag:s20] =	ssyncset.done $0x0;
	(pc) =	sbr.rel @p2 .LBB2_6-.Ltmp4, $4  }
0x75: {  	[sflag:s20] =	ssyncadd.s32 $0xFFFFFC18  }
0x76: {  	[spmem:s2] =	stream.indirect.scatter.add.f32 [tilespmem:s24], [sflag:$0x2], $0x1, s21, s21, $0xb8;
	[tilespmem:$0x1ED30] =	vst v63  }
0x77: {  	_ =	swait.ge [sflag:s20], $0x3E8  }
0x78: {  	s0 =	smov.u32 s11;
	[sflag:s20] =	ssyncset.done $0x0  }
0x79: {  	s0 =	sadd.s32 s28, s19;
	[sflag:s20] =	ssyncadd.s32 $0xFFFFFC18  }
0x7a: {  	[tilespmem:s21], [sflag:$0x2] =	stream.linear.gather [hbm4b:s0+s3], $0x3E8, $0x38;
	[tilespmem:$0x1ED30] =	vst v63  }
0x7b: {  	_ =	swait.ge [sflag:s20], $0x3E8  }
0x7c: {  	[sflag:s20] =	ssyncset.done $0x0  }
0x7d: {  	[sflag:s20] =	ssyncadd.s32 $0xFFFFFC18  }
0x7e: {  	[spmem:s2] =	stream.indirect.scatter.add.f32 [tilespmem:s24], [sflag:$0x2], $0x1, s21, s21, $0xb8;
	[tilespmem:$0x1ED30] =	vst v63  }
0x7f: {  	_ =	swait.ge [sflag:s20], $0x3E8  }
0x80: {  	[sflag:s20] =	ssyncset.done $0x0  }
0x81: {  	[sflag:s20] =	ssyncadd.s32 $0xFFFFFC18  }
0x82: {  	s28 =	simm.s32 $0x0;
	[bflag:$0x0] =	sbarrier.arrive $0xFFFF  }
.LBB2_8:
0x83: {  	s0 =	smul.u32 $0x320, s28;
	_ =	sdelay $0x1  }
0x84: {  	s0 =	sadd.s32 s6, s0  }
0x85: {  	s29 =	sshll.u32 s0, $0x4  }
0x86: {  	s10 =	sadd.s32 s29, s1  }
0x87: {  	[tilespmem:s22], [sflag:$0x2] =	stream.linear.gather [spmem:s10], $0x3200, $0x38;
	[tilespmem:$0x1ED30] =	vst v63  }
0x88: {  	_ =	swait.ge [sflag:s20], $0x3200  }
0x89: {  	[sflag:s20] =	ssyncset.done $0x0  }
0x8a: {  	s0 =	sadd.s32 s0, s2;
	[sflag:s20] =	ssyncadd.s32 $0xFFFFCE00  }
0x8b: {  	[tilespmem:s25], [sflag:$0x2] =	stream.linear.gather [spmem:s0], $0x320, $0x38;
	[tilespmem:$0x1ED30] =	vst v63  }
0x8c: {  	_ =	swait.ge [sflag:s20], $0x320  }
0x8d: {  	[sflag:s20] =	ssyncset.done $0x0  }
0x8e: {  	s0 =	simm.s32 $0x0;
	[sflag:s20] =	ssyncadd.s32 $0xFFFFFCE0  }
0x8f: {  	v1 =	vld [tilespmem:s0+$0x4A38];
	_ =	sdelay $0x4  }
0x90: {  	s30 =	simm.s32 $0x10;
	v2 =	vmax.f32 v1, $1.000000000e+00  }
0x91: {  	v1 =	vld [tilespmem:s30+$0x4A38];
	(erf) = vrcp.f32 v2;
	_ =	sdelay $0x3  }
0x92: {  	s31 =	simm.s32 $0x80  }
.LBB2_9:
0x93: {  	s10 =	sshra.s32 s31, $0x2;
	p2 =	sne.s32 s31, $0xC40;
	s31 =	sadd.s32 $0x40, s31;
	v2 =	vmax.f32 v1, $1.000000000e+00  }
.Ltmp5:
0x94: {  	v1 =	vld [tilespmem:s10+$0x4A38];
	(erf) = vrcp.f32 v2;
	(pc) =	sbr.rel @p2 .LBB2_9-.Ltmp5, $3  }
0x95: {  	_ =	sdelay $0x1  }
0x96: {  	v2 =	vpop (erf)  }
0x97: {  	[tilespmem:s0+$0x4650] =	vst v2;
	s0 =	smov.u32 s30;
	s30 =	smov.u32 s10  }
0x98: {  	v1 =	vmax.f32 v1, $1.000000000e+00  }
0x99: {  	(erf) = vrcp.f32 v1;
	_ =	sdelay $0x7  }
0x9a: {  	v1 =	vpop (erf)  }
0x9b: {  	[tilespmem:s0+$0x4650] =	vst v1;
	v1 =	vpop (erf)  }
0x9c: {  	[tilespmem:s30+$0x4650] =	vst v1;
	s30 =	simm.s32 $0x850  }
0x9d: {  	s10 =	simm.s32 $0x0;
	s31 =	simm.s32 $0x850;
	s0 =	simm.s32 $0x40;
	v1 =	vld [tilespmem:s30+$0xFFFFFFB0]  }
.LBB2_11:
0x9e: {  	p2 =	sne.s32 s0, $0xC40;
	v2 =	vld [tilespmem:s10+$0x4650]  }
0x9f: {  	v3 =	vld [tilespmem:s30+$0xFFFFFF90]  }
0xa0: {  	v4 =	vld [tilespmem:s30+$0xFFFFFF80]  }
0xa1: {  	v5 =	vld [tilespmem:s30+$0xFFFFFFA0]  }
0xa2: {  	v6 =	vld [tilespmem:s30+$0xFFFFFFF0]  }
0xa3: {  	v7 =	vbroadcast v2, $0x0;
	v8 =	vbroadcast v2, $0x1;
	v9 =	vld [tilespmem:s30+$0xFFFFFFD0]  }
0xa4: {  	v10 =	vbroadcast v2, $0x2;
	v11 =	vbroadcast v2, $0x3;
	v12 =	vld [tilespmem:s30+$0xFFFFFFC0]  }
0xa5: {  	v4 =	vmul.f32 v7, v4;
	v3 =	vmul.f32 v3, v8;
	v7 =	vld [tilespmem:s30+$0xFFFFFFE0]  }
0xa6: {  	v1 =	vmul.f32 v1, v11;
	v5 =	vmul.f32 v5, v10;
	v8 =	vld [tilespmem:s30+$0x30]  }
0xa7: {  	v10 =	vbroadcast v2, $0x5;
	[tilespmem:s30+$0xFFFFFF80] =	vst v4;
	v4 =	vbroadcast v2, $0x4;
	v11 =	vld [tilespmem:s30+$0x10]  }
0xa8: {  	v13 =	vbroadcast v2, $0x7;
	[tilespmem:s30+$0xFFFFFF90] =	vst v3;
	v3 =	vbroadcast v2, $0x6;
	v14 =	vld [tilespmem:s30+$0x0]  }
0xa9: {  	[tilespmem:s30+$0xFFFFFFA0] =	vst v5;
	v4 =	vmul.f32 v12, v4;
	v5 =	vmul.f32 v9, v10;
	v9 =	vld [tilespmem:s30+$0x20]  }
0xaa: {  	[tilespmem:s30+$0xFFFFFFB0] =	vst v1;
	v1 =	vmul.f32 v7, v3;
	v3 =	vmul.f32 v6, v13;
	v6 =	vld [tilespmem:s30+$0x70]  }
0xab: {  	v7 =	vbroadcast v2, $0x9;
	[tilespmem:s30+$0xFFFFFFC0] =	vst v4;
	v4 =	vbroadcast v2, $0x8;
	v10 =	vld [tilespmem:s30+$0x50]  }
0xac: {  	v12 =	vbroadcast v2, $0xB;
	[tilespmem:s30+$0xFFFFFFD0] =	vst v5;
	v5 =	vbroadcast v2, $0xA;
	v13 =	vld [tilespmem:s30+$0x40]  }
0xad: {  	[tilespmem:s30+$0xFFFFFFE0] =	vst v1;
	v1 =	vmul.f32 v14, v4;
	v4 =	vmul.f32 v11, v7;
	v7 =	vld [tilespmem:s30+$0x60]  }
0xae: {  	[tilespmem:s30+$0xFFFFFFF0] =	vst v3;
	v3 =	vmul.f32 v9, v5;
	v5 =	vmul.f32 v8, v12  }
0xaf: {  	v8 =	vbroadcast v2, $0xD;
	[tilespmem:s30+$0x0] =	vst v1;
	v1 =	vbroadcast v2, $0xC  }
0xb0: {  	[tilespmem:s30+$0x10] =	vst v4;
	v4 =	vbroadcast v2, $0xE;
	v2 =	vbroadcast v2, $0xF  }
0xb1: {  	[tilespmem:s30+$0x20] =	vst v3;
	v1 =	vmul.f32 v13, v1;
	v3 =	vmul.f32 v10, v8  }
.Ltmp6:
0xb2: {  	[tilespmem:s30+$0x30] =	vst v5;
	v4 =	vmul.f32 v7, v4;
	v2 =	vmul.f32 v6, v2;
	(pc) =	sbr.rel @p2 .LBB2_11-.Ltmp6, $4  }
0xb3: {  	[tilespmem:s30+$0x40] =	vst v1  }
0xb4: {  	[tilespmem:s30+$0x50] =	vst v3  }
0xb5: {  	s30 =	sadd.s32 $0x100, s30;
	[tilespmem:s31+$0x60] =	vst v4  }
0xb6: {  	s10 =	sshra.s32 s0, $0x2;
	s0 =	sadd.s32 $0x40, s0;
	v1 =	vld [tilespmem:s30+$0xFFFFFFB0];
	[tilespmem:s31+$0x70] =	vst v2;
	s31 =	smov.u32 s30  }
0xb7: {  	v2 =	vld [tilespmem:s10+$0x4650];
	_ =	sdelay $0x1  }
0xb8: {  	v3 =	vld [tilespmem:s30+$0xFFFFFF80]  }
0xb9: {  	v4 =	vld [tilespmem:s30+$0xFFFFFF90]  }
0xba: {  	v5 =	vld [tilespmem:s30+$0xFFFFFFA0]  }
0xbb: {  	v6 =	vbroadcast v2, $0x0  }
0xbc: {  	v9 =	vld [tilespmem:s30+$0xFFFFFFD0];
	v7 =	vbroadcast v2, $0x1  }
0xbd: {  	v8 =	vld [tilespmem:s30+$0xFFFFFFC0];
	v10 =	vbroadcast v2, $0x2;
	v3 =	vmul.f32 v6, v3  }
0xbe: {  	v48 =	vld [tilespmem:s30+$0xFFFFFFE0];
	v47 =	vbroadcast v2, $0x3;
	v4 =	vmul.f32 v4, v7  }
0xbf: {  	v51 =	vld [tilespmem:s30+$0x10];
	v49 =	vbroadcast v2, $0x5;
	v5 =	vmul.f32 v5, v10;
	[tilespmem:s30+$0xFFFFFF80] =	vst v3  }
0xc0: {  	v11 =	vld [tilespmem:s30+$0xFFFFFFF0];
	v1 =	vmul.f32 v1, v47;
	v3 =	vbroadcast v2, $0x4;
	[tilespmem:s30+$0xFFFFFF90] =	vst v4  }
0xc1: {  	v50 =	vld [tilespmem:s30+$0x0];
	v12 =	vbroadcast v2, $0x6;
	v6 =	vmul.f32 v9, v49;
	[tilespmem:s30+$0xFFFFFFA0] =	vst v5  }
0xc2: {  	v56 =	vld [tilespmem:s30+$0x50];
	v54 =	vbroadcast v2, $0x9;
	[tilespmem:s30+$0xFFFFFFB0] =	vst v1;
	v3 =	vmul.f32 v8, v3  }
0xc3: {  	v53 =	vld [tilespmem:s30+$0x20];
	v52 =	vbroadcast v2, $0x7;
	v7 =	vmul.f32 v48, v12;
	[tilespmem:s30+$0xFFFFFFD0] =	vst v6  }
0xc4: {  	v59 =	vmul.f32 v51, v54;
	v1 =	vld [tilespmem:s30+$0x30];
	[tilespmem:s30+$0xFFFFFFC0] =	vst v3;
	v3 =	vbroadcast v2, $0x8  }
0xc5: {  	v55 =	vld [tilespmem:s30+$0x40];
	v62 =	vbroadcast v2, $0xD;
	v5 =	vmul.f32 v11, v52;
	[tilespmem:s30+$0xFFFFFFE0] =	vst v7  }
0xc6: {  	v60 =	vld [tilespmem:s30+$0x60];
	v57 =	vbroadcast v2, $0xA;
	[tilespmem:s30+$0x10] =	vst v59;
	v3 =	vmul.f32 v50, v3  }
0xc7: {  	v61 =	vld [tilespmem:s30+$0x70];
	v58 =	vbroadcast v2, $0xB;
	v4 =	vmul.f32 v56, v62;
	[tilespmem:s30+$0xFFFFFFF0] =	vst v5  }
0xc8: {  	v8 =	vmul.f32 v53, v57;
	[tilespmem:s30+$0x0] =	vst v3;
	v3 =	vbroadcast v2, $0xC  }
0xc9: {  	v63 =	vbroadcast v2, $0xE;
	[tilespmem:s30+$0x50] =	vst v4;
	v1 =	vmul.f32 v1, v58  }
0xca: {  	[tilespmem:s30+$0x20] =	vst v8;
	v2 =	vbroadcast v2, $0xF;
	v3 =	vmul.f32 v55, v3  }
0xcb: {  	[tilespmem:s30+$0x30] =	vst v1;
	v1 =	vmul.f32 v60, v63  }
0xcc: {  	s0 =	sadd.s32 s9, s29;
	s28 =	sadd.s32 $0x1, s28;
	v2 =	vmul.f32 v61, v2;
	[tilespmem:s30+$0x40] =	vst v3  }
0xcd: {  	s0 =	sshrl.u32 s0, $0x3;
	p2 =	sne.s32 s28, $0x7;
	[tilespmem:s31+$0x60] =	vst v1  }
.Ltmp7:
0xce: {  	s0 =	sadd.s32 s8, s0;
	[tilespmem:s31+$0x70] =	vst v2;
	(pc) =	sbr.rel @p2 .LBB2_8-.Ltmp7, $4  }
0xcf: {  	[hbm4b:s0+s3] =	stream.linear.scatter [tilespmem:s22], [sflag:$0x2], $0x3200, $0x38;
	[tilespmem:$0x1ED30] =	vst v63  }
0xd0: {  	_ =	swait.ge [sflag:s20], $0x3200  }
0xd1: {  	[sflag:s20] =	ssyncset.done $0x0  }
0xd2: {  	[sflag:s20] =	ssyncadd.s32 $0xFFFFCE00  }
.Ltmp8:
0xd3: {  	(pc) =	sbr.rel @!p1 .LBB2_14-.Ltmp8, $1  }
0xd4: {  	_ =	sdelay $0x3  }
0xd5: {  	[tilespmem:s22], [sflag:$0x2] =	stream.linear.gather [spmem:s13], $0x2300, $0x38;
	[tilespmem:$0x1ED30] =	vst v63  }
0xd6: {  	_ =	swait.ge [sflag:s20], $0x2300  }
0xd7: {  	[sflag:s20] =	ssyncset.done $0x0  }
0xd8: {  	[sflag:s20] =	ssyncadd.s32 $0xFFFFDD00  }
0xd9: {  	[tilespmem:s25], [sflag:$0x2] =	stream.linear.gather [spmem:s14], $0x230, $0x38;
	[tilespmem:$0x1ED30] =	vst v63  }
0xda: {  	_ =	swait.ge [sflag:s20], $0x230  }
0xdb: {  	[sflag:s20] =	ssyncset.done $0x0  }
0xdc: {  	s0 =	simm.s32 $0x0;
	[sflag:s20] =	ssyncadd.s32 $0xFFFFFDD0  }
0xdd: {  	v1 =	vld [tilespmem:s0+$0x4A38];
	_ =	sdelay $0x4  }
0xde: {  	s28 =	simm.s32 $0x10;
	v2 =	vmax.f32 v1, $1.000000000e+00  }
0xdf: {  	v1 =	vld [tilespmem:s28+$0x4A38];
	(erf) = vrcp.f32 v2;
	_ =	sdelay $0x3  }
0xe0: {  	s30 =	simm.s32 $0x40;
	s31 =	simm.s32 $0x80;
	s29 =	simm.s32 $0x0  }
.LBB2_20:
0xe1: {  	s10 =	sshra.s32 s31, $0x2;
	p2 =	sne.s32 s31, $0x880;
	s31 =	sadd.s32 $0x40, s31;
	v2 =	vmax.f32 v1, $1.000000000e+00  }
.Ltmp9:
0xe2: {  	v1 =	vld [tilespmem:s10+$0x4A38];
	(erf) = vrcp.f32 v2;
	(pc) =	sbr.rel @p2 .LBB2_20-.Ltmp9, $3  }
0xe3: {  	_ =	sdelay $0x1  }
0xe4: {  	v2 =	vpop (erf)  }
0xe5: {  	[tilespmem:s29+$0x4650] =	vst v2;
	s29 =	smov.u32 s28;
	s28 =	smov.u32 s10  }
0xe6: {  	v1 =	vmax.f32 v1, $1.000000000e+00  }
0xe7: {  	(erf) = vrcp.f32 v1;
	_ =	sdelay $0x7  }
0xe8: {  	v1 =	vpop (erf)  }
0xe9: {  	[tilespmem:s29+$0x4650] =	vst v1;
	v1 =	vpop (erf)  }
0xea: {  	[tilespmem:s28+$0x4650] =	vst v1;
	s28 =	simm.s32 $0x850  }
0xeb: {  	s29 =	simm.s32 $0x850;
	v1 =	vld [tilespmem:s28+$0xFFFFFFB0]  }
.LBB2_22:
0xec: {  	p2 =	sne.s32 s30, $0x880;
	v2 =	vld [tilespmem:s0+$0x4650]  }
0xed: {  	v3 =	vld [tilespmem:s28+$0xFFFFFF90]  }
0xee: {  	v4 =	vld [tilespmem:s28+$0xFFFFFF80]  }
0xef: {  	v5 =	vld [tilespmem:s28+$0xFFFFFFA0]  }
0xf0: {  	v6 =	vld [tilespmem:s28+$0xFFFFFFF0]  }
0xf1: {  	v7 =	vbroadcast v2, $0x0;
	v8 =	vbroadcast v2, $0x1;
	v9 =	vld [tilespmem:s28+$0xFFFFFFD0]  }
0xf2: {  	v10 =	vbroadcast v2, $0x2;
	v11 =	vbroadcast v2, $0x3;
	v12 =	vld [tilespmem:s28+$0xFFFFFFC0]  }
0xf3: {  	v4 =	vmul.f32 v7, v4;
	v3 =	vmul.f32 v3, v8;
	v7 =	vld [tilespmem:s28+$0xFFFFFFE0]  }
0xf4: {  	v1 =	vmul.f32 v1, v11;
	v5 =	vmul.f32 v5, v10;
	v8 =	vld [tilespmem:s28+$0x30]  }
0xf5: {  	v10 =	vbroadcast v2, $0x5;
	[tilespmem:s28+$0xFFFFFF80] =	vst v4;
	v4 =	vbroadcast v2, $0x4;
	v11 =	vld [tilespmem:s28+$0x10]  }
0xf6: {  	v13 =	vbroadcast v2, $0x7;
	[tilespmem:s28+$0xFFFFFF90] =	vst v3;
	v3 =	vbroadcast v2, $0x6;
	v14 =	vld [tilespmem:s28+$0x0]  }
0xf7: {  	[tilespmem:s28+$0xFFFFFFA0] =	vst v5;
	v4 =	vmul.f32 v12, v4;
	v5 =	vmul.f32 v9, v10;
	v9 =	vld [tilespmem:s28+$0x20]  }
0xf8: {  	[tilespmem:s28+$0xFFFFFFB0] =	vst v1;
	v1 =	vmul.f32 v7, v3;
	v3 =	vmul.f32 v6, v13;
	v6 =	vld [tilespmem:s28+$0x70]  }
0xf9: {  	v7 =	vbroadcast v2, $0x9;
	[tilespmem:s28+$0xFFFFFFC0] =	vst v4;
	v4 =	vbroadcast v2, $0x8;
	v10 =	vld [tilespmem:s28+$0x50]  }
0xfa: {  	v12 =	vbroadcast v2, $0xB;
	[tilespmem:s28+$0xFFFFFFD0] =	vst v5;
	v5 =	vbroadcast v2, $0xA;
	v13 =	vld [tilespmem:s28+$0x40]  }
0xfb: {  	[tilespmem:s28+$0xFFFFFFE0] =	vst v1;
	v1 =	vmul.f32 v14, v4;
	v4 =	vmul.f32 v11, v7;
	v7 =	vld [tilespmem:s28+$0x60]  }
0xfc: {  	[tilespmem:s28+$0xFFFFFFF0] =	vst v3;
	v3 =	vmul.f32 v9, v5;
	v5 =	vmul.f32 v8, v12  }
0xfd: {  	v8 =	vbroadcast v2, $0xD;
	[tilespmem:s28+$0x0] =	vst v1;
	v1 =	vbroadcast v2, $0xC  }
0xfe: {  	[tilespmem:s28+$0x10] =	vst v4;
	v4 =	vbroadcast v2, $0xE;
	v2 =	vbroadcast v2, $0xF  }
0xff: {  	[tilespmem:s28+$0x20] =	vst v3;
	v1 =	vmul.f32 v13, v1;
	v3 =	vmul.f32 v10, v8  }
.Ltmp10:
0x100: {  	[tilespmem:s28+$0x30] =	vst v5;
	v4 =	vmul.f32 v7, v4;
	v2 =	vmul.f32 v6, v2;
	(pc) =	sbr.rel @p2 .LBB2_22-.Ltmp10, $4  }
0x101: {  	[tilespmem:s28+$0x40] =	vst v1  }
0x102: {  	[tilespmem:s28+$0x50] =	vst v3  }
0x103: {  	s28 =	sadd.s32 $0x100, s28;
	[tilespmem:s29+$0x60] =	vst v4  }
0x104: {  	s0 =	sshra.s32 s30, $0x2;
	s30 =	sadd.s32 $0x40, s30;
	v1 =	vld [tilespmem:s28+$0xFFFFFFB0];
	[tilespmem:s29+$0x70] =	vst v2;
	s29 =	smov.u32 s28  }
0x105: {  	v2 =	vld [tilespmem:s0+$0x4650];
	_ =	sdelay $0x1  }
0x106: {  	v3 =	vld [tilespmem:s28+$0xFFFFFF80]  }
0x107: {  	v4 =	vld [tilespmem:s28+$0xFFFFFF90]  }
0x108: {  	v5 =	vld [tilespmem:s28+$0xFFFFFFA0]  }
0x109: {  	v6 =	vbroadcast v2, $0x0  }
0x10a: {  	v9 =	vld [tilespmem:s28+$0xFFFFFFD0];
	v7 =	vbroadcast v2, $0x1  }
0x10b: {  	v8 =	vld [tilespmem:s28+$0xFFFFFFC0];
	v10 =	vbroadcast v2, $0x2;
	v3 =	vmul.f32 v6, v3  }
0x10c: {  	v48 =	vld [tilespmem:s28+$0xFFFFFFE0];
	v47 =	vbroadcast v2, $0x3;
	v4 =	vmul.f32 v4, v7  }
0x10d: {  	v51 =	vld [tilespmem:s28+$0x10];
	v49 =	vbroadcast v2, $0x5;
	v5 =	vmul.f32 v5, v10;
	[tilespmem:s28+$0xFFFFFF80] =	vst v3  }
0x10e: {  	v11 =	vld [tilespmem:s28+$0xFFFFFFF0];
	v1 =	vmul.f32 v1, v47;
	v3 =	vbroadcast v2, $0x4;
	[tilespmem:s28+$0xFFFFFF90] =	vst v4  }
0x10f: {  	v50 =	vld [tilespmem:s28+$0x0];
	v12 =	vbroadcast v2, $0x6;
	v6 =	vmul.f32 v9, v49;
	[tilespmem:s28+$0xFFFFFFA0] =	vst v5  }
0x110: {  	v56 =	vld [tilespmem:s28+$0x50];
	v54 =	vbroadcast v2, $0x9;
	[tilespmem:s28+$0xFFFFFFB0] =	vst v1;
	v3 =	vmul.f32 v8, v3  }
0x111: {  	v53 =	vld [tilespmem:s28+$0x20];
	v52 =	vbroadcast v2, $0x7;
	v7 =	vmul.f32 v48, v12;
	[tilespmem:s28+$0xFFFFFFD0] =	vst v6  }
0x112: {  	v59 =	vmul.f32 v51, v54;
	v1 =	vld [tilespmem:s28+$0x30];
	[tilespmem:s28+$0xFFFFFFC0] =	vst v3;
	v3 =	vbroadcast v2, $0x8  }
0x113: {  	v55 =	vld [tilespmem:s28+$0x40];
	v62 =	vbroadcast v2, $0xD;
	v5 =	vmul.f32 v11, v52;
	[tilespmem:s28+$0xFFFFFFE0] =	vst v7  }
0x114: {  	v60 =	vld [tilespmem:s28+$0x60];
	v57 =	vbroadcast v2, $0xA;
	[tilespmem:s28+$0x10] =	vst v59;
	v3 =	vmul.f32 v50, v3  }
0x115: {  	v61 =	vld [tilespmem:s28+$0x70];
	v58 =	vbroadcast v2, $0xB;
	v4 =	vmul.f32 v56, v62;
	[tilespmem:s28+$0xFFFFFFF0] =	vst v5  }
0x116: {  	v8 =	vmul.f32 v53, v57;
	[tilespmem:s28+$0x0] =	vst v3;
	v3 =	vbroadcast v2, $0xC  }
0x117: {  	v63 =	vbroadcast v2, $0xE;
	[tilespmem:s28+$0x50] =	vst v4;
	v1 =	vmul.f32 v1, v58  }
0x118: {  	[tilespmem:s28+$0x20] =	vst v8;
	v2 =	vbroadcast v2, $0xF;
	v3 =	vmul.f32 v55, v3  }
0x119: {  	[tilespmem:s28+$0x30] =	vst v1;
	v1 =	vmul.f32 v60, v63  }
0x11a: {  	v2 =	vmul.f32 v61, v2;
	[tilespmem:s28+$0x40] =	vst v3  }
0x11b: {  	[tilespmem:s29+$0x60] =	vst v1  }
.Ltmp11:
0x11c: {  	[tilespmem:s29+$0x70] =	vst v2;
	(pc) =	sbr.rel .LBB2_24-.Ltmp11, $4  }
0x11d: {  	[hbm4b:s15+s3] =	stream.linear.scatter [tilespmem:s22], [sflag:$0x2], $0x2300, $0x38;
	[tilespmem:$0x1ED30] =	vst v63  }
0x11e: {  	_ =	swait.ge [sflag:s20], $0x2300  }
0x11f: {  	[sflag:s20] =	ssyncset.done $0x0  }
0x120: {  	[sflag:s20] =	ssyncadd.s32 $0xFFFFDD00  }
.LBB2_14:
0x121: {  	s0 =	rddreg [dreg:$0x6]  }
0x122: {  	[tilespmem:s22], [sflag:$0x2] =	stream.linear.gather [spmem:s0], $0x2900, $0x38;
	[tilespmem:$0x1ED30] =	vst v63  }
0x123: {  	_ =	swait.ge [sflag:s20], $0x2900  }
0x124: {  	[sflag:s20] =	ssyncset.done $0x0  }
0x125: {  	s11 =	rddreg [dreg:$0x7];
	[sflag:s20] =	ssyncadd.s32 $0xFFFFD700  }
0x126: {  	[tilespmem:s25], [sflag:$0x2] =	stream.linear.gather [spmem:s11], $0x290, $0x38;
	[tilespmem:$0x1ED30] =	vst v63  }
0x127: {  	_ =	swait.ge [sflag:s20], $0x290  }
0x128: {  	[sflag:s20] =	ssyncset.done $0x0  }
0x129: {  	s0 =	simm.s32 $0x0;
	[sflag:s20] =	ssyncadd.s32 $0xFFFFFD70  }
0x12a: {  	v1 =	vld [tilespmem:s0+$0x4A38];
	_ =	sdelay $0x4  }
0x12b: {  	s28 =	simm.s32 $0x10;
	v2 =	vmax.f32 v1, $1.000000000e+00  }
0x12c: {  	v1 =	vld [tilespmem:s28+$0x4A38];
	(erf) = vrcp.f32 v2;
	_ =	sdelay $0x3  }
0x12d: {  	s30 =	simm.s32 $0x40;
	s31 =	simm.s32 $0x80;
	s29 =	simm.s32 $0x0  }
.LBB2_15:
0x12e: {  	s10 =	sshra.s32 s31, $0x2;
	p2 =	sne.s32 s31, $0xA00;
	s31 =	sadd.s32 $0x40, s31;
	v2 =	vmax.f32 v1, $1.000000000e+00  }
.Ltmp12:
0x12f: {  	v1 =	vld [tilespmem:s10+$0x4A38];
	(erf) = vrcp.f32 v2;
	(pc) =	sbr.rel @p2 .LBB2_15-.Ltmp12, $3  }
0x130: {  	_ =	sdelay $0x1  }
0x131: {  	v2 =	vpop (erf)  }
0x132: {  	[tilespmem:s29+$0x4650] =	vst v2;
	s29 =	smov.u32 s28;
	s28 =	smov.u32 s10  }
0x133: {  	v1 =	vmax.f32 v1, $1.000000000e+00  }
0x134: {  	(erf) = vrcp.f32 v1;
	_ =	sdelay $0x7  }
0x135: {  	v1 =	vpop (erf)  }
0x136: {  	[tilespmem:s29+$0x4650] =	vst v1;
	v1 =	vpop (erf)  }
0x137: {  	[tilespmem:s28+$0x4650] =	vst v1;
	s28 =	simm.s32 $0x850  }
0x138: {  	s29 =	simm.s32 $0x850;
	v1 =	vld [tilespmem:s28+$0xFFFFFFB0]  }
.LBB2_17:
0x139: {  	p2 =	sne.s32 s30, $0xA00;
	v2 =	vld [tilespmem:s0+$0x4650]  }
0x13a: {  	v3 =	vld [tilespmem:s28+$0xFFFFFF90]  }
0x13b: {  	v4 =	vld [tilespmem:s28+$0xFFFFFF80]  }
0x13c: {  	v5 =	vld [tilespmem:s28+$0xFFFFFFA0]  }
0x13d: {  	v6 =	vld [tilespmem:s28+$0xFFFFFFF0]  }
0x13e: {  	v7 =	vbroadcast v2, $0x0;
	v8 =	vbroadcast v2, $0x1;
	v9 =	vld [tilespmem:s28+$0xFFFFFFD0]  }
0x13f: {  	v10 =	vbroadcast v2, $0x2;
	v11 =	vbroadcast v2, $0x3;
	v12 =	vld [tilespmem:s28+$0xFFFFFFC0]  }
0x140: {  	v4 =	vmul.f32 v7, v4;
	v3 =	vmul.f32 v3, v8;
	v7 =	vld [tilespmem:s28+$0xFFFFFFE0]  }
0x141: {  	v1 =	vmul.f32 v1, v11;
	v5 =	vmul.f32 v5, v10;
	v8 =	vld [tilespmem:s28+$0x30]  }
0x142: {  	v10 =	vbroadcast v2, $0x5;
	[tilespmem:s28+$0xFFFFFF80] =	vst v4;
	v4 =	vbroadcast v2, $0x4;
	v11 =	vld [tilespmem:s28+$0x10]  }
0x143: {  	v13 =	vbroadcast v2, $0x7;
	[tilespmem:s28+$0xFFFFFF90] =	vst v3;
	v3 =	vbroadcast v2, $0x6;
	v14 =	vld [tilespmem:s28+$0x0]  }
0x144: {  	[tilespmem:s28+$0xFFFFFFA0] =	vst v5;
	v4 =	vmul.f32 v12, v4;
	v5 =	vmul.f32 v9, v10;
	v9 =	vld [tilespmem:s28+$0x20]  }
0x145: {  	[tilespmem:s28+$0xFFFFFFB0] =	vst v1;
	v1 =	vmul.f32 v7, v3;
	v3 =	vmul.f32 v6, v13;
	v6 =	vld [tilespmem:s28+$0x70]  }
0x146: {  	v7 =	vbroadcast v2, $0x9;
	[tilespmem:s28+$0xFFFFFFC0] =	vst v4;
	v4 =	vbroadcast v2, $0x8;
	v10 =	vld [tilespmem:s28+$0x50]  }
0x147: {  	v12 =	vbroadcast v2, $0xB;
	[tilespmem:s28+$0xFFFFFFD0] =	vst v5;
	v5 =	vbroadcast v2, $0xA;
	v13 =	vld [tilespmem:s28+$0x40]  }
0x148: {  	[tilespmem:s28+$0xFFFFFFE0] =	vst v1;
	v1 =	vmul.f32 v14, v4;
	v4 =	vmul.f32 v11, v7;
	v7 =	vld [tilespmem:s28+$0x60]  }
0x149: {  	[tilespmem:s28+$0xFFFFFFF0] =	vst v3;
	v3 =	vmul.f32 v9, v5;
	v5 =	vmul.f32 v8, v12  }
0x14a: {  	v8 =	vbroadcast v2, $0xD;
	[tilespmem:s28+$0x0] =	vst v1;
	v1 =	vbroadcast v2, $0xC  }
0x14b: {  	[tilespmem:s28+$0x10] =	vst v4;
	v4 =	vbroadcast v2, $0xE;
	v2 =	vbroadcast v2, $0xF  }
0x14c: {  	[tilespmem:s28+$0x20] =	vst v3;
	v1 =	vmul.f32 v13, v1;
	v3 =	vmul.f32 v10, v8  }
.Ltmp13:
0x14d: {  	[tilespmem:s28+$0x30] =	vst v5;
	v4 =	vmul.f32 v7, v4;
	v2 =	vmul.f32 v6, v2;
	(pc) =	sbr.rel @p2 .LBB2_17-.Ltmp13, $4  }
0x14e: {  	[tilespmem:s28+$0x40] =	vst v1  }
0x14f: {  	[tilespmem:s28+$0x50] =	vst v3  }
0x150: {  	s28 =	sadd.s32 $0x100, s28;
	[tilespmem:s29+$0x60] =	vst v4  }
0x151: {  	s0 =	sshra.s32 s30, $0x2;
	s30 =	sadd.s32 $0x40, s30;
	v1 =	vld [tilespmem:s28+$0xFFFFFFB0];
	[tilespmem:s29+$0x70] =	vst v2;
	s29 =	smov.u32 s28  }
0x152: {  	v2 =	vld [tilespmem:s0+$0x4650];
	_ =	sdelay $0x1  }
0x153: {  	v3 =	vld [tilespmem:s28+$0xFFFFFF80]  }
0x154: {  	v4 =	vld [tilespmem:s28+$0xFFFFFF90]  }
0x155: {  	v5 =	vld [tilespmem:s28+$0xFFFFFFA0]  }
0x156: {  	v6 =	vbroadcast v2, $0x0  }
0x157: {  	v9 =	vld [tilespmem:s28+$0xFFFFFFD0];
	v7 =	vbroadcast v2, $0x1  }
0x158: {  	v8 =	vld [tilespmem:s28+$0xFFFFFFC0];
	v10 =	vbroadcast v2, $0x2;
	v3 =	vmul.f32 v6, v3  }
0x159: {  	v48 =	vld [tilespmem:s28+$0xFFFFFFE0];
	v47 =	vbroadcast v2, $0x3;
	v4 =	vmul.f32 v4, v7  }
0x15a: {  	v51 =	vld [tilespmem:s28+$0x10];
	v49 =	vbroadcast v2, $0x5;
	v5 =	vmul.f32 v5, v10;
	[tilespmem:s28+$0xFFFFFF80] =	vst v3  }
0x15b: {  	v11 =	vld [tilespmem:s28+$0xFFFFFFF0];
	v1 =	vmul.f32 v1, v47;
	v3 =	vbroadcast v2, $0x4;
	[tilespmem:s28+$0xFFFFFF90] =	vst v4  }
0x15c: {  	v50 =	vld [tilespmem:s28+$0x0];
	v12 =	vbroadcast v2, $0x6;
	v6 =	vmul.f32 v9, v49;
	[tilespmem:s28+$0xFFFFFFA0] =	vst v5  }
0x15d: {  	v56 =	vld [tilespmem:s28+$0x50];
	v54 =	vbroadcast v2, $0x9;
	[tilespmem:s28+$0xFFFFFFB0] =	vst v1;
	v3 =	vmul.f32 v8, v3  }
0x15e: {  	v53 =	vld [tilespmem:s28+$0x20];
	v52 =	vbroadcast v2, $0x7;
	v7 =	vmul.f32 v48, v12;
	[tilespmem:s28+$0xFFFFFFD0] =	vst v6  }
0x15f: {  	v59 =	vmul.f32 v51, v54;
	v1 =	vld [tilespmem:s28+$0x30];
	[tilespmem:s28+$0xFFFFFFC0] =	vst v3;
	v3 =	vbroadcast v2, $0x8  }
0x160: {  	v55 =	vld [tilespmem:s28+$0x40];
	v62 =	vbroadcast v2, $0xD;
	v5 =	vmul.f32 v11, v52;
	[tilespmem:s28+$0xFFFFFFE0] =	vst v7  }
0x161: {  	v60 =	vld [tilespmem:s28+$0x60];
	v57 =	vbroadcast v2, $0xA;
	[tilespmem:s28+$0x10] =	vst v59;
	v3 =	vmul.f32 v50, v3  }
0x162: {  	v61 =	vld [tilespmem:s28+$0x70];
	v58 =	vbroadcast v2, $0xB;
	v4 =	vmul.f32 v56, v62;
	[tilespmem:s28+$0xFFFFFFF0] =	vst v5  }
0x163: {  	v8 =	vmul.f32 v53, v57;
	[tilespmem:s28+$0x0] =	vst v3;
	v3 =	vbroadcast v2, $0xC  }
0x164: {  	v63 =	vbroadcast v2, $0xE;
	[tilespmem:s28+$0x50] =	vst v4;
	v1 =	vmul.f32 v1, v58  }
0x165: {  	[tilespmem:s28+$0x20] =	vst v8;
	v2 =	vbroadcast v2, $0xF;
	v3 =	vmul.f32 v55, v3  }
0x166: {  	[tilespmem:s28+$0x30] =	vst v1;
	v1 =	vmul.f32 v60, v63  }
0x167: {  	v2 =	vmul.f32 v61, v2;
	[tilespmem:s28+$0x40] =	vst v3  }
0x168: {  	[tilespmem:s29+$0x60] =	vst v1  }
.Ltmp14:
0x169: {  	[tilespmem:s29+$0x70] =	vst v2;
	(pc) =	sbr.rel .LBB2_24-.Ltmp14, $4  }
0x16a: {  	[hbm4b:s12+s3] =	stream.linear.scatter [tilespmem:s22], [sflag:$0x2], $0x2900, $0x38;
	[tilespmem:$0x1ED30] =	vst v63  }
0x16b: {  	_ =	swait.ge [sflag:s20], $0x2900  }
0x16c: {  	[sflag:s20] =	ssyncset.done $0x0  }
0x16d: {  	[sflag:s20] =	ssyncadd.s32 $0xFFFFD700  }
.LBB2_25:
0x16e: {  	_ =	sfence.sel $0x180000  }
0x16f: {  	[bflag:$0x0] =	sbarrier.arrive $0xFFFF  }
0x170: {  	_ =	strace $0x90000047  }
0x171: {  	[bflag:$0x2] =	sbarrier.arrive $0xFFFF  }
0x172: {  	s0 =	rddreg [dreg:$0x5]  }
0x173: {  	s0 =	sadd.s32 @!p0 $0x100000, s0  }
0x174: {  	[sflag:s0] =	ssyncadd.tile.s32 @!p0 $0x1;
	_ =	shalt  }
.Lfunc_end2:
_tile_overlayer_lowered:
.L_overlay_start_2:
0x175: {  	(tag) =	ssettag $0x2  }
0x176: {  	s0 =	rddreg [dreg:$0x0];
	s2 =	stileid.u32  }
0x177: {  	s1 =	rddreg [dreg:$0x1];
	p0 =	sne.s32 s2, $0x0  }
0x178: {  	s3 =	rddreg [dreg:$0x2];
	[bflag:$0x3] =	sbarrier.arrive $0xFFFF;
	s2 =	simm.s32 @!p0 $0x1C02  }
0x179: {  	[timem:s3], [sflag:s2] =	dma.local @!p0 [hbm:s0], s1  }
0x17a: {  	s0 =	simm.s32 @!p0 $0x2  }
0x17b: {  	_ =	swait.ge @!p0 [sflag:s0], s1  }
0x17c: {  	s1 =	ssub.s32 @!p0 $0x0, s1;
	[sflag:s0] =	ssyncset.done @!p0 $0x0  }
0x17d: {  	[sflag:s0] =	ssyncadd.s32 @!p0 s1  }
0x17e: {  	[bflag:$0x3] =	sbarrier.arrive $0xFFFF  }
0x17f: {  	_ =	shalt  }

</sc_bundles>
